<compile_context>
chip_gen: v7x
topology: tpu7x:2x2x1
jax: 0.10.2.dev20260603
libtpu: 0.0.44.dev20260713+nightly
codegen_flags: <defaults>
</compile_context>

<pallas_src>
import functools

import jax
import jax.numpy as jnp
from jax import lax
from jax.experimental import pallas as pl
from jax.experimental.pallas import tpu as pltpu
from jax.experimental.pallas import tpu_sc as plsc

N = 10000
E = 320000
D = 128

NC = 2
NS = 16
L = 16
NW = NC * NS
EP = 327680
EPT = EP // NW
CH = 64
NCHUNK = EPT // CH
NP = 10112
RPT = NP // NS
ZR = RPT // 4
NPD = 10240
DZ = NPD // NS
RB = 1000



def _attn_outputs(h, asr, adr, i, as_ref, ad_ref, ma_ref, md_ref, gb_ref):
    asv = jnp.sum(h * asr, axis=1, keepdims=True)
    adv = jnp.sum(h * adr, axis=1, keepdims=True)
    as_ref[...] = asv
    ad_ref[...] = adv
    cas = jnp.full((1, 1), jnp.max(asv), jnp.float32)
    cad = jnp.full((1, 1), jnp.max(adv), jnp.float32)

    @pl.when(i == 0)
    def _():
        ma_ref[...] = cas
        md_ref[...] = cad

    @pl.when(i > 0)
    def _():
        ma_ref[...] = jnp.maximum(ma_ref[...], cas)
        md_ref[...] = jnp.maximum(md_ref[...], cad)

    @pl.when(i == N // RB - 1)
    def _():
        g = ma_ref[...] + md_ref[...]
        g = jnp.where(g >= 0, g, 0.2 * g)
        gb_ref[...] = jnp.broadcast_to(g, (1, 16))


def _tc_embed_body(x_ref, w_ref, asr_ref, adr_ref, h_ref, as_ref, ad_ref,
                   ma_ref, md_ref, gb_ref):
    h = jnp.dot(x_ref[...], w_ref[...], preferred_element_type=jnp.float32)
    h_ref[...] = h
    _attn_outputs(h, asr_ref[...], adr_ref[...], pl.program_id(0),
                  as_ref, ad_ref, ma_ref, md_ref, gb_ref)


_tc_embed = pl.pallas_call(
    _tc_embed_body,
    grid=(N // RB,),
    in_specs=[
        pl.BlockSpec((RB, D), lambda i: (i, 0)),
        pl.BlockSpec((D, D), lambda i: (0, 0)),
        pl.BlockSpec((1, D), lambda i: (0, 0)),
        pl.BlockSpec((1, D), lambda i: (0, 0)),
    ],
    out_specs=[
        pl.BlockSpec((RB, D), lambda i: (i, 0)),
        pl.BlockSpec((RB, 1), lambda i: (i, 0)),
        pl.BlockSpec((RB, 1), lambda i: (i, 0)),
        pl.BlockSpec((1, 1), lambda i: (0, 0)),
        pl.BlockSpec((1, 1), lambda i: (0, 0)),
        pl.BlockSpec((1, 16), lambda i: (0, 0)),
    ],
    out_shape=[
        jax.ShapeDtypeStruct((N, D), jnp.float32),
        jax.ShapeDtypeStruct((N, 1), jnp.float32),
        jax.ShapeDtypeStruct((N, 1), jnp.float32),
        jax.ShapeDtypeStruct((1, 1), jnp.float32),
        jax.ShapeDtypeStruct((1, 1), jnp.float32),
        jax.ShapeDtypeStruct((1, 16), jnp.float32),
    ],
)


def _tc_mid_body(n0_ref, n1_ref, d0_ref, d1_ref, b_ref, w_ref, asr_ref,
                 adr_ref, h_ref, as_ref, ad_ref, ma_ref, md_ref, gb_ref):
    den = d0_ref[...] + d1_ref[...] + 1e-16
    z = (n0_ref[...] + n1_ref[...]) / den + b_ref[...]
    z = jnp.where(z > 0, z, jnp.exp(jnp.minimum(z, 0.0)) - 1.0)
    h = jnp.dot(z, w_ref[...], preferred_element_type=jnp.float32)
    h_ref[...] = h
    _attn_outputs(h, asr_ref[...], adr_ref[...], pl.program_id(0),
                  as_ref, ad_ref, ma_ref, md_ref, gb_ref)


_tc_mid = pl.pallas_call(
    _tc_mid_body,
    grid=(N // RB,),
    in_specs=[
        pl.BlockSpec((RB, D), lambda i: (i, 0)),
        pl.BlockSpec((RB, D), lambda i: (i, 0)),
        pl.BlockSpec((RB, 1), lambda i: (i, 0)),
        pl.BlockSpec((RB, 1), lambda i: (i, 0)),
        pl.BlockSpec((1, D), lambda i: (0, 0)),
        pl.BlockSpec((D, D), lambda i: (0, 0)),
        pl.BlockSpec((1, D), lambda i: (0, 0)),
        pl.BlockSpec((1, D), lambda i: (0, 0)),
    ],
    out_specs=[
        pl.BlockSpec((RB, D), lambda i: (i, 0)),
        pl.BlockSpec((RB, 1), lambda i: (i, 0)),
        pl.BlockSpec((RB, 1), lambda i: (i, 0)),
        pl.BlockSpec((1, 1), lambda i: (0, 0)),
        pl.BlockSpec((1, 1), lambda i: (0, 0)),
        pl.BlockSpec((1, 16), lambda i: (0, 0)),
    ],
    out_shape=[
        jax.ShapeDtypeStruct((N, D), jnp.float32),
        jax.ShapeDtypeStruct((N, 1), jnp.float32),
        jax.ShapeDtypeStruct((N, 1), jnp.float32),
        jax.ShapeDtypeStruct((1, 1), jnp.float32),
        jax.ShapeDtypeStruct((1, 1), jnp.float32),
        jax.ShapeDtypeStruct((1, 16), jnp.float32),
    ],
)


def _tc_out_body(n0_ref, n1_ref, d0_ref, d1_ref, b_ref, wr_ref, br_ref, y_ref):
    den = d0_ref[...] + d1_ref[...] + 1e-16
    z = (n0_ref[...] + n1_ref[...]) / den + b_ref[...]
    z = jnp.where(z > 0, z, jnp.exp(jnp.minimum(z, 0.0)) - 1.0)
    y_ref[...] = (
        jnp.dot(z, wr_ref[...], preferred_element_type=jnp.float32)
        + br_ref[...]
    )


_tc_out = pl.pallas_call(
    _tc_out_body,
    grid=(N // RB,),
    in_specs=[
        pl.BlockSpec((RB, D), lambda i: (i, 0)),
        pl.BlockSpec((RB, D), lambda i: (i, 0)),
        pl.BlockSpec((RB, 1), lambda i: (i, 0)),
        pl.BlockSpec((RB, 1), lambda i: (i, 0)),
        pl.BlockSpec((1, D), lambda i: (0, 0)),
        pl.BlockSpec((D, 1), lambda i: (0, 0)),
        pl.BlockSpec((1, 1), lambda i: (0, 0)),
    ],
    out_specs=pl.BlockSpec((RB, 1), lambda i: (i, 0)),
    out_shape=jax.ShapeDtypeStruct((N, 1), jnp.float32),
)



NB_I = 3
NB_R = 2


def _sc_gat_body(h_hbm, src_hbm, dst_hbm, as_hbm, ad_hbm, gb_hbm,
                 num_out, den_out,
                 as_v, ad_v, src_v, dst_v, w_v, rows_v, rowsf_v, zden_v,
                 gb_v, num_sh, den_sh, gsem, isem, ssem):
    c = lax.axis_index("c")
    s = lax.axis_index("s")
    wid = c * NS + s

    zvec = jnp.zeros((L,), jnp.float32)

    def _zr(i, carry):
        for r in range(D // L):
            rowsf_v[0, i, pl.ds(r * L, L)] = zvec
        return carry

    lax.fori_loop(0, CH, _zr, 0)

    def _zd(i, carry):
        zden_v[pl.ds(i * L, L)] = zvec
        return carry

    lax.fori_loop(0, DZ // L, _zd, 0)

    for k in range(RPT // CH):
        pltpu.sync_copy(rowsf_v.at[0], num_sh.at[pl.ds(s * RPT + k * CH, CH)])
    rem = RPT % CH
    pltpu.sync_copy(rowsf_v.at[0, pl.ds(0, rem)],
                    num_sh.at[pl.ds(s * RPT + (RPT // CH) * CH, rem)])

    pltpu.sync_copy(zden_v, den_sh.at[pl.ds(s * DZ, DZ)])

    pltpu.sync_copy(as_hbm, as_v.at[pl.ds(0, N)])
    pltpu.sync_copy(ad_hbm, ad_v.at[pl.ds(0, N)])
    as_v[pl.ds(N, L)] = zvec
    ad_v[pl.ds(N, L)] = zvec

    pltpu.sync_copy(gb_hbm, gb_v)
    gb = gb_v[pl.ds(0, L)]

    plsc.subcore_barrier()

    ebase = wid * EPT

    def _idx_issue(ci):
        q = ci % NB_I
        base = ebase + ci * CH
        pltpu.async_copy(src_hbm.at[pl.ds(base, CH)], src_v.at[q],
                         isem.at[q])
        pltpu.async_copy(dst_hbm.at[pl.ds(base, CH)], dst_v.at[q],
                         isem.at[q])

    def _idx_wait(ci):
        q = ci % NB_I
        pltpu.make_async_copy(src_hbm.at[pl.ds(0, CH)], src_v.at[q],
                              isem.at[q]).wait()
        pltpu.make_async_copy(dst_hbm.at[pl.ds(0, CH)], dst_v.at[q],
                              isem.at[q]).wait()

    def _gather_issue(ci):
        p = ci % NB_R
        q = ci % NB_I
        pltpu.async_copy(h_hbm.at[src_v.at[q]], rows_v.at[p], gsem.at[p])

    def _gather_wait(ci):
        p = ci % NB_R
        q = ci % NB_I
        pltpu.make_async_copy(h_hbm.at[src_v.at[q]], rows_v.at[p],
                              gsem.at[p]).wait()

    def _scatter_issue(ci):
        p = ci % NB_R
        q = ci % NB_I
        pltpu.async_copy(w_v.at[p], den_sh.at[dst_v.at[q]], ssem.at[p],
                         add=True)
        pltpu.async_copy(rowsf_v.at[p], num_sh.at[dst_v.at[q]], ssem.at[p],
                         add=True)

    def _scatter_drain(ci):
        p = ci % NB_R
        q = ci % NB_I
        pltpu.make_async_copy(w_v.at[p], den_sh.at[dst_v.at[q]],
                              ssem.at[p]).wait()
        pltpu.make_async_copy(rowsf_v.at[p], num_sh.at[dst_v.at[q]],
                              ssem.at[p]).wait()

    _idx_issue(0)
    _idx_wait(0)
    _gather_issue(0)
    _idx_issue(1)

    def _step(ci, carry):
        @pl.when(ci > 0)
        def _():
            _scatter_drain(ci - 1)

        @pl.when(ci + 1 < NCHUNK)
        def _():
            _idx_wait(ci + 1)
            _gather_issue(ci + 1)

        @pl.when(ci + 2 < NCHUNK)
        def _():
            _idx_issue(ci + 2)

        _gather_wait(ci)

        p = ci % NB_R
        q = ci % NB_I
        for t in range(CH // L):
            si = src_v[q, pl.ds(t * L, L)]
            di = dst_v[q, pl.ds(t * L, L)]
            e = plsc.load_gather(as_v, [si]) + plsc.load_gather(ad_v, [di])
            e = jnp.where(e >= 0.0, e, 0.2 * e)
            w_v[p, pl.ds(t * L, L)] = jnp.exp(e - gb)

        pv = jnp.full((L,), p, jnp.int32)

        def _row(j, rcarry):
            wsp = plsc.load_gather(w_v, [pv, jnp.full((L,), j, jnp.int32)])
            for r in range(D // (2 * L)):
                w32 = rows_v[p, j, pl.ds(r * L, L)]
                ab = plsc.bitcast(w32, jnp.bfloat16)
                a, b = plsc.unpack(ab, format=plsc.PackFormat.INTERLEAVED)
                rowsf_v[p, j, pl.ds(r * 2 * L, L)] = a * wsp
                rowsf_v[p, j, pl.ds(r * 2 * L + L, L)] = b * wsp
            return rcarry

        lax.fori_loop(0, CH, _row, 0, unroll=4)
        _scatter_issue(ci)
        return carry

    lax.fori_loop(0, NCHUNK, _step, 0)
    _scatter_drain(NCHUNK - 1)

    plsc.subcore_barrier()

    pltpu.sync_copy(num_sh.at[pl.ds(s * RPT, RPT)],
                    num_out.at[c, pl.ds(s * RPT, RPT)])
    pltpu.sync_copy(den_sh.at[pl.ds(s * DZ, DZ)],
                    den_out.at[pl.ds(c * NPD + s * DZ, DZ)])


def _make_sc_gat():
    mesh = plsc.VectorSubcoreMesh(
        core_axis_name="c", subcore_axis_name="s", num_cores=NC,
        num_subcores=NS)
    return pl.kernel(
        _sc_gat_body,
        compiler_params=pltpu.CompilerParams(
            needs_layout_passes=False, use_tc_tiling_on_sc=False),
        out_type=(
            jax.ShapeDtypeStruct((NC, NP, D), jnp.float32),
            jax.ShapeDtypeStruct((NC * NPD,), jnp.float32),
        ),
        mesh=mesh,
        scratch_types=[
            pltpu.VMEM((N + L,), jnp.float32),
            pltpu.VMEM((N + L,), jnp.float32),
            pltpu.VMEM((NB_I, CH), jnp.int32),
            pltpu.VMEM((NB_I, CH), jnp.int32),
            pltpu.VMEM((NB_R, CH), jnp.float32),
            pltpu.VMEM((NB_R, CH, D // 2), jnp.int32),
            pltpu.VMEM((NB_R, CH, D), jnp.float32),
            pltpu.VMEM((DZ,), jnp.float32),
            pltpu.VMEM((L,), jnp.float32),
            pltpu.VMEM_SHARED((NP, D), jnp.float32),
            pltpu.VMEM_SHARED((NPD,), jnp.float32),
            pltpu.SemaphoreType.DMA((NB_R,)),
            pltpu.SemaphoreType.DMA((NB_I,)),
            pltpu.SemaphoreType.DMA((NB_R,)),
        ],
    )



def kernel(x, edge_index, W1, a_src1, a_dst1, b1, W2, a_src2, a_dst2, b2,
           Wr, br):
    pad = EP - E
    src = jnp.concatenate([edge_index[0], jnp.zeros((pad,), jnp.int32)])
    dst = jnp.concatenate([edge_index[1], jnp.full((pad,), N, jnp.int32)])

    sc_gat = _make_sc_gat()

    def _to_bf16_interleaved(h):
        hb = (h.reshape(N, D // 32, 2, L).transpose(0, 1, 3, 2)
              .reshape(N, D // 2, 2).astype(jnp.bfloat16))
        return lax.bitcast_convert_type(hb, jnp.int32)

    h1, as1, ad1, _, _, gb1 = _tc_embed(x, W1, a_src1, a_dst1)
    num1, den1 = sc_gat(_to_bf16_interleaved(h1), src, dst,
                        as1.reshape(N), ad1.reshape(N), gb1.reshape(16))
    h2, as2, ad2, _, _, gb2 = _tc_mid(
        num1[0, :N, :], num1[1, :N, :],
        den1[0:N].reshape(N, 1), den1[NPD:NPD + N].reshape(N, 1),
        b1.reshape(1, D), W2, a_src2, a_dst2)
    num2, den2 = sc_gat(_to_bf16_interleaved(h2), src, dst,
                        as2.reshape(N), ad2.reshape(N), gb2.reshape(16))
    y = _tc_out(
        num2[0, :N, :], num2[1, :N, :],
        den2[0:N].reshape(N, 1), den2[NPD:NPD + N].reshape(N, 1),
        b2.reshape(1, D), Wr, br.reshape(1, 1))
    return y

# --- scband reference (transcript-rebuilt; emitter-appended) ---
"""Pipeline reference for scband-gat-85676007621064 (READ-ONLY COPY).

The authoritative reference and input builder live on the scoring server;
editing this copy changes nothing except your own understanding.
"""

import jax, jax.numpy as jnp
import numpy as np

N = 10000
E = 320000
D_IN = 128
HID = 128
H = 1


def setup_inputs(seed: int = 0) -> dict:
    key = jax.random.key(seed)
    ks = jax.random.split(key, 16)
    x = jax.random.normal(ks[0], (N, D_IN), dtype=jnp.float32)
    edge_index = jax.random.randint(ks[1], (2, E), 0, N, dtype=jnp.int32)
    W1 = jax.random.normal(ks[2], (D_IN, H * HID), dtype=jnp.float32) * 0.1
    a_src1 = jax.random.normal(ks[3], (H, HID), dtype=jnp.float32) * 0.1
    a_dst1 = jax.random.normal(ks[4], (H, HID), dtype=jnp.float32) * 0.1
    b1 = jnp.zeros((H * HID,), dtype=jnp.float32)
    W2 = jax.random.normal(ks[5], (H * HID, H * HID), dtype=jnp.float32) * 0.1
    a_src2 = jax.random.normal(ks[6], (H, HID), dtype=jnp.float32) * 0.1
    a_dst2 = jax.random.normal(ks[7], (H, HID), dtype=jnp.float32) * 0.1
    b2 = jnp.zeros((H * HID,), dtype=jnp.float32)
    Wr = jax.random.normal(ks[8], (H * HID, 1), dtype=jnp.float32) * 0.1
    br = jnp.zeros((1,), dtype=jnp.float32)
    return {
        'x': x, 'edge_index': edge_index,
        'W1': W1, 'a_src1': a_src1, 'a_dst1': a_dst1, 'b1': b1,
        'W2': W2, 'a_src2': a_src2, 'a_dst2': a_dst2, 'b2': b2,
        'Wr': Wr, 'br': br,
    }


def gat_conv(x, edge_index, W, a_src, a_dst, bias):
    # x: [N, Fin], W: [Fin, H*F], a_src/a_dst: [H, F]
    n = x.shape[0]
    h = (x @ W).reshape(n, H, HID)  # [N, H, F]
    src = edge_index[0]
    dst = edge_index[1]
    alpha_src = jnp.sum(h * a_src[None, :, :], axis=-1)  # [N, H]
    alpha_dst = jnp.sum(h * a_dst[None, :, :], axis=-1)  # [N, H]
    e = alpha_src[src] + alpha_dst[dst]                  # [E, H]
    e = jax.nn.leaky_relu(e, negative_slope=0.2)
    # softmax over incoming edges of each dst node
    e_max = jax.ops.segment_max(e, dst, num_segments=n)  # [N, H]
    e_max = jnp.where(jnp.isfinite(e_max), e_max, 0.0)
    e_exp = jnp.exp(e - e_max[dst])
    denom = jax.ops.segment_sum(e_exp, dst, num_segments=n)  # [N, H]
    alpha = e_exp / (denom[dst] + 1e-16)                 # [E, H]
    msg = h[src] * alpha[:, :, None]                     # [E, H, F]
    out = jax.ops.segment_sum(msg, dst, num_segments=n)  # [N, H, F]
    return out.reshape(n, H * HID) + bias


def reference(x, edge_index, W1, a_src1, a_dst1, b1, W2, a_src2, a_dst2, b2, Wr, br):
    h = gat_conv(x, edge_index, W1, a_src1, a_dst1, b1)
    h = jax.nn.elu(h)
    h = gat_conv(h, edge_index, W2, a_src2, a_dst2, b2)
    h = jax.nn.elu(h)
    return h @ Wr + br  # [N, 1]

if __name__ == "__main__":
    import jax
    _d = setup_inputs()
    print(jax.jit(kernel)(*tuple(_d.values())))

</pallas_src>

<mosaic_0001>
#map = affine_map<(d0, d1) -> (0, 0)>
#map1 = affine_map<(d0, d1) -> (0)>
#map2 = affine_map<(d0, d1) -> (0, 0, 0)>
module attributes {stable_mosaic.version = 14 : i64} {
  func.func @_sc_gat_body(%arg0: i32, %arg1: i32, %arg2: memref<10000x64xi32, #tpu.memory_space<hbm>>, %arg3: memref<327680xi32, #tpu.memory_space<hbm>>, %arg4: memref<327680xi32, #tpu.memory_space<hbm>>, %arg5: memref<10000xf32, #tpu.memory_space<hbm>>, %arg6: memref<10000xf32, #tpu.memory_space<hbm>>, %arg7: memref<16xf32, #tpu.memory_space<hbm>>, %arg8: memref<2x10112x128xf32, #tpu.memory_space<hbm>>, %arg9: memref<20480xf32, #tpu.memory_space<hbm>>, %arg10: memref<10016xf32, #tpu.memory_space<vmem>>, %arg11: memref<10016xf32, #tpu.memory_space<vmem>>, %arg12: memref<3x64xi32, #tpu.memory_space<vmem>>, %arg13: memref<3x64xi32, #tpu.memory_space<vmem>>, %arg14: memref<2x64xf32, #tpu.memory_space<vmem>>, %arg15: memref<2x64x64xi32, #tpu.memory_space<vmem>>, %arg16: memref<2x64x128xf32, #tpu.memory_space<vmem>>, %arg17: memref<640xf32, #tpu.memory_space<vmem>>, %arg18: memref<16xf32, #tpu.memory_space<vmem>>, %arg19: memref<10112x128xf32, #tpu.memory_space<vmem_shared>>, %arg20: memref<10240xf32, #tpu.memory_space<vmem_shared>>, %arg21: memref<2x!tpu.dma_semaphore, #tpu.memory_space<semaphore_mem>>, %arg22: memref<3x!tpu.dma_semaphore, #tpu.memory_space<semaphore_mem>>, %arg23: memref<2x!tpu.dma_semaphore, #tpu.memory_space<semaphore_mem>>) attributes {dimension_semantics = [#tpu.dimension_semantics<core_parallel>, #tpu.dimension_semantics<subcore_parallel>], iteration_bounds = array<i64: 2, 16>, scalar_prefetch = 0 : i64, scratch_operands = 14 : i64, tpu.core_type = #tpu.core_type<sc_vector_subcore>, window_params = [{transform_indices = #map}, {transform_indices = #map1}, {transform_indices = #map1}, {transform_indices = #map1}, {transform_indices = #map1}, {transform_indices = #map1}, {transform_indices = #map2}, {transform_indices = #map1}]} {
    %mul3A = arith.constant 16 : i32
    %mul3A_0 = arith.muli %arg0, %mul3A : i32
    %add3A = arith.addi %mul3A_0, %arg1 : i32
    %broadcast_in_dim3A = arith.constant 0.000000e+00 : f32
    %broadcast_in_dim3A_1 = vector.broadcast %broadcast_in_dim3A : f32 to vector<16xf32>
    %scan3A = arith.constant 0 : i32
    %scan3A_2 = arith.constant 0 : i32
    %scan3A_3 = arith.constant 64 : i32
    %scan3A_4 = arith.addi %scan3A_2, %scan3A_3 : i32
    %scan3A_5 = arith.constant 1 : i32
    scf.for %scan3A_209 = %scan3A_2 to %scan3A_4 step %scan3A_5  : i32 {
      %swap3A_210 = arith.constant 0 : i32
      %swap3A_211 = arith.index_cast %swap3A_210 : i32 to index
      %swap3A_212 = arith.index_cast %scan3A_209 : i32 to index
      %swap3A_213 = arith.constant 0 : index
      %swap3A_214 = tpu.vector_load %arg16[%swap3A_211, %swap3A_212, %swap3A_213] {strides = array<i32>} : memref<2x64x128xf32, #tpu.memory_space<vmem>>, vector<16xf32>,
      tpu.vector_store %arg16[%swap3A_211, %swap3A_212, %swap3A_213], %broadcast_in_dim3A_1 {strides = array<i32>} : memref<2x64x128xf32, #tpu.memory_space<vmem>>, vector<16xf32>,
      %swap3A_215 = arith.constant 0 : i32
      %swap3A_216 = arith.index_cast %swap3A_215 : i32 to index
      %swap3A_217 = arith.index_cast %scan3A_209 : i32 to index
      %swap3A_218 = arith.constant 16 : index
      %swap3A_219 = tpu.vector_load %arg16[%swap3A_216, %swap3A_217, %swap3A_218] {strides = array<i32>} : memref<2x64x128xf32, #tpu.memory_space<vmem>>, vector<16xf32>,
      tpu.vector_store %arg16[%swap3A_216, %swap3A_217, %swap3A_218], %broadcast_in_dim3A_1 {strides = array<i32>} : memref<2x64x128xf32, #tpu.memory_space<vmem>>, vector<16xf32>,
      %swap3A_220 = arith.constant 0 : i32
      %swap3A_221 = arith.index_cast %swap3A_220 : i32 to index
      %swap3A_222 = arith.index_cast %scan3A_209 : i32 to index
      %swap3A_223 = arith.constant 32 : index
      %swap3A_224 = tpu.vector_load %arg16[%swap3A_221, %swap3A_222, %swap3A_223] {strides = array<i32>} : memref<2x64x128xf32, #tpu.memory_space<vmem>>, vector<16xf32>,
      tpu.vector_store %arg16[%swap3A_221, %swap3A_222, %swap3A_223], %broadcast_in_dim3A_1 {strides = array<i32>} : memref<2x64x128xf32, #tpu.memory_space<vmem>>, vector<16xf32>,
      %swap3A_225 = arith.constant 0 : i32
      %swap3A_226 = arith.index_cast %swap3A_225 : i32 to index
      %swap3A_227 = arith.index_cast %scan3A_209 : i32 to index
      %swap3A_228 = arith.constant 48 : index
      %swap3A_229 = tpu.vector_load %arg16[%swap3A_226, %swap3A_227, %swap3A_228] {strides = array<i32>} : memref<2x64x128xf32, #tpu.memory_space<vmem>>, vector<16xf32>,
      tpu.vector_store %arg16[%swap3A_226, %swap3A_227, %swap3A_228], %broadcast_in_dim3A_1 {strides = array<i32>} : memref<2x64x128xf32, #tpu.memory_space<vmem>>, vector<16xf32>,
      %swap3A_230 = arith.constant 0 : i32
      %swap3A_231 = arith.index_cast %swap3A_230 : i32 to index
      %swap3A_232 = arith.index_cast %scan3A_209 : i32 to index
      %swap3A_233 = arith.constant 64 : index
      %swap3A_234 = tpu.vector_load %arg16[%swap3A_231, %swap3A_232, %swap3A_233] {strides = array<i32>} : memref<2x64x128xf32, #tpu.memory_space<vmem>>, vector<16xf32>,
      tpu.vector_store %arg16[%swap3A_231, %swap3A_232, %swap3A_233], %broadcast_in_dim3A_1 {strides = array<i32>} : memref<2x64x128xf32, #tpu.memory_space<vmem>>, vector<16xf32>,
      %swap3A_235 = arith.constant 0 : i32
      %swap3A_236 = arith.index_cast %swap3A_235 : i32 to index
      %swap3A_237 = arith.index_cast %scan3A_209 : i32 to index
      %swap3A_238 = arith.constant 80 : index
      %swap3A_239 = tpu.vector_load %arg16[%swap3A_236, %swap3A_237, %swap3A_238] {strides = array<i32>} : memref<2x64x128xf32, #tpu.memory_space<vmem>>, vector<16xf32>,
      tpu.vector_store %arg16[%swap3A_236, %swap3A_237, %swap3A_238], %broadcast_in_dim3A_1 {strides = array<i32>} : memref<2x64x128xf32, #tpu.memory_space<vmem>>, vector<16xf32>,
      %swap3A_240 = arith.constant 0 : i32
      %swap3A_241 = arith.index_cast %swap3A_240 : i32 to index
      %swap3A_242 = arith.index_cast %scan3A_209 : i32 to index
      %swap3A_243 = arith.constant 96 : index
      %swap3A_244 = tpu.vector_load %arg16[%swap3A_241, %swap3A_242, %swap3A_243] {strides = array<i32>} : memref<2x64x128xf32, #tpu.memory_space<vmem>>, vector<16xf32>,
      tpu.vector_store %arg16[%swap3A_241, %swap3A_242, %swap3A_243], %broadcast_in_dim3A_1 {strides = array<i32>} : memref<2x64x128xf32, #tpu.memory_space<vmem>>, vector<16xf32>,
      %swap3A_245 = arith.constant 0 : i32
      %swap3A_246 = arith.index_cast %swap3A_245 : i32 to index
      %swap3A_247 = arith.index_cast %scan3A_209 : i32 to index
      %swap3A_248 = arith.constant 112 : index
      %swap3A_249 = tpu.vector_load %arg16[%swap3A_246, %swap3A_247, %swap3A_248] {strides = array<i32>} : memref<2x64x128xf32, #tpu.memory_space<vmem>>, vector<16xf32>,
      tpu.vector_store %arg16[%swap3A_246, %swap3A_247, %swap3A_248], %broadcast_in_dim3A_1 {strides = array<i32>} : memref<2x64x128xf32, #tpu.memory_space<vmem>>, vector<16xf32>,
    }
    %scan3A_6 = arith.constant 64 : i32
    %scan3A_7 = arith.constant 0 : i32
    %scan3A_8 = arith.constant 0 : i32
    %scan3A_9 = arith.constant 40 : i32
    %scan3A_10 = arith.addi %scan3A_8, %scan3A_9 : i32
    %scan3A_11 = arith.constant 1 : i32
    scf.for %scan3A_209 = %scan3A_8 to %scan3A_10 step %scan3A_11  : i32 {
      %mul3A_210 = arith.constant 16 : i32
      %mul3A_211 = arith.muli %scan3A_209, %mul3A_210 : i32
      %swap3A_212 = arith.index_cast %mul3A_211 : i32 to index
      %swap3A_213 = tpu.vector_load %arg17[%swap3A_212] {strides = array<i32>} : memref<640xf32, #tpu.memory_space<vmem>>, vector<16xf32>,
      tpu.vector_store %arg17[%swap3A_212], %broadcast_in_dim3A_1 {strides = array<i32>} : memref<640xf32, #tpu.memory_space<vmem>>, vector<16xf32>,
    }
    %scan3A_12 = arith.constant 40 : i32
    %mul3A_13 = arith.constant 632 : i32
    %mul3A_14 = arith.muli %arg1, %mul3A_13 : i32
    %add3A_15 = arith.constant 0 : i32
    %add3A_16 = arith.addi %mul3A_14, %add3A_15 : i32
    %run_scoped3A = arith.constant 0 : i32
    "tpu.region"() ({
      %run_scoped3A_209 = tpu.sem_alloc : memref<!tpu.dma_semaphore, #tpu.memory_space<semaphore_mem>>
      %dma_start3A_210 = arith.constant 0 : i32
      %dma_start3A_211 = arith.constant 0 : i32
      %dma_start3A_212 = tpu.memref_slice %arg16[%run_scoped3A, %dma_start3A_210, %dma_start3A_211] : memref<2x64x128xf32, #tpu.memory_space<vmem>> -> memref<1x64x128xf32, #tpu.memory_space<vmem>>
      %dma_start3A_213 = tpu.memref_squeeze %dma_start3A_212 : memref<1x64x128xf32, #tpu.memory_space<vmem>> -> memref<64x128xf32, #tpu.memory_space<vmem>>
      %dma_start3A_214 = arith.constant 0 : i32
      %dma_start3A_215 = tpu.memref_slice %arg19[%add3A_16, %dma_start3A_214] : memref<10112x128xf32, #tpu.memory_space<vmem_shared>> -> memref<64x128xf32, #tpu.memory_space<vmem_shared>>
      %dma_start3A_216 = arith.constant 0 : i32
      %dma_start3A_217 = tpu.memref_slice %arg19[%add3A_16, %dma_start3A_216] : memref<10112x128xf32, #tpu.memory_space<vmem_shared>> -> memref<64x128xf32, #tpu.memory_space<vmem_shared>>
      %dma_start3A_218 = arith.constant 0 : i32
      %dma_start3A_219 = arith.constant 0 : i32
      %dma_start3A_220 = tpu.memref_slice %arg16[%run_scoped3A, %dma_start3A_218, %dma_start3A_219] : memref<2x64x128xf32, #tpu.memory_space<vmem>> -> memref<1x64x128xf32, #tpu.memory_space<vmem>>
      %dma_start3A_221 = tpu.memref_squeeze %dma_start3A_220 : memref<1x64x128xf32, #tpu.memory_space<vmem>> -> memref<64x128xf32, #tpu.memory_space<vmem>>
      tpu.enqueue_dma source(%dma_start3A_221 : memref<64x128xf32, #tpu.memory_space<vmem>>) target(%dma_start3A_217 : memref<64x128xf32, #tpu.memory_space<vmem_shared>>) target_semaphore(%run_scoped3A_209 : memref<!tpu.dma_semaphore, #tpu.memory_space<semaphore_mem>>)
      %dma_wait3A_222 = arith.constant 0 : i32
      %dma_wait3A_223 = arith.constant 0 : i32
      %dma_wait3A_224 = tpu.memref_slice %arg16[%run_scoped3A, %dma_wait3A_222, %dma_wait3A_223] : memref<2x64x128xf32, #tpu.memory_space<vmem>> -> memref<1x64x128xf32, #tpu.memory_space<vmem>>
      %dma_wait3A_225 = tpu.memref_squeeze %dma_wait3A_224 : memref<1x64x128xf32, #tpu.memory_space<vmem>> -> memref<64x128xf32, #tpu.memory_space<vmem>>
      %dma_wait3A_226 = arith.constant 0 : i32
      %dma_wait3A_227 = tpu.memref_slice %arg19[%add3A_16, %dma_wait3A_226] : memref<10112x128xf32, #tpu.memory_space<vmem_shared>> -> memref<64x128xf32, #tpu.memory_space<vmem_shared>>
      %dma_wait3A_228 = arith.constant 0 : i32
      %dma_wait3A_229 = tpu.memref_slice %arg19[%add3A_16, %dma_wait3A_228] : memref<10112x128xf32, #tpu.memory_space<vmem_shared>> -> memref<64x128xf32, #tpu.memory_space<vmem_shared>>
      %dma_wait3A_230 = arith.constant 0 : i32
      %dma_wait3A_231 = arith.constant 0 : i32
      %dma_wait3A_232 = tpu.memref_slice %arg16[%run_scoped3A, %dma_wait3A_230, %dma_wait3A_231] : memref<2x64x128xf32, #tpu.memory_space<vmem>> -> memref<1x64x128xf32, #tpu.memory_space<vmem>>
      %dma_wait3A_233 = tpu.memref_squeeze %dma_wait3A_232 : memref<1x64x128xf32, #tpu.memory_space<vmem>> -> memref<64x128xf32, #tpu.memory_space<vmem>>
      tpu.wait_dma2 semaphore(%run_scoped3A_209 : memref<!tpu.dma_semaphore, #tpu.memory_space<semaphore_mem>>) src(%dma_wait3A_233 : memref<64x128xf32, #tpu.memory_space<vmem>>) dst(%dma_wait3A_229 : memref<64x128xf32, #tpu.memory_space<vmem_shared>>)
      tpu.yield
    }) : () -> ()
    %mul3A_17 = arith.constant 632 : i32
    %mul3A_18 = arith.muli %arg1, %mul3A_17 : i32
    %add3A_19 = arith.constant 64 : i32
    %add3A_20 = arith.addi %mul3A_18, %add3A_19 : i32
    %run_scoped3A_21 = arith.constant 0 : i32
    "tpu.region"() ({
      %run_scoped3A_209 = tpu.sem_alloc : memref<!tpu.dma_semaphore, #tpu.memory_space<semaphore_mem>>
      %dma_start3A_210 = arith.constant 0 : i32
      %dma_start3A_211 = arith.constant 0 : i32
      %dma_start3A_212 = tpu.memref_slice %arg16[%run_scoped3A_21, %dma_start3A_210, %dma_start3A_211] : memref<2x64x128xf32, #tpu.memory_space<vmem>> -> memref<1x64x128xf32, #tpu.memory_space<vmem>>
      %dma_start3A_213 = tpu.memref_squeeze %dma_start3A_212 : memref<1x64x128xf32, #tpu.memory_space<vmem>> -> memref<64x128xf32, #tpu.memory_space<vmem>>
      %dma_start3A_214 = arith.constant 0 : i32
      %dma_start3A_215 = tpu.memref_slice %arg19[%add3A_20, %dma_start3A_214] : memref<10112x128xf32, #tpu.memory_space<vmem_shared>> -> memref<64x128xf32, #tpu.memory_space<vmem_shared>>
      %dma_start3A_216 = arith.constant 0 : i32
      %dma_start3A_217 = tpu.memref_slice %arg19[%add3A_20, %dma_start3A_216] : memref<10112x128xf32, #tpu.memory_space<vmem_shared>> -> memref<64x128xf32, #tpu.memory_space<vmem_shared>>
      %dma_start3A_218 = arith.constant 0 : i32
      %dma_start3A_219 = arith.constant 0 : i32
      %dma_start3A_220 = tpu.memref_slice %arg16[%run_scoped3A_21, %dma_start3A_218, %dma_start3A_219] : memref<2x64x128xf32, #tpu.memory_space<vmem>> -> memref<1x64x128xf32, #tpu.memory_space<vmem>>
      %dma_start3A_221 = tpu.memref_squeeze %dma_start3A_220 : memref<1x64x128xf32, #tpu.memory_space<vmem>> -> memref<64x128xf32, #tpu.memory_space<vmem>>
      tpu.enqueue_dma source(%dma_start3A_221 : memref<64x128xf32, #tpu.memory_space<vmem>>) target(%dma_start3A_217 : memref<64x128xf32, #tpu.memory_space<vmem_shared>>) target_semaphore(%run_scoped3A_209 : memref<!tpu.dma_semaphore, #tpu.memory_space<semaphore_mem>>)
      %dma_wait3A_222 = arith.constant 0 : i32
      %dma_wait3A_223 = arith.constant 0 : i32
      %dma_wait3A_224 = tpu.memref_slice %arg16[%run_scoped3A_21, %dma_wait3A_222, %dma_wait3A_223] : memref<2x64x128xf32, #tpu.memory_space<vmem>> -> memref<1x64x128xf32, #tpu.memory_space<vmem>>
      %dma_wait3A_225 = tpu.memref_squeeze %dma_wait3A_224 : memref<1x64x128xf32, #tpu.memory_space<vmem>> -> memref<64x128xf32, #tpu.memory_space<vmem>>
      %dma_wait3A_226 = arith.constant 0 : i32
      %dma_wait3A_227 = tpu.memref_slice %arg19[%add3A_20, %dma_wait3A_226] : memref<10112x128xf32, #tpu.memory_space<vmem_shared>> -> memref<64x128xf32, #tpu.memory_space<vmem_shared>>
      %dma_wait3A_228 = arith.constant 0 : i32
      %dma_wait3A_229 = tpu.memref_slice %arg19[%add3A_20, %dma_wait3A_228] : memref<10112x128xf32, #tpu.memory_space<vmem_shared>> -> memref<64x128xf32, #tpu.memory_space<vmem_shared>>
      %dma_wait3A_230 = arith.constant 0 : i32
      %dma_wait3A_231 = arith.constant 0 : i32
      %dma_wait3A_232 = tpu.memref_slice %arg16[%run_scoped3A_21, %dma_wait3A_230, %dma_wait3A_231] : memref<2x64x128xf32, #tpu.memory_space<vmem>> -> memref<1x64x128xf32, #tpu.memory_space<vmem>>
      %dma_wait3A_233 = tpu.memref_squeeze %dma_wait3A_232 : memref<1x64x128xf32, #tpu.memory_space<vmem>> -> memref<64x128xf32, #tpu.memory_space<vmem>>
      tpu.wait_dma2 semaphore(%run_scoped3A_209 : memref<!tpu.dma_semaphore, #tpu.memory_space<semaphore_mem>>) src(%dma_wait3A_233 : memref<64x128xf32, #tpu.memory_space<vmem>>) dst(%dma_wait3A_229 : memref<64x128xf32, #tpu.memory_space<vmem_shared>>)
      tpu.yield
    }) : () -> ()
    %mul3A_22 = arith.constant 632 : i32
    %mul3A_23 = arith.muli %arg1, %mul3A_22 : i32
    %add3A_24 = arith.constant 128 : i32
    %add3A_25 = arith.addi %mul3A_23, %add3A_24 : i32
    %run_scoped3A_26 = arith.constant 0 : i32
    "tpu.region"() ({
      %run_scoped3A_209 = tpu.sem_alloc : memref<!tpu.dma_semaphore, #tpu.memory_space<semaphore_mem>>
      %dma_start3A_210 = arith.constant 0 : i32
      %dma_start3A_211 = arith.constant 0 : i32
      %dma_start3A_212 = tpu.memref_slice %arg16[%run_scoped3A_26, %dma_start3A_210, %dma_start3A_211] : memref<2x64x128xf32, #tpu.memory_space<vmem>> -> memref<1x64x128xf32, #tpu.memory_space<vmem>>
      %dma_start3A_213 = tpu.memref_squeeze %dma_start3A_212 : memref<1x64x128xf32, #tpu.memory_space<vmem>> -> memref<64x128xf32, #tpu.memory_space<vmem>>
      %dma_start3A_214 = arith.constant 0 : i32
      %dma_start3A_215 = tpu.memref_slice %arg19[%add3A_25, %dma_start3A_214] : memref<10112x128xf32, #tpu.memory_space<vmem_shared>> -> memref<64x128xf32, #tpu.memory_space<vmem_shared>>
      %dma_start3A_216 = arith.constant 0 : i32
      %dma_start3A_217 = tpu.memref_slice %arg19[%add3A_25, %dma_start3A_216] : memref<10112x128xf32, #tpu.memory_space<vmem_shared>> -> memref<64x128xf32, #tpu.memory_space<vmem_shared>>
      %dma_start3A_218 = arith.constant 0 : i32
      %dma_start3A_219 = arith.constant 0 : i32
      %dma_start3A_220 = tpu.memref_slice %arg16[%run_scoped3A_26, %dma_start3A_218, %dma_start3A_219] : memref<2x64x128xf32, #tpu.memory_space<vmem>> -> memref<1x64x128xf32, #tpu.memory_space<vmem>>
      %dma_start3A_221 = tpu.memref_squeeze %dma_start3A_220 : memref<1x64x128xf32, #tpu.memory_space<vmem>> -> memref<64x128xf32, #tpu.memory_space<vmem>>
      tpu.enqueue_dma source(%dma_start3A_221 : memref<64x128xf32, #tpu.memory_space<vmem>>) target(%dma_start3A_217 : memref<64x128xf32, #tpu.memory_space<vmem_shared>>) target_semaphore(%run_scoped3A_209 : memref<!tpu.dma_semaphore, #tpu.memory_space<semaphore_mem>>)
      %dma_wait3A_222 = arith.constant 0 : i32
      %dma_wait3A_223 = arith.constant 0 : i32
      %dma_wait3A_224 = tpu.memref_slice %arg16[%run_scoped3A_26, %dma_wait3A_222, %dma_wait3A_223] : memref<2x64x128xf32, #tpu.memory_space<vmem>> -> memref<1x64x128xf32, #tpu.memory_space<vmem>>
      %dma_wait3A_225 = tpu.memref_squeeze %dma_wait3A_224 : memref<1x64x128xf32, #tpu.memory_space<vmem>> -> memref<64x128xf32, #tpu.memory_space<vmem>>
      %dma_wait3A_226 = arith.constant 0 : i32
      %dma_wait3A_227 = tpu.memref_slice %arg19[%add3A_25, %dma_wait3A_226] : memref<10112x128xf32, #tpu.memory_space<vmem_shared>> -> memref<64x128xf32, #tpu.memory_space<vmem_shared>>
      %dma_wait3A_228 = arith.constant 0 : i32
      %dma_wait3A_229 = tpu.memref_slice %arg19[%add3A_25, %dma_wait3A_228] : memref<10112x128xf32, #tpu.memory_space<vmem_shared>> -> memref<64x128xf32, #tpu.memory_space<vmem_shared>>
      %dma_wait3A_230 = arith.constant 0 : i32
      %dma_wait3A_231 = arith.constant 0 : i32
      %dma_wait3A_232 = tpu.memref_slice %arg16[%run_scoped3A_26, %dma_wait3A_230, %dma_wait3A_231] : memref<2x64x128xf32, #tpu.memory_space<vmem>> -> memref<1x64x128xf32, #tpu.memory_space<vmem>>
      %dma_wait3A_233 = tpu.memref_squeeze %dma_wait3A_232 : memref<1x64x128xf32, #tpu.memory_space<vmem>> -> memref<64x128xf32, #tpu.memory_space<vmem>>
      tpu.wait_dma2 semaphore(%run_scoped3A_209 : memref<!tpu.dma_semaphore, #tpu.memory_space<semaphore_mem>>) src(%dma_wait3A_233 : memref<64x128xf32, #tpu.memory_space<vmem>>) dst(%dma_wait3A_229 : memref<64x128xf32, #tpu.memory_space<vmem_shared>>)
      tpu.yield
    }) : () -> ()
    %mul3A_27 = arith.constant 632 : i32
    %mul3A_28 = arith.muli %arg1, %mul3A_27 : i32
    %add3A_29 = arith.constant 192 : i32
    %add3A_30 = arith.addi %mul3A_28, %add3A_29 : i32
    %run_scoped3A_31 = arith.constant 0 : i32
    "tpu.region"() ({
      %run_scoped3A_209 = tpu.sem_alloc : memref<!tpu.dma_semaphore, #tpu.memory_space<semaphore_mem>>
      %dma_start3A_210 = arith.constant 0 : i32
      %dma_start3A_211 = arith.constant 0 : i32
      %dma_start3A_212 = tpu.memref_slice %arg16[%run_scoped3A_31, %dma_start3A_210, %dma_start3A_211] : memref<2x64x128xf32, #tpu.memory_space<vmem>> -> memref<1x64x128xf32, #tpu.memory_space<vmem>>
      %dma_start3A_213 = tpu.memref_squeeze %dma_start3A_212 : memref<1x64x128xf32, #tpu.memory_space<vmem>> -> memref<64x128xf32, #tpu.memory_space<vmem>>
      %dma_start3A_214 = arith.constant 0 : i32
      %dma_start3A_215 = tpu.memref_slice %arg19[%add3A_30, %dma_start3A_214] : memref<10112x128xf32, #tpu.memory_space<vmem_shared>> -> memref<64x128xf32, #tpu.memory_space<vmem_shared>>
      %dma_start3A_216 = arith.constant 0 : i32
      %dma_start3A_217 = tpu.memref_slice %arg19[%add3A_30, %dma_start3A_216] : memref<10112x128xf32, #tpu.memory_space<vmem_shared>> -> memref<64x128xf32, #tpu.memory_space<vmem_shared>>
      %dma_start3A_218 = arith.constant 0 : i32
      %dma_start3A_219 = arith.constant 0 : i32
      %dma_start3A_220 = tpu.memref_slice %arg16[%run_scoped3A_31, %dma_start3A_218, %dma_start3A_219] : memref<2x64x128xf32, #tpu.memory_space<vmem>> -> memref<1x64x128xf32, #tpu.memory_space<vmem>>
      %dma_start3A_221 = tpu.memref_squeeze %dma_start3A_220 : memref<1x64x128xf32, #tpu.memory_space<vmem>> -> memref<64x128xf32, #tpu.memory_space<vmem>>
      tpu.enqueue_dma source(%dma_start3A_221 : memref<64x128xf32, #tpu.memory_space<vmem>>) target(%dma_start3A_217 : memref<64x128xf32, #tpu.memory_space<vmem_shared>>) target_semaphore(%run_scoped3A_209 : memref<!tpu.dma_semaphore, #tpu.memory_space<semaphore_mem>>)
      %dma_wait3A_222 = arith.constant 0 : i32
      %dma_wait3A_223 = arith.constant 0 : i32
      %dma_wait3A_224 = tpu.memref_slice %arg16[%run_scoped3A_31, %dma_wait3A_222, %dma_wait3A_223] : memref<2x64x128xf32, #tpu.memory_space<vmem>> -> memref<1x64x128xf32, #tpu.memory_space<vmem>>
      %dma_wait3A_225 = tpu.memref_squeeze %dma_wait3A_224 : memref<1x64x128xf32, #tpu.memory_space<vmem>> -> memref<64x128xf32, #tpu.memory_space<vmem>>
      %dma_wait3A_226 = arith.constant 0 : i32
      %dma_wait3A_227 = tpu.memref_slice %arg19[%add3A_30, %dma_wait3A_226] : memref<10112x128xf32, #tpu.memory_space<vmem_shared>> -> memref<64x128xf32, #tpu.memory_space<vmem_shared>>
      %dma_wait3A_228 = arith.constant 0 : i32
      %dma_wait3A_229 = tpu.memref_slice %arg19[%add3A_30, %dma_wait3A_228] : memref<10112x128xf32, #tpu.memory_space<vmem_shared>> -> memref<64x128xf32, #tpu.memory_space<vmem_shared>>
      %dma_wait3A_230 = arith.constant 0 : i32
      %dma_wait3A_231 = arith.constant 0 : i32
      %dma_wait3A_232 = tpu.memref_slice %arg16[%run_scoped3A_31, %dma_wait3A_230, %dma_wait3A_231] : memref<2x64x128xf32, #tpu.memory_space<vmem>> -> memref<1x64x128xf32, #tpu.memory_space<vmem>>
      %dma_wait3A_233 = tpu.memref_squeeze %dma_wait3A_232 : memref<1x64x128xf32, #tpu.memory_space<vmem>> -> memref<64x128xf32, #tpu.memory_space<vmem>>
      tpu.wait_dma2 semaphore(%run_scoped3A_209 : memref<!tpu.dma_semaphore, #tpu.memory_space<semaphore_mem>>) src(%dma_wait3A_233 : memref<64x128xf32, #tpu.memory_space<vmem>>) dst(%dma_wait3A_229 : memref<64x128xf32, #tpu.memory_space<vmem_shared>>)
      tpu.yield
    }) : () -> ()
    %mul3A_32 = arith.constant 632 : i32
    %mul3A_33 = arith.muli %arg1, %mul3A_32 : i32
    %add3A_34 = arith.constant 256 : i32
    %add3A_35 = arith.addi %mul3A_33, %add3A_34 : i32
    %run_scoped3A_36 = arith.constant 0 : i32
    "tpu.region"() ({
      %run_scoped3A_209 = tpu.sem_alloc : memref<!tpu.dma_semaphore, #tpu.memory_space<semaphore_mem>>
      %dma_start3A_210 = arith.constant 0 : i32
      %dma_start3A_211 = arith.constant 0 : i32
      %dma_start3A_212 = tpu.memref_slice %arg16[%run_scoped3A_36, %dma_start3A_210, %dma_start3A_211] : memref<2x64x128xf32, #tpu.memory_space<vmem>> -> memref<1x64x128xf32, #tpu.memory_space<vmem>>
      %dma_start3A_213 = tpu.memref_squeeze %dma_start3A_212 : memref<1x64x128xf32, #tpu.memory_space<vmem>> -> memref<64x128xf32, #tpu.memory_space<vmem>>
      %dma_start3A_214 = arith.constant 0 : i32
      %dma_start3A_215 = tpu.memref_slice %arg19[%add3A_35, %dma_start3A_214] : memref<10112x128xf32, #tpu.memory_space<vmem_shared>> -> memref<64x128xf32, #tpu.memory_space<vmem_shared>>
      %dma_start3A_216 = arith.constant 0 : i32
      %dma_start3A_217 = tpu.memref_slice %arg19[%add3A_35, %dma_start3A_216] : memref<10112x128xf32, #tpu.memory_space<vmem_shared>> -> memref<64x128xf32, #tpu.memory_space<vmem_shared>>
      %dma_start3A_218 = arith.constant 0 : i32
      %dma_start3A_219 = arith.constant 0 : i32
      %dma_start3A_220 = tpu.memref_slice %arg16[%run_scoped3A_36, %dma_start3A_218, %dma_start3A_219] : memref<2x64x128xf32, #tpu.memory_space<vmem>> -> memref<1x64x128xf32, #tpu.memory_space<vmem>>
      %dma_start3A_221 = tpu.memref_squeeze %dma_start3A_220 : memref<1x64x128xf32, #tpu.memory_space<vmem>> -> memref<64x128xf32, #tpu.memory_space<vmem>>
      tpu.enqueue_dma source(%dma_start3A_221 : memref<64x128xf32, #tpu.memory_space<vmem>>) target(%dma_start3A_217 : memref<64x128xf32, #tpu.memory_space<vmem_shared>>) target_semaphore(%run_scoped3A_209 : memref<!tpu.dma_semaphore, #tpu.memory_space<semaphore_mem>>)
      %dma_wait3A_222 = arith.constant 0 : i32
      %dma_wait3A_223 = arith.constant 0 : i32
      %dma_wait3A_224 = tpu.memref_slice %arg16[%run_scoped3A_36, %dma_wait3A_222, %dma_wait3A_223] : memref<2x64x128xf32, #tpu.memory_space<vmem>> -> memref<1x64x128xf32, #tpu.memory_space<vmem>>
      %dma_wait3A_225 = tpu.memref_squeeze %dma_wait3A_224 : memref<1x64x128xf32, #tpu.memory_space<vmem>> -> memref<64x128xf32, #tpu.memory_space<vmem>>
      %dma_wait3A_226 = arith.constant 0 : i32
      %dma_wait3A_227 = tpu.memref_slice %arg19[%add3A_35, %dma_wait3A_226] : memref<10112x128xf32, #tpu.memory_space<vmem_shared>> -> memref<64x128xf32, #tpu.memory_space<vmem_shared>>
      %dma_wait3A_228 = arith.constant 0 : i32
      %dma_wait3A_229 = tpu.memref_slice %arg19[%add3A_35, %dma_wait3A_228] : memref<10112x128xf32, #tpu.memory_space<vmem_shared>> -> memref<64x128xf32, #tpu.memory_space<vmem_shared>>
      %dma_wait3A_230 = arith.constant 0 : i32
      %dma_wait3A_231 = arith.constant 0 : i32
      %dma_wait3A_232 = tpu.memref_slice %arg16[%run_scoped3A_36, %dma_wait3A_230, %dma_wait3A_231] : memref<2x64x128xf32, #tpu.memory_space<vmem>> -> memref<1x64x128xf32, #tpu.memory_space<vmem>>
      %dma_wait3A_233 = tpu.memref_squeeze %dma_wait3A_232 : memref<1x64x128xf32, #tpu.memory_space<vmem>> -> memref<64x128xf32, #tpu.memory_space<vmem>>
      tpu.wait_dma2 semaphore(%run_scoped3A_209 : memref<!tpu.dma_semaphore, #tpu.memory_space<semaphore_mem>>) src(%dma_wait3A_233 : memref<64x128xf32, #tpu.memory_space<vmem>>) dst(%dma_wait3A_229 : memref<64x128xf32, #tpu.memory_space<vmem_shared>>)
      tpu.yield
    }) : () -> ()
    %mul3A_37 = arith.constant 632 : i32
    %mul3A_38 = arith.muli %arg1, %mul3A_37 : i32
    %add3A_39 = arith.constant 320 : i32
    %add3A_40 = arith.addi %mul3A_38, %add3A_39 : i32
    %run_scoped3A_41 = arith.constant 0 : i32
    "tpu.region"() ({
      %run_scoped3A_209 = tpu.sem_alloc : memref<!tpu.dma_semaphore, #tpu.memory_space<semaphore_mem>>
      %dma_start3A_210 = arith.constant 0 : i32
      %dma_start3A_211 = arith.constant 0 : i32
      %dma_start3A_212 = tpu.memref_slice %arg16[%run_scoped3A_41, %dma_start3A_210, %dma_start3A_211] : memref<2x64x128xf32, #tpu.memory_space<vmem>> -> memref<1x64x128xf32, #tpu.memory_space<vmem>>
      %dma_start3A_213 = tpu.memref_squeeze %dma_start3A_212 : memref<1x64x128xf32, #tpu.memory_space<vmem>> -> memref<64x128xf32, #tpu.memory_space<vmem>>
      %dma_start3A_214 = arith.constant 0 : i32
      %dma_start3A_215 = tpu.memref_slice %arg19[%add3A_40, %dma_start3A_214] : memref<10112x128xf32, #tpu.memory_space<vmem_shared>> -> memref<64x128xf32, #tpu.memory_space<vmem_shared>>
      %dma_start3A_216 = arith.constant 0 : i32
      %dma_start3A_217 = tpu.memref_slice %arg19[%add3A_40, %dma_start3A_216] : memref<10112x128xf32, #tpu.memory_space<vmem_shared>> -> memref<64x128xf32, #tpu.memory_space<vmem_shared>>
      %dma_start3A_218 = arith.constant 0 : i32
      %dma_start3A_219 = arith.constant 0 : i32
      %dma_start3A_220 = tpu.memref_slice %arg16[%run_scoped3A_41, %dma_start3A_218, %dma_start3A_219] : memref<2x64x128xf32, #tpu.memory_space<vmem>> -> memref<1x64x128xf32, #tpu.memory_space<vmem>>
      %dma_start3A_221 = tpu.memref_squeeze %dma_start3A_220 : memref<1x64x128xf32, #tpu.memory_space<vmem>> -> memref<64x128xf32, #tpu.memory_space<vmem>>
      tpu.enqueue_dma source(%dma_start3A_221 : memref<64x128xf32, #tpu.memory_space<vmem>>) target(%dma_start3A_217 : memref<64x128xf32, #tpu.memory_space<vmem_shared>>) target_semaphore(%run_scoped3A_209 : memref<!tpu.dma_semaphore, #tpu.memory_space<semaphore_mem>>)
      %dma_wait3A_222 = arith.constant 0 : i32
      %dma_wait3A_223 = arith.constant 0 : i32
      %dma_wait3A_224 = tpu.memref_slice %arg16[%run_scoped3A_41, %dma_wait3A_222, %dma_wait3A_223] : memref<2x64x128xf32, #tpu.memory_space<vmem>> -> memref<1x64x128xf32, #tpu.memory_space<vmem>>
      %dma_wait3A_225 = tpu.memref_squeeze %dma_wait3A_224 : memref<1x64x128xf32, #tpu.memory_space<vmem>> -> memref<64x128xf32, #tpu.memory_space<vmem>>
      %dma_wait3A_226 = arith.constant 0 : i32
      %dma_wait3A_227 = tpu.memref_slice %arg19[%add3A_40, %dma_wait3A_226] : memref<10112x128xf32, #tpu.memory_space<vmem_shared>> -> memref<64x128xf32, #tpu.memory_space<vmem_shared>>
      %dma_wait3A_228 = arith.constant 0 : i32
      %dma_wait3A_229 = tpu.memref_slice %arg19[%add3A_40, %dma_wait3A_228] : memref<10112x128xf32, #tpu.memory_space<vmem_shared>> -> memref<64x128xf32, #tpu.memory_space<vmem_shared>>
      %dma_wait3A_230 = arith.constant 0 : i32
      %dma_wait3A_231 = arith.constant 0 : i32
      %dma_wait3A_232 = tpu.memref_slice %arg16[%run_scoped3A_41, %dma_wait3A_230, %dma_wait3A_231] : memref<2x64x128xf32, #tpu.memory_space<vmem>> -> memref<1x64x128xf32, #tpu.memory_space<vmem>>
      %dma_wait3A_233 = tpu.memref_squeeze %dma_wait3A_232 : memref<1x64x128xf32, #tpu.memory_space<vmem>> -> memref<64x128xf32, #tpu.memory_space<vmem>>
      tpu.wait_dma2 semaphore(%run_scoped3A_209 : memref<!tpu.dma_semaphore, #tpu.memory_space<semaphore_mem>>) src(%dma_wait3A_233 : memref<64x128xf32, #tpu.memory_space<vmem>>) dst(%dma_wait3A_229 : memref<64x128xf32, #tpu.memory_space<vmem_shared>>)
      tpu.yield
    }) : () -> ()
    %mul3A_42 = arith.constant 632 : i32
    %mul3A_43 = arith.muli %arg1, %mul3A_42 : i32
    %add3A_44 = arith.constant 384 : i32
    %add3A_45 = arith.addi %mul3A_43, %add3A_44 : i32
    %run_scoped3A_46 = arith.constant 0 : i32
    "tpu.region"() ({
      %run_scoped3A_209 = tpu.sem_alloc : memref<!tpu.dma_semaphore, #tpu.memory_space<semaphore_mem>>
      %dma_start3A_210 = arith.constant 0 : i32
      %dma_start3A_211 = arith.constant 0 : i32
      %dma_start3A_212 = tpu.memref_slice %arg16[%run_scoped3A_46, %dma_start3A_210, %dma_start3A_211] : memref<2x64x128xf32, #tpu.memory_space<vmem>> -> memref<1x64x128xf32, #tpu.memory_space<vmem>>
      %dma_start3A_213 = tpu.memref_squeeze %dma_start3A_212 : memref<1x64x128xf32, #tpu.memory_space<vmem>> -> memref<64x128xf32, #tpu.memory_space<vmem>>
      %dma_start3A_214 = arith.constant 0 : i32
      %dma_start3A_215 = tpu.memref_slice %arg19[%add3A_45, %dma_start3A_214] : memref<10112x128xf32, #tpu.memory_space<vmem_shared>> -> memref<64x128xf32, #tpu.memory_space<vmem_shared>>
      %dma_start3A_216 = arith.constant 0 : i32
      %dma_start3A_217 = tpu.memref_slice %arg19[%add3A_45, %dma_start3A_216] : memref<10112x128xf32, #tpu.memory_space<vmem_shared>> -> memref<64x128xf32, #tpu.memory_space<vmem_shared>>
      %dma_start3A_218 = arith.constant 0 : i32
      %dma_start3A_219 = arith.constant 0 : i32
      %dma_start3A_220 = tpu.memref_slice %arg16[%run_scoped3A_46, %dma_start3A_218, %dma_start3A_219] : memref<2x64x128xf32, #tpu.memory_space<vmem>> -> memref<1x64x128xf32, #tpu.memory_space<vmem>>
      %dma_start3A_221 = tpu.memref_squeeze %dma_start3A_220 : memref<1x64x128xf32, #tpu.memory_space<vmem>> -> memref<64x128xf32, #tpu.memory_space<vmem>>
      tpu.enqueue_dma source(%dma_start3A_221 : memref<64x128xf32, #tpu.memory_space<vmem>>) target(%dma_start3A_217 : memref<64x128xf32, #tpu.memory_space<vmem_shared>>) target_semaphore(%run_scoped3A_209 : memref<!tpu.dma_semaphore, #tpu.memory_space<semaphore_mem>>)
      %dma_wait3A_222 = arith.constant 0 : i32
      %dma_wait3A_223 = arith.constant 0 : i32
      %dma_wait3A_224 = tpu.memref_slice %arg16[%run_scoped3A_46, %dma_wait3A_222, %dma_wait3A_223] : memref<2x64x128xf32, #tpu.memory_space<vmem>> -> memref<1x64x128xf32, #tpu.memory_space<vmem>>
      %dma_wait3A_225 = tpu.memref_squeeze %dma_wait3A_224 : memref<1x64x128xf32, #tpu.memory_space<vmem>> -> memref<64x128xf32, #tpu.memory_space<vmem>>
      %dma_wait3A_226 = arith.constant 0 : i32
      %dma_wait3A_227 = tpu.memref_slice %arg19[%add3A_45, %dma_wait3A_226] : memref<10112x128xf32, #tpu.memory_space<vmem_shared>> -> memref<64x128xf32, #tpu.memory_space<vmem_shared>>
      %dma_wait3A_228 = arith.constant 0 : i32
      %dma_wait3A_229 = tpu.memref_slice %arg19[%add3A_45, %dma_wait3A_228] : memref<10112x128xf32, #tpu.memory_space<vmem_shared>> -> memref<64x128xf32, #tpu.memory_space<vmem_shared>>
      %dma_wait3A_230 = arith.constant 0 : i32
      %dma_wait3A_231 = arith.constant 0 : i32
      %dma_wait3A_232 = tpu.memref_slice %arg16[%run_scoped3A_46, %dma_wait3A_230, %dma_wait3A_231] : memref<2x64x128xf32, #tpu.memory_space<vmem>> -> memref<1x64x128xf32, #tpu.memory_space<vmem>>
      %dma_wait3A_233 = tpu.memref_squeeze %dma_wait3A_232 : memref<1x64x128xf32, #tpu.memory_space<vmem>> -> memref<64x128xf32, #tpu.memory_space<vmem>>
      tpu.wait_dma2 semaphore(%run_scoped3A_209 : memref<!tpu.dma_semaphore, #tpu.memory_space<semaphore_mem>>) src(%dma_wait3A_233 : memref<64x128xf32, #tpu.memory_space<vmem>>) dst(%dma_wait3A_229 : memref<64x128xf32, #tpu.memory_space<vmem_shared>>)
      tpu.yield
    }) : () -> ()
    %mul3A_47 = arith.constant 632 : i32
    %mul3A_48 = arith.muli %arg1, %mul3A_47 : i32
    %add3A_49 = arith.constant 448 : i32
    %add3A_50 = arith.addi %mul3A_48, %add3A_49 : i32
    %run_scoped3A_51 = arith.constant 0 : i32
    "tpu.region"() ({
      %run_scoped3A_209 = tpu.sem_alloc : memref<!tpu.dma_semaphore, #tpu.memory_space<semaphore_mem>>
      %dma_start3A_210 = arith.constant 0 : i32
      %dma_start3A_211 = arith.constant 0 : i32
      %dma_start3A_212 = tpu.memref_slice %arg16[%run_scoped3A_51, %dma_start3A_210, %dma_start3A_211] : memref<2x64x128xf32, #tpu.memory_space<vmem>> -> memref<1x64x128xf32, #tpu.memory_space<vmem>>
      %dma_start3A_213 = tpu.memref_squeeze %dma_start3A_212 : memref<1x64x128xf32, #tpu.memory_space<vmem>> -> memref<64x128xf32, #tpu.memory_space<vmem>>
      %dma_start3A_214 = arith.constant 0 : i32
      %dma_start3A_215 = tpu.memref_slice %arg19[%add3A_50, %dma_start3A_214] : memref<10112x128xf32, #tpu.memory_space<vmem_shared>> -> memref<64x128xf32, #tpu.memory_space<vmem_shared>>
      %dma_start3A_216 = arith.constant 0 : i32
      %dma_start3A_217 = tpu.memref_slice %arg19[%add3A_50, %dma_start3A_216] : memref<10112x128xf32, #tpu.memory_space<vmem_shared>> -> memref<64x128xf32, #tpu.memory_space<vmem_shared>>
      %dma_start3A_218 = arith.constant 0 : i32
      %dma_start3A_219 = arith.constant 0 : i32
      %dma_start3A_220 = tpu.memref_slice %arg16[%run_scoped3A_51, %dma_start3A_218, %dma_start3A_219] : memref<2x64x128xf32, #tpu.memory_space<vmem>> -> memref<1x64x128xf32, #tpu.memory_space<vmem>>
      %dma_start3A_221 = tpu.memref_squeeze %dma_start3A_220 : memref<1x64x128xf32, #tpu.memory_space<vmem>> -> memref<64x128xf32, #tpu.memory_space<vmem>>
      tpu.enqueue_dma source(%dma_start3A_221 : memref<64x128xf32, #tpu.memory_space<vmem>>) target(%dma_start3A_217 : memref<64x128xf32, #tpu.memory_space<vmem_shared>>) target_semaphore(%run_scoped3A_209 : memref<!tpu.dma_semaphore, #tpu.memory_space<semaphore_mem>>)
      %dma_wait3A_222 = arith.constant 0 : i32
      %dma_wait3A_223 = arith.constant 0 : i32
      %dma_wait3A_224 = tpu.memref_slice %arg16[%run_scoped3A_51, %dma_wait3A_222, %dma_wait3A_223] : memref<2x64x128xf32, #tpu.memory_space<vmem>> -> memref<1x64x128xf32, #tpu.memory_space<vmem>>
      %dma_wait3A_225 = tpu.memref_squeeze %dma_wait3A_224 : memref<1x64x128xf32, #tpu.memory_space<vmem>> -> memref<64x128xf32, #tpu.memory_space<vmem>>
      %dma_wait3A_226 = arith.constant 0 : i32
      %dma_wait3A_227 = tpu.memref_slice %arg19[%add3A_50, %dma_wait3A_226] : memref<10112x128xf32, #tpu.memory_space<vmem_shared>> -> memref<64x128xf32, #tpu.memory_space<vmem_shared>>
      %dma_wait3A_228 = arith.constant 0 : i32
      %dma_wait3A_229 = tpu.memref_slice %arg19[%add3A_50, %dma_wait3A_228] : memref<10112x128xf32, #tpu.memory_space<vmem_shared>> -> memref<64x128xf32, #tpu.memory_space<vmem_shared>>
      %dma_wait3A_230 = arith.constant 0 : i32
      %dma_wait3A_231 = arith.constant 0 : i32
      %dma_wait3A_232 = tpu.memref_slice %arg16[%run_scoped3A_51, %dma_wait3A_230, %dma_wait3A_231] : memref<2x64x128xf32, #tpu.memory_space<vmem>> -> memref<1x64x128xf32, #tpu.memory_space<vmem>>
      %dma_wait3A_233 = tpu.memref_squeeze %dma_wait3A_232 : memref<1x64x128xf32, #tpu.memory_space<vmem>> -> memref<64x128xf32, #tpu.memory_space<vmem>>
      tpu.wait_dma2 semaphore(%run_scoped3A_209 : memref<!tpu.dma_semaphore, #tpu.memory_space<semaphore_mem>>) src(%dma_wait3A_233 : memref<64x128xf32, #tpu.memory_space<vmem>>) dst(%dma_wait3A_229 : memref<64x128xf32, #tpu.memory_space<vmem_shared>>)
      tpu.yield
    }) : () -> ()
    %mul3A_52 = arith.constant 632 : i32
    %mul3A_53 = arith.muli %arg1, %mul3A_52 : i32
    %add3A_54 = arith.constant 512 : i32
    %add3A_55 = arith.addi %mul3A_53, %add3A_54 : i32
    %run_scoped3A_56 = arith.constant 0 : i32
    "tpu.region"() ({
      %run_scoped3A_209 = tpu.sem_alloc : memref<!tpu.dma_semaphore, #tpu.memory_space<semaphore_mem>>
      %dma_start3A_210 = arith.constant 0 : i32
      %dma_start3A_211 = arith.constant 0 : i32
      %dma_start3A_212 = tpu.memref_slice %arg16[%run_scoped3A_56, %dma_start3A_210, %dma_start3A_211] : memref<2x64x128xf32, #tpu.memory_space<vmem>> -> memref<1x64x128xf32, #tpu.memory_space<vmem>>
      %dma_start3A_213 = tpu.memref_squeeze %dma_start3A_212 : memref<1x64x128xf32, #tpu.memory_space<vmem>> -> memref<64x128xf32, #tpu.memory_space<vmem>>
      %dma_start3A_214 = arith.constant 0 : i32
      %dma_start3A_215 = tpu.memref_slice %arg19[%add3A_55, %dma_start3A_214] : memref<10112x128xf32, #tpu.memory_space<vmem_shared>> -> memref<64x128xf32, #tpu.memory_space<vmem_shared>>
      %dma_start3A_216 = arith.constant 0 : i32
      %dma_start3A_217 = tpu.memref_slice %arg19[%add3A_55, %dma_start3A_216] : memref<10112x128xf32, #tpu.memory_space<vmem_shared>> -> memref<64x128xf32, #tpu.memory_space<vmem_shared>>
      %dma_start3A_218 = arith.constant 0 : i32
      %dma_start3A_219 = arith.constant 0 : i32
      %dma_start3A_220 = tpu.memref_slice %arg16[%run_scoped3A_56, %dma_start3A_218, %dma_start3A_219] : memref<2x64x128xf32, #tpu.memory_space<vmem>> -> memref<1x64x128xf32, #tpu.memory_space<vmem>>
      %dma_start3A_221 = tpu.memref_squeeze %dma_start3A_220 : memref<1x64x128xf32, #tpu.memory_space<vmem>> -> memref<64x128xf32, #tpu.memory_space<vmem>>
      tpu.enqueue_dma source(%dma_start3A_221 : memref<64x128xf32, #tpu.memory_space<vmem>>) target(%dma_start3A_217 : memref<64x128xf32, #tpu.memory_space<vmem_shared>>) target_semaphore(%run_scoped3A_209 : memref<!tpu.dma_semaphore, #tpu.memory_space<semaphore_mem>>)
      %dma_wait3A_222 = arith.constant 0 : i32
      %dma_wait3A_223 = arith.constant 0 : i32
      %dma_wait3A_224 = tpu.memref_slice %arg16[%run_scoped3A_56, %dma_wait3A_222, %dma_wait3A_223] : memref<2x64x128xf32, #tpu.memory_space<vmem>> -> memref<1x64x128xf32, #tpu.memory_space<vmem>>
      %dma_wait3A_225 = tpu.memref_squeeze %dma_wait3A_224 : memref<1x64x128xf32, #tpu.memory_space<vmem>> -> memref<64x128xf32, #tpu.memory_space<vmem>>
      %dma_wait3A_226 = arith.constant 0 : i32
      %dma_wait3A_227 = tpu.memref_slice %arg19[%add3A_55, %dma_wait3A_226] : memref<10112x128xf32, #tpu.memory_space<vmem_shared>> -> memref<64x128xf32, #tpu.memory_space<vmem_shared>>
      %dma_wait3A_228 = arith.constant 0 : i32
      %dma_wait3A_229 = tpu.memref_slice %arg19[%add3A_55, %dma_wait3A_228] : memref<10112x128xf32, #tpu.memory_space<vmem_shared>> -> memref<64x128xf32, #tpu.memory_space<vmem_shared>>
      %dma_wait3A_230 = arith.constant 0 : i32
      %dma_wait3A_231 = arith.constant 0 : i32
      %dma_wait3A_232 = tpu.memref_slice %arg16[%run_scoped3A_56, %dma_wait3A_230, %dma_wait3A_231] : memref<2x64x128xf32, #tpu.memory_space<vmem>> -> memref<1x64x128xf32, #tpu.memory_space<vmem>>
      %dma_wait3A_233 = tpu.memref_squeeze %dma_wait3A_232 : memref<1x64x128xf32, #tpu.memory_space<vmem>> -> memref<64x128xf32, #tpu.memory_space<vmem>>
      tpu.wait_dma2 semaphore(%run_scoped3A_209 : memref<!tpu.dma_semaphore, #tpu.memory_space<semaphore_mem>>) src(%dma_wait3A_233 : memref<64x128xf32, #tpu.memory_space<vmem>>) dst(%dma_wait3A_229 : memref<64x128xf32, #tpu.memory_space<vmem_shared>>)
      tpu.yield
    }) : () -> ()
    %mul3A_57 = arith.constant 632 : i32
    %mul3A_58 = arith.muli %arg1, %mul3A_57 : i32
    %add3A_59 = arith.constant 576 : i32
    %add3A_60 = arith.addi %mul3A_58, %add3A_59 : i32
    %run_scoped3A_61 = arith.constant 0 : i32
    "tpu.region"() ({
      %run_scoped3A_209 = tpu.sem_alloc : memref<!tpu.dma_semaphore, #tpu.memory_space<semaphore_mem>>
      %dma_start3A_210 = arith.constant 0 : i32
      %dma_start3A_211 = arith.constant 0 : i32
      %dma_start3A_212 = tpu.memref_slice %arg16[%run_scoped3A_61, %dma_start3A_210, %dma_start3A_211] : memref<2x64x128xf32, #tpu.memory_space<vmem>> -> memref<1x56x128xf32, #tpu.memory_space<vmem>>
      %dma_start3A_213 = tpu.memref_squeeze %dma_start3A_212 : memref<1x56x128xf32, #tpu.memory_space<vmem>> -> memref<56x128xf32, #tpu.memory_space<vmem>>
      %dma_start3A_214 = arith.constant 0 : i32
      %dma_start3A_215 = tpu.memref_slice %arg19[%add3A_60, %dma_start3A_214] : memref<10112x128xf32, #tpu.memory_space<vmem_shared>> -> memref<56x128xf32, #tpu.memory_space<vmem_shared>>
      %dma_start3A_216 = arith.constant 0 : i32
      %dma_start3A_217 = tpu.memref_slice %arg19[%add3A_60, %dma_start3A_216] : memref<10112x128xf32, #tpu.memory_space<vmem_shared>> -> memref<56x128xf32, #tpu.memory_space<vmem_shared>>
      %dma_start3A_218 = arith.constant 0 : i32
      %dma_start3A_219 = arith.constant 0 : i32
      %dma_start3A_220 = tpu.memref_slice %arg16[%run_scoped3A_61, %dma_start3A_218, %dma_start3A_219] : memref<2x64x128xf32, #tpu.memory_space<vmem>> -> memref<1x56x128xf32, #tpu.memory_space<vmem>>
      %dma_start3A_221 = tpu.memref_squeeze %dma_start3A_220 : memref<1x56x128xf32, #tpu.memory_space<vmem>> -> memref<56x128xf32, #tpu.memory_space<vmem>>
      tpu.enqueue_dma source(%dma_start3A_221 : memref<56x128xf32, #tpu.memory_space<vmem>>) target(%dma_start3A_217 : memref<56x128xf32, #tpu.memory_space<vmem_shared>>) target_semaphore(%run_scoped3A_209 : memref<!tpu.dma_semaphore, #tpu.memory_space<semaphore_mem>>)
      %dma_wait3A_222 = arith.constant 0 : i32
      %dma_wait3A_223 = arith.constant 0 : i32
      %dma_wait3A_224 = tpu.memref_slice %arg16[%run_scoped3A_61, %dma_wait3A_222, %dma_wait3A_223] : memref<2x64x128xf32, #tpu.memory_space<vmem>> -> memref<1x56x128xf32, #tpu.memory_space<vmem>>
      %dma_wait3A_225 = tpu.memref_squeeze %dma_wait3A_224 : memref<1x56x128xf32, #tpu.memory_space<vmem>> -> memref<56x128xf32, #tpu.memory_space<vmem>>
      %dma_wait3A_226 = arith.constant 0 : i32
      %dma_wait3A_227 = tpu.memref_slice %arg19[%add3A_60, %dma_wait3A_226] : memref<10112x128xf32, #tpu.memory_space<vmem_shared>> -> memref<56x128xf32, #tpu.memory_space<vmem_shared>>
      %dma_wait3A_228 = arith.constant 0 : i32
      %dma_wait3A_229 = tpu.memref_slice %arg19[%add3A_60, %dma_wait3A_228] : memref<10112x128xf32, #tpu.memory_space<vmem_shared>> -> memref<56x128xf32, #tpu.memory_space<vmem_shared>>
      %dma_wait3A_230 = arith.constant 0 : i32
      %dma_wait3A_231 = arith.constant 0 : i32
      %dma_wait3A_232 = tpu.memref_slice %arg16[%run_scoped3A_61, %dma_wait3A_230, %dma_wait3A_231] : memref<2x64x128xf32, #tpu.memory_space<vmem>> -> memref<1x56x128xf32, #tpu.memory_space<vmem>>
      %dma_wait3A_233 = tpu.memref_squeeze %dma_wait3A_232 : memref<1x56x128xf32, #tpu.memory_space<vmem>> -> memref<56x128xf32, #tpu.memory_space<vmem>>
      tpu.wait_dma2 semaphore(%run_scoped3A_209 : memref<!tpu.dma_semaphore, #tpu.memory_space<semaphore_mem>>) src(%dma_wait3A_233 : memref<56x128xf32, #tpu.memory_space<vmem>>) dst(%dma_wait3A_229 : memref<56x128xf32, #tpu.memory_space<vmem_shared>>)
      tpu.yield
    }) : () -> ()
    %mul3A_62 = arith.constant 640 : i32
    %mul3A_63 = arith.muli %arg1, %mul3A_62 : i32
    "tpu.region"() ({
      %run_scoped3A_209 = tpu.sem_alloc : memref<!tpu.dma_semaphore, #tpu.memory_space<semaphore_mem>>
      %dma_start3A_210 = tpu.memref_slice %arg20[%mul3A_63] : memref<10240xf32, #tpu.memory_space<vmem_shared>> -> memref<640xf32, #tpu.memory_space<vmem_shared>>
      %dma_start3A_211 = tpu.memref_slice %arg20[%mul3A_63] : memref<10240xf32, #tpu.memory_space<vmem_shared>> -> memref<640xf32, #tpu.memory_space<vmem_shared>>
      tpu.enqueue_dma source(%arg17 : memref<640xf32, #tpu.memory_space<vmem>>) target(%dma_start3A_211 : memref<640xf32, #tpu.memory_space<vmem_shared>>) target_semaphore(%run_scoped3A_209 : memref<!tpu.dma_semaphore, #tpu.memory_space<semaphore_mem>>)
      %dma_wait3A_212 = tpu.memref_slice %arg20[%mul3A_63] : memref<10240xf32, #tpu.memory_space<vmem_shared>> -> memref<640xf32, #tpu.memory_space<vmem_shared>>
      %dma_wait3A_213 = tpu.memref_slice %arg20[%mul3A_63] : memref<10240xf32, #tpu.memory_space<vmem_shared>> -> memref<640xf32, #tpu.memory_space<vmem_shared>>
      tpu.wait_dma2 semaphore(%run_scoped3A_209 : memref<!tpu.dma_semaphore, #tpu.memory_space<semaphore_mem>>) src(%arg17 : memref<640xf32, #tpu.memory_space<vmem>>) dst(%dma_wait3A_213 : memref<640xf32, #tpu.memory_space<vmem_shared>>)
      tpu.yield
    }) : () -> ()
    "tpu.region"() ({
      %run_scoped3A_209 = tpu.sem_alloc : memref<!tpu.dma_semaphore, #tpu.memory_space<semaphore_mem>>
      %dma_start3A_210 = arith.constant 0 : i32
      %dma_start3A_211 = tpu.memref_slice %arg10[%dma_start3A_210] : memref<10016xf32, #tpu.memory_space<vmem>> -> memref<10000xf32, #tpu.memory_space<vmem>>
      %dma_start3A_212 = arith.constant 0 : i32
      %dma_start3A_213 = tpu.memref_slice %arg10[%dma_start3A_212] : memref<10016xf32, #tpu.memory_space<vmem>> -> memref<10000xf32, #tpu.memory_space<vmem>>
      tpu.enqueue_dma source(%arg5 : memref<10000xf32, #tpu.memory_space<hbm>>) target(%dma_start3A_213 : memref<10000xf32, #tpu.memory_space<vmem>>) target_semaphore(%run_scoped3A_209 : memref<!tpu.dma_semaphore, #tpu.memory_space<semaphore_mem>>)
      %dma_wait3A_214 = arith.constant 0 : i32
      %dma_wait3A_215 = tpu.memref_slice %arg10[%dma_wait3A_214] : memref<10016xf32, #tpu.memory_space<vmem>> -> memref<10000xf32, #tpu.memory_space<vmem>>
      %dma_wait3A_216 = arith.constant 0 : i32
      %dma_wait3A_217 = tpu.memref_slice %arg10[%dma_wait3A_216] : memref<10016xf32, #tpu.memory_space<vmem>> -> memref<10000xf32, #tpu.memory_space<vmem>>
      tpu.wait_dma2 semaphore(%run_scoped3A_209 : memref<!tpu.dma_semaphore, #tpu.memory_space<semaphore_mem>>) src(%arg5 : memref<10000xf32, #tpu.memory_space<hbm>>) dst(%dma_wait3A_217 : memref<10000xf32, #tpu.memory_space<vmem>>)
      tpu.yield
    }) : () -> ()
    "tpu.region"() ({
      %run_scoped3A_209 = tpu.sem_alloc : memref<!tpu.dma_semaphore, #tpu.memory_space<semaphore_mem>>
      %dma_start3A_210 = arith.constant 0 : i32
      %dma_start3A_211 = tpu.memref_slice %arg11[%dma_start3A_210] : memref<10016xf32, #tpu.memory_space<vmem>> -> memref<10000xf32, #tpu.memory_space<vmem>>
      %dma_start3A_212 = arith.constant 0 : i32
      %dma_start3A_213 = tpu.memref_slice %arg11[%dma_start3A_212] : memref<10016xf32, #tpu.memory_space<vmem>> -> memref<10000xf32, #tpu.memory_space<vmem>>
      tpu.enqueue_dma source(%arg6 : memref<10000xf32, #tpu.memory_space<hbm>>) target(%dma_start3A_213 : memref<10000xf32, #tpu.memory_space<vmem>>) target_semaphore(%run_scoped3A_209 : memref<!tpu.dma_semaphore, #tpu.memory_space<semaphore_mem>>)
      %dma_wait3A_214 = arith.constant 0 : i32
      %dma_wait3A_215 = tpu.memref_slice %arg11[%dma_wait3A_214] : memref<10016xf32, #tpu.memory_space<vmem>> -> memref<10000xf32, #tpu.memory_space<vmem>>
      %dma_wait3A_216 = arith.constant 0 : i32
      %dma_wait3A_217 = tpu.memref_slice %arg11[%dma_wait3A_216] : memref<10016xf32, #tpu.memory_space<vmem>> -> memref<10000xf32, #tpu.memory_space<vmem>>
      tpu.wait_dma2 semaphore(%run_scoped3A_209 : memref<!tpu.dma_semaphore, #tpu.memory_space<semaphore_mem>>) src(%arg6 : memref<10000xf32, #tpu.memory_space<hbm>>) dst(%dma_wait3A_217 : memref<10000xf32, #tpu.memory_space<vmem>>)
      tpu.yield
    }) : () -> ()
    %swap3A = arith.constant 10000 : index
    %swap3A_64 = tpu.vector_load %arg10[%swap3A] {strides = array<i32>} : memref<10016xf32, #tpu.memory_space<vmem>>, vector<16xf32>,
    tpu.vector_store %arg10[%swap3A], %broadcast_in_dim3A_1 {strides = array<i32>} : memref<10016xf32, #tpu.memory_space<vmem>>, vector<16xf32>,
    %swap3A_65 = arith.constant 10000 : index
    %swap3A_66 = tpu.vector_load %arg11[%swap3A_65] {strides = array<i32>} : memref<10016xf32, #tpu.memory_space<vmem>>, vector<16xf32>,
    tpu.vector_store %arg11[%swap3A_65], %broadcast_in_dim3A_1 {strides = array<i32>} : memref<10016xf32, #tpu.memory_space<vmem>>, vector<16xf32>,
    "tpu.region"() ({
      %run_scoped3A_209 = tpu.sem_alloc : memref<!tpu.dma_semaphore, #tpu.memory_space<semaphore_mem>>
      tpu.enqueue_dma source(%arg7 : memref<16xf32, #tpu.memory_space<hbm>>) target(%arg18 : memref<16xf32, #tpu.memory_space<vmem>>) target_semaphore(%run_scoped3A_209 : memref<!tpu.dma_semaphore, #tpu.memory_space<semaphore_mem>>)
      tpu.wait_dma2 semaphore(%run_scoped3A_209 : memref<!tpu.dma_semaphore, #tpu.memory_space<semaphore_mem>>) src(%arg7 : memref<16xf32, #tpu.memory_space<hbm>>) dst(%arg18 : memref<16xf32, #tpu.memory_space<vmem>>)
      tpu.yield
    }) : () -> ()
    %get3A = arith.constant 0 : index
    %get3A_67 = tpu.vector_load %arg18[%get3A] {strides = array<i32>} : memref<16xf32, #tpu.memory_space<vmem>>, vector<16xf32>,
    %barrier3A = arith.constant 0 : index
    tpu.barrier barrier_id(%barrier3A)
    %mul3A_68 = arith.constant 10240 : i32
    %mul3A_69 = arith.muli %add3A, %mul3A_68 : i32
    %add3A_70 = arith.constant 0 : i32
    %add3A_71 = arith.addi %mul3A_69, %add3A_70 : i32
    %dma_start3A = arith.constant 0 : i32
    %dma_start3A_72 = arith.constant 0 : i32
    %dma_start3A_73 = arith.constant 0 : i32
    %dma_start3A_74 = tpu.memref_slice %arg12[%dma_start3A, %dma_start3A_73] : memref<3x64xi32, #tpu.memory_space<vmem>> -> memref<1x64xi32, #tpu.memory_space<vmem>>
    %dma_start3A_75 = tpu.memref_squeeze %dma_start3A_74 : memref<1x64xi32, #tpu.memory_space<vmem>> -> memref<64xi32, #tpu.memory_space<vmem>>
    %dma_start3A_76 = tpu.memref_slice %arg3[%add3A_71] : memref<327680xi32, #tpu.memory_space<hbm>> -> memref<64xi32, #tpu.memory_space<hbm>>
    %dma_start3A_77 = tpu.memref_slice %arg22[%dma_start3A_72] : memref<3x!tpu.dma_semaphore, #tpu.memory_space<semaphore_mem>> -> memref<1x!tpu.dma_semaphore, #tpu.memory_space<semaphore_mem>>
    %dma_start3A_78 = tpu.memref_squeeze %dma_start3A_77 : memref<1x!tpu.dma_semaphore, #tpu.memory_space<semaphore_mem>> -> memref<!tpu.dma_semaphore, #tpu.memory_space<semaphore_mem>>
    %dma_start3A_79 = arith.constant 0 : i32
    %dma_start3A_80 = tpu.memref_slice %arg12[%dma_start3A, %dma_start3A_79] : memref<3x64xi32, #tpu.memory_space<vmem>> -> memref<1x64xi32, #tpu.memory_space<vmem>>
    %dma_start3A_81 = tpu.memref_squeeze %dma_start3A_80 : memref<1x64xi32, #tpu.memory_space<vmem>> -> memref<64xi32, #tpu.memory_space<vmem>>
    %dma_start3A_82 = tpu.memref_slice %arg3[%add3A_71] : memref<327680xi32, #tpu.memory_space<hbm>> -> memref<64xi32, #tpu.memory_space<hbm>>
    tpu.enqueue_dma source(%dma_start3A_82 : memref<64xi32, #tpu.memory_space<hbm>>) target(%dma_start3A_81 : memref<64xi32, #tpu.memory_space<vmem>>) target_semaphore(%dma_start3A_78 : memref<!tpu.dma_semaphore, #tpu.memory_space<semaphore_mem>>)
    %dma_start3A_83 = arith.constant 0 : i32
    %dma_start3A_84 = arith.constant 0 : i32
    %dma_start3A_85 = arith.constant 0 : i32
    %dma_start3A_86 = tpu.memref_slice %arg13[%dma_start3A_83, %dma_start3A_85] : memref<3x64xi32, #tpu.memory_space<vmem>> -> memref<1x64xi32, #tpu.memory_space<vmem>>
    %dma_start3A_87 = tpu.memref_squeeze %dma_start3A_86 : memref<1x64xi32, #tpu.memory_space<vmem>> -> memref<64xi32, #tpu.memory_space<vmem>>
    %dma_start3A_88 = tpu.memref_slice %arg4[%add3A_71] : memref<327680xi32, #tpu.memory_space<hbm>> -> memref<64xi32, #tpu.memory_space<hbm>>
    %dma_start3A_89 = tpu.memref_slice %arg22[%dma_start3A_84] : memref<3x!tpu.dma_semaphore, #tpu.memory_space<semaphore_mem>> -> memref<1x!tpu.dma_semaphore, #tpu.memory_space<semaphore_mem>>
    %dma_start3A_90 = tpu.memref_squeeze %dma_start3A_89 : memref<1x!tpu.dma_semaphore, #tpu.memory_space<semaphore_mem>> -> memref<!tpu.dma_semaphore, #tpu.memory_space<semaphore_mem>>
    %dma_start3A_91 = arith.constant 0 : i32
    %dma_start3A_92 = tpu.memref_slice %arg13[%dma_start3A_83, %dma_start3A_91] : memref<3x64xi32, #tpu.memory_space<vmem>> -> memref<1x64xi32, #tpu.memory_space<vmem>>
    %dma_start3A_93 = tpu.memref_squeeze %dma_start3A_92 : memref<1x64xi32, #tpu.memory_space<vmem>> -> memref<64xi32, #tpu.memory_space<vmem>>
    %dma_start3A_94 = tpu.memref_slice %arg4[%add3A_71] : memref<327680xi32, #tpu.memory_space<hbm>> -> memref<64xi32, #tpu.memory_space<hbm>>
    tpu.enqueue_dma source(%dma_start3A_94 : memref<64xi32, #tpu.memory_space<hbm>>) target(%dma_start3A_93 : memref<64xi32, #tpu.memory_space<vmem>>) target_semaphore(%dma_start3A_90 : memref<!tpu.dma_semaphore, #tpu.memory_space<semaphore_mem>>)
    %dma_wait3A = arith.constant 0 : i32
    %dma_wait3A_95 = arith.constant 0 : i32
    %dma_wait3A_96 = arith.constant 0 : i32
    %dma_wait3A_97 = tpu.memref_slice %arg12[%dma_wait3A, %dma_wait3A_96] : memref<3x64xi32, #tpu.memory_space<vmem>> -> memref<1x64xi32, #tpu.memory_space<vmem>>
    %dma_wait3A_98 = tpu.memref_squeeze %dma_wait3A_97 : memref<1x64xi32, #tpu.memory_space<vmem>> -> memref<64xi32, #tpu.memory_space<vmem>>
    %dma_wait3A_99 = arith.constant 0 : i32
    %dma_wait3A_100 = tpu.memref_slice %arg3[%dma_wait3A_99] : memref<327680xi32, #tpu.memory_space<hbm>> -> memref<64xi32, #tpu.memory_space<hbm>>
    %dma_wait3A_101 = tpu.memref_slice %arg22[%dma_wait3A_95] : memref<3x!tpu.dma_semaphore, #tpu.memory_space<semaphore_mem>> -> memref<1x!tpu.dma_semaphore, #tpu.memory_space<semaphore_mem>>
    %dma_wait3A_102 = tpu.memref_squeeze %dma_wait3A_101 : memref<1x!tpu.dma_semaphore, #tpu.memory_space<semaphore_mem>> -> memref<!tpu.dma_semaphore, #tpu.memory_space<semaphore_mem>>
    %dma_wait3A_103 = arith.constant 0 : i32
    %dma_wait3A_104 = tpu.memref_slice %arg12[%dma_wait3A, %dma_wait3A_103] : memref<3x64xi32, #tpu.memory_space<vmem>> -> memref<1x64xi32, #tpu.memory_space<vmem>>
    %dma_wait3A_105 = tpu.memref_squeeze %dma_wait3A_104 : memref<1x64xi32, #tpu.memory_space<vmem>> -> memref<64xi32, #tpu.memory_space<vmem>>
    %dma_wait3A_106 = arith.constant 0 : i32
    %dma_wait3A_107 = tpu.memref_slice %arg3[%dma_wait3A_106] : memref<327680xi32, #tpu.memory_space<hbm>> -> memref<64xi32, #tpu.memory_space<hbm>>
    tpu.wait_dma2 semaphore(%dma_wait3A_102 : memref<!tpu.dma_semaphore, #tpu.memory_space<semaphore_mem>>) src(%dma_wait3A_107 : memref<64xi32, #tpu.memory_space<hbm>>) dst(%dma_wait3A_105 : memref<64xi32, #tpu.memory_space<vmem>>)
    %dma_wait3A_108 = arith.constant 0 : i32
    %dma_wait3A_109 = arith.constant 0 : i32
    %dma_wait3A_110 = arith.constant 0 : i32
    %dma_wait3A_111 = tpu.memref_slice %arg13[%dma_wait3A_108, %dma_wait3A_110] : memref<3x64xi32, #tpu.memory_space<vmem>> -> memref<1x64xi32, #tpu.memory_space<vmem>>
    %dma_wait3A_112 = tpu.memref_squeeze %dma_wait3A_111 : memref<1x64xi32, #tpu.memory_space<vmem>> -> memref<64xi32, #tpu.memory_space<vmem>>
    %dma_wait3A_113 = arith.constant 0 : i32
    %dma_wait3A_114 = tpu.memref_slice %arg4[%dma_wait3A_113] : memref<327680xi32, #tpu.memory_space<hbm>> -> memref<64xi32, #tpu.memory_space<hbm>>
    %dma_wait3A_115 = tpu.memref_slice %arg22[%dma_wait3A_109] : memref<3x!tpu.dma_semaphore, #tpu.memory_space<semaphore_mem>> -> memref<1x!tpu.dma_semaphore, #tpu.memory_space<semaphore_mem>>
    %dma_wait3A_116 = tpu.memref_squeeze %dma_wait3A_115 : memref<1x!tpu.dma_semaphore, #tpu.memory_space<semaphore_mem>> -> memref<!tpu.dma_semaphore, #tpu.memory_space<semaphore_mem>>
    %dma_wait3A_117 = arith.constant 0 : i32
    %dma_wait3A_118 = tpu.memref_slice %arg13[%dma_wait3A_108, %dma_wait3A_117] : memref<3x64xi32, #tpu.memory_space<vmem>> -> memref<1x64xi32, #tpu.memory_space<vmem>>
    %dma_wait3A_119 = tpu.memref_squeeze %dma_wait3A_118 : memref<1x64xi32, #tpu.memory_space<vmem>> -> memref<64xi32, #tpu.memory_space<vmem>>
    %dma_wait3A_120 = arith.constant 0 : i32
    %dma_wait3A_121 = tpu.memref_slice %arg4[%dma_wait3A_120] : memref<327680xi32, #tpu.memory_space<hbm>> -> memref<64xi32, #tpu.memory_space<hbm>>
    tpu.wait_dma2 semaphore(%dma_wait3A_116 : memref<!tpu.dma_semaphore, #tpu.memory_space<semaphore_mem>>) src(%dma_wait3A_121 : memref<64xi32, #tpu.memory_space<hbm>>) dst(%dma_wait3A_119 : memref<64xi32, #tpu.memory_space<vmem>>)
    %dma_start3A_122 = arith.constant 0 : i32
    %dma_start3A_123 = arith.constant 0 : i32
    %dma_start3A_124 = arith.constant 0 : i32
    %dma_start3A_125 = arith.constant 0 : i32
    %dma_start3A_126 = arith.constant 0 : i32
    %dma_start3A_127 = tpu.memref_slice %arg15[%dma_start3A_123, %dma_start3A_125, %dma_start3A_126] : memref<2x64x64xi32, #tpu.memory_space<vmem>> -> memref<1x64x64xi32, #tpu.memory_space<vmem>>
    %dma_start3A_128 = tpu.memref_squeeze %dma_start3A_127 : memref<1x64x64xi32, #tpu.memory_space<vmem>> -> memref<64x64xi32, #tpu.memory_space<vmem>>
    %dma_start3A_129 = arith.constant 0 : i32
    %dma_start3A_130 = tpu.memref_slice %arg12[%dma_start3A_122, %dma_start3A_129] : memref<3x64xi32, #tpu.memory_space<vmem>> -> memref<1x64xi32, #tpu.memory_space<vmem>>
    %dma_start3A_131 = tpu.memref_squeeze %dma_start3A_130 : memref<1x64xi32, #tpu.memory_space<vmem>> -> memref<64xi32, #tpu.memory_space<vmem>>
    %dma_start3A_132 = arith.constant 0 : i32
    %dma_start3A_133 = arith.constant 0 : i32
    %dma_start3A_134 = tpu.memref_slice %arg2[%dma_start3A_132, %dma_start3A_133] : memref<10000x64xi32, #tpu.memory_space<hbm>> -> memref<10000x64xi32, #tpu.memory_space<hbm>>
    %dma_start3A_135 = tpu.memref_slice %arg21[%dma_start3A_124] : memref<2x!tpu.dma_semaphore, #tpu.memory_space<semaphore_mem>> -> memref<1x!tpu.dma_semaphore, #tpu.memory_space<semaphore_mem>>
    %dma_start3A_136 = tpu.memref_squeeze %dma_start3A_135 : memref<1x!tpu.dma_semaphore, #tpu.memory_space<semaphore_mem>> -> memref<!tpu.dma_semaphore, #tpu.memory_space<semaphore_mem>>
    tpu.enqueue_indirect_dma source(%dma_start3A_134 : memref<10000x64xi32, #tpu.memory_space<hbm>>) target(%dma_start3A_128 : memref<64x64xi32, #tpu.memory_space<vmem>>) offsets(%dma_start3A_131 : memref<64xi32, #tpu.memory_space<vmem>>) semaphore(%dma_start3A_136 : memref<!tpu.dma_semaphore, #tpu.memory_space<semaphore_mem>>)
    %add3A_137 = arith.constant 64 : i32
    %add3A_138 = arith.addi %mul3A_69, %add3A_137 : i32
    %dma_start3A_139 = arith.constant 1 : i32
    %dma_start3A_140 = arith.constant 1 : i32
    %dma_start3A_141 = arith.constant 0 : i32
    %dma_start3A_142 = tpu.memref_slice %arg12[%dma_start3A_139, %dma_start3A_141] : memref<3x64xi32, #tpu.memory_space<vmem>> -> memref<1x64xi32, #tpu.memory_space<vmem>>
    %dma_start3A_143 = tpu.memref_squeeze %dma_start3A_142 : memref<1x64xi32, #tpu.memory_space<vmem>> -> memref<64xi32, #tpu.memory_space<vmem>>
    %dma_start3A_144 = tpu.memref_slice %arg3[%add3A_138] : memref<327680xi32, #tpu.memory_space<hbm>> -> memref<64xi32, #tpu.memory_space<hbm>>
    %dma_start3A_145 = tpu.memref_slice %arg22[%dma_start3A_140] : memref<3x!tpu.dma_semaphore, #tpu.memory_space<semaphore_mem>> -> memref<1x!tpu.dma_semaphore, #tpu.memory_space<semaphore_mem>>
    %dma_start3A_146 = tpu.memref_squeeze %dma_start3A_145 : memref<1x!tpu.dma_semaphore, #tpu.memory_space<semaphore_mem>> -> memref<!tpu.dma_semaphore, #tpu.memory_space<semaphore_mem>>
    %dma_start3A_147 = arith.constant 0 : i32
    %dma_start3A_148 = tpu.memref_slice %arg12[%dma_start3A_139, %dma_start3A_147] : memref<3x64xi32, #tpu.memory_space<vmem>> -> memref<1x64xi32, #tpu.memory_space<vmem>>
    %dma_start3A_149 = tpu.memref_squeeze %dma_start3A_148 : memref<1x64xi32, #tpu.memory_space<vmem>> -> memref<64xi32, #tpu.memory_space<vmem>>
    %dma_start3A_150 = tpu.memref_slice %arg3[%add3A_138] : memref<327680xi32, #tpu.memory_space<hbm>> -> memref<64xi32, #tpu.memory_space<hbm>>
    tpu.enqueue_dma source(%dma_start3A_150 : memref<64xi32, #tpu.memory_space<hbm>>) target(%dma_start3A_149 : memref<64xi32, #tpu.memory_space<vmem>>) target_semaphore(%dma_start3A_146 : memref<!tpu.dma_semaphore, #tpu.memory_space<semaphore_mem>>)
    %dma_start3A_151 = arith.constant 1 : i32
    %dma_start3A_152 = arith.constant 1 : i32
    %dma_start3A_153 = arith.constant 0 : i32
    %dma_start3A_154 = tpu.memref_slice %arg13[%dma_start3A_151, %dma_start3A_153] : memref<3x64xi32, #tpu.memory_space<vmem>> -> memref<1x64xi32, #tpu.memory_space<vmem>>
    %dma_start3A_155 = tpu.memref_squeeze %dma_start3A_154 : memref<1x64xi32, #tpu.memory_space<vmem>> -> memref<64xi32, #tpu.memory_space<vmem>>
    %dma_start3A_156 = tpu.memref_slice %arg4[%add3A_138] : memref<327680xi32, #tpu.memory_space<hbm>> -> memref<64xi32, #tpu.memory_space<hbm>>
    %dma_start3A_157 = tpu.memref_slice %arg22[%dma_start3A_152] : memref<3x!tpu.dma_semaphore, #tpu.memory_space<semaphore_mem>> -> memref<1x!tpu.dma_semaphore, #tpu.memory_space<semaphore_mem>>
    %dma_start3A_158 = tpu.memref_squeeze %dma_start3A_157 : memref<1x!tpu.dma_semaphore, #tpu.memory_space<semaphore_mem>> -> memref<!tpu.dma_semaphore, #tpu.memory_space<semaphore_mem>>
    %dma_start3A_159 = arith.constant 0 : i32
    %dma_start3A_160 = tpu.memref_slice %arg13[%dma_start3A_151, %dma_start3A_159] : memref<3x64xi32, #tpu.memory_space<vmem>> -> memref<1x64xi32, #tpu.memory_space<vmem>>
    %dma_start3A_161 = tpu.memref_squeeze %dma_start3A_160 : memref<1x64xi32, #tpu.memory_space<vmem>> -> memref<64xi32, #tpu.memory_space<vmem>>
    %dma_start3A_162 = tpu.memref_slice %arg4[%add3A_138] : memref<327680xi32, #tpu.memory_space<hbm>> -> memref<64xi32, #tpu.memory_space<hbm>>
    tpu.enqueue_dma source(%dma_start3A_162 : memref<64xi32, #tpu.memory_space<hbm>>) target(%dma_start3A_161 : memref<64xi32, #tpu.memory_space<vmem>>) target_semaphore(%dma_start3A_158 : memref<!tpu.dma_semaphore, #tpu.memory_space<semaphore_mem>>)
    %scan3A_163 = arith.constant 0 : i32
    %scan3A_164 = arith.constant 0 : i32
    %scan3A_165 = arith.constant 160 : i32
    %scan3A_166 = arith.addi %scan3A_164, %scan3A_165 : i32
    %scan3A_167 = arith.constant 1 : i32
    scf.for %scan3A_209 = %scan3A_164 to %scan3A_166 step %scan3A_167  : i32 {
      %gt3A = arith.constant 0 : i32
      %gt3A_210 = arith.cmpi sgt, %scan3A_209, %gt3A : i32
      %convert_element_type3A = arith.extui %gt3A_210 : i1 to i32
      %cond3A = arith.constant 0 : i32
      %cond3A_211 = arith.cmpi ne, %convert_element_type3A, %cond3A : i32
      scf.if %cond3A_211 {
        %sub3A_436 = arith.constant 1 : i32
        %sub3A_437 = arith.subi %scan3A_209, %sub3A_436 : i32
        %jit3A_438 = arith.constant 2 : i32
        %eq3A_439 = arith.constant 0 : i32
        %eq3A_440 = arith.cmpi eq, %jit3A_438, %eq3A_439 : i32
        %jit3A_441 = arith.constant 1 : i32
        %select_n3A_442 = arith.select %eq3A_440, %jit3A_441, %jit3A_438 : i32
        %rem3A_443 = arith.remsi %sub3A_437, %select_n3A_442 : i32
        %ne3A_444 = arith.constant 0 : i32
        %ne3A_445 = arith.cmpi ne, %rem3A_443, %ne3A_444 : i32
        %lt3A_446 = arith.constant 0 : i32
        %lt3A_447 = arith.cmpi slt, %rem3A_443, %lt3A_446 : i32
        %lt3A_448 = arith.constant 0 : i32
        %lt3A_449 = arith.cmpi slt, %select_n3A_442, %lt3A_448 : i32
        %ne3A_450 = arith.xori %lt3A_447, %lt3A_449 : i1
        %and3A_451 = arith.andi %ne3A_450, %ne3A_445 : i1
        %add3A_452 = arith.addi %rem3A_443, %select_n3A_442 : i32
        %select_n3A_453 = arith.select %and3A_451, %add3A_452, %rem3A_443 : i32
        %jit3A_454 = arith.constant 3 : i32
        %eq3A_455 = arith.constant 0 : i32
        %eq3A_456 = arith.cmpi eq, %jit3A_454, %eq3A_455 : i32
        %jit3A_457 = arith.constant 1 : i32
        %select_n3A_458 = arith.select %eq3A_456, %jit3A_457, %jit3A_454 : i32
        %rem3A_459 = arith.remsi %sub3A_437, %select_n3A_458 : i32
        %ne3A_460 = arith.constant 0 : i32
        %ne3A_461 = arith.cmpi ne, %rem3A_459, %ne3A_460 : i32
        %lt3A_462 = arith.constant 0 : i32
        %lt3A_463 = arith.cmpi slt, %rem3A_459, %lt3A_462 : i32
        %lt3A_464 = arith.constant 0 : i32
        %lt3A_465 = arith.cmpi slt, %select_n3A_458, %lt3A_464 : i32
        %ne3A_466 = arith.xori %lt3A_463, %lt3A_465 : i1
        %and3A_467 = arith.andi %ne3A_466, %ne3A_461 : i1
        %add3A_468 = arith.addi %rem3A_459, %select_n3A_458 : i32
        %select_n3A_469 = arith.select %and3A_467, %add3A_468, %rem3A_459 : i32
        %dma_wait3A_470 = arith.constant 0 : i32
        %dma_wait3A_471 = tpu.memref_slice %arg14[%select_n3A_453, %dma_wait3A_470] : memref<2x64xf32, #tpu.memory_space<vmem>> -> memref<1x64xf32, #tpu.memory_space<vmem>>
        %dma_wait3A_472 = tpu.memref_squeeze %dma_wait3A_471 : memref<1x64xf32, #tpu.memory_space<vmem>> -> memref<64xf32, #tpu.memory_space<vmem>>
        %dma_wait3A_473 = arith.constant 0 : i32
        %dma_wait3A_474 = tpu.memref_slice %arg13[%select_n3A_469, %dma_wait3A_473] : memref<3x64xi32, #tpu.memory_space<vmem>> -> memref<1x64xi32, #tpu.memory_space<vmem>>
        %dma_wait3A_475 = tpu.memref_squeeze %dma_wait3A_474 : memref<1x64xi32, #tpu.memory_space<vmem>> -> memref<64xi32, #tpu.memory_space<vmem>>
        %dma_wait3A_476 = arith.constant 0 : i32
        %dma_wait3A_477 = tpu.memref_slice %arg20[%dma_wait3A_476] : memref<10240xf32, #tpu.memory_space<vmem_shared>> -> memref<10240xf32, #tpu.memory_space<vmem_shared>>
        %dma_wait3A_478 = tpu.memref_slice %arg23[%select_n3A_453] : memref<2x!tpu.dma_semaphore, #tpu.memory_space<semaphore_mem>> -> memref<1x!tpu.dma_semaphore, #tpu.memory_space<semaphore_mem>>
        %dma_wait3A_479 = tpu.memref_squeeze %dma_wait3A_478 : memref<1x!tpu.dma_semaphore, #tpu.memory_space<semaphore_mem>> -> memref<!tpu.dma_semaphore, #tpu.memory_space<semaphore_mem>>
        tpu.wait_indirect_dma semaphore(%dma_wait3A_479 : memref<!tpu.dma_semaphore, #tpu.memory_space<semaphore_mem>>) src(%dma_wait3A_472 : memref<64xf32, #tpu.memory_space<vmem>>) dst(%dma_wait3A_477 : memref<10240xf32, #tpu.memory_space<vmem_shared>>)
        %dma_wait3A_480 = arith.constant 0 : i32
        %dma_wait3A_481 = arith.constant 0 : i32
        %dma_wait3A_482 = tpu.memref_slice %arg16[%select_n3A_453, %dma_wait3A_480, %dma_wait3A_481] : memref<2x64x128xf32, #tpu.memory_space<vmem>> -> memref<1x64x128xf32, #tpu.memory_space<vmem>>
        %dma_wait3A_483 = tpu.memref_squeeze %dma_wait3A_482 : memref<1x64x128xf32, #tpu.memory_space<vmem>> -> memref<64x128xf32, #tpu.memory_space<vmem>>
        %dma_wait3A_484 = arith.constant 0 : i32
        %dma_wait3A_485 = tpu.memref_slice %arg13[%select_n3A_469, %dma_wait3A_484] : memref<3x64xi32, #tpu.memory_space<vmem>> -> memref<1x64xi32, #tpu.memory_space<vmem>>
        %dma_wait3A_486 = tpu.memref_squeeze %dma_wait3A_485 : memref<1x64xi32, #tpu.memory_space<vmem>> -> memref<64xi32, #tpu.memory_space<vmem>>
        %dma_wait3A_487 = arith.constant 0 : i32
        %dma_wait3A_488 = arith.constant 0 : i32
        %dma_wait3A_489 = tpu.memref_slice %arg19[%dma_wait3A_487, %dma_wait3A_488] : memref<10112x128xf32, #tpu.memory_space<vmem_shared>> -> memref<10112x128xf32, #tpu.memory_space<vmem_shared>>
        %dma_wait3A_490 = tpu.memref_slice %arg23[%select_n3A_453] : memref<2x!tpu.dma_semaphore, #tpu.memory_space<semaphore_mem>> -> memref<1x!tpu.dma_semaphore, #tpu.memory_space<semaphore_mem>>
        %dma_wait3A_491 = tpu.memref_squeeze %dma_wait3A_490 : memref<1x!tpu.dma_semaphore, #tpu.memory_space<semaphore_mem>> -> memref<!tpu.dma_semaphore, #tpu.memory_space<semaphore_mem>>
        tpu.wait_indirect_dma semaphore(%dma_wait3A_491 : memref<!tpu.dma_semaphore, #tpu.memory_space<semaphore_mem>>) src(%dma_wait3A_483 : memref<64x128xf32, #tpu.memory_space<vmem>>) dst(%dma_wait3A_489 : memref<10112x128xf32, #tpu.memory_space<vmem_shared>>)
      } else {
      }
      %add3A_212 = arith.constant 1 : i32
      %add3A_213 = arith.addi %scan3A_209, %add3A_212 : i32
      %lt3A = arith.constant 160 : i32
      %lt3A_214 = arith.cmpi slt, %add3A_213, %lt3A : i32
      %convert_element_type3A_215 = arith.extui %lt3A_214 : i1 to i32
      %cond3A_216 = arith.constant 0 : i32
      %cond3A_217 = arith.cmpi ne, %convert_element_type3A_215, %cond3A_216 : i32
      scf.if %cond3A_217 {
        %add3A_436 = arith.constant 1 : i32
        %add3A_437 = arith.addi %scan3A_209, %add3A_436 : i32
        %jit3A_438 = arith.constant 3 : i32
        %eq3A_439 = arith.constant 0 : i32
        %eq3A_440 = arith.cmpi eq, %jit3A_438, %eq3A_439 : i32
        %jit3A_441 = arith.constant 1 : i32
        %select_n3A_442 = arith.select %eq3A_440, %jit3A_441, %jit3A_438 : i32
        %rem3A_443 = arith.remsi %add3A_437, %select_n3A_442 : i32
        %ne3A_444 = arith.constant 0 : i32
        %ne3A_445 = arith.cmpi ne, %rem3A_443, %ne3A_444 : i32
        %lt3A_446 = arith.constant 0 : i32
        %lt3A_447 = arith.cmpi slt, %rem3A_443, %lt3A_446 : i32
        %lt3A_448 = arith.constant 0 : i32
        %lt3A_449 = arith.cmpi slt, %select_n3A_442, %lt3A_448 : i32
        %ne3A_450 = arith.xori %lt3A_447, %lt3A_449 : i1
        %and3A_451 = arith.andi %ne3A_450, %ne3A_445 : i1
        %add3A_452 = arith.addi %rem3A_443, %select_n3A_442 : i32
        %select_n3A_453 = arith.select %and3A_451, %add3A_452, %rem3A_443 : i32
        %dma_wait3A_454 = arith.constant 0 : i32
        %dma_wait3A_455 = tpu.memref_slice %arg12[%select_n3A_453, %dma_wait3A_454] : memref<3x64xi32, #tpu.memory_space<vmem>> -> memref<1x64xi32, #tpu.memory_space<vmem>>
        %dma_wait3A_456 = tpu.memref_squeeze %dma_wait3A_455 : memref<1x64xi32, #tpu.memory_space<vmem>> -> memref<64xi32, #tpu.memory_space<vmem>>
        %dma_wait3A_457 = arith.constant 0 : i32
        %dma_wait3A_458 = tpu.memref_slice %arg3[%dma_wait3A_457] : memref<327680xi32, #tpu.memory_space<hbm>> -> memref<64xi32, #tpu.memory_space<hbm>>
        %dma_wait3A_459 = tpu.memref_slice %arg22[%select_n3A_453] : memref<3x!tpu.dma_semaphore, #tpu.memory_space<semaphore_mem>> -> memref<1x!tpu.dma_semaphore, #tpu.memory_space<semaphore_mem>>
        %dma_wait3A_460 = tpu.memref_squeeze %dma_wait3A_459 : memref<1x!tpu.dma_semaphore, #tpu.memory_space<semaphore_mem>> -> memref<!tpu.dma_semaphore, #tpu.memory_space<semaphore_mem>>
        %dma_wait3A_461 = arith.constant 0 : i32
        %dma_wait3A_462 = tpu.memref_slice %arg12[%select_n3A_453, %dma_wait3A_461] : memref<3x64xi32, #tpu.memory_space<vmem>> -> memref<1x64xi32, #tpu.memory_space<vmem>>
        %dma_wait3A_463 = tpu.memref_squeeze %dma_wait3A_462 : memref<1x64xi32, #tpu.memory_space<vmem>> -> memref<64xi32, #tpu.memory_space<vmem>>
        %dma_wait3A_464 = arith.constant 0 : i32
        %dma_wait3A_465 = tpu.memref_slice %arg3[%dma_wait3A_464] : memref<327680xi32, #tpu.memory_space<hbm>> -> memref<64xi32, #tpu.memory_space<hbm>>
        tpu.wait_dma2 semaphore(%dma_wait3A_460 : memref<!tpu.dma_semaphore, #tpu.memory_space<semaphore_mem>>) src(%dma_wait3A_465 : memref<64xi32, #tpu.memory_space<hbm>>) dst(%dma_wait3A_463 : memref<64xi32, #tpu.memory_space<vmem>>)
        %dma_wait3A_466 = arith.constant 0 : i32
        %dma_wait3A_467 = tpu.memref_slice %arg13[%select_n3A_453, %dma_wait3A_466] : memref<3x64xi32, #tpu.memory_space<vmem>> -> memref<1x64xi32, #tpu.memory_space<vmem>>
        %dma_wait3A_468 = tpu.memref_squeeze %dma_wait3A_467 : memref<1x64xi32, #tpu.memory_space<vmem>> -> memref<64xi32, #tpu.memory_space<vmem>>
        %dma_wait3A_469 = arith.constant 0 : i32
        %dma_wait3A_470 = tpu.memref_slice %arg4[%dma_wait3A_469] : memref<327680xi32, #tpu.memory_space<hbm>> -> memref<64xi32, #tpu.memory_space<hbm>>
        %dma_wait3A_471 = tpu.memref_slice %arg22[%select_n3A_453] : memref<3x!tpu.dma_semaphore, #tpu.memory_space<semaphore_mem>> -> memref<1x!tpu.dma_semaphore, #tpu.memory_space<semaphore_mem>>
        %dma_wait3A_472 = tpu.memref_squeeze %dma_wait3A_471 : memref<1x!tpu.dma_semaphore, #tpu.memory_space<semaphore_mem>> -> memref<!tpu.dma_semaphore, #tpu.memory_space<semaphore_mem>>
        %dma_wait3A_473 = arith.constant 0 : i32
        %dma_wait3A_474 = tpu.memref_slice %arg13[%select_n3A_453, %dma_wait3A_473] : memref<3x64xi32, #tpu.memory_space<vmem>> -> memref<1x64xi32, #tpu.memory_space<vmem>>
        %dma_wait3A_475 = tpu.memref_squeeze %dma_wait3A_474 : memref<1x64xi32, #tpu.memory_space<vmem>> -> memref<64xi32, #tpu.memory_space<vmem>>
        %dma_wait3A_476 = arith.constant 0 : i32
        %dma_wait3A_477 = tpu.memref_slice %arg4[%dma_wait3A_476] : memref<327680xi32, #tpu.memory_space<hbm>> -> memref<64xi32, #tpu.memory_space<hbm>>
        tpu.wait_dma2 semaphore(%dma_wait3A_472 : memref<!tpu.dma_semaphore, #tpu.memory_space<semaphore_mem>>) src(%dma_wait3A_477 : memref<64xi32, #tpu.memory_space<hbm>>) dst(%dma_wait3A_475 : memref<64xi32, #tpu.memory_space<vmem>>)
        %add3A_478 = arith.constant 1 : i32
        %add3A_479 = arith.addi %scan3A_209, %add3A_478 : i32
        %jit3A_480 = arith.constant 2 : i32
        %eq3A_481 = arith.constant 0 : i32
        %eq3A_482 = arith.cmpi eq, %jit3A_480, %eq3A_481 : i32
        %jit3A_483 = arith.constant 1 : i32
        %select_n3A_484 = arith.select %eq3A_482, %jit3A_483, %jit3A_480 : i32
        %rem3A_485 = arith.remsi %add3A_479, %select_n3A_484 : i32
        %ne3A_486 = arith.constant 0 : i32
        %ne3A_487 = arith.cmpi ne, %rem3A_485, %ne3A_486 : i32
        %lt3A_488 = arith.constant 0 : i32
        %lt3A_489 = arith.cmpi slt, %rem3A_485, %lt3A_488 : i32
        %lt3A_490 = arith.constant 0 : i32
        %lt3A_491 = arith.cmpi slt, %select_n3A_484, %lt3A_490 : i32
        %ne3A_492 = arith.xori %lt3A_489, %lt3A_491 : i1
        %and3A_493 = arith.andi %ne3A_492, %ne3A_487 : i1
        %add3A_494 = arith.addi %rem3A_485, %select_n3A_484 : i32
        %select_n3A_495 = arith.select %and3A_493, %add3A_494, %rem3A_485 : i32
        %jit3A_496 = arith.constant 3 : i32
        %eq3A_497 = arith.constant 0 : i32
        %eq3A_498 = arith.cmpi eq, %jit3A_496, %eq3A_497 : i32
        %jit3A_499 = arith.constant 1 : i32
        %select_n3A_500 = arith.select %eq3A_498, %jit3A_499, %jit3A_496 : i32
        %rem3A_501 = arith.remsi %add3A_479, %select_n3A_500 : i32
        %ne3A_502 = arith.constant 0 : i32
        %ne3A_503 = arith.cmpi ne, %rem3A_501, %ne3A_502 : i32
        %lt3A_504 = arith.constant 0 : i32
        %lt3A_505 = arith.cmpi slt, %rem3A_501, %lt3A_504 : i32
        %lt3A_506 = arith.constant 0 : i32
        %lt3A_507 = arith.cmpi slt, %select_n3A_500, %lt3A_506 : i32
        %ne3A_508 = arith.xori %lt3A_505, %lt3A_507 : i1
        %and3A_509 = arith.andi %ne3A_508, %ne3A_503 : i1
        %add3A_510 = arith.addi %rem3A_501, %select_n3A_500 : i32
        %select_n3A_511 = arith.select %and3A_509, %add3A_510, %rem3A_501 : i32
        %dma_start3A_512 = arith.constant 0 : i32
        %dma_start3A_513 = arith.constant 0 : i32
        %dma_start3A_514 = tpu.memref_slice %arg15[%select_n3A_495, %dma_start3A_512, %dma_start3A_513] : memref<2x64x64xi32, #tpu.memory_space<vmem>> -> memref<1x64x64xi32, #tpu.memory_space<vmem>>
        %dma_start3A_515 = tpu.memref_squeeze %dma_start3A_514 : memref<1x64x64xi32, #tpu.memory_space<vmem>> -> memref<64x64xi32, #tpu.memory_space<vmem>>
        %dma_start3A_516 = arith.constant 0 : i32
        %dma_start3A_517 = tpu.memref_slice %arg12[%select_n3A_511, %dma_start3A_516] : memref<3x64xi32, #tpu.memory_space<vmem>> -> memref<1x64xi32, #tpu.memory_space<vmem>>
        %dma_start3A_518 = tpu.memref_squeeze %dma_start3A_517 : memref<1x64xi32, #tpu.memory_space<vmem>> -> memref<64xi32, #tpu.memory_space<vmem>>
        %dma_start3A_519 = arith.constant 0 : i32
        %dma_start3A_520 = arith.constant 0 : i32
        %dma_start3A_521 = tpu.memref_slice %arg2[%dma_start3A_519, %dma_start3A_520] : memref<10000x64xi32, #tpu.memory_space<hbm>> -> memref<10000x64xi32, #tpu.memory_space<hbm>>
        %dma_start3A_522 = tpu.memref_slice %arg21[%select_n3A_495] : memref<2x!tpu.dma_semaphore, #tpu.memory_space<semaphore_mem>> -> memref<1x!tpu.dma_semaphore, #tpu.memory_space<semaphore_mem>>
        %dma_start3A_523 = tpu.memref_squeeze %dma_start3A_522 : memref<1x!tpu.dma_semaphore, #tpu.memory_space<semaphore_mem>> -> memref<!tpu.dma_semaphore, #tpu.memory_space<semaphore_mem>>
        tpu.enqueue_indirect_dma source(%dma_start3A_521 : memref<10000x64xi32, #tpu.memory_space<hbm>>) target(%dma_start3A_515 : memref<64x64xi32, #tpu.memory_space<vmem>>) offsets(%dma_start3A_518 : memref<64xi32, #tpu.memory_space<vmem>>) semaphore(%dma_start3A_523 : memref<!tpu.dma_semaphore, #tpu.memory_space<semaphore_mem>>)
      } else {
      }
      %add3A_218 = arith.constant 2 : i32
      %add3A_219 = arith.addi %scan3A_209, %add3A_218 : i32
      %lt3A_220 = arith.constant 160 : i32
      %lt3A_221 = arith.cmpi slt, %add3A_219, %lt3A_220 : i32
      %convert_element_type3A_222 = arith.extui %lt3A_221 : i1 to i32
      %cond3A_223 = arith.constant 0 : i32
      %cond3A_224 = arith.cmpi ne, %convert_element_type3A_222, %cond3A_223 : i32
      scf.if %cond3A_224 {
        %add3A_436 = arith.constant 2 : i32
        %add3A_437 = arith.addi %scan3A_209, %add3A_436 : i32
        %jit3A_438 = arith.constant 3 : i32
        %eq3A_439 = arith.constant 0 : i32
        %eq3A_440 = arith.cmpi eq, %jit3A_438, %eq3A_439 : i32
        %jit3A_441 = arith.constant 1 : i32
        %select_n3A_442 = arith.select %eq3A_440, %jit3A_441, %jit3A_438 : i32
        %rem3A_443 = arith.remsi %add3A_437, %select_n3A_442 : i32
        %ne3A_444 = arith.constant 0 : i32
        %ne3A_445 = arith.cmpi ne, %rem3A_443, %ne3A_444 : i32
        %lt3A_446 = arith.constant 0 : i32
        %lt3A_447 = arith.cmpi slt, %rem3A_443, %lt3A_446 : i32
        %lt3A_448 = arith.constant 0 : i32
        %lt3A_449 = arith.cmpi slt, %select_n3A_442, %lt3A_448 : i32
        %ne3A_450 = arith.xori %lt3A_447, %lt3A_449 : i1
        %and3A_451 = arith.andi %ne3A_450, %ne3A_445 : i1
        %add3A_452 = arith.addi %rem3A_443, %select_n3A_442 : i32
        %select_n3A_453 = arith.select %and3A_451, %add3A_452, %rem3A_443 : i32
        %mul3A_454 = arith.constant 64 : i32
        %mul3A_455 = arith.muli %add3A_437, %mul3A_454 : i32
        %add3A_456 = arith.addi %mul3A_69, %mul3A_455 : i32
        %dma_start3A_457 = arith.constant 0 : i32
        %dma_start3A_458 = tpu.memref_slice %arg12[%select_n3A_453, %dma_start3A_457] : memref<3x64xi32, #tpu.memory_space<vmem>> -> memref<1x64xi32, #tpu.memory_space<vmem>>
        %dma_start3A_459 = tpu.memref_squeeze %dma_start3A_458 : memref<1x64xi32, #tpu.memory_space<vmem>> -> memref<64xi32, #tpu.memory_space<vmem>>
        %dma_start3A_460 = tpu.memref_slice %arg3[%add3A_456] : memref<327680xi32, #tpu.memory_space<hbm>> -> memref<64xi32, #tpu.memory_space<hbm>>
        %dma_start3A_461 = tpu.memref_slice %arg22[%select_n3A_453] : memref<3x!tpu.dma_semaphore, #tpu.memory_space<semaphore_mem>> -> memref<1x!tpu.dma_semaphore, #tpu.memory_space<semaphore_mem>>
        %dma_start3A_462 = tpu.memref_squeeze %dma_start3A_461 : memref<1x!tpu.dma_semaphore, #tpu.memory_space<semaphore_mem>> -> memref<!tpu.dma_semaphore, #tpu.memory_space<semaphore_mem>>
        %dma_start3A_463 = arith.constant 0 : i32
        %dma_start3A_464 = tpu.memref_slice %arg12[%select_n3A_453, %dma_start3A_463] : memref<3x64xi32, #tpu.memory_space<vmem>> -> memref<1x64xi32, #tpu.memory_space<vmem>>
        %dma_start3A_465 = tpu.memref_squeeze %dma_start3A_464 : memref<1x64xi32, #tpu.memory_space<vmem>> -> memref<64xi32, #tpu.memory_space<vmem>>
        %dma_start3A_466 = tpu.memref_slice %arg3[%add3A_456] : memref<327680xi32, #tpu.memory_space<hbm>> -> memref<64xi32, #tpu.memory_space<hbm>>
        tpu.enqueue_dma source(%dma_start3A_466 : memref<64xi32, #tpu.memory_space<hbm>>) target(%dma_start3A_465 : memref<64xi32, #tpu.memory_space<vmem>>) target_semaphore(%dma_start3A_462 : memref<!tpu.dma_semaphore, #tpu.memory_space<semaphore_mem>>)
        %dma_start3A_467 = arith.constant 0 : i32
        %dma_start3A_468 = tpu.memref_slice %arg13[%select_n3A_453, %dma_start3A_467] : memref<3x64xi32, #tpu.memory_space<vmem>> -> memref<1x64xi32, #tpu.memory_space<vmem>>
        %dma_start3A_469 = tpu.memref_squeeze %dma_start3A_468 : memref<1x64xi32, #tpu.memory_space<vmem>> -> memref<64xi32, #tpu.memory_space<vmem>>
        %dma_start3A_470 = tpu.memref_slice %arg4[%add3A_456] : memref<327680xi32, #tpu.memory_space<hbm>> -> memref<64xi32, #tpu.memory_space<hbm>>
        %dma_start3A_471 = tpu.memref_slice %arg22[%select_n3A_453] : memref<3x!tpu.dma_semaphore, #tpu.memory_space<semaphore_mem>> -> memref<1x!tpu.dma_semaphore, #tpu.memory_space<semaphore_mem>>
        %dma_start3A_472 = tpu.memref_squeeze %dma_start3A_471 : memref<1x!tpu.dma_semaphore, #tpu.memory_space<semaphore_mem>> -> memref<!tpu.dma_semaphore, #tpu.memory_space<semaphore_mem>>
        %dma_start3A_473 = arith.constant 0 : i32
        %dma_start3A_474 = tpu.memref_slice %arg13[%select_n3A_453, %dma_start3A_473] : memref<3x64xi32, #tpu.memory_space<vmem>> -> memref<1x64xi32, #tpu.memory_space<vmem>>
        %dma_start3A_475 = tpu.memref_squeeze %dma_start3A_474 : memref<1x64xi32, #tpu.memory_space<vmem>> -> memref<64xi32, #tpu.memory_space<vmem>>
        %dma_start3A_476 = tpu.memref_slice %arg4[%add3A_456] : memref<327680xi32, #tpu.memory_space<hbm>> -> memref<64xi32, #tpu.memory_space<hbm>>
        tpu.enqueue_dma source(%dma_start3A_476 : memref<64xi32, #tpu.memory_space<hbm>>) target(%dma_start3A_475 : memref<64xi32, #tpu.memory_space<vmem>>) target_semaphore(%dma_start3A_472 : memref<!tpu.dma_semaphore, #tpu.memory_space<semaphore_mem>>)
      } else {
      }
      %jit3A = arith.constant 2 : i32
      %eq3A = arith.constant 0 : i32
      %eq3A_225 = arith.cmpi eq, %jit3A, %eq3A : i32
      %jit3A_226 = arith.constant 1 : i32
      %select_n3A = arith.select %eq3A_225, %jit3A_226, %jit3A : i32
      %rem3A = arith.remsi %scan3A_209, %select_n3A : i32
      %ne3A = arith.constant 0 : i32
      %ne3A_227 = arith.cmpi ne, %rem3A, %ne3A : i32
      %lt3A_228 = arith.constant 0 : i32
      %lt3A_229 = arith.cmpi slt, %rem3A, %lt3A_228 : i32
      %lt3A_230 = arith.constant 0 : i32
      %lt3A_231 = arith.cmpi slt, %select_n3A, %lt3A_230 : i32
      %ne3A_232 = arith.xori %lt3A_229, %lt3A_231 : i1
      %and3A = arith.andi %ne3A_232, %ne3A_227 : i1
      %add3A_233 = arith.addi %rem3A, %select_n3A : i32
      %select_n3A_234 = arith.select %and3A, %add3A_233, %rem3A : i32
      %jit3A_235 = arith.constant 3 : i32
      %eq3A_236 = arith.constant 0 : i32
      %eq3A_237 = arith.cmpi eq, %jit3A_235, %eq3A_236 : i32
      %jit3A_238 = arith.constant 1 : i32
      %select_n3A_239 = arith.select %eq3A_237, %jit3A_238, %jit3A_235 : i32
      %rem3A_240 = arith.remsi %scan3A_209, %select_n3A_239 : i32
      %ne3A_241 = arith.constant 0 : i32
      %ne3A_242 = arith.cmpi ne, %rem3A_240, %ne3A_241 : i32
      %lt3A_243 = arith.constant 0 : i32
      %lt3A_244 = arith.cmpi slt, %rem3A_240, %lt3A_243 : i32
      %lt3A_245 = arith.constant 0 : i32
      %lt3A_246 = arith.cmpi slt, %select_n3A_239, %lt3A_245 : i32
      %ne3A_247 = arith.xori %lt3A_244, %lt3A_246 : i1
      %and3A_248 = arith.andi %ne3A_247, %ne3A_242 : i1
      %add3A_249 = arith.addi %rem3A_240, %select_n3A_239 : i32
      %select_n3A_250 = arith.select %and3A_248, %add3A_249, %rem3A_240 : i32
      %dma_wait3A_251 = arith.constant 0 : i32
      %dma_wait3A_252 = arith.constant 0 : i32
      %dma_wait3A_253 = tpu.memref_slice %arg15[%select_n3A_234, %dma_wait3A_251, %dma_wait3A_252] : memref<2x64x64xi32, #tpu.memory_space<vmem>> -> memref<1x64x64xi32, #tpu.memory_space<vmem>>
      %dma_wait3A_254 = tpu.memref_squeeze %dma_wait3A_253 : memref<1x64x64xi32, #tpu.memory_space<vmem>> -> memref<64x64xi32, #tpu.memory_space<vmem>>
      %dma_wait3A_255 = arith.constant 0 : i32
      %dma_wait3A_256 = tpu.memref_slice %arg12[%select_n3A_250, %dma_wait3A_255] : memref<3x64xi32, #tpu.memory_space<vmem>> -> memref<1x64xi32, #tpu.memory_space<vmem>>
      %dma_wait3A_257 = tpu.memref_squeeze %dma_wait3A_256 : memref<1x64xi32, #tpu.memory_space<vmem>> -> memref<64xi32, #tpu.memory_space<vmem>>
      %dma_wait3A_258 = arith.constant 0 : i32
      %dma_wait3A_259 = arith.constant 0 : i32
      %dma_wait3A_260 = tpu.memref_slice %arg2[%dma_wait3A_258, %dma_wait3A_259] : memref<10000x64xi32, #tpu.memory_space<hbm>> -> memref<10000x64xi32, #tpu.memory_space<hbm>>
      %dma_wait3A_261 = tpu.memref_slice %arg21[%select_n3A_234] : memref<2x!tpu.dma_semaphore, #tpu.memory_space<semaphore_mem>> -> memref<1x!tpu.dma_semaphore, #tpu.memory_space<semaphore_mem>>
      %dma_wait3A_262 = tpu.memref_squeeze %dma_wait3A_261 : memref<1x!tpu.dma_semaphore, #tpu.memory_space<semaphore_mem>> -> memref<!tpu.dma_semaphore, #tpu.memory_space<semaphore_mem>>
      tpu.wait_indirect_dma semaphore(%dma_wait3A_262 : memref<!tpu.dma_semaphore, #tpu.memory_space<semaphore_mem>>) src(%dma_wait3A_260 : memref<10000x64xi32, #tpu.memory_space<hbm>>) dst(%dma_wait3A_254 : memref<64x64xi32, #tpu.memory_space<vmem>>)
      %jit3A_263 = arith.constant 2 : i32
      %eq3A_264 = arith.constant 0 : i32
      %eq3A_265 = arith.cmpi eq, %jit3A_263, %eq3A_264 : i32
      %jit3A_266 = arith.constant 1 : i32
      %select_n3A_267 = arith.select %eq3A_265, %jit3A_266, %jit3A_263 : i32
      %rem3A_268 = arith.remsi %scan3A_209, %select_n3A_267 : i32
      %ne3A_269 = arith.constant 0 : i32
      %ne3A_270 = arith.cmpi ne, %rem3A_268, %ne3A_269 : i32
      %lt3A_271 = arith.constant 0 : i32
      %lt3A_272 = arith.cmpi slt, %rem3A_268, %lt3A_271 : i32
      %lt3A_273 = arith.constant 0 : i32
      %lt3A_274 = arith.cmpi slt, %select_n3A_267, %lt3A_273 : i32
      %ne3A_275 = arith.xori %lt3A_272, %lt3A_274 : i1
      %and3A_276 = arith.andi %ne3A_275, %ne3A_270 : i1
      %add3A_277 = arith.addi %rem3A_268, %select_n3A_267 : i32
      %select_n3A_278 = arith.select %and3A_276, %add3A_277, %rem3A_268 : i32
      %jit3A_279 = arith.constant 3 : i32
      %eq3A_280 = arith.constant 0 : i32
      %eq3A_281 = arith.cmpi eq, %jit3A_279, %eq3A_280 : i32
      %jit3A_282 = arith.constant 1 : i32
      %select_n3A_283 = arith.select %eq3A_281, %jit3A_282, %jit3A_279 : i32
      %rem3A_284 = arith.remsi %scan3A_209, %select_n3A_283 : i32
      %ne3A_285 = arith.constant 0 : i32
      %ne3A_286 = arith.cmpi ne, %rem3A_284, %ne3A_285 : i32
      %lt3A_287 = arith.constant 0 : i32
      %lt3A_288 = arith.cmpi slt, %rem3A_284, %lt3A_287 : i32
      %lt3A_289 = arith.constant 0 : i32
      %lt3A_290 = arith.cmpi slt, %select_n3A_283, %lt3A_289 : i32
      %ne3A_291 = arith.xori %lt3A_288, %lt3A_290 : i1
      %and3A_292 = arith.andi %ne3A_291, %ne3A_286 : i1
      %add3A_293 = arith.addi %rem3A_284, %select_n3A_283 : i32
      %select_n3A_294 = arith.select %and3A_292, %add3A_293, %rem3A_284 : i32
      %get3A_295 = arith.index_cast %select_n3A_294 : i32 to index
      %get3A_296 = arith.constant 0 : index
      %get3A_297 = tpu.vector_load %arg12[%get3A_295, %get3A_296] {strides = array<i32>} : memref<3x64xi32, #tpu.memory_space<vmem>>, vector<16xi32>,
      %get3A_298 = arith.index_cast %select_n3A_294 : i32 to index
      %get3A_299 = arith.constant 0 : index
      %get3A_300 = tpu.vector_load %arg13[%get3A_298, %get3A_299] {strides = array<i32>} : memref<3x64xi32, #tpu.memory_space<vmem>>, vector<16xi32>,
      %gather3A = tpu.vector_load_idx %arg10[%get3A_297] : memref<10016xf32, #tpu.memory_space<vmem>>[vector<16xi32>], vector<16xf32>,
      %gather3A_301 = tpu.vector_load_idx %arg11[%get3A_300] : memref<10016xf32, #tpu.memory_space<vmem>>[vector<16xi32>], vector<16xf32>,
      %add3A_302 = arith.addf %gather3A, %gather3A_301 : vector<16xf32>
      %ge3A = arith.constant 0.000000e+00 : f32
      %ge3A_303 = vector.broadcast %ge3A : f32 to vector<16xf32>
      %ge3A_304 = arith.cmpf oge, %add3A_302, %ge3A_303 : vector<16xf32>
      %mul3A_305 = arith.constant 2.000000e-01 : f32
      %mul3A_306 = vector.broadcast %mul3A_305 : f32 to vector<16xf32>
      %mul3A_307 = arith.mulf %mul3A_306, %add3A_302 : vector<16xf32>
      %select_n3A_308 = arith.select %ge3A_304, %add3A_302, %mul3A_307 : vector<16xi1>, vector<16xf32>
      %sub3A = arith.subf %select_n3A_308, %get3A_67 : vector<16xf32>
      %exp3A = math.exp %sub3A : vector<16xf32>
      %swap3A_309 = arith.index_cast %select_n3A_278 : i32 to index
      %swap3A_310 = arith.constant 0 : index
      %swap3A_311 = tpu.vector_load %arg14[%swap3A_309, %swap3A_310] {strides = array<i32>} : memref<2x64xf32, #tpu.memory_space<vmem>>, vector<16xf32>,
      tpu.vector_store %arg14[%swap3A_309, %swap3A_310], %exp3A {strides = array<i32>} : memref<2x64xf32, #tpu.memory_space<vmem>>, vector<16xf32>,
      %get3A_312 = arith.index_cast %select_n3A_294 : i32 to index
      %get3A_313 = arith.constant 16 : index
      %get3A_314 = tpu.vector_load %arg12[%get3A_312, %get3A_313] {strides = array<i32>} : memref<3x64xi32, #tpu.memory_space<vmem>>, vector<16xi32>,
      %get3A_315 = arith.index_cast %select_n3A_294 : i32 to index
      %get3A_316 = arith.constant 16 : index
      %get3A_317 = tpu.vector_load %arg13[%get3A_315, %get3A_316] {strides = array<i32>} : memref<3x64xi32, #tpu.memory_space<vmem>>, vector<16xi32>,
      %gather3A_318 = tpu.vector_load_idx %arg10[%get3A_314] : memref<10016xf32, #tpu.memory_space<vmem>>[vector<16xi32>], vector<16xf32>,
      %gather3A_319 = tpu.vector_load_idx %arg11[%get3A_317] : memref<10016xf32, #tpu.memory_space<vmem>>[vector<16xi32>], vector<16xf32>,
      %add3A_320 = arith.addf %gather3A_318, %gather3A_319 : vector<16xf32>
      %ge3A_321 = arith.constant 0.000000e+00 : f32
      %ge3A_322 = vector.broadcast %ge3A_321 : f32 to vector<16xf32>
      %ge3A_323 = arith.cmpf oge, %add3A_320, %ge3A_322 : vector<16xf32>
      %mul3A_324 = arith.constant 2.000000e-01 : f32
      %mul3A_325 = vector.broadcast %mul3A_324 : f32 to vector<16xf32>
      %mul3A_326 = arith.mulf %mul3A_325, %add3A_320 : vector<16xf32>
      %select_n3A_327 = arith.select %ge3A_323, %add3A_320, %mul3A_326 : vector<16xi1>, vector<16xf32>
      %sub3A_328 = arith.subf %select_n3A_327, %get3A_67 : vector<16xf32>
      %exp3A_329 = math.exp %sub3A_328 : vector<16xf32>
      %swap3A_330 = arith.index_cast %select_n3A_278 : i32 to index
      %swap3A_331 = arith.constant 16 : index
      %swap3A_332 = tpu.vector_load %arg14[%swap3A_330, %swap3A_331] {strides = array<i32>} : memref<2x64xf32, #tpu.memory_space<vmem>>, vector<16xf32>,
      tpu.vector_store %arg14[%swap3A_330, %swap3A_331], %exp3A_329 {strides = array<i32>} : memref<2x64xf32, #tpu.memory_space<vmem>>, vector<16xf32>,
      %get3A_333 = arith.index_cast %select_n3A_294 : i32 to index
      %get3A_334 = arith.constant 32 : index
      %get3A_335 = tpu.vector_load %arg12[%get3A_333, %get3A_334] {strides = array<i32>} : memref<3x64xi32, #tpu.memory_space<vmem>>, vector<16xi32>,
      %get3A_336 = arith.index_cast %select_n3A_294 : i32 to index
      %get3A_337 = arith.constant 32 : index
      %get3A_338 = tpu.vector_load %arg13[%get3A_336, %get3A_337] {strides = array<i32>} : memref<3x64xi32, #tpu.memory_space<vmem>>, vector<16xi32>,
      %gather3A_339 = tpu.vector_load_idx %arg10[%get3A_335] : memref<10016xf32, #tpu.memory_space<vmem>>[vector<16xi32>], vector<16xf32>,
      %gather3A_340 = tpu.vector_load_idx %arg11[%get3A_338] : memref<10016xf32, #tpu.memory_space<vmem>>[vector<16xi32>], vector<16xf32>,
      %add3A_341 = arith.addf %gather3A_339, %gather3A_340 : vector<16xf32>
      %ge3A_342 = arith.constant 0.000000e+00 : f32
      %ge3A_343 = vector.broadcast %ge3A_342 : f32 to vector<16xf32>
      %ge3A_344 = arith.cmpf oge, %add3A_341, %ge3A_343 : vector<16xf32>
      %mul3A_345 = arith.constant 2.000000e-01 : f32
      %mul3A_346 = vector.broadcast %mul3A_345 : f32 to vector<16xf32>
      %mul3A_347 = arith.mulf %mul3A_346, %add3A_341 : vector<16xf32>
      %select_n3A_348 = arith.select %ge3A_344, %add3A_341, %mul3A_347 : vector<16xi1>, vector<16xf32>
      %sub3A_349 = arith.subf %select_n3A_348, %get3A_67 : vector<16xf32>
      %exp3A_350 = math.exp %sub3A_349 : vector<16xf32>
      %swap3A_351 = arith.index_cast %select_n3A_278 : i32 to index
      %swap3A_352 = arith.constant 32 : index
      %swap3A_353 = tpu.vector_load %arg14[%swap3A_351, %swap3A_352] {strides = array<i32>} : memref<2x64xf32, #tpu.memory_space<vmem>>, vector<16xf32>,
      tpu.vector_store %arg14[%swap3A_351, %swap3A_352], %exp3A_350 {strides = array<i32>} : memref<2x64xf32, #tpu.memory_space<vmem>>, vector<16xf32>,
      %get3A_354 = arith.index_cast %select_n3A_294 : i32 to index
      %get3A_355 = arith.constant 48 : index
      %get3A_356 = tpu.vector_load %arg12[%get3A_354, %get3A_355] {strides = array<i32>} : memref<3x64xi32, #tpu.memory_space<vmem>>, vector<16xi32>,
      %get3A_357 = arith.index_cast %select_n3A_294 : i32 to index
      %get3A_358 = arith.constant 48 : index
      %get3A_359 = tpu.vector_load %arg13[%get3A_357, %get3A_358] {strides = array<i32>} : memref<3x64xi32, #tpu.memory_space<vmem>>, vector<16xi32>,
      %gather3A_360 = tpu.vector_load_idx %arg10[%get3A_356] : memref<10016xf32, #tpu.memory_space<vmem>>[vector<16xi32>], vector<16xf32>,
      %gather3A_361 = tpu.vector_load_idx %arg11[%get3A_359] : memref<10016xf32, #tpu.memory_space<vmem>>[vector<16xi32>], vector<16xf32>,
      %add3A_362 = arith.addf %gather3A_360, %gather3A_361 : vector<16xf32>
      %ge3A_363 = arith.constant 0.000000e+00 : f32
      %ge3A_364 = vector.broadcast %ge3A_363 : f32 to vector<16xf32>
      %ge3A_365 = arith.cmpf oge, %add3A_362, %ge3A_364 : vector<16xf32>
      %mul3A_366 = arith.constant 2.000000e-01 : f32
      %mul3A_367 = vector.broadcast %mul3A_366 : f32 to vector<16xf32>
      %mul3A_368 = arith.mulf %mul3A_367, %add3A_362 : vector<16xf32>
      %select_n3A_369 = arith.select %ge3A_365, %add3A_362, %mul3A_368 : vector<16xi1>, vector<16xf32>
      %sub3A_370 = arith.subf %select_n3A_369, %get3A_67 : vector<16xf32>
      %exp3A_371 = math.exp %sub3A_370 : vector<16xf32>
      %swap3A_372 = arith.index_cast %select_n3A_278 : i32 to index
      %swap3A_373 = arith.constant 48 : index
      %swap3A_374 = tpu.vector_load %arg14[%swap3A_372, %swap3A_373] {strides = array<i32>} : memref<2x64xf32, #tpu.memory_space<vmem>>, vector<16xf32>,
      tpu.vector_store %arg14[%swap3A_372, %swap3A_373], %exp3A_371 {strides = array<i32>} : memref<2x64xf32, #tpu.memory_space<vmem>>, vector<16xf32>,
      %broadcast_in_dim3A_375 = vector.broadcast %select_n3A_278 : i32 to vector<16xi32>
      %scan3A_376 = arith.constant 0 : i32
      %scan3A_377 = arith.constant 0 : i32
      %scan3A_378 = arith.constant 64 : i32
      %scan3A_379 = arith.addi %scan3A_377, %scan3A_378 : i32
      %scan3A_380 = arith.constant 4 : i32
      scf.for %scan3A_436 = %scan3A_377 to %scan3A_379 step %scan3A_380  : i32 {
        %broadcast_in_dim3A_437 = vector.broadcast %scan3A_436 : i32 to vector<16xi32>
        %gather3A_438 = tpu.vector_load_idx %arg14[%broadcast_in_dim3A_375, %broadcast_in_dim3A_437] : memref<2x64xf32, #tpu.memory_space<vmem>>[vector<16xi32>, vector<16xi32>], vector<16xf32>,
        %get3A_439 = arith.index_cast %select_n3A_278 : i32 to index
        %get3A_440 = arith.index_cast %scan3A_436 : i32 to index
        %get3A_441 = arith.constant 0 : index
        %get3A_442 = tpu.vector_load %arg15[%get3A_439, %get3A_440, %get3A_441] {strides = array<i32>} : memref<2x64x64xi32, #tpu.memory_space<vmem>>, vector<16xi32>,
        %bitcast3A = vector.bitcast %get3A_442 : vector<16xi32> to vector<32xbf16>
        %unpack3A = tpu.unpack_subelements %bitcast3A, 0 {pack_format = #tpu.pack_format<interleaved>} : vector<32xbf16> -> vector<16xf32>
        %unpack3A_443 = tpu.unpack_subelements %bitcast3A, 1 {pack_format = #tpu.pack_format<interleaved>} : vector<32xbf16> -> vector<16xf32>
        %mul3A_444 = arith.mulf %unpack3A, %gather3A_438 : vector<16xf32>
        %swap3A_445 = arith.index_cast %select_n3A_278 : i32 to index
        %swap3A_446 = arith.index_cast %scan3A_436 : i32 to index
        %swap3A_447 = arith.constant 0 : index
        %swap3A_448 = tpu.vector_load %arg16[%swap3A_445, %swap3A_446, %swap3A_447] {strides = array<i32>} : memref<2x64x128xf32, #tpu.memory_space<vmem>>, vector<16xf32>,
        tpu.vector_store %arg16[%swap3A_445, %swap3A_446, %swap3A_447], %mul3A_444 {strides = array<i32>} : memref<2x64x128xf32, #tpu.memory_space<vmem>>, vector<16xf32>,
        %mul3A_449 = arith.mulf %unpack3A_443, %gather3A_438 : vector<16xf32>
        %swap3A_450 = arith.index_cast %select_n3A_278 : i32 to index
        %swap3A_451 = arith.index_cast %scan3A_436 : i32 to index
        %swap3A_452 = arith.constant 16 : index
        %swap3A_453 = tpu.vector_load %arg16[%swap3A_450, %swap3A_451, %swap3A_452] {strides = array<i32>} : memref<2x64x128xf32, #tpu.memory_space<vmem>>, vector<16xf32>,
        tpu.vector_store %arg16[%swap3A_450, %swap3A_451, %swap3A_452], %mul3A_449 {strides = array<i32>} : memref<2x64x128xf32, #tpu.memory_space<vmem>>, vector<16xf32>,
        %get3A_454 = arith.index_cast %select_n3A_278 : i32 to index
        %get3A_455 = arith.index_cast %scan3A_436 : i32 to index
        %get3A_456 = arith.constant 16 : index
        %get3A_457 = tpu.vector_load %arg15[%get3A_454, %get3A_455, %get3A_456] {strides = array<i32>} : memref<2x64x64xi32, #tpu.memory_space<vmem>>, vector<16xi32>,
        %bitcast3A_458 = vector.bitcast %get3A_457 : vector<16xi32> to vector<32xbf16>
        %unpack3A_459 = tpu.unpack_subelements %bitcast3A_458, 0 {pack_format = #tpu.pack_format<interleaved>} : vector<32xbf16> -> vector<16xf32>
        %unpack3A_460 = tpu.unpack_subelements %bitcast3A_458, 1 {pack_format = #tpu.pack_format<interleaved>} : vector<32xbf16> -> vector<16xf32>
        %mul3A_461 = arith.mulf %unpack3A_459, %gather3A_438 : vector<16xf32>
        %swap3A_462 = arith.index_cast %select_n3A_278 : i32 to index
        %swap3A_463 = arith.index_cast %scan3A_436 : i32 to index
        %swap3A_464 = arith.constant 32 : index
        %swap3A_465 = tpu.vector_load %arg16[%swap3A_462, %swap3A_463, %swap3A_464] {strides = array<i32>} : memref<2x64x128xf32, #tpu.memory_space<vmem>>, vector<16xf32>,
        tpu.vector_store %arg16[%swap3A_462, %swap3A_463, %swap3A_464], %mul3A_461 {strides = array<i32>} : memref<2x64x128xf32, #tpu.memory_space<vmem>>, vector<16xf32>,
        %mul3A_466 = arith.mulf %unpack3A_460, %gather3A_438 : vector<16xf32>
        %swap3A_467 = arith.index_cast %select_n3A_278 : i32 to index
        %swap3A_468 = arith.index_cast %scan3A_436 : i32 to index
        %swap3A_469 = arith.constant 48 : index
        %swap3A_470 = tpu.vector_load %arg16[%swap3A_467, %swap3A_468, %swap3A_469] {strides = array<i32>} : memref<2x64x128xf32, #tpu.memory_space<vmem>>, vector<16xf32>,
        tpu.vector_store %arg16[%swap3A_467, %swap3A_468, %swap3A_469], %mul3A_466 {strides = array<i32>} : memref<2x64x128xf32, #tpu.memory_space<vmem>>, vector<16xf32>,
        %get3A_471 = arith.index_cast %select_n3A_278 : i32 to index
        %get3A_472 = arith.index_cast %scan3A_436 : i32 to index
        %get3A_473 = arith.constant 32 : index
        %get3A_474 = tpu.vector_load %arg15[%get3A_471, %get3A_472, %get3A_473] {strides = array<i32>} : memref<2x64x64xi32, #tpu.memory_space<vmem>>, vector<16xi32>,
        %bitcast3A_475 = vector.bitcast %get3A_474 : vector<16xi32> to vector<32xbf16>
        %unpack3A_476 = tpu.unpack_subelements %bitcast3A_475, 0 {pack_format = #tpu.pack_format<interleaved>} : vector<32xbf16> -> vector<16xf32>
        %unpack3A_477 = tpu.unpack_subelements %bitcast3A_475, 1 {pack_format = #tpu.pack_format<interleaved>} : vector<32xbf16> -> vector<16xf32>
        %mul3A_478 = arith.mulf %unpack3A_476, %gather3A_438 : vector<16xf32>
        %swap3A_479 = arith.index_cast %select_n3A_278 : i32 to index
        %swap3A_480 = arith.index_cast %scan3A_436 : i32 to index
        %swap3A_481 = arith.constant 64 : index
        %swap3A_482 = tpu.vector_load %arg16[%swap3A_479, %swap3A_480, %swap3A_481] {strides = array<i32>} : memref<2x64x128xf32, #tpu.memory_space<vmem>>, vector<16xf32>,
        tpu.vector_store %arg16[%swap3A_479, %swap3A_480, %swap3A_481], %mul3A_478 {strides = array<i32>} : memref<2x64x128xf32, #tpu.memory_space<vmem>>, vector<16xf32>,
        %mul3A_483 = arith.mulf %unpack3A_477, %gather3A_438 : vector<16xf32>
        %swap3A_484 = arith.index_cast %select_n3A_278 : i32 to index
        %swap3A_485 = arith.index_cast %scan3A_436 : i32 to index
        %swap3A_486 = arith.constant 80 : index
        %swap3A_487 = tpu.vector_load %arg16[%swap3A_484, %swap3A_485, %swap3A_486] {strides = array<i32>} : memref<2x64x128xf32, #tpu.memory_space<vmem>>, vector<16xf32>,
        tpu.vector_store %arg16[%swap3A_484, %swap3A_485, %swap3A_486], %mul3A_483 {strides = array<i32>} : memref<2x64x128xf32, #tpu.memory_space<vmem>>, vector<16xf32>,
        %get3A_488 = arith.index_cast %select_n3A_278 : i32 to index
        %get3A_489 = arith.index_cast %scan3A_436 : i32 to index
        %get3A_490 = arith.constant 48 : index
        %get3A_491 = tpu.vector_load %arg15[%get3A_488, %get3A_489, %get3A_490] {strides = array<i32>} : memref<2x64x64xi32, #tpu.memory_space<vmem>>, vector<16xi32>,
        %bitcast3A_492 = vector.bitcast %get3A_491 : vector<16xi32> to vector<32xbf16>
        %unpack3A_493 = tpu.unpack_subelements %bitcast3A_492, 0 {pack_format = #tpu.pack_format<interleaved>} : vector<32xbf16> -> vector<16xf32>
        %unpack3A_494 = tpu.unpack_subelements %bitcast3A_492, 1 {pack_format = #tpu.pack_format<interleaved>} : vector<32xbf16> -> vector<16xf32>
        %mul3A_495 = arith.mulf %unpack3A_493, %gather3A_438 : vector<16xf32>
        %swap3A_496 = arith.index_cast %select_n3A_278 : i32 to index
        %swap3A_497 = arith.index_cast %scan3A_436 : i32 to index
        %swap3A_498 = arith.constant 96 : index
        %swap3A_499 = tpu.vector_load %arg16[%swap3A_496, %swap3A_497, %swap3A_498] {strides = array<i32>} : memref<2x64x128xf32, #tpu.memory_space<vmem>>, vector<16xf32>,
        tpu.vector_store %arg16[%swap3A_496, %swap3A_497, %swap3A_498], %mul3A_495 {strides = array<i32>} : memref<2x64x128xf32, #tpu.memory_space<vmem>>, vector<16xf32>,
        %mul3A_500 = arith.mulf %unpack3A_494, %gather3A_438 : vector<16xf32>
        %swap3A_501 = arith.index_cast %select_n3A_278 : i32 to index
        %swap3A_502 = arith.index_cast %scan3A_436 : i32 to index
        %swap3A_503 = arith.constant 112 : index
        %swap3A_504 = tpu.vector_load %arg16[%swap3A_501, %swap3A_502, %swap3A_503] {strides = array<i32>} : memref<2x64x128xf32, #tpu.memory_space<vmem>>, vector<16xf32>,
        tpu.vector_store %arg16[%swap3A_501, %swap3A_502, %swap3A_503], %mul3A_500 {strides = array<i32>} : memref<2x64x128xf32, #tpu.memory_space<vmem>>, vector<16xf32>,
        %scan3A_505 = arith.constant 1 : i32
        %scan3A_506 = arith.addi %scan3A_436, %scan3A_505 : i32
        %broadcast_in_dim3A_507 = vector.broadcast %scan3A_506 : i32 to vector<16xi32>
        %gather3A_508 = tpu.vector_load_idx %arg14[%broadcast_in_dim3A_375, %broadcast_in_dim3A_507] : memref<2x64xf32, #tpu.memory_space<vmem>>[vector<16xi32>, vector<16xi32>], vector<16xf32>,
        %get3A_509 = arith.index_cast %select_n3A_278 : i32 to index
        %get3A_510 = arith.index_cast %scan3A_506 : i32 to index
        %get3A_511 = arith.constant 0 : index
        %get3A_512 = tpu.vector_load %arg15[%get3A_509, %get3A_510, %get3A_511] {strides = array<i32>} : memref<2x64x64xi32, #tpu.memory_space<vmem>>, vector<16xi32>,
        %bitcast3A_513 = vector.bitcast %get3A_512 : vector<16xi32> to vector<32xbf16>
        %unpack3A_514 = tpu.unpack_subelements %bitcast3A_513, 0 {pack_format = #tpu.pack_format<interleaved>} : vector<32xbf16> -> vector<16xf32>
        %unpack3A_515 = tpu.unpack_subelements %bitcast3A_513, 1 {pack_format = #tpu.pack_format<interleaved>} : vector<32xbf16> -> vector<16xf32>
        %mul3A_516 = arith.mulf %unpack3A_514, %gather3A_508 : vector<16xf32>
        %swap3A_517 = arith.index_cast %select_n3A_278 : i32 to index
        %swap3A_518 = arith.index_cast %scan3A_506 : i32 to index
        %swap3A_519 = arith.constant 0 : index
        %swap3A_520 = tpu.vector_load %arg16[%swap3A_517, %swap3A_518, %swap3A_519] {strides = array<i32>} : memref<2x64x128xf32, #tpu.memory_space<vmem>>, vector<16xf32>,
        tpu.vector_store %arg16[%swap3A_517, %swap3A_518, %swap3A_519], %mul3A_516 {strides = array<i32>} : memref<2x64x128xf32, #tpu.memory_space<vmem>>, vector<16xf32>,
        %mul3A_521 = arith.mulf %unpack3A_515, %gather3A_508 : vector<16xf32>
        %swap3A_522 = arith.index_cast %select_n3A_278 : i32 to index
        %swap3A_523 = arith.index_cast %scan3A_506 : i32 to index
        %swap3A_524 = arith.constant 16 : index
        %swap3A_525 = tpu.vector_load %arg16[%swap3A_522, %swap3A_523, %swap3A_524] {strides = array<i32>} : memref<2x64x128xf32, #tpu.memory_space<vmem>>, vector<16xf32>,
        tpu.vector_store %arg16[%swap3A_522, %swap3A_523, %swap3A_524], %mul3A_521 {strides = array<i32>} : memref<2x64x128xf32, #tpu.memory_space<vmem>>, vector<16xf32>,
        %get3A_526 = arith.index_cast %select_n3A_278 : i32 to index
        %get3A_527 = arith.index_cast %scan3A_506 : i32 to index
        %get3A_528 = arith.constant 16 : index
        %get3A_529 = tpu.vector_load %arg15[%get3A_526, %get3A_527, %get3A_528] {strides = array<i32>} : memref<2x64x64xi32, #tpu.memory_space<vmem>>, vector<16xi32>,
        %bitcast3A_530 = vector.bitcast %get3A_529 : vector<16xi32> to vector<32xbf16>
        %unpack3A_531 = tpu.unpack_subelements %bitcast3A_530, 0 {pack_format = #tpu.pack_format<interleaved>} : vector<32xbf16> -> vector<16xf32>
        %unpack3A_532 = tpu.unpack_subelements %bitcast3A_530, 1 {pack_format = #tpu.pack_format<interleaved>} : vector<32xbf16> -> vector<16xf32>
        %mul3A_533 = arith.mulf %unpack3A_531, %gather3A_508 : vector<16xf32>
        %swap3A_534 = arith.index_cast %select_n3A_278 : i32 to index
        %swap3A_535 = arith.index_cast %scan3A_506 : i32 to index
        %swap3A_536 = arith.constant 32 : index
        %swap3A_537 = tpu.vector_load %arg16[%swap3A_534, %swap3A_535, %swap3A_536] {strides = array<i32>} : memref<2x64x128xf32, #tpu.memory_space<vmem>>, vector<16xf32>,
        tpu.vector_store %arg16[%swap3A_534, %swap3A_535, %swap3A_536], %mul3A_533 {strides = array<i32>} : memref<2x64x128xf32, #tpu.memory_space<vmem>>, vector<16xf32>,
        %mul3A_538 = arith.mulf %unpack3A_532, %gather3A_508 : vector<16xf32>
        %swap3A_539 = arith.index_cast %select_n3A_278 : i32 to index
        %swap3A_540 = arith.index_cast %scan3A_506 : i32 to index
        %swap3A_541 = arith.constant 48 : index
        %swap3A_542 = tpu.vector_load %arg16[%swap3A_539, %swap3A_540, %swap3A_541] {strides = array<i32>} : memref<2x64x128xf32, #tpu.memory_space<vmem>>, vector<16xf32>,
        tpu.vector_store %arg16[%swap3A_539, %swap3A_540, %swap3A_541], %mul3A_538 {strides = array<i32>} : memref<2x64x128xf32, #tpu.memory_space<vmem>>, vector<16xf32>,
        %get3A_543 = arith.index_cast %select_n3A_278 : i32 to index
        %get3A_544 = arith.index_cast %scan3A_506 : i32 to index
        %get3A_545 = arith.constant 32 : index
        %get3A_546 = tpu.vector_load %arg15[%get3A_543, %get3A_544, %get3A_545] {strides = array<i32>} : memref<2x64x64xi32, #tpu.memory_space<vmem>>, vector<16xi32>,
        %bitcast3A_547 = vector.bitcast %get3A_546 : vector<16xi32> to vector<32xbf16>
        %unpack3A_548 = tpu.unpack_subelements %bitcast3A_547, 0 {pack_format = #tpu.pack_format<interleaved>} : vector<32xbf16> -> vector<16xf32>
        %unpack3A_549 = tpu.unpack_subelements %bitcast3A_547, 1 {pack_format = #tpu.pack_format<interleaved>} : vector<32xbf16> -> vector<16xf32>
        %mul3A_550 = arith.mulf %unpack3A_548, %gather3A_508 : vector<16xf32>
        %swap3A_551 = arith.index_cast %select_n3A_278 : i32 to index
        %swap3A_552 = arith.index_cast %scan3A_506 : i32 to index
        %swap3A_553 = arith.constant 64 : index
        %swap3A_554 = tpu.vector_load %arg16[%swap3A_551, %swap3A_552, %swap3A_553] {strides = array<i32>} : memref<2x64x128xf32, #tpu.memory_space<vmem>>, vector<16xf32>,
        tpu.vector_store %arg16[%swap3A_551, %swap3A_552, %swap3A_553], %mul3A_550 {strides = array<i32>} : memref<2x64x128xf32, #tpu.memory_space<vmem>>, vector<16xf32>,
        %mul3A_555 = arith.mulf %unpack3A_549, %gather3A_508 : vector<16xf32>
        %swap3A_556 = arith.index_cast %select_n3A_278 : i32 to index
        %swap3A_557 = arith.index_cast %scan3A_506 : i32 to index
        %swap3A_558 = arith.constant 80 : index
        %swap3A_559 = tpu.vector_load %arg16[%swap3A_556, %swap3A_557, %swap3A_558] {strides = array<i32>} : memref<2x64x128xf32, #tpu.memory_space<vmem>>, vector<16xf32>,
        tpu.vector_store %arg16[%swap3A_556, %swap3A_557, %swap3A_558], %mul3A_555 {strides = array<i32>} : memref<2x64x128xf32, #tpu.memory_space<vmem>>, vector<16xf32>,
        %get3A_560 = arith.index_cast %select_n3A_278 : i32 to index
        %get3A_561 = arith.index_cast %scan3A_506 : i32 to index
        %get3A_562 = arith.constant 48 : index
        %get3A_563 = tpu.vector_load %arg15[%get3A_560, %get3A_561, %get3A_562] {strides = array<i32>} : memref<2x64x64xi32, #tpu.memory_space<vmem>>, vector<16xi32>,
        %bitcast3A_564 = vector.bitcast %get3A_563 : vector<16xi32> to vector<32xbf16>
        %unpack3A_565 = tpu.unpack_subelements %bitcast3A_564, 0 {pack_format = #tpu.pack_format<interleaved>} : vector<32xbf16> -> vector<16xf32>
        %unpack3A_566 = tpu.unpack_subelements %bitcast3A_564, 1 {pack_format = #tpu.pack_format<interleaved>} : vector<32xbf16> -> vector<16xf32>
        %mul3A_567 = arith.mulf %unpack3A_565, %gather3A_508 : vector<16xf32>
        %swap3A_568 = arith.index_cast %select_n3A_278 : i32 to index
        %swap3A_569 = arith.index_cast %scan3A_506 : i32 to index
        %swap3A_570 = arith.constant 96 : index
        %swap3A_571 = tpu.vector_load %arg16[%swap3A_568, %swap3A_569, %swap3A_570] {strides = array<i32>} : memref<2x64x128xf32, #tpu.memory_space<vmem>>, vector<16xf32>,
        tpu.vector_store %arg16[%swap3A_568, %swap3A_569, %swap3A_570], %mul3A_567 {strides = array<i32>} : memref<2x64x128xf32, #tpu.memory_space<vmem>>, vector<16xf32>,
        %mul3A_572 = arith.mulf %unpack3A_566, %gather3A_508 : vector<16xf32>
        %swap3A_573 = arith.index_cast %select_n3A_278 : i32 to index
        %swap3A_574 = arith.index_cast %scan3A_506 : i32 to index
        %swap3A_575 = arith.constant 112 : index
        %swap3A_576 = tpu.vector_load %arg16[%swap3A_573, %swap3A_574, %swap3A_575] {strides = array<i32>} : memref<2x64x128xf32, #tpu.memory_space<vmem>>, vector<16xf32>,
        tpu.vector_store %arg16[%swap3A_573, %swap3A_574, %swap3A_575], %mul3A_572 {strides = array<i32>} : memref<2x64x128xf32, #tpu.memory_space<vmem>>, vector<16xf32>,
        %scan3A_577 = arith.constant 2 : i32
        %scan3A_578 = arith.addi %scan3A_436, %scan3A_577 : i32
        %broadcast_in_dim3A_579 = vector.broadcast %scan3A_578 : i32 to vector<16xi32>
        %gather3A_580 = tpu.vector_load_idx %arg14[%broadcast_in_dim3A_375, %broadcast_in_dim3A_579] : memref<2x64xf32, #tpu.memory_space<vmem>>[vector<16xi32>, vector<16xi32>], vector<16xf32>,
        %get3A_581 = arith.index_cast %select_n3A_278 : i32 to index
        %get3A_582 = arith.index_cast %scan3A_578 : i32 to index
        %get3A_583 = arith.constant 0 : index
        %get3A_584 = tpu.vector_load %arg15[%get3A_581, %get3A_582, %get3A_583] {strides = array<i32>} : memref<2x64x64xi32, #tpu.memory_space<vmem>>, vector<16xi32>,
        %bitcast3A_585 = vector.bitcast %get3A_584 : vector<16xi32> to vector<32xbf16>
        %unpack3A_586 = tpu.unpack_subelements %bitcast3A_585, 0 {pack_format = #tpu.pack_format<interleaved>} : vector<32xbf16> -> vector<16xf32>
        %unpack3A_587 = tpu.unpack_subelements %bitcast3A_585, 1 {pack_format = #tpu.pack_format<interleaved>} : vector<32xbf16> -> vector<16xf32>
        %mul3A_588 = arith.mulf %unpack3A_586, %gather3A_580 : vector<16xf32>
        %swap3A_589 = arith.index_cast %select_n3A_278 : i32 to index
        %swap3A_590 = arith.index_cast %scan3A_578 : i32 to index
        %swap3A_591 = arith.constant 0 : index
        %swap3A_592 = tpu.vector_load %arg16[%swap3A_589, %swap3A_590, %swap3A_591] {strides = array<i32>} : memref<2x64x128xf32, #tpu.memory_space<vmem>>, vector<16xf32>,
        tpu.vector_store %arg16[%swap3A_589, %swap3A_590, %swap3A_591], %mul3A_588 {strides = array<i32>} : memref<2x64x128xf32, #tpu.memory_space<vmem>>, vector<16xf32>,
        %mul3A_593 = arith.mulf %unpack3A_587, %gather3A_580 : vector<16xf32>
        %swap3A_594 = arith.index_cast %select_n3A_278 : i32 to index
        %swap3A_595 = arith.index_cast %scan3A_578 : i32 to index
        %swap3A_596 = arith.constant 16 : index
        %swap3A_597 = tpu.vector_load %arg16[%swap3A_594, %swap3A_595, %swap3A_596] {strides = array<i32>} : memref<2x64x128xf32, #tpu.memory_space<vmem>>, vector<16xf32>,
        tpu.vector_store %arg16[%swap3A_594, %swap3A_595, %swap3A_596], %mul3A_593 {strides = array<i32>} : memref<2x64x128xf32, #tpu.memory_space<vmem>>, vector<16xf32>,
        %get3A_598 = arith.index_cast %select_n3A_278 : i32 to index
        %get3A_599 = arith.index_cast %scan3A_578 : i32 to index
        %get3A_600 = arith.constant 16 : index
        %get3A_601 = tpu.vector_load %arg15[%get3A_598, %get3A_599, %get3A_600] {strides = array<i32>} : memref<2x64x64xi32, #tpu.memory_space<vmem>>, vector<16xi32>,
        %bitcast3A_602 = vector.bitcast %get3A_601 : vector<16xi32> to vector<32xbf16>
        %unpack3A_603 = tpu.unpack_subelements %bitcast3A_602, 0 {pack_format = #tpu.pack_format<interleaved>} : vector<32xbf16> -> vector<16xf32>
        %unpack3A_604 = tpu.unpack_subelements %bitcast3A_602, 1 {pack_format = #tpu.pack_format<interleaved>} : vector<32xbf16> -> vector<16xf32>
        %mul3A_605 = arith.mulf %unpack3A_603, %gather3A_580 : vector<16xf32>
        %swap3A_606 = arith.index_cast %select_n3A_278 : i32 to index
        %swap3A_607 = arith.index_cast %scan3A_578 : i32 to index
        %swap3A_608 = arith.constant 32 : index
        %swap3A_609 = tpu.vector_load %arg16[%swap3A_606, %swap3A_607, %swap3A_608] {strides = array<i32>} : memref<2x64x128xf32, #tpu.memory_space<vmem>>, vector<16xf32>,
        tpu.vector_store %arg16[%swap3A_606, %swap3A_607, %swap3A_608], %mul3A_605 {strides = array<i32>} : memref<2x64x128xf32, #tpu.memory_space<vmem>>, vector<16xf32>,
        %mul3A_610 = arith.mulf %unpack3A_604, %gather3A_580 : vector<16xf32>
        %swap3A_611 = arith.index_cast %select_n3A_278 : i32 to index
        %swap3A_612 = arith.index_cast %scan3A_578 : i32 to index
        %swap3A_613 = arith.constant 48 : index
        %swap3A_614 = tpu.vector_load %arg16[%swap3A_611, %swap3A_612, %swap3A_613] {strides = array<i32>} : memref<2x64x128xf32, #tpu.memory_space<vmem>>, vector<16xf32>,
        tpu.vector_store %arg16[%swap3A_611, %swap3A_612, %swap3A_613], %mul3A_610 {strides = array<i32>} : memref<2x64x128xf32, #tpu.memory_space<vmem>>, vector<16xf32>,
        %get3A_615 = arith.index_cast %select_n3A_278 : i32 to index
        %get3A_616 = arith.index_cast %scan3A_578 : i32 to index
        %get3A_617 = arith.constant 32 : index
        %get3A_618 = tpu.vector_load %arg15[%get3A_615, %get3A_616, %get3A_617] {strides = array<i32>} : memref<2x64x64xi32, #tpu.memory_space<vmem>>, vector<16xi32>,
        %bitcast3A_619 = vector.bitcast %get3A_618 : vector<16xi32> to vector<32xbf16>
        %unpack3A_620 = tpu.unpack_subelements %bitcast3A_619, 0 {pack_format = #tpu.pack_format<interleaved>} : vector<32xbf16> -> vector<16xf32>
        %unpack3A_621 = tpu.unpack_subelements %bitcast3A_619, 1 {pack_format = #tpu.pack_format<interleaved>} : vector<32xbf16> -> vector<16xf32>
        %mul3A_622 = arith.mulf %unpack3A_620, %gather3A_580 : vector<16xf32>
        %swap3A_623 = arith.index_cast %select_n3A_278 : i32 to index
        %swap3A_624 = arith.index_cast %scan3A_578 : i32 to index
        %swap3A_625 = arith.constant 64 : index
        %swap3A_626 = tpu.vector_load %arg16[%swap3A_623, %swap3A_624, %swap3A_625] {strides = array<i32>} : memref<2x64x128xf32, #tpu.memory_space<vmem>>, vector<16xf32>,
        tpu.vector_store %arg16[%swap3A_623, %swap3A_624, %swap3A_625], %mul3A_622 {strides = array<i32>} : memref<2x64x128xf32, #tpu.memory_space<vmem>>, vector<16xf32>,
        %mul3A_627 = arith.mulf %unpack3A_621, %gather3A_580 : vector<16xf32>
        %swap3A_628 = arith.index_cast %select_n3A_278 : i32 to index
        %swap3A_629 = arith.index_cast %scan3A_578 : i32 to index
        %swap3A_630 = arith.constant 80 : index
        %swap3A_631 = tpu.vector_load %arg16[%swap3A_628, %swap3A_629, %swap3A_630] {strides = array<i32>} : memref<2x64x128xf32, #tpu.memory_space<vmem>>, vector<16xf32>,
        tpu.vector_store %arg16[%swap3A_628, %swap3A_629, %swap3A_630], %mul3A_627 {strides = array<i32>} : memref<2x64x128xf32, #tpu.memory_space<vmem>>, vector<16xf32>,
        %get3A_632 = arith.index_cast %select_n3A_278 : i32 to index
        %get3A_633 = arith.index_cast %scan3A_578 : i32 to index
        %get3A_634 = arith.constant 48 : index
        %get3A_635 = tpu.vector_load %arg15[%get3A_632, %get3A_633, %get3A_634] {strides = array<i32>} : memref<2x64x64xi32, #tpu.memory_space<vmem>>, vector<16xi32>,
        %bitcast3A_636 = vector.bitcast %get3A_635 : vector<16xi32> to vector<32xbf16>
        %unpack3A_637 = tpu.unpack_subelements %bitcast3A_636, 0 {pack_format = #tpu.pack_format<interleaved>} : vector<32xbf16> -> vector<16xf32>
        %unpack3A_638 = tpu.unpack_subelements %bitcast3A_636, 1 {pack_format = #tpu.pack_format<interleaved>} : vector<32xbf16> -> vector<16xf32>
        %mul3A_639 = arith.mulf %unpack3A_637, %gather3A_580 : vector<16xf32>
        %swap3A_640 = arith.index_cast %select_n3A_278 : i32 to index
        %swap3A_641 = arith.index_cast %scan3A_578 : i32 to index
        %swap3A_642 = arith.constant 96 : index
        %swap3A_643 = tpu.vector_load %arg16[%swap3A_640, %swap3A_641, %swap3A_642] {strides = array<i32>} : memref<2x64x128xf32, #tpu.memory_space<vmem>>, vector<16xf32>,
        tpu.vector_store %arg16[%swap3A_640, %swap3A_641, %swap3A_642], %mul3A_639 {strides = array<i32>} : memref<2x64x128xf32, #tpu.memory_space<vmem>>, vector<16xf32>,
        %mul3A_644 = arith.mulf %unpack3A_638, %gather3A_580 : vector<16xf32>
        %swap3A_645 = arith.index_cast %select_n3A_278 : i32 to index
        %swap3A_646 = arith.index_cast %scan3A_578 : i32 to index
        %swap3A_647 = arith.constant 112 : index
        %swap3A_648 = tpu.vector_load %arg16[%swap3A_645, %swap3A_646, %swap3A_647] {strides = array<i32>} : memref<2x64x128xf32, #tpu.memory_space<vmem>>, vector<16xf32>,
        tpu.vector_store %arg16[%swap3A_645, %swap3A_646, %swap3A_647], %mul3A_644 {strides = array<i32>} : memref<2x64x128xf32, #tpu.memory_space<vmem>>, vector<16xf32>,
        %scan3A_649 = arith.constant 3 : i32
        %scan3A_650 = arith.addi %scan3A_436, %scan3A_649 : i32
        %broadcast_in_dim3A_651 = vector.broadcast %scan3A_650 : i32 to vector<16xi32>
        %gather3A_652 = tpu.vector_load_idx %arg14[%broadcast_in_dim3A_375, %broadcast_in_dim3A_651] : memref<2x64xf32, #tpu.memory_space<vmem>>[vector<16xi32>, vector<16xi32>], vector<16xf32>,
        %get3A_653 = arith.index_cast %select_n3A_278 : i32 to index
        %get3A_654 = arith.index_cast %scan3A_650 : i32 to index
        %get3A_655 = arith.constant 0 : index
        %get3A_656 = tpu.vector_load %arg15[%get3A_653, %get3A_654, %get3A_655] {strides = array<i32>} : memref<2x64x64xi32, #tpu.memory_space<vmem>>, vector<16xi32>,
        %bitcast3A_657 = vector.bitcast %get3A_656 : vector<16xi32> to vector<32xbf16>
        %unpack3A_658 = tpu.unpack_subelements %bitcast3A_657, 0 {pack_format = #tpu.pack_format<interleaved>} : vector<32xbf16> -> vector<16xf32>
        %unpack3A_659 = tpu.unpack_subelements %bitcast3A_657, 1 {pack_format = #tpu.pack_format<interleaved>} : vector<32xbf16> -> vector<16xf32>
        %mul3A_660 = arith.mulf %unpack3A_658, %gather3A_652 : vector<16xf32>
        %swap3A_661 = arith.index_cast %select_n3A_278 : i32 to index
        %swap3A_662 = arith.index_cast %scan3A_650 : i32 to index
        %swap3A_663 = arith.constant 0 : index
        %swap3A_664 = tpu.vector_load %arg16[%swap3A_661, %swap3A_662, %swap3A_663] {strides = array<i32>} : memref<2x64x128xf32, #tpu.memory_space<vmem>>, vector<16xf32>,
        tpu.vector_store %arg16[%swap3A_661, %swap3A_662, %swap3A_663], %mul3A_660 {strides = array<i32>} : memref<2x64x128xf32, #tpu.memory_space<vmem>>, vector<16xf32>,
        %mul3A_665 = arith.mulf %unpack3A_659, %gather3A_652 : vector<16xf32>
        %swap3A_666 = arith.index_cast %select_n3A_278 : i32 to index
        %swap3A_667 = arith.index_cast %scan3A_650 : i32 to index
        %swap3A_668 = arith.constant 16 : index
        %swap3A_669 = tpu.vector_load %arg16[%swap3A_666, %swap3A_667, %swap3A_668] {strides = array<i32>} : memref<2x64x128xf32, #tpu.memory_space<vmem>>, vector<16xf32>,
        tpu.vector_store %arg16[%swap3A_666, %swap3A_667, %swap3A_668], %mul3A_665 {strides = array<i32>} : memref<2x64x128xf32, #tpu.memory_space<vmem>>, vector<16xf32>,
        %get3A_670 = arith.index_cast %select_n3A_278 : i32 to index
        %get3A_671 = arith.index_cast %scan3A_650 : i32 to index
        %get3A_672 = arith.constant 16 : index
        %get3A_673 = tpu.vector_load %arg15[%get3A_670, %get3A_671, %get3A_672] {strides = array<i32>} : memref<2x64x64xi32, #tpu.memory_space<vmem>>, vector<16xi32>,
        %bitcast3A_674 = vector.bitcast %get3A_673 : vector<16xi32> to vector<32xbf16>
        %unpack3A_675 = tpu.unpack_subelements %bitcast3A_674, 0 {pack_format = #tpu.pack_format<interleaved>} : vector<32xbf16> -> vector<16xf32>
        %unpack3A_676 = tpu.unpack_subelements %bitcast3A_674, 1 {pack_format = #tpu.pack_format<interleaved>} : vector<32xbf16> -> vector<16xf32>
        %mul3A_677 = arith.mulf %unpack3A_675, %gather3A_652 : vector<16xf32>
        %swap3A_678 = arith.index_cast %select_n3A_278 : i32 to index
        %swap3A_679 = arith.index_cast %scan3A_650 : i32 to index
        %swap3A_680 = arith.constant 32 : index
        %swap3A_681 = tpu.vector_load %arg16[%swap3A_678, %swap3A_679, %swap3A_680] {strides = array<i32>} : memref<2x64x128xf32, #tpu.memory_space<vmem>>, vector<16xf32>,
        tpu.vector_store %arg16[%swap3A_678, %swap3A_679, %swap3A_680], %mul3A_677 {strides = array<i32>} : memref<2x64x128xf32, #tpu.memory_space<vmem>>, vector<16xf32>,
        %mul3A_682 = arith.mulf %unpack3A_676, %gather3A_652 : vector<16xf32>
        %swap3A_683 = arith.index_cast %select_n3A_278 : i32 to index
        %swap3A_684 = arith.index_cast %scan3A_650 : i32 to index
        %swap3A_685 = arith.constant 48 : index
        %swap3A_686 = tpu.vector_load %arg16[%swap3A_683, %swap3A_684, %swap3A_685] {strides = array<i32>} : memref<2x64x128xf32, #tpu.memory_space<vmem>>, vector<16xf32>,
        tpu.vector_store %arg16[%swap3A_683, %swap3A_684, %swap3A_685], %mul3A_682 {strides = array<i32>} : memref<2x64x128xf32, #tpu.memory_space<vmem>>, vector<16xf32>,
        %get3A_687 = arith.index_cast %select_n3A_278 : i32 to index
        %get3A_688 = arith.index_cast %scan3A_650 : i32 to index
        %get3A_689 = arith.constant 32 : index
        %get3A_690 = tpu.vector_load %arg15[%get3A_687, %get3A_688, %get3A_689] {strides = array<i32>} : memref<2x64x64xi32, #tpu.memory_space<vmem>>, vector<16xi32>,
        %bitcast3A_691 = vector.bitcast %get3A_690 : vector<16xi32> to vector<32xbf16>
        %unpack3A_692 = tpu.unpack_subelements %bitcast3A_691, 0 {pack_format = #tpu.pack_format<interleaved>} : vector<32xbf16> -> vector<16xf32>
        %unpack3A_693 = tpu.unpack_subelements %bitcast3A_691, 1 {pack_format = #tpu.pack_format<interleaved>} : vector<32xbf16> -> vector<16xf32>
        %mul3A_694 = arith.mulf %unpack3A_692, %gather3A_652 : vector<16xf32>
        %swap3A_695 = arith.index_cast %select_n3A_278 : i32 to index
        %swap3A_696 = arith.index_cast %scan3A_650 : i32 to index
        %swap3A_697 = arith.constant 64 : index
        %swap3A_698 = tpu.vector_load %arg16[%swap3A_695, %swap3A_696, %swap3A_697] {strides = array<i32>} : memref<2x64x128xf32, #tpu.memory_space<vmem>>, vector<16xf32>,
        tpu.vector_store %arg16[%swap3A_695, %swap3A_696, %swap3A_697], %mul3A_694 {strides = array<i32>} : memref<2x64x128xf32, #tpu.memory_space<vmem>>, vector<16xf32>,
        %mul3A_699 = arith.mulf %unpack3A_693, %gather3A_652 : vector<16xf32>
        %swap3A_700 = arith.index_cast %select_n3A_278 : i32 to index
        %swap3A_701 = arith.index_cast %scan3A_650 : i32 to index
        %swap3A_702 = arith.constant 80 : index
        %swap3A_703 = tpu.vector_load %arg16[%swap3A_700, %swap3A_701, %swap3A_702] {strides = array<i32>} : memref<2x64x128xf32, #tpu.memory_space<vmem>>, vector<16xf32>,
        tpu.vector_store %arg16[%swap3A_700, %swap3A_701, %swap3A_702], %mul3A_699 {strides = array<i32>} : memref<2x64x128xf32, #tpu.memory_space<vmem>>, vector<16xf32>,
        %get3A_704 = arith.index_cast %select_n3A_278 : i32 to index
        %get3A_705 = arith.index_cast %scan3A_650 : i32 to index
        %get3A_706 = arith.constant 48 : index
        %get3A_707 = tpu.vector_load %arg15[%get3A_704, %get3A_705, %get3A_706] {strides = array<i32>} : memref<2x64x64xi32, #tpu.memory_space<vmem>>, vector<16xi32>,
        %bitcast3A_708 = vector.bitcast %get3A_707 : vector<16xi32> to vector<32xbf16>
        %unpack3A_709 = tpu.unpack_subelements %bitcast3A_708, 0 {pack_format = #tpu.pack_format<interleaved>} : vector<32xbf16> -> vector<16xf32>
        %unpack3A_710 = tpu.unpack_subelements %bitcast3A_708, 1 {pack_format = #tpu.pack_format<interleaved>} : vector<32xbf16> -> vector<16xf32>
        %mul3A_711 = arith.mulf %unpack3A_709, %gather3A_652 : vector<16xf32>
        %swap3A_712 = arith.index_cast %select_n3A_278 : i32 to index
        %swap3A_713 = arith.index_cast %scan3A_650 : i32 to index
        %swap3A_714 = arith.constant 96 : index
        %swap3A_715 = tpu.vector_load %arg16[%swap3A_712, %swap3A_713, %swap3A_714] {strides = array<i32>} : memref<2x64x128xf32, #tpu.memory_space<vmem>>, vector<16xf32>,
        tpu.vector_store %arg16[%swap3A_712, %swap3A_713, %swap3A_714], %mul3A_711 {strides = array<i32>} : memref<2x64x128xf32, #tpu.memory_space<vmem>>, vector<16xf32>,
        %mul3A_716 = arith.mulf %unpack3A_710, %gather3A_652 : vector<16xf32>
        %swap3A_717 = arith.index_cast %select_n3A_278 : i32 to index
        %swap3A_718 = arith.index_cast %scan3A_650 : i32 to index
        %swap3A_719 = arith.constant 112 : index
        %swap3A_720 = tpu.vector_load %arg16[%swap3A_717, %swap3A_718, %swap3A_719] {strides = array<i32>} : memref<2x64x128xf32, #tpu.memory_space<vmem>>, vector<16xf32>,
        tpu.vector_store %arg16[%swap3A_717, %swap3A_718, %swap3A_719], %mul3A_716 {strides = array<i32>} : memref<2x64x128xf32, #tpu.memory_space<vmem>>, vector<16xf32>,
      }
      %scan3A_381 = arith.constant 64 : i32
      %jit3A_382 = arith.constant 2 : i32
      %eq3A_383 = arith.constant 0 : i32
      %eq3A_384 = arith.cmpi eq, %jit3A_382, %eq3A_383 : i32
      %jit3A_385 = arith.constant 1 : i32
      %select_n3A_386 = arith.select %eq3A_384, %jit3A_385, %jit3A_382 : i32
      %rem3A_387 = arith.remsi %scan3A_209, %select_n3A_386 : i32
      %ne3A_388 = arith.constant 0 : i32
      %ne3A_389 = arith.cmpi ne, %rem3A_387, %ne3A_388 : i32
      %lt3A_390 = arith.constant 0 : i32
      %lt3A_391 = arith.cmpi slt, %rem3A_387, %lt3A_390 : i32
      %lt3A_392 = arith.constant 0 : i32
      %lt3A_393 = arith.cmpi slt, %select_n3A_386, %lt3A_392 : i32
      %ne3A_394 = arith.xori %lt3A_391, %lt3A_393 : i1
      %and3A_395 = arith.andi %ne3A_394, %ne3A_389 : i1
      %add3A_396 = arith.addi %rem3A_387, %select_n3A_386 : i32
      %select_n3A_397 = arith.select %and3A_395, %add3A_396, %rem3A_387 : i32
      %jit3A_398 = arith.constant 3 : i32
      %eq3A_399 = arith.constant 0 : i32
      %eq3A_400 = arith.cmpi eq, %jit3A_398, %eq3A_399 : i32
      %jit3A_401 = arith.constant 1 : i32
      %select_n3A_402 = arith.select %eq3A_400, %jit3A_401, %jit3A_398 : i32
      %rem3A_403 = arith.remsi %scan3A_209, %select_n3A_402 : i32
      %ne3A_404 = arith.constant 0 : i32
      %ne3A_405 = arith.cmpi ne, %rem3A_403, %ne3A_404 : i32
      %lt3A_406 = arith.constant 0 : i32
      %lt3A_407 = arith.cmpi slt, %rem3A_403, %lt3A_406 : i32
      %lt3A_408 = arith.constant 0 : i32
      %lt3A_409 = arith.cmpi slt, %select_n3A_402, %lt3A_408 : i32
      %ne3A_410 = arith.xori %lt3A_407, %lt3A_409 : i1
      %and3A_411 = arith.andi %ne3A_410, %ne3A_405 : i1
      %add3A_412 = arith.addi %rem3A_403, %select_n3A_402 : i32
      %select_n3A_413 = arith.select %and3A_411, %add3A_412, %rem3A_403 : i32
      %dma_start3A_414 = arith.constant 0 : i32
      %dma_start3A_415 = tpu.memref_slice %arg14[%select_n3A_397, %dma_start3A_414] : memref<2x64xf32, #tpu.memory_space<vmem>> -> memref<1x64xf32, #tpu.memory_space<vmem>>
      %dma_start3A_416 = tpu.memref_squeeze %dma_start3A_415 : memref<1x64xf32, #tpu.memory_space<vmem>> -> memref<64xf32, #tpu.memory_space<vmem>>
      %dma_start3A_417 = arith.constant 0 : i32
      %dma_start3A_418 = tpu.memref_slice %arg13[%select_n3A_413, %dma_start3A_417] : memref<3x64xi32, #tpu.memory_space<vmem>> -> memref<1x64xi32, #tpu.memory_space<vmem>>
      %dma_start3A_419 = tpu.memref_squeeze %dma_start3A_418 : memref<1x64xi32, #tpu.memory_space<vmem>> -> memref<64xi32, #tpu.memory_space<vmem>>
      %dma_start3A_420 = arith.constant 0 : i32
      %dma_start3A_421 = tpu.memref_slice %arg20[%dma_start3A_420] : memref<10240xf32, #tpu.memory_space<vmem_shared>> -> memref<10240xf32, #tpu.memory_space<vmem_shared>>
      %dma_start3A_422 = tpu.memref_slice %arg23[%select_n3A_397] : memref<2x!tpu.dma_semaphore, #tpu.memory_space<semaphore_mem>> -> memref<1x!tpu.dma_semaphore, #tpu.memory_space<semaphore_mem>>
      %dma_start3A_423 = tpu.memref_squeeze %dma_start3A_422 : memref<1x!tpu.dma_semaphore, #tpu.memory_space<semaphore_mem>> -> memref<!tpu.dma_semaphore, #tpu.memory_space<semaphore_mem>>
      tpu.enqueue_indirect_dma source(%dma_start3A_416 : memref<64xf32, #tpu.memory_space<vmem>>) target(%dma_start3A_421 : memref<10240xf32, #tpu.memory_space<vmem_shared>>) offsets(%dma_start3A_419 : memref<64xi32, #tpu.memory_space<vmem>>) semaphore(%dma_start3A_423 : memref<!tpu.dma_semaphore, #tpu.memory_space<semaphore_mem>>) {add = true}
      %dma_start3A_424 = arith.constant 0 : i32
      %dma_start3A_425 = arith.constant 0 : i32
      %dma_start3A_426 = tpu.memref_slice %arg16[%select_n3A_397, %dma_start3A_424, %dma_start3A_425] : memref<2x64x128xf32, #tpu.memory_space<vmem>> -> memref<1x64x128xf32, #tpu.memory_space<vmem>>
      %dma_start3A_427 = tpu.memref_squeeze %dma_start3A_426 : memref<1x64x128xf32, #tpu.memory_space<vmem>> -> memref<64x128xf32, #tpu.memory_space<vmem>>
      %dma_start3A_428 = arith.constant 0 : i32
      %dma_start3A_429 = tpu.memref_slice %arg13[%select_n3A_413, %dma_start3A_428] : memref<3x64xi32, #tpu.memory_space<vmem>> -> memref<1x64xi32, #tpu.memory_space<vmem>>
      %dma_start3A_430 = tpu.memref_squeeze %dma_start3A_429 : memref<1x64xi32, #tpu.memory_space<vmem>> -> memref<64xi32, #tpu.memory_space<vmem>>
      %dma_start3A_431 = arith.constant 0 : i32
      %dma_start3A_432 = arith.constant 0 : i32
      %dma_start3A_433 = tpu.memref_slice %arg19[%dma_start3A_431, %dma_start3A_432] : memref<10112x128xf32, #tpu.memory_space<vmem_shared>> -> memref<10112x128xf32, #tpu.memory_space<vmem_shared>>
      %dma_start3A_434 = tpu.memref_slice %arg23[%select_n3A_397] : memref<2x!tpu.dma_semaphore, #tpu.memory_space<semaphore_mem>> -> memref<1x!tpu.dma_semaphore, #tpu.memory_space<semaphore_mem>>
      %dma_start3A_435 = tpu.memref_squeeze %dma_start3A_434 : memref<1x!tpu.dma_semaphore, #tpu.memory_space<semaphore_mem>> -> memref<!tpu.dma_semaphore, #tpu.memory_space<semaphore_mem>>
      tpu.enqueue_indirect_dma source(%dma_start3A_427 : memref<64x128xf32, #tpu.memory_space<vmem>>) target(%dma_start3A_433 : memref<10112x128xf32, #tpu.memory_space<vmem_shared>>) offsets(%dma_start3A_430 : memref<64xi32, #tpu.memory_space<vmem>>) semaphore(%dma_start3A_435 : memref<!tpu.dma_semaphore, #tpu.memory_space<semaphore_mem>>) {add = true}
    }
    %scan3A_168 = arith.constant 160 : i32
    %dma_wait3A_169 = arith.constant 1 : i32
    %dma_wait3A_170 = arith.constant 0 : i32
    %dma_wait3A_171 = arith.constant 1 : i32
    %dma_wait3A_172 = arith.constant 0 : i32
    %dma_wait3A_173 = tpu.memref_slice %arg14[%dma_wait3A_169, %dma_wait3A_172] : memref<2x64xf32, #tpu.memory_space<vmem>> -> memref<1x64xf32, #tpu.memory_space<vmem>>
    %dma_wait3A_174 = tpu.memref_squeeze %dma_wait3A_173 : memref<1x64xf32, #tpu.memory_space<vmem>> -> memref<64xf32, #tpu.memory_space<vmem>>
    %dma_wait3A_175 = arith.constant 0 : i32
    %dma_wait3A_176 = tpu.memref_slice %arg13[%dma_wait3A_170, %dma_wait3A_175] : memref<3x64xi32, #tpu.memory_space<vmem>> -> memref<1x64xi32, #tpu.memory_space<vmem>>
    %dma_wait3A_177 = tpu.memref_squeeze %dma_wait3A_176 : memref<1x64xi32, #tpu.memory_space<vmem>> -> memref<64xi32, #tpu.memory_space<vmem>>
    %dma_wait3A_178 = arith.constant 0 : i32
    %dma_wait3A_179 = tpu.memref_slice %arg20[%dma_wait3A_178] : memref<10240xf32, #tpu.memory_space<vmem_shared>> -> memref<10240xf32, #tpu.memory_space<vmem_shared>>
    %dma_wait3A_180 = tpu.memref_slice %arg23[%dma_wait3A_171] : memref<2x!tpu.dma_semaphore, #tpu.memory_space<semaphore_mem>> -> memref<1x!tpu.dma_semaphore, #tpu.memory_space<semaphore_mem>>
    %dma_wait3A_181 = tpu.memref_squeeze %dma_wait3A_180 : memref<1x!tpu.dma_semaphore, #tpu.memory_space<semaphore_mem>> -> memref<!tpu.dma_semaphore, #tpu.memory_space<semaphore_mem>>
    tpu.wait_indirect_dma semaphore(%dma_wait3A_181 : memref<!tpu.dma_semaphore, #tpu.memory_space<semaphore_mem>>) src(%dma_wait3A_174 : memref<64xf32, #tpu.memory_space<vmem>>) dst(%dma_wait3A_179 : memref<10240xf32, #tpu.memory_space<vmem_shared>>)
    %dma_wait3A_182 = arith.constant 1 : i32
    %dma_wait3A_183 = arith.constant 0 : i32
    %dma_wait3A_184 = arith.constant 1 : i32
    %dma_wait3A_185 = arith.constant 0 : i32
    %dma_wait3A_186 = arith.constant 0 : i32
    %dma_wait3A_187 = tpu.memref_slice %arg16[%dma_wait3A_182, %dma_wait3A_185, %dma_wait3A_186] : memref<2x64x128xf32, #tpu.memory_space<vmem>> -> memref<1x64x128xf32, #tpu.memory_space<vmem>>
    %dma_wait3A_188 = tpu.memref_squeeze %dma_wait3A_187 : memref<1x64x128xf32, #tpu.memory_space<vmem>> -> memref<64x128xf32, #tpu.memory_space<vmem>>
    %dma_wait3A_189 = arith.constant 0 : i32
    %dma_wait3A_190 = tpu.memref_slice %arg13[%dma_wait3A_183, %dma_wait3A_189] : memref<3x64xi32, #tpu.memory_space<vmem>> -> memref<1x64xi32, #tpu.memory_space<vmem>>
    %dma_wait3A_191 = tpu.memref_squeeze %dma_wait3A_190 : memref<1x64xi32, #tpu.memory_space<vmem>> -> memref<64xi32, #tpu.memory_space<vmem>>
    %dma_wait3A_192 = arith.constant 0 : i32
    %dma_wait3A_193 = arith.constant 0 : i32
    %dma_wait3A_194 = tpu.memref_slice %arg19[%dma_wait3A_192, %dma_wait3A_193] : memref<10112x128xf32, #tpu.memory_space<vmem_shared>> -> memref<10112x128xf32, #tpu.memory_space<vmem_shared>>
    %dma_wait3A_195 = tpu.memref_slice %arg23[%dma_wait3A_184] : memref<2x!tpu.dma_semaphore, #tpu.memory_space<semaphore_mem>> -> memref<1x!tpu.dma_semaphore, #tpu.memory_space<semaphore_mem>>
    %dma_wait3A_196 = tpu.memref_squeeze %dma_wait3A_195 : memref<1x!tpu.dma_semaphore, #tpu.memory_space<semaphore_mem>> -> memref<!tpu.dma_semaphore, #tpu.memory_space<semaphore_mem>>
    tpu.wait_indirect_dma semaphore(%dma_wait3A_196 : memref<!tpu.dma_semaphore, #tpu.memory_space<semaphore_mem>>) src(%dma_wait3A_188 : memref<64x128xf32, #tpu.memory_space<vmem>>) dst(%dma_wait3A_194 : memref<10112x128xf32, #tpu.memory_space<vmem_shared>>)
    %barrier3A_197 = arith.constant 0 : index
    tpu.barrier barrier_id(%barrier3A_197)
    %mul3A_198 = arith.constant 632 : i32
    %mul3A_199 = arith.muli %arg1, %mul3A_198 : i32
    %mul3A_200 = arith.constant 632 : i32
    %mul3A_201 = arith.muli %arg1, %mul3A_200 : i32
    "tpu.region"() ({
      %run_scoped3A_209 = tpu.sem_alloc : memref<!tpu.dma_semaphore, #tpu.memory_space<semaphore_mem>>
      %dma_start3A_210 = arith.constant 0 : i32
      %dma_start3A_211 = tpu.memref_slice %arg8[%arg0, %mul3A_201, %dma_start3A_210] : memref<2x10112x128xf32, #tpu.memory_space<hbm>> -> memref<1x632x128xf32, #tpu.memory_space<hbm>>
      %dma_start3A_212 = tpu.memref_squeeze %dma_start3A_211 : memref<1x632x128xf32, #tpu.memory_space<hbm>> -> memref<632x128xf32, #tpu.memory_space<hbm>>
      %dma_start3A_213 = arith.constant 0 : i32
      %dma_start3A_214 = tpu.memref_slice %arg19[%mul3A_199, %dma_start3A_213] : memref<10112x128xf32, #tpu.memory_space<vmem_shared>> -> memref<632x128xf32, #tpu.memory_space<vmem_shared>>
      tpu.enqueue_dma source(%dma_start3A_214 : memref<632x128xf32, #tpu.memory_space<vmem_shared>>) target(%dma_start3A_212 : memref<632x128xf32, #tpu.memory_space<hbm>>) target_semaphore(%run_scoped3A_209 : memref<!tpu.dma_semaphore, #tpu.memory_space<semaphore_mem>>)
      %dma_wait3A_215 = arith.constant 0 : i32
      %dma_wait3A_216 = tpu.memref_slice %arg8[%arg0, %mul3A_201, %dma_wait3A_215] : memref<2x10112x128xf32, #tpu.memory_space<hbm>> -> memref<1x632x128xf32, #tpu.memory_space<hbm>>
      %dma_wait3A_217 = tpu.memref_squeeze %dma_wait3A_216 : memref<1x632x128xf32, #tpu.memory_space<hbm>> -> memref<632x128xf32, #tpu.memory_space<hbm>>
      %dma_wait3A_218 = arith.constant 0 : i32
      %dma_wait3A_219 = tpu.memref_slice %arg19[%mul3A_199, %dma_wait3A_218] : memref<10112x128xf32, #tpu.memory_space<vmem_shared>> -> memref<632x128xf32, #tpu.memory_space<vmem_shared>>
      tpu.wait_dma2 semaphore(%run_scoped3A_209 : memref<!tpu.dma_semaphore, #tpu.memory_space<semaphore_mem>>) src(%dma_wait3A_219 : memref<632x128xf32, #tpu.memory_space<vmem_shared>>) dst(%dma_wait3A_217 : memref<632x128xf32, #tpu.memory_space<hbm>>)
      tpu.yield
    }) : () -> ()
    %mul3A_202 = arith.constant 640 : i32
    %mul3A_203 = arith.muli %arg1, %mul3A_202 : i32
    %mul3A_204 = arith.constant 10240 : i32
    %mul3A_205 = arith.muli %arg0, %mul3A_204 : i32
    %mul3A_206 = arith.constant 640 : i32
    %mul3A_207 = arith.muli %arg1, %mul3A_206 : i32
    %add3A_208 = arith.addi %mul3A_205, %mul3A_207 : i32
    "tpu.region"() ({
      %run_scoped3A_209 = tpu.sem_alloc : memref<!tpu.dma_semaphore, #tpu.memory_space<semaphore_mem>>
      %dma_start3A_210 = tpu.memref_slice %arg9[%add3A_208] : memref<20480xf32, #tpu.memory_space<hbm>> -> memref<640xf32, #tpu.memory_space<hbm>>
      %dma_start3A_211 = tpu.memref_slice %arg20[%mul3A_203] : memref<10240xf32, #tpu.memory_space<vmem_shared>> -> memref<640xf32, #tpu.memory_space<vmem_shared>>
      tpu.enqueue_dma source(%dma_start3A_211 : memref<640xf32, #tpu.memory_space<vmem_shared>>) target(%dma_start3A_210 : memref<640xf32, #tpu.memory_space<hbm>>) target_semaphore(%run_scoped3A_209 : memref<!tpu.dma_semaphore, #tpu.memory_space<semaphore_mem>>)
      %dma_wait3A_212 = tpu.memref_slice %arg9[%add3A_208] : memref<20480xf32, #tpu.memory_space<hbm>> -> memref<640xf32, #tpu.memory_space<hbm>>
      %dma_wait3A_213 = tpu.memref_slice %arg20[%mul3A_203] : memref<10240xf32, #tpu.memory_space<vmem_shared>> -> memref<640xf32, #tpu.memory_space<vmem_shared>>
      tpu.wait_dma2 semaphore(%run_scoped3A_209 : memref<!tpu.dma_semaphore, #tpu.memory_space<semaphore_mem>>) src(%dma_wait3A_213 : memref<640xf32, #tpu.memory_space<vmem_shared>>) dst(%dma_wait3A_212 : memref<640xf32, #tpu.memory_space<hbm>>)
      tpu.yield
    }) : () -> ()
    return
  }
}

#map = affine_map<(d0, d1) -> (0, 0)>
#map1 = affine_map<(d0, d1) -> (0)>
#map2 = affine_map<(d0, d1) -> (0, 0, 0)>
module attributes {stable_mosaic.version = 14 : i64} {
  func.func @_sc_gat_body(%arg0: i32, %arg1: i32, %arg2: memref<10000x64xi32, #tpu.memory_space<hbm>>, %arg3: memref<327680xi32, #tpu.memory_space<hbm>>, %arg4: memref<327680xi32, #tpu.memory_space<hbm>>, %arg5: memref<10000xf32, #tpu.memory_space<hbm>>, %arg6: memref<10000xf32, #tpu.memory_space<hbm>>, %arg7: memref<16xf32, #tpu.memory_space<hbm>>, %arg8: memref<2x10112x128xf32, #tpu.memory_space<hbm>>, %arg9: memref<20480xf32, #tpu.memory_space<hbm>>, %arg10: memref<10016xf32, #tpu.memory_space<vmem>>, %arg11: memref<10016xf32, #tpu.memory_space<vmem>>, %arg12: memref<3x64xi32, #tpu.memory_space<vmem>>, %arg13: memref<3x64xi32, #tpu.memory_space<vmem>>, %arg14: memref<2x64xf32, #tpu.memory_space<vmem>>, %arg15: memref<2x64x64xi32, #tpu.memory_space<vmem>>, %arg16: memref<2x64x128xf32, #tpu.memory_space<vmem>>, %arg17: memref<640xf32, #tpu.memory_space<vmem>>, %arg18: memref<16xf32, #tpu.memory_space<vmem>>, %arg19: memref<10112x128xf32, #tpu.memory_space<vmem_shared>>, %arg20: memref<10240xf32, #tpu.memory_space<vmem_shared>>, %arg21: memref<2x!tpu.dma_semaphore, #tpu.memory_space<semaphore_mem>>, %arg22: memref<3x!tpu.dma_semaphore, #tpu.memory_space<semaphore_mem>>, %arg23: memref<2x!tpu.dma_semaphore, #tpu.memory_space<semaphore_mem>>) attributes {dimension_semantics = [#tpu.dimension_semantics<core_parallel>, #tpu.dimension_semantics<subcore_parallel>], iteration_bounds = array<i64: 2, 16>, scalar_prefetch = 0 : i64, scratch_operands = 14 : i64, tpu.core_type = #tpu.core_type<sc_vector_subcore>, window_params = [{transform_indices = #map}, {transform_indices = #map1}, {transform_indices = #map1}, {transform_indices = #map1}, {transform_indices = #map1}, {transform_indices = #map1}, {transform_indices = #map2}, {transform_indices = #map1}]} {
    %mul3A = arith.constant 16 : i32
    %mul3A_0 = arith.muli %arg0, %mul3A : i32
    %add3A = arith.addi %mul3A_0, %arg1 : i32
    %broadcast_in_dim3A = arith.constant 0.000000e+00 : f32
    %broadcast_in_dim3A_1 = vector.broadcast %broadcast_in_dim3A : f32 to vector<16xf32>
    %scan3A = arith.constant 0 : i32
    %scan3A_2 = arith.constant 0 : i32
    %scan3A_3 = arith.constant 64 : i32
    %scan3A_4 = arith.addi %scan3A_2, %scan3A_3 : i32
    %scan3A_5 = arith.constant 1 : i32
    scf.for %scan3A_209 = %scan3A_2 to %scan3A_4 step %scan3A_5  : i32 {
      %swap3A_210 = arith.constant 0 : i32
      %swap3A_211 = arith.index_cast %swap3A_210 : i32 to index
      %swap3A_212 = arith.index_cast %scan3A_209 : i32 to index
      %swap3A_213 = arith.constant 0 : index
      %swap3A_214 = tpu.vector_load %arg16[%swap3A_211, %swap3A_212, %swap3A_213] {strides = array<i32>} : memref<2x64x128xf32, #tpu.memory_space<vmem>>, vector<16xf32>,
      tpu.vector_store %arg16[%swap3A_211, %swap3A_212, %swap3A_213], %broadcast_in_dim3A_1 {strides = array<i32>} : memref<2x64x128xf32, #tpu.memory_space<vmem>>, vector<16xf32>,
      %swap3A_215 = arith.constant 0 : i32
      %swap3A_216 = arith.index_cast %swap3A_215 : i32 to index
      %swap3A_217 = arith.index_cast %scan3A_209 : i32 to index
      %swap3A_218 = arith.constant 16 : index
      %swap3A_219 = tpu.vector_load %arg16[%swap3A_216, %swap3A_217, %swap3A_218] {strides = array<i32>} : memref<2x64x128xf32, #tpu.memory_space<vmem>>, vector<16xf32>,
      tpu.vector_store %arg16[%swap3A_216, %swap3A_217, %swap3A_218], %broadcast_in_dim3A_1 {strides = array<i32>} : memref<2x64x128xf32, #tpu.memory_space<vmem>>, vector<16xf32>,
      %swap3A_220 = arith.constant 0 : i32
      %swap3A_221 = arith.index_cast %swap3A_220 : i32 to index
      %swap3A_222 = arith.index_cast %scan3A_209 : i32 to index
      %swap3A_223 = arith.constant 32 : index
      %swap3A_224 = tpu.vector_load %arg16[%swap3A_221, %swap3A_222, %swap3A_223] {strides = array<i32>} : memref<2x64x128xf32, #tpu.memory_space<vmem>>, vector<16xf32>,
      tpu.vector_store %arg16[%swap3A_221, %swap3A_222, %swap3A_223], %broadcast_in_dim3A_1 {strides = array<i32>} : memref<2x64x128xf32, #tpu.memory_space<vmem>>, vector<16xf32>,
      %swap3A_225 = arith.constant 0 : i32
      %swap3A_226 = arith.index_cast %swap3A_225 : i32 to index
      %swap3A_227 = arith.index_cast %scan3A_209 : i32 to index
      %swap3A_228 = arith.constant 48 : index
      %swap3A_229 = tpu.vector_load %arg16[%swap3A_226, %swap3A_227, %swap3A_228] {strides = array<i32>} : memref<2x64x128xf32, #tpu.memory_space<vmem>>, vector<16xf32>,
      tpu.vector_store %arg16[%swap3A_226, %swap3A_227, %swap3A_228], %broadcast_in_dim3A_1 {strides = array<i32>} : memref<2x64x128xf32, #tpu.memory_space<vmem>>, vector<16xf32>,
      %swap3A_230 = arith.constant 0 : i32
      %swap3A_231 = arith.index_cast %swap3A_230 : i32 to index
      %swap3A_232 = arith.index_cast %scan3A_209 : i32 to index
      %swap3A_233 = arith.constant 64 : index
      %swap3A_234 = tpu.vector_load %arg16[%swap3A_231, %swap3A_232, %swap3A_233] {strides = array<i32>} : memref<2x64x128xf32, #tpu.memory_space<vmem>>, vector<16xf32>,
      tpu.vector_store %arg16[%swap3A_231, %swap3A_232, %swap3A_233], %broadcast_in_dim3A_1 {strides = array<i32>} : memref<2x64x128xf32, #tpu.memory_space<vmem>>, vector<16xf32>,
      %swap3A_235 = arith.constant 0 : i32
      %swap3A_236 = arith.index_cast %swap3A_235 : i32 to index
      %swap3A_237 = arith.index_cast %scan3A_209 : i32 to index
      %swap3A_238 = arith.constant 80 : index
      %swap3A_239 = tpu.vector_load %arg16[%swap3A_236, %swap3A_237, %swap3A_238] {strides = array<i32>} : memref<2x64x128xf32, #tpu.memory_space<vmem>>, vector<16xf32>,
      tpu.vector_store %arg16[%swap3A_236, %swap3A_237, %swap3A_238], %broadcast_in_dim3A_1 {strides = array<i32>} : memref<2x64x128xf32, #tpu.memory_space<vmem>>, vector<16xf32>,
      %swap3A_240 = arith.constant 0 : i32
      %swap3A_241 = arith.index_cast %swap3A_240 : i32 to index
      %swap3A_242 = arith.index_cast %scan3A_209 : i32 to index
      %swap3A_243 = arith.constant 96 : index
      %swap3A_244 = tpu.vector_load %arg16[%swap3A_241, %swap3A_242, %swap3A_243] {strides = array<i32>} : memref<2x64x128xf32, #tpu.memory_space<vmem>>, vector<16xf32>,
      tpu.vector_store %arg16[%swap3A_241, %swap3A_242, %swap3A_243], %broadcast_in_dim3A_1 {strides = array<i32>} : memref<2x64x128xf32, #tpu.memory_space<vmem>>, vector<16xf32>,
      %swap3A_245 = arith.constant 0 : i32
      %swap3A_246 = arith.index_cast %swap3A_245 : i32 to index
      %swap3A_247 = arith.index_cast %scan3A_209 : i32 to index
      %swap3A_248 = arith.constant 112 : index
      %swap3A_249 = tpu.vector_load %arg16[%swap3A_246, %swap3A_247, %swap3A_248] {strides = array<i32>} : memref<2x64x128xf32, #tpu.memory_space<vmem>>, vector<16xf32>,
      tpu.vector_store %arg16[%swap3A_246, %swap3A_247, %swap3A_248], %broadcast_in_dim3A_1 {strides = array<i32>} : memref<2x64x128xf32, #tpu.memory_space<vmem>>, vector<16xf32>,
    }
    %scan3A_6 = arith.constant 64 : i32
    %scan3A_7 = arith.constant 0 : i32
    %scan3A_8 = arith.constant 0 : i32
    %scan3A_9 = arith.constant 40 : i32
    %scan3A_10 = arith.addi %scan3A_8, %scan3A_9 : i32
    %scan3A_11 = arith.constant 1 : i32
    scf.for %scan3A_209 = %scan3A_8 to %scan3A_10 step %scan3A_11  : i32 {
      %mul3A_210 = arith.constant 16 : i32
      %mul3A_211 = arith.muli %scan3A_209, %mul3A_210 : i32
      %swap3A_212 = arith.index_cast %mul3A_211 : i32 to index
      %swap3A_213 = tpu.vector_load %arg17[%swap3A_212] {strides = array<i32>} : memref<640xf32, #tpu.memory_space<vmem>>, vector<16xf32>,
      tpu.vector_store %arg17[%swap3A_212], %broadcast_in_dim3A_1 {strides = array<i32>} : memref<640xf32, #tpu.memory_space<vmem>>, vector<16xf32>,
    }
    %scan3A_12 = arith.constant 40 : i32
    %mul3A_13 = arith.constant 632 : i32
    %mul3A_14 = arith.muli %arg1, %mul3A_13 : i32
    %add3A_15 = arith.constant 0 : i32
    %add3A_16 = arith.addi %mul3A_14, %add3A_15 : i32
    %run_scoped3A = arith.constant 0 : i32
    "tpu.region"() ({
      %run_scoped3A_209 = tpu.sem_alloc : memref<!tpu.dma_semaphore, #tpu.memory_space<semaphore_mem>>
      %dma_start3A_210 = arith.constant 0 : i32
      %dma_start3A_211 = arith.constant 0 : i32
      %dma_start3A_212 = tpu.memref_slice %arg16[%run_scoped3A, %dma_start3A_210, %dma_start3A_211] : memref<2x64x128xf32, #tpu.memory_space<vmem>> -> memref<1x64x128xf32, #tpu.memory_space<vmem>>
      %dma_start3A_213 = tpu.memref_squeeze %dma_start3A_212 : memref<1x64x128xf32, #tpu.memory_space<vmem>> -> memref<64x128xf32, #tpu.memory_space<vmem>>
      %dma_start3A_214 = arith.constant 0 : i32
      %dma_start3A_215 = tpu.memref_slice %arg19[%add3A_16, %dma_start3A_214] : memref<10112x128xf32, #tpu.memory_space<vmem_shared>> -> memref<64x128xf32, #tpu.memory_space<vmem_shared>>
      %dma_start3A_216 = arith.constant 0 : i32
      %dma_start3A_217 = tpu.memref_slice %arg19[%add3A_16, %dma_start3A_216] : memref<10112x128xf32, #tpu.memory_space<vmem_shared>> -> memref<64x128xf32, #tpu.memory_space<vmem_shared>>
      %dma_start3A_218 = arith.constant 0 : i32
      %dma_start3A_219 = arith.constant 0 : i32
      %dma_start3A_220 = tpu.memref_slice %arg16[%run_scoped3A, %dma_start3A_218, %dma_start3A_219] : memref<2x64x128xf32, #tpu.memory_space<vmem>> -> memref<1x64x128xf32, #tpu.memory_space<vmem>>
      %dma_start3A_221 = tpu.memref_squeeze %dma_start3A_220 : memref<1x64x128xf32, #tpu.memory_space<vmem>> -> memref<64x128xf32, #tpu.memory_space<vmem>>
      tpu.enqueue_dma source(%dma_start3A_221 : memref<64x128xf32, #tpu.memory_space<vmem>>) target(%dma_start3A_217 : memref<64x128xf32, #tpu.memory_space<vmem_shared>>) target_semaphore(%run_scoped3A_209 : memref<!tpu.dma_semaphore, #tpu.memory_space<semaphore_mem>>)
      %dma_wait3A_222 = arith.constant 0 : i32
      %dma_wait3A_223 = arith.constant 0 : i32
      %dma_wait3A_224 = tpu.memref_slice %arg16[%run_scoped3A, %dma_wait3A_222, %dma_wait3A_223] : memref<2x64x128xf32, #tpu.memory_space<vmem>> -> memref<1x64x128xf32, #tpu.memory_space<vmem>>
      %dma_wait3A_225 = tpu.memref_squeeze %dma_wait3A_224 : memref<1x64x128xf32, #tpu.memory_space<vmem>> -> memref<64x128xf32, #tpu.memory_space<vmem>>
      %dma_wait3A_226 = arith.constant 0 : i32
      %dma_wait3A_227 = tpu.memref_slice %arg19[%add3A_16, %dma_wait3A_226] : memref<10112x128xf32, #tpu.memory_space<vmem_shared>> -> memref<64x128xf32, #tpu.memory_space<vmem_shared>>
      %dma_wait3A_228 = arith.constant 0 : i32
      %dma_wait3A_229 = tpu.memref_slice %arg19[%add3A_16, %dma_wait3A_228] : memref<10112x128xf32, #tpu.memory_space<vmem_shared>> -> memref<64x128xf32, #tpu.memory_space<vmem_shared>>
      %dma_wait3A_230 = arith.constant 0 : i32
      %dma_wait3A_231 = arith.constant 0 : i32
      %dma_wait3A_232 = tpu.memref_slice %arg16[%run_scoped3A, %dma_wait3A_230, %dma_wait3A_231] : memref<2x64x128xf32, #tpu.memory_space<vmem>> -> memref<1x64x128xf32, #tpu.memory_space<vmem>>
      %dma_wait3A_233 = tpu.memref_squeeze %dma_wait3A_232 : memref<1x64x128xf32, #tpu.memory_space<vmem>> -> memref<64x128xf32, #tpu.memory_space<vmem>>
      tpu.wait_dma2 semaphore(%run_scoped3A_209 : memref<!tpu.dma_semaphore, #tpu.memory_space<semaphore_mem>>) src(%dma_wait3A_233 : memref<64x128xf32, #tpu.memory_space<vmem>>) dst(%dma_wait3A_229 : memref<64x128xf32, #tpu.memory_space<vmem_shared>>)
      tpu.yield
    }) : () -> ()
    %mul3A_17 = arith.constant 632 : i32
    %mul3A_18 = arith.muli %arg1, %mul3A_17 : i32
    %add3A_19 = arith.constant 64 : i32
    %add3A_20 = arith.addi %mul3A_18, %add3A_19 : i32
    %run_scoped3A_21 = arith.constant 0 : i32
    "tpu.region"() ({
      %run_scoped3A_209 = tpu.sem_alloc : memref<!tpu.dma_semaphore, #tpu.memory_space<semaphore_mem>>
      %dma_start3A_210 = arith.constant 0 : i32
      %dma_start3A_211 = arith.constant 0 : i32
      %dma_start3A_212 = tpu.memref_slice %arg16[%run_scoped3A_21, %dma_start3A_210, %dma_start3A_211] : memref<2x64x128xf32, #tpu.memory_space<vmem>> -> memref<1x64x128xf32, #tpu.memory_space<vmem>>
      %dma_start3A_213 = tpu.memref_squeeze %dma_start3A_212 : memref<1x64x128xf32, #tpu.memory_space<vmem>> -> memref<64x128xf32, #tpu.memory_space<vmem>>
      %dma_start3A_214 = arith.constant 0 : i32
      %dma_start3A_215 = tpu.memref_slice %arg19[%add3A_20, %dma_start3A_214] : memref<10112x128xf32, #tpu.memory_space<vmem_shared>> -> memref<64x128xf32, #tpu.memory_space<vmem_shared>>
      %dma_start3A_216 = arith.constant 0 : i32
      %dma_start3A_217 = tpu.memref_slice %arg19[%add3A_20, %dma_start3A_216] : memref<10112x128xf32, #tpu.memory_space<vmem_shared>> -> memref<64x128xf32, #tpu.memory_space<vmem_shared>>
      %dma_start3A_218 = arith.constant 0 : i32
      %dma_start3A_219 = arith.constant 0 : i32
      %dma_start3A_220 = tpu.memref_slice %arg16[%run_scoped3A_21, %dma_start3A_218, %dma_start3A_219] : memref<2x64x128xf32, #tpu.memory_space<vmem>> -> memref<1x64x128xf32, #tpu.memory_space<vmem>>
      %dma_start3A_221 = tpu.memref_squeeze %dma_start3A_220 : memref<1x64x128xf32, #tpu.memory_space<vmem>> -> memref<64x128xf32, #tpu.memory_space<vmem>>
      tpu.enqueue_dma source(%dma_start3A_221 : memref<64x128xf32, #tpu.memory_space<vmem>>) target(%dma_start3A_217 : memref<64x128xf32, #tpu.memory_space<vmem_shared>>) target_semaphore(%run_scoped3A_209 : memref<!tpu.dma_semaphore, #tpu.memory_space<semaphore_mem>>)
      %dma_wait3A_222 = arith.constant 0 : i32
      %dma_wait3A_223 = arith.constant 0 : i32
      %dma_wait3A_224 = tpu.memref_slice %arg16[%run_scoped3A_21, %dma_wait3A_222, %dma_wait3A_223] : memref<2x64x128xf32, #tpu.memory_space<vmem>> -> memref<1x64x128xf32, #tpu.memory_space<vmem>>
      %dma_wait3A_225 = tpu.memref_squeeze %dma_wait3A_224 : memref<1x64x128xf32, #tpu.memory_space<vmem>> -> memref<64x128xf32, #tpu.memory_space<vmem>>
      %dma_wait3A_226 = arith.constant 0 : i32
      %dma_wait3A_227 = tpu.memref_slice %arg19[%add3A_20, %dma_wait3A_226] : memref<10112x128xf32, #tpu.memory_space<vmem_shared>> -> memref<64x128xf32, #tpu.memory_space<vmem_shared>>
      %dma_wait3A_228 = arith.constant 0 : i32
      %dma_wait3A_229 = tpu.memref_slice %arg19[%add3A_20, %dma_wait3A_228] : memref<10112x128xf32, #tpu.memory_space<vmem_shared>> -> memref<64x128xf32, #tpu.memory_space<vmem_shared>>
      %dma_wait3A_230 = arith.constant 0 : i32
      %dma_wait3A_231 = arith.constant 0 : i32
      %dma_wait3A_232 = tpu.memref_slice %arg16[%run_scoped3A_21, %dma_wait3A_230, %dma_wait3A_231] : memref<2x64x128xf32, #tpu.memory_space<vmem>> -> memref<1x64x128xf32, #tpu.memory_space<vmem>>
      %dma_wait3A_233 = tpu.memref_squeeze %dma_wait3A_232 : memref<1x64x128xf32, #tpu.memory_space<vmem>> -> memref<64x128xf32, #tpu.memory_space<vmem>>
      tpu.wait_dma2 semaphore(%run_scoped3A_209 : memref<!tpu.dma_semaphore, #tpu.memory_space<semaphore_mem>>) src(%dma_wait3A_233 : memref<64x128xf32, #tpu.memory_space<vmem>>) dst(%dma_wait3A_229 : memref<64x128xf32, #tpu.memory_space<vmem_shared>>)
      tpu.yield
    }) : () -> ()
    %mul3A_22 = arith.constant 632 : i32
    %mul3A_23 = arith.muli %arg1, %mul3A_22 : i32
    %add3A_24 = arith.constant 128 : i32
    %add3A_25 = arith.addi %mul3A_23, %add3A_24 : i32
    %run_scoped3A_26 = arith.constant 0 : i32
    "tpu.region"() ({
      %run_scoped3A_209 = tpu.sem_alloc : memref<!tpu.dma_semaphore, #tpu.memory_space<semaphore_mem>>
      %dma_start3A_210 = arith.constant 0 : i32
      %dma_start3A_211 = arith.constant 0 : i32
      %dma_start3A_212 = tpu.memref_slice %arg16[%run_scoped3A_26, %dma_start3A_210, %dma_start3A_211] : memref<2x64x128xf32, #tpu.memory_space<vmem>> -> memref<1x64x128xf32, #tpu.memory_space<vmem>>
      %dma_start3A_213 = tpu.memref_squeeze %dma_start3A_212 : memref<1x64x128xf32, #tpu.memory_space<vmem>> -> memref<64x128xf32, #tpu.memory_space<vmem>>
      %dma_start3A_214 = arith.constant 0 : i32
      %dma_start3A_215 = tpu.memref_slice %arg19[%add3A_25, %dma_start3A_214] : memref<10112x128xf32, #tpu.memory_space<vmem_shared>> -> memref<64x128xf32, #tpu.memory_space<vmem_shared>>
      %dma_start3A_216 = arith.constant 0 : i32
      %dma_start3A_217 = tpu.memref_slice %arg19[%add3A_25, %dma_start3A_216] : memref<10112x128xf32, #tpu.memory_space<vmem_shared>> -> memref<64x128xf32, #tpu.memory_space<vmem_shared>>
      %dma_start3A_218 = arith.constant 0 : i32
      %dma_start3A_219 = arith.constant 0 : i32
      %dma_start3A_220 = tpu.memref_slice %arg16[%run_scoped3A_26, %dma_start3A_218, %dma_start3A_219] : memref<2x64x128xf32, #tpu.memory_space<vmem>> -> memref<1x64x128xf32, #tpu.memory_space<vmem>>
      %dma_start3A_221 = tpu.memref_squeeze %dma_start3A_220 : memref<1x64x128xf32, #tpu.memory_space<vmem>> -> memref<64x128xf32, #tpu.memory_space<vmem>>
      tpu.enqueue_dma source(%dma_start3A_221 : memref<64x128xf32, #tpu.memory_space<vmem>>) target(%dma_start3A_217 : memref<64x128xf32, #tpu.memory_space<vmem_shared>>) target_semaphore(%run_scoped3A_209 : memref<!tpu.dma_semaphore, #tpu.memory_space<semaphore_mem>>)
      %dma_wait3A_222 = arith.constant 0 : i32
      %dma_wait3A_223 = arith.constant 0 : i32
      %dma_wait3A_224 = tpu.memref_slice %arg16[%run_scoped3A_26, %dma_wait3A_222, %dma_wait3A_223] : memref<2x64x128xf32, #tpu.memory_space<vmem>> -> memref<1x64x128xf32, #tpu.memory_space<vmem>>
      %dma_wait3A_225 = tpu.memref_squeeze %dma_wait3A_224 : memref<1x64x128xf32, #tpu.memory_space<vmem>> -> memref<64x128xf32, #tpu.memory_space<vmem>>
      %dma_wait3A_226 = arith.constant 0 : i32
      %dma_wait3A_227 = tpu.memref_slice %arg19[%add3A_25, %dma_wait3A_226] : memref<10112x128xf32, #tpu.memory_space<vmem_shared>> -> memref<64x128xf32, #tpu.memory_space<vmem_shared>>
      %dma_wait3A_228 = arith.constant 0 : i32
      %dma_wait3A_229 = tpu.memref_slice %arg19[%add3A_25, %dma_wait3A_228] : memref<10112x128xf32, #tpu.memory_space<vmem_shared>> -> memref<64x128xf32, #tpu.memory_space<vmem_shared>>
      %dma_wait3A_230 = arith.constant 0 : i32
      %dma_wait3A_231 = arith.constant 0 : i32
      %dma_wait3A_232 = tpu.memref_slice %arg16[%run_scoped3A_26, %dma_wait3A_230, %dma_wait3A_231] : memref<2x64x128xf32, #tpu.memory_space<vmem>> -> memref<1x64x128xf32, #tpu.memory_space<vmem>>
      %dma_wait3A_233 = tpu.memref_squeeze %dma_wait3A_232 : memref<1x64x128xf32, #tpu.memory_space<vmem>> -> memref<64x128xf32, #tpu.memory_space<vmem>>
      tpu.wait_dma2 semaphore(%run_scoped3A_209 : memref<!tpu.dma_semaphore, #tpu.memory_space<semaphore_mem>>) src(%dma_wait3A_233 : memref<64x128xf32, #tpu.memory_space<vmem>>) dst(%dma_wait3A_229 : memref<64x128xf32, #tpu.memory_space<vmem_shared>>)
      tpu.yield
    }) : () -> ()
    %mul3A_27 = arith.constant 632 : i32
    %mul3A_28 = arith.muli %arg1, %mul3A_27 : i32
    %add3A_29 = arith.constant 192 : i32
    %add3A_30 = arith.addi %mul3A_28, %add3A_29 : i32
    %run_scoped3A_31 = arith.constant 0 : i32
    "tpu.region"() ({
      %run_scoped3A_209 = tpu.sem_alloc : memref<!tpu.dma_semaphore, #tpu.memory_space<semaphore_mem>>
      %dma_start3A_210 = arith.constant 0 : i32
      %dma_start3A_211 = arith.constant 0 : i32
      %dma_start3A_212 = tpu.memref_slice %arg16[%run_scoped3A_31, %dma_start3A_210, %dma_start3A_211] : memref<2x64x128xf32, #tpu.memory_space<vmem>> -> memref<1x64x128xf32, #tpu.memory_space<vmem>>
      %dma_start3A_213 = tpu.memref_squeeze %dma_start3A_212 : memref<1x64x128xf32, #tpu.memory_space<vmem>> -> memref<64x128xf32, #tpu.memory_space<vmem>>
      %dma_start3A_214 = arith.constant 0 : i32
      %dma_start3A_215 = tpu.memref_slice %arg19[%add3A_30, %dma_start3A_214] : memref<10112x128xf32, #tpu.memory_space<vmem_shared>> -> memref<64x128xf32, #tpu.memory_space<vmem_shared>>
      %dma_start3A_216 = arith.constant 0 : i32
      %dma_start3A_217 = tpu.memref_slice %arg19[%add3A_30, %dma_start3A_216] : memref<10112x128xf32, #tpu.memory_space<vmem_shared>> -> memref<64x128xf32, #tpu.memory_space<vmem_shared>>
      %dma_start3A_218 = arith.constant 0 : i32
      %dma_start3A_219 = arith.constant 0 : i32
      %dma_start3A_220 = tpu.memref_slice %arg16[%run_scoped3A_31, %dma_start3A_218, %dma_start3A_219] : memref<2x64x128xf32, #tpu.memory_space<vmem>> -> memref<1x64x128xf32, #tpu.memory_space<vmem>>
      %dma_start3A_221 = tpu.memref_squeeze %dma_start3A_220 : memref<1x64x128xf32, #tpu.memory_space<vmem>> -> memref<64x128xf32, #tpu.memory_space<vmem>>
      tpu.enqueue_dma source(%dma_start3A_221 : memref<64x128xf32, #tpu.memory_space<vmem>>) target(%dma_start3A_217 : memref<64x128xf32, #tpu.memory_space<vmem_shared>>) target_semaphore(%run_scoped3A_209 : memref<!tpu.dma_semaphore, #tpu.memory_space<semaphore_mem>>)
      %dma_wait3A_222 = arith.constant 0 : i32
      %dma_wait3A_223 = arith.constant 0 : i32
      %dma_wait3A_224 = tpu.memref_slice %arg16[%run_scoped3A_31, %dma_wait3A_222, %dma_wait3A_223] : memref<2x64x128xf32, #tpu.memory_space<vmem>> -> memref<1x64x128xf32, #tpu.memory_space<vmem>>
      %dma_wait3A_225 = tpu.memref_squeeze %dma_wait3A_224 : memref<1x64x128xf32, #tpu.memory_space<vmem>> -> memref<64x128xf32, #tpu.memory_space<vmem>>
      %dma_wait3A_226 = arith.constant 0 : i32
      %dma_wait3A_227 = tpu.memref_slice %arg19[%add3A_30, %dma_wait3A_226] : memref<10112x128xf32, #tpu.memory_space<vmem_shared>> -> memref<64x128xf32, #tpu.memory_space<vmem_shared>>
      %dma_wait3A_228 = arith.constant 0 : i32
      %dma_wait3A_229 = tpu.memref_slice %arg19[%add3A_30, %dma_wait3A_228] : memref<10112x128xf32, #tpu.memory_space<vmem_shared>> -> memref<64x128xf32, #tpu.memory_space<vmem_shared>>
      %dma_wait3A_230 = arith.constant 0 : i32
      %dma_wait3A_231 = arith.constant 0 : i32
      %dma_wait3A_232 = tpu.memref_slice %arg16[%run_scoped3A_31, %dma_wait3A_230, %dma_wait3A_231] : memref<2x64x128xf32, #tpu.memory_space<vmem>> -> memref<1x64x128xf32, #tpu.memory_space<vmem>>
      %dma_wait3A_233 = tpu.memref_squeeze %dma_wait3A_232 : memref<1x64x128xf32, #tpu.memory_space<vmem>> -> memref<64x128xf32, #tpu.memory_space<vmem>>
      tpu.wait_dma2 semaphore(%run_scoped3A_209 : memref<!tpu.dma_semaphore, #tpu.memory_space<semaphore_mem>>) src(%dma_wait3A_233 : memref<64x128xf32, #tpu.memory_space<vmem>>) dst(%dma_wait3A_229 : memref<64x128xf32, #tpu.memory_space<vmem_shared>>)
      tpu.yield
    }) : () -> ()
    %mul3A_32 = arith.constant 632 : i32
    %mul3A_33 = arith.muli %arg1, %mul3A_32 : i32
    %add3A_34 = arith.constant 256 : i32
    %add3A_35 = arith.addi %mul3A_33, %add3A_34 : i32
    %run_scoped3A_36 = arith.constant 0 : i32
    "tpu.region"() ({
      %run_scoped3A_209 = tpu.sem_alloc : memref<!tpu.dma_semaphore, #tpu.memory_space<semaphore_mem>>
      %dma_start3A_210 = arith.constant 0 : i32
      %dma_start3A_211 = arith.constant 0 : i32
      %dma_start3A_212 = tpu.memref_slice %arg16[%run_scoped3A_36, %dma_start3A_210, %dma_start3A_211] : memref<2x64x128xf32, #tpu.memory_space<vmem>> -> memref<1x64x128xf32, #tpu.memory_space<vmem>>
      %dma_start3A_213 = tpu.memref_squeeze %dma_start3A_212 : memref<1x64x128xf32, #tpu.memory_space<vmem>> -> memref<64x128xf32, #tpu.memory_space<vmem>>
      %dma_start3A_214 = arith.constant 0 : i32
      %dma_start3A_215 = tpu.memref_slice %arg19[%add3A_35, %dma_start3A_214] : memref<10112x128xf32, #tpu.memory_space<vmem_shared>> -> memref<64x128xf32, #tpu.memory_space<vmem_shared>>
      %dma_start3A_216 = arith.constant 0 : i32
      %dma_start3A_217 = tpu.memref_slice %arg19[%add3A_35, %dma_start3A_216] : memref<10112x128xf32, #tpu.memory_space<vmem_shared>> -> memref<64x128xf32, #tpu.memory_space<vmem_shared>>
      %dma_start3A_218 = arith.constant 0 : i32
      %dma_start3A_219 = arith.constant 0 : i32
      %dma_start3A_220 = tpu.memref_slice %arg16[%run_scoped3A_36, %dma_start3A_218, %dma_start3A_219] : memref<2x64x128xf32, #tpu.memory_space<vmem>> -> memref<1x64x128xf32, #tpu.memory_space<vmem>>
      %dma_start3A_221 = tpu.memref_squeeze %dma_start3A_220 : memref<1x64x128xf32, #tpu.memory_space<vmem>> -> memref<64x128xf32, #tpu.memory_space<vmem>>
      tpu.enqueue_dma source(%dma_start3A_221 : memref<64x128xf32, #tpu.memory_space<vmem>>) target(%dma_start3A_217 : memref<64x128xf32, #tpu.memory_space<vmem_shared>>) target_semaphore(%run_scoped3A_209 : memref<!tpu.dma_semaphore, #tpu.memory_space<semaphore_mem>>)
      %dma_wait3A_222 = arith.constant 0 : i32
      %dma_wait3A_223 = arith.constant 0 : i32
      %dma_wait3A_224 = tpu.memref_slice %arg16[%run_scoped3A_36, %dma_wait3A_222, %dma_wait3A_223] : memref<2x64x128xf32, #tpu.memory_space<vmem>> -> memref<1x64x128xf32, #tpu.memory_space<vmem>>
      %dma_wait3A_225 = tpu.memref_squeeze %dma_wait3A_224 : memref<1x64x128xf32, #tpu.memory_space<vmem>> -> memref<64x128xf32, #tpu.memory_space<vmem>>
      %dma_wait3A_226 = arith.constant 0 : i32
      %dma_wait3A_227 = tpu.memref_slice %arg19[%add3A_35, %dma_wait3A_226] : memref<10112x128xf32, #tpu.memory_space<vmem_shared>> -> memref<64x128xf32, #tpu.memory_space<vmem_shared>>
      %dma_wait3A_228 = arith.constant 0 : i32
      %dma_wait3A_229 = tpu.memref_slice %arg19[%add3A_35, %dma_wait3A_228] : memref<10112x128xf32, #tpu.memory_space<vmem_shared>> -> memref<64x128xf32, #tpu.memory_space<vmem_shared>>
      %dma_wait3A_230 = arith.constant 0 : i32
      %dma_wait3A_231 = arith.constant 0 : i32
      %dma_wait3A_232 = tpu.memref_slice %arg16[%run_scoped3A_36, %dma_wait3A_230, %dma_wait3A_231] : memref<2x64x128xf32, #tpu.memory_space<vmem>> -> memref<1x64x128xf32, #tpu.memory_space<vmem>>
      %dma_wait3A_233 = tpu.memref_squeeze %dma_wait3A_232 : memref<1x64x128xf32, #tpu.memory_space<vmem>> -> memref<64x128xf32, #tpu.memory_space<vmem>>
      tpu.wait_dma2 semaphore(%run_scoped3A_209 : memref<!tpu.dma_semaphore, #tpu.memory_space<semaphore_mem>>) src(%dma_wait3A_233 : memref<64x128xf32, #tpu.memory_space<vmem>>) dst(%dma_wait3A_229 : memref<64x128xf32, #tpu.memory_space<vmem_shared>>)
      tpu.yield
    }) : () -> ()
    %mul3A_37 = arith.constant 632 : i32
    %mul3A_38 = arith.muli %arg1, %mul3A_37 : i32
    %add3A_39 = arith.constant 320 : i32
    %add3A_40 = arith.addi %mul3A_38, %add3A_39 : i32
    %run_scoped3A_41 = arith.constant 0 : i32
    "tpu.region"() ({
      %run_scoped3A_209 = tpu.sem_alloc : memref<!tpu.dma_semaphore, #tpu.memory_space<semaphore_mem>>
      %dma_start3A_210 = arith.constant 0 : i32
      %dma_start3A_211 = arith.constant 0 : i32
      %dma_start3A_212 = tpu.memref_slice %arg16[%run_scoped3A_41, %dma_start3A_210, %dma_start3A_211] : memref<2x64x128xf32, #tpu.memory_space<vmem>> -> memref<1x64x128xf32, #tpu.memory_space<vmem>>
      %dma_start3A_213 = tpu.memref_squeeze %dma_start3A_212 : memref<1x64x128xf32, #tpu.memory_space<vmem>> -> memref<64x128xf32, #tpu.memory_space<vmem>>
      %dma_start3A_214 = arith.constant 0 : i32
      %dma_start3A_215 = tpu.memref_slice %arg19[%add3A_40, %dma_start3A_214] : memref<10112x128xf32, #tpu.memory_space<vmem_shared>> -> memref<64x128xf32, #tpu.memory_space<vmem_shared>>
      %dma_start3A_216 = arith.constant 0 : i32
      %dma_start3A_217 = tpu.memref_slice %arg19[%add3A_40, %dma_start3A_216] : memref<10112x128xf32, #tpu.memory_space<vmem_shared>> -> memref<64x128xf32, #tpu.memory_space<vmem_shared>>
      %dma_start3A_218 = arith.constant 0 : i32
      %dma_start3A_219 = arith.constant 0 : i32
      %dma_start3A_220 = tpu.memref_slice %arg16[%run_scoped3A_41, %dma_start3A_218, %dma_start3A_219] : memref<2x64x128xf32, #tpu.memory_space<vmem>> -> memref<1x64x128xf32, #tpu.memory_space<vmem>>
      %dma_start3A_221 = tpu.memref_squeeze %dma_start3A_220 : memref<1x64x128xf32, #tpu.memory_space<vmem>> -> memref<64x128xf32, #tpu.memory_space<vmem>>
      tpu.enqueue_dma source(%dma_start3A_221 : memref<64x128xf32, #tpu.memory_space<vmem>>) target(%dma_start3A_217 : memref<64x128xf32, #tpu.memory_space<vmem_shared>>) target_semaphore(%run_scoped3A_209 : memref<!tpu.dma_semaphore, #tpu.memory_space<semaphore_mem>>)
      %dma_wait3A_222 = arith.constant 0 : i32
      %dma_wait3A_223 = arith.constant 0 : i32
      %dma_wait3A_224 = tpu.memref_slice %arg16[%run_scoped3A_41, %dma_wait3A_222, %dma_wait3A_223] : memref<2x64x128xf32, #tpu.memory_space<vmem>> -> memref<1x64x128xf32, #tpu.memory_space<vmem>>
      %dma_wait3A_225 = tpu.memref_squeeze %dma_wait3A_224 : memref<1x64x128xf32, #tpu.memory_space<vmem>> -> memref<64x128xf32, #tpu.memory_space<vmem>>
      %dma_wait3A_226 = arith.constant 0 : i32
      %dma_wait3A_227 = tpu.memref_slice %arg19[%add3A_40, %dma_wait3A_226] : memref<10112x128xf32, #tpu.memory_space<vmem_shared>> -> memref<64x128xf32, #tpu.memory_space<vmem_shared>>
      %dma_wait3A_228 = arith.constant 0 : i32
      %dma_wait3A_229 = tpu.memref_slice %arg19[%add3A_40, %dma_wait3A_228] : memref<10112x128xf32, #tpu.memory_space<vmem_shared>> -> memref<64x128xf32, #tpu.memory_space<vmem_shared>>
      %dma_wait3A_230 = arith.constant 0 : i32
      %dma_wait3A_231 = arith.constant 0 : i32
      %dma_wait3A_232 = tpu.memref_slice %arg16[%run_scoped3A_41, %dma_wait3A_230, %dma_wait3A_231] : memref<2x64x128xf32, #tpu.memory_space<vmem>> -> memref<1x64x128xf32, #tpu.memory_space<vmem>>
      %dma_wait3A_233 = tpu.memref_squeeze %dma_wait3A_232 : memref<1x64x128xf32, #tpu.memory_space<vmem>> -> memref<64x128xf32, #tpu.memory_space<vmem>>
      tpu.wait_dma2 semaphore(%run_scoped3A_209 : memref<!tpu.dma_semaphore, #tpu.memory_space<semaphore_mem>>) src(%dma_wait3A_233 : memref<64x128xf32, #tpu.memory_space<vmem>>) dst(%dma_wait3A_229 : memref<64x128xf32, #tpu.memory_space<vmem_shared>>)
      tpu.yield
    }) : () -> ()
    %mul3A_42 = arith.constant 632 : i32
    %mul3A_43 = arith.muli %arg1, %mul3A_42 : i32
    %add3A_44 = arith.constant 384 : i32
    %add3A_45 = arith.addi %mul3A_43, %add3A_44 : i32
    %run_scoped3A_46 = arith.constant 0 : i32
    "tpu.region"() ({
      %run_scoped3A_209 = tpu.sem_alloc : memref<!tpu.dma_semaphore, #tpu.memory_space<semaphore_mem>>
      %dma_start3A_210 = arith.constant 0 : i32
      %dma_start3A_211 = arith.constant 0 : i32
      %dma_start3A_212 = tpu.memref_slice %arg16[%run_scoped3A_46, %dma_start3A_210, %dma_start3A_211] : memref<2x64x128xf32, #tpu.memory_space<vmem>> -> memref<1x64x128xf32, #tpu.memory_space<vmem>>
      %dma_start3A_213 = tpu.memref_squeeze %dma_start3A_212 : memref<1x64x128xf32, #tpu.memory_space<vmem>> -> memref<64x128xf32, #tpu.memory_space<vmem>>
      %dma_start3A_214 = arith.constant 0 : i32
      %dma_start3A_215 = tpu.memref_slice %arg19[%add3A_45, %dma_start3A_214] : memref<10112x128xf32, #tpu.memory_space<vmem_shared>> -> memref<64x128xf32, #tpu.memory_space<vmem_shared>>
      %dma_start3A_216 = arith.constant 0 : i32
      %dma_start3A_217 = tpu.memref_slice %arg19[%add3A_45, %dma_start3A_216] : memref<10112x128xf32, #tpu.memory_space<vmem_shared>> -> memref<64x128xf32, #tpu.memory_space<vmem_shared>>
      %dma_start3A_218 = arith.constant 0 : i32
      %dma_start3A_219 = arith.constant 0 : i32
      %dma_start3A_220 = tpu.memref_slice %arg16[%run_scoped3A_46, %dma_start3A_218, %dma_start3A_219] : memref<2x64x128xf32, #tpu.memory_space<vmem>> -> memref<1x64x128xf32, #tpu.memory_space<vmem>>
      %dma_start3A_221 = tpu.memref_squeeze %dma_start3A_220 : memref<1x64x128xf32, #tpu.memory_space<vmem>> -> memref<64x128xf32, #tpu.memory_space<vmem>>
      tpu.enqueue_dma source(%dma_start3A_221 : memref<64x128xf32, #tpu.memory_space<vmem>>) target(%dma_start3A_217 : memref<64x128xf32, #tpu.memory_space<vmem_shared>>) target_semaphore(%run_scoped3A_209 : memref<!tpu.dma_semaphore, #tpu.memory_space<semaphore_mem>>)
      %dma_wait3A_222 = arith.constant 0 : i32
      %dma_wait3A_223 = arith.constant 0 : i32
      %dma_wait3A_224 = tpu.memref_slice %arg16[%run_scoped3A_46, %dma_wait3A_222, %dma_wait3A_223] : memref<2x64x128xf32, #tpu.memory_space<vmem>> -> memref<1x64x128xf32, #tpu.memory_space<vmem>>
      %dma_wait3A_225 = tpu.memref_squeeze %dma_wait3A_224 : memref<1x64x128xf32, #tpu.memory_space<vmem>> -> memref<64x128xf32, #tpu.memory_space<vmem>>
      %dma_wait3A_226 = arith.constant 0 : i32
      %dma_wait3A_227 = tpu.memref_slice %arg19[%add3A_45, %dma_wait3A_226] : memref<10112x128xf32, #tpu.memory_space<vmem_shared>> -> memref<64x128xf32, #tpu.memory_space<vmem_shared>>
      %dma_wait3A_228 = arith.constant 0 : i32
      %dma_wait3A_229 = tpu.memref_slice %arg19[%add3A_45, %dma_wait3A_228] : memref<10112x128xf32, #tpu.memory_space<vmem_shared>> -> memref<64x128xf32, #tpu.memory_space<vmem_shared>>
      %dma_wait3A_230 = arith.constant 0 : i32
      %dma_wait3A_231 = arith.constant 0 : i32
      %dma_wait3A_232 = tpu.memref_slice %arg16[%run_scoped3A_46, %dma_wait3A_230, %dma_wait3A_231] : memref<2x64x128xf32, #tpu.memory_space<vmem>> -> memref<1x64x128xf32, #tpu.memory_space<vmem>>
      %dma_wait3A_233 = tpu.memref_squeeze %dma_wait3A_232 : memref<1x64x128xf32, #tpu.memory_space<vmem>> -> memref<64x128xf32, #tpu.memory_space<vmem>>
      tpu.wait_dma2 semaphore(%run_scoped3A_209 : memref<!tpu.dma_semaphore, #tpu.memory_space<semaphore_mem>>) src(%dma_wait3A_233 : memref<64x128xf32, #tpu.memory_space<vmem>>) dst(%dma_wait3A_229 : memref<64x128xf32, #tpu.memory_space<vmem_shared>>)
      tpu.yield
    }) : () -> ()
    %mul3A_47 = arith.constant 632 : i32
    %mul3A_48 = arith.muli %arg1, %mul3A_47 : i32
    %add3A_49 = arith.constant 448 : i32
    %add3A_50 = arith.addi %mul3A_48, %add3A_49 : i32
    %run_scoped3A_51 = arith.constant 0 : i32
    "tpu.region"() ({
      %run_scoped3A_209 = tpu.sem_alloc : memref<!tpu.dma_semaphore, #tpu.memory_space<semaphore_mem>>
      %dma_start3A_210 = arith.constant 0 : i32
      %dma_start3A_211 = arith.constant 0 : i32
      %dma_start3A_212 = tpu.memref_slice %arg16[%run_scoped3A_51, %dma_start3A_210, %dma_start3A_211] : memref<2x64x128xf32, #tpu.memory_space<vmem>> -> memref<1x64x128xf32, #tpu.memory_space<vmem>>
      %dma_start3A_213 = tpu.memref_squeeze %dma_start3A_212 : memref<1x64x128xf32, #tpu.memory_space<vmem>> -> memref<64x128xf32, #tpu.memory_space<vmem>>
      %dma_start3A_214 = arith.constant 0 : i32
      %dma_start3A_215 = tpu.memref_slice %arg19[%add3A_50, %dma_start3A_214] : memref<10112x128xf32, #tpu.memory_space<vmem_shared>> -> memref<64x128xf32, #tpu.memory_space<vmem_shared>>
      %dma_start3A_216 = arith.constant 0 : i32
      %dma_start3A_217 = tpu.memref_slice %arg19[%add3A_50, %dma_start3A_216] : memref<10112x128xf32, #tpu.memory_space<vmem_shared>> -> memref<64x128xf32, #tpu.memory_space<vmem_shared>>
      %dma_start3A_218 = arith.constant 0 : i32
      %dma_start3A_219 = arith.constant 0 : i32
      %dma_start3A_220 = tpu.memref_slice %arg16[%run_scoped3A_51, %dma_start3A_218, %dma_start3A_219] : memref<2x64x128xf32, #tpu.memory_space<vmem>> -> memref<1x64x128xf32, #tpu.memory_space<vmem>>
      %dma_start3A_221 = tpu.memref_squeeze %dma_start3A_220 : memref<1x64x128xf32, #tpu.memory_space<vmem>> -> memref<64x128xf32, #tpu.memory_space<vmem>>
      tpu.enqueue_dma source(%dma_start3A_221 : memref<64x128xf32, #tpu.memory_space<vmem>>) target(%dma_start3A_217 : memref<64x128xf32, #tpu.memory_space<vmem_shared>>) target_semaphore(%run_scoped3A_209 : memref<!tpu.dma_semaphore, #tpu.memory_space<semaphore_mem>>)
      %dma_wait3A_222 = arith.constant 0 : i32
      %dma_wait3A_223 = arith.constant 0 : i32
      %dma_wait3A_224 = tpu.memref_slice %arg16[%run_scoped3A_51, %dma_wait3A_222, %dma_wait3A_223] : memref<2x64x128xf32, #tpu.memory_space<vmem>> -> memref<1x64x128xf32, #tpu.memory_space<vmem>>
      %dma_wait3A_225 = tpu.memref_squeeze %dma_wait3A_224 : memref<1x64x128xf32, #tpu.memory_space<vmem>> -> memref<64x128xf32, #tpu.memory_space<vmem>>
      %dma_wait3A_226 = arith.constant 0 : i32
      %dma_wait3A_227 = tpu.memref_slice %arg19[%add3A_50, %dma_wait3A_226] : memref<10112x128xf32, #tpu.memory_space<vmem_shared>> -> memref<64x128xf32, #tpu.memory_space<vmem_shared>>
      %dma_wait3A_228 = arith.constant 0 : i32
      %dma_wait3A_229 = tpu.memref_slice %arg19[%add3A_50, %dma_wait3A_228] : memref<10112x128xf32, #tpu.memory_space<vmem_shared>> -> memref<64x128xf32, #tpu.memory_space<vmem_shared>>
      %dma_wait3A_230 = arith.constant 0 : i32
      %dma_wait3A_231 = arith.constant 0 : i32
      %dma_wait3A_232 = tpu.memref_slice %arg16[%run_scoped3A_51, %dma_wait3A_230, %dma_wait3A_231] : memref<2x64x128xf32, #tpu.memory_space<vmem>> -> memref<1x64x128xf32, #tpu.memory_space<vmem>>
      %dma_wait3A_233 = tpu.memref_squeeze %dma_wait3A_232 : memref<1x64x128xf32, #tpu.memory_space<vmem>> -> memref<64x128xf32, #tpu.memory_space<vmem>>
      tpu.wait_dma2 semaphore(%run_scoped3A_209 : memref<!tpu.dma_semaphore, #tpu.memory_space<semaphore_mem>>) src(%dma_wait3A_233 : memref<64x128xf32, #tpu.memory_space<vmem>>) dst(%dma_wait3A_229 : memref<64x128xf32, #tpu.memory_space<vmem_shared>>)
      tpu.yield
    }) : () -> ()
    %mul3A_52 = arith.constant 632 : i32
    %mul3A_53 = arith.muli %arg1, %mul3A_52 : i32
    %add3A_54 = arith.constant 512 : i32
    %add3A_55 = arith.addi %mul3A_53, %add3A_54 : i32
    %run_scoped3A_56 = arith.constant 0 : i32
    "tpu.region"() ({
      %run_scoped3A_209 = tpu.sem_alloc : memref<!tpu.dma_semaphore, #tpu.memory_space<semaphore_mem>>
      %dma_start3A_210 = arith.constant 0 : i32
      %dma_start3A_211 = arith.constant 0 : i32
      %dma_start3A_212 = tpu.memref_slice %arg16[%run_scoped3A_56, %dma_start3A_210, %dma_start3A_211] : memref<2x64x128xf32, #tpu.memory_space<vmem>> -> memref<1x64x128xf32, #tpu.memory_space<vmem>>
      %dma_start3A_213 = tpu.memref_squeeze %dma_start3A_212 : memref<1x64x128xf32, #tpu.memory_space<vmem>> -> memref<64x128xf32, #tpu.memory_space<vmem>>
      %dma_start3A_214 = arith.constant 0 : i32
      %dma_start3A_215 = tpu.memref_slice %arg19[%add3A_55, %dma_start3A_214] : memref<10112x128xf32, #tpu.memory_space<vmem_shared>> -> memref<64x128xf32, #tpu.memory_space<vmem_shared>>
      %dma_start3A_216 = arith.constant 0 : i32
      %dma_start3A_217 = tpu.memref_slice %arg19[%add3A_55, %dma_start3A_216] : memref<10112x128xf32, #tpu.memory_space<vmem_shared>> -> memref<64x128xf32, #tpu.memory_space<vmem_shared>>
      %dma_start3A_218 = arith.constant 0 : i32
      %dma_start3A_219 = arith.constant 0 : i32
      %dma_start3A_220 = tpu.memref_slice %arg16[%run_scoped3A_56, %dma_start3A_218, %dma_start3A_219] : memref<2x64x128xf32, #tpu.memory_space<vmem>> -> memref<1x64x128xf32, #tpu.memory_space<vmem>>
      %dma_start3A_221 = tpu.memref_squeeze %dma_start3A_220 : memref<1x64x128xf32, #tpu.memory_space<vmem>> -> memref<64x128xf32, #tpu.memory_space<vmem>>
      tpu.enqueue_dma source(%dma_start3A_221 : memref<64x128xf32, #tpu.memory_space<vmem>>) target(%dma_start3A_217 : memref<64x128xf32, #tpu.memory_space<vmem_shared>>) target_semaphore(%run_scoped3A_209 : memref<!tpu.dma_semaphore, #tpu.memory_space<semaphore_mem>>)
      %dma_wait3A_222 = arith.constant 0 : i32
      %dma_wait3A_223 = arith.constant 0 : i32
      %dma_wait3A_224 = tpu.memref_slice %arg16[%run_scoped3A_56, %dma_wait3A_222, %dma_wait3A_223] : memref<2x64x128xf32, #tpu.memory_space<vmem>> -> memref<1x64x128xf32, #tpu.memory_space<vmem>>
      %dma_wait3A_225 = tpu.memref_squeeze %dma_wait3A_224 : memref<1x64x128xf32, #tpu.memory_space<vmem>> -> memref<64x128xf32, #tpu.memory_space<vmem>>
      %dma_wait3A_226 = arith.constant 0 : i32
      %dma_wait3A_227 = tpu.memref_slice %arg19[%add3A_55, %dma_wait3A_226] : memref<10112x128xf32, #tpu.memory_space<vmem_shared>> -> memref<64x128xf32, #tpu.memory_space<vmem_shared>>
      %dma_wait3A_228 = arith.constant 0 : i32
      %dma_wait3A_229 = tpu.memref_slice %arg19[%add3A_55, %dma_wait3A_228] : memref<10112x128xf32, #tpu.memory_space<vmem_shared>> -> memref<64x128xf32, #tpu.memory_space<vmem_shared>>
      %dma_wait3A_230 = arith.constant 0 : i32
      %dma_wait3A_231 = arith.constant 0 : i32
      %dma_wait3A_232 = tpu.memref_slice %arg16[%run_scoped3A_56, %dma_wait3A_230, %dma_wait3A_231] : memref<2x64x128xf32, #tpu.memory_space<vmem>> -> memref<1x64x128xf32, #tpu.memory_space<vmem>>
      %dma_wait3A_233 = tpu.memref_squeeze %dma_wait3A_232 : memref<1x64x128xf32, #tpu.memory_space<vmem>> -> memref<64x128xf32, #tpu.memory_space<vmem>>
      tpu.wait_dma2 semaphore(%run_scoped3A_209 : memref<!tpu.dma_semaphore, #tpu.memory_space<semaphore_mem>>) src(%dma_wait3A_233 : memref<64x128xf32, #tpu.memory_space<vmem>>) dst(%dma_wait3A_229 : memref<64x128xf32, #tpu.memory_space<vmem_shared>>)
      tpu.yield
    }) : () -> ()
    %mul3A_57 = arith.constant 632 : i32
    %mul3A_58 = arith.muli %arg1, %mul3A_57 : i32
    %add3A_59 = arith.constant 576 : i32
    %add3A_60 = arith.addi %mul3A_58, %add3A_59 : i32
    %run_scoped3A_61 = arith.constant 0 : i32
    "tpu.region"() ({
      %run_scoped3A_209 = tpu.sem_alloc : memref<!tpu.dma_semaphore, #tpu.memory_space<semaphore_mem>>
      %dma_start3A_210 = arith.constant 0 : i32
      %dma_start3A_211 = arith.constant 0 : i32
      %dma_start3A_212 = tpu.memref_slice %arg16[%run_scoped3A_61, %dma_start3A_210, %dma_start3A_211] : memref<2x64x128xf32, #tpu.memory_space<vmem>> -> memref<1x56x128xf32, #tpu.memory_space<vmem>>
      %dma_start3A_213 = tpu.memref_squeeze %dma_start3A_212 : memref<1x56x128xf32, #tpu.memory_space<vmem>> -> memref<56x128xf32, #tpu.memory_space<vmem>>
      %dma_start3A_214 = arith.constant 0 : i32
      %dma_start3A_215 = tpu.memref_slice %arg19[%add3A_60, %dma_start3A_214] : memref<10112x128xf32, #tpu.memory_space<vmem_shared>> -> memref<56x128xf32, #tpu.memory_space<vmem_shared>>
      %dma_start3A_216 = arith.constant 0 : i32
      %dma_start3A_217 = tpu.memref_slice %arg19[%add3A_60, %dma_start3A_216] : memref<10112x128xf32, #tpu.memory_space<vmem_shared>> -> memref<56x128xf32, #tpu.memory_space<vmem_shared>>
      %dma_start3A_218 = arith.constant 0 : i32
      %dma_start3A_219 = arith.constant 0 : i32
      %dma_start3A_220 = tpu.memref_slice %arg16[%run_scoped3A_61, %dma_start3A_218, %dma_start3A_219] : memref<2x64x128xf32, #tpu.memory_space<vmem>> -> memref<1x56x128xf32, #tpu.memory_space<vmem>>
      %dma_start3A_221 = tpu.memref_squeeze %dma_start3A_220 : memref<1x56x128xf32, #tpu.memory_space<vmem>> -> memref<56x128xf32, #tpu.memory_space<vmem>>
      tpu.enqueue_dma source(%dma_start3A_221 : memref<56x128xf32, #tpu.memory_space<vmem>>) target(%dma_start3A_217 : memref<56x128xf32, #tpu.memory_space<vmem_shared>>) target_semaphore(%run_scoped3A_209 : memref<!tpu.dma_semaphore, #tpu.memory_space<semaphore_mem>>)
      %dma_wait3A_222 = arith.constant 0 : i32
      %dma_wait3A_223 = arith.constant 0 : i32
      %dma_wait3A_224 = tpu.memref_slice %arg16[%run_scoped3A_61, %dma_wait3A_222, %dma_wait3A_223] : memref<2x64x128xf32, #tpu.memory_space<vmem>> -> memref<1x56x128xf32, #tpu.memory_space<vmem>>
      %dma_wait3A_225 = tpu.memref_squeeze %dma_wait3A_224 : memref<1x56x128xf32, #tpu.memory_space<vmem>> -> memref<56x128xf32, #tpu.memory_space<vmem>>
      %dma_wait3A_226 = arith.constant 0 : i32
      %dma_wait3A_227 = tpu.memref_slice %arg19[%add3A_60, %dma_wait3A_226] : memref<10112x128xf32, #tpu.memory_space<vmem_shared>> -> memref<56x128xf32, #tpu.memory_space<vmem_shared>>
      %dma_wait3A_228 = arith.constant 0 : i32
      %dma_wait3A_229 = tpu.memref_slice %arg19[%add3A_60, %dma_wait3A_228] : memref<10112x128xf32, #tpu.memory_space<vmem_shared>> -> memref<56x128xf32, #tpu.memory_space<vmem_shared>>
      %dma_wait3A_230 = arith.constant 0 : i32
      %dma_wait3A_231 = arith.constant 0 : i32
      %dma_wait3A_232 = tpu.memref_slice %arg16[%run_scoped3A_61, %dma_wait3A_230, %dma_wait3A_231] : memref<2x64x128xf32, #tpu.memory_space<vmem>> -> memref<1x56x128xf32, #tpu.memory_space<vmem>>
      %dma_wait3A_233 = tpu.memref_squeeze %dma_wait3A_232 : memref<1x56x128xf32, #tpu.memory_space<vmem>> -> memref<56x128xf32, #tpu.memory_space<vmem>>
      tpu.wait_dma2 semaphore(%run_scoped3A_209 : memref<!tpu.dma_semaphore, #tpu.memory_space<semaphore_mem>>) src(%dma_wait3A_233 : memref<56x128xf32, #tpu.memory_space<vmem>>) dst(%dma_wait3A_229 : memref<56x128xf32, #tpu.memory_space<vmem_shared>>)
      tpu.yield
    }) : () -> ()
    %mul3A_62 = arith.constant 640 : i32
    %mul3A_63 = arith.muli %arg1, %mul3A_62 : i32
    "tpu.region"() ({
      %run_scoped3A_209 = tpu.sem_alloc : memref<!tpu.dma_semaphore, #tpu.memory_space<semaphore_mem>>
      %dma_start3A_210 = tpu.memref_slice %arg20[%mul3A_63] : memref<10240xf32, #tpu.memory_space<vmem_shared>> -> memref<640xf32, #tpu.memory_space<vmem_shared>>
      %dma_start3A_211 = tpu.memref_slice %arg20[%mul3A_63] : memref<10240xf32, #tpu.memory_space<vmem_shared>> -> memref<640xf32, #tpu.memory_space<vmem_shared>>
      tpu.enqueue_dma source(%arg17 : memref<640xf32, #tpu.memory_space<vmem>>) target(%dma_start3A_211 : memref<640xf32, #tpu.memory_space<vmem_shared>>) target_semaphore(%run_scoped3A_209 : memref<!tpu.dma_semaphore, #tpu.memory_space<semaphore_mem>>)
      %dma_wait3A_212 = tpu.memref_slice %arg20[%mul3A_63] : memref<10240xf32, #tpu.memory_space<vmem_shared>> -> memref<640xf32, #tpu.memory_space<vmem_shared>>
      %dma_wait3A_213 = tpu.memref_slice %arg20[%mul3A_63] : memref<10240xf32, #tpu.memory_space<vmem_shared>> -> memref<640xf32, #tpu.memory_space<vmem_shared>>
      tpu.wait_dma2 semaphore(%run_scoped3A_209 : memref<!tpu.dma_semaphore, #tpu.memory_space<semaphore_mem>>) src(%arg17 : memref<640xf32, #tpu.memory_space<vmem>>) dst(%dma_wait3A_213 : memref<640xf32, #tpu.memory_space<vmem_shared>>)
      tpu.yield
    }) : () -> ()
    "tpu.region"() ({
      %run_scoped3A_209 = tpu.sem_alloc : memref<!tpu.dma_semaphore, #tpu.memory_space<semaphore_mem>>
      %dma_start3A_210 = arith.constant 0 : i32
      %dma_start3A_211 = tpu.memref_slice %arg10[%dma_start3A_210] : memref<10016xf32, #tpu.memory_space<vmem>> -> memref<10000xf32, #tpu.memory_space<vmem>>
      %dma_start3A_212 = arith.constant 0 : i32
      %dma_start3A_213 = tpu.memref_slice %arg10[%dma_start3A_212] : memref<10016xf32, #tpu.memory_space<vmem>> -> memref<10000xf32, #tpu.memory_space<vmem>>
      tpu.enqueue_dma source(%arg5 : memref<10000xf32, #tpu.memory_space<hbm>>) target(%dma_start3A_213 : memref<10000xf32, #tpu.memory_space<vmem>>) target_semaphore(%run_scoped3A_209 : memref<!tpu.dma_semaphore, #tpu.memory_space<semaphore_mem>>)
      %dma_wait3A_214 = arith.constant 0 : i32
      %dma_wait3A_215 = tpu.memref_slice %arg10[%dma_wait3A_214] : memref<10016xf32, #tpu.memory_space<vmem>> -> memref<10000xf32, #tpu.memory_space<vmem>>
      %dma_wait3A_216 = arith.constant 0 : i32
      %dma_wait3A_217 = tpu.memref_slice %arg10[%dma_wait3A_216] : memref<10016xf32, #tpu.memory_space<vmem>> -> memref<10000xf32, #tpu.memory_space<vmem>>
      tpu.wait_dma2 semaphore(%run_scoped3A_209 : memref<!tpu.dma_semaphore, #tpu.memory_space<semaphore_mem>>) src(%arg5 : memref<10000xf32, #tpu.memory_space<hbm>>) dst(%dma_wait3A_217 : memref<10000xf32, #tpu.memory_space<vmem>>)
      tpu.yield
    }) : () -> ()
    "tpu.region"() ({
      %run_scoped3A_209 = tpu.sem_alloc : memref<!tpu.dma_semaphore, #tpu.memory_space<semaphore_mem>>
      %dma_start3A_210 = arith.constant 0 : i32
      %dma_start3A_211 = tpu.memref_slice %arg11[%dma_start3A_210] : memref<10016xf32, #tpu.memory_space<vmem>> -> memref<10000xf32, #tpu.memory_space<vmem>>
      %dma_start3A_212 = arith.constant 0 : i32
      %dma_start3A_213 = tpu.memref_slice %arg11[%dma_start3A_212] : memref<10016xf32, #tpu.memory_space<vmem>> -> memref<10000xf32, #tpu.memory_space<vmem>>
      tpu.enqueue_dma source(%arg6 : memref<10000xf32, #tpu.memory_space<hbm>>) target(%dma_start3A_213 : memref<10000xf32, #tpu.memory_space<vmem>>) target_semaphore(%run_scoped3A_209 : memref<!tpu.dma_semaphore, #tpu.memory_space<semaphore_mem>>)
      %dma_wait3A_214 = arith.constant 0 : i32
      %dma_wait3A_215 = tpu.memref_slice %arg11[%dma_wait3A_214] : memref<10016xf32, #tpu.memory_space<vmem>> -> memref<10000xf32, #tpu.memory_space<vmem>>
      %dma_wait3A_216 = arith.constant 0 : i32
      %dma_wait3A_217 = tpu.memref_slice %arg11[%dma_wait3A_216] : memref<10016xf32, #tpu.memory_space<vmem>> -> memref<10000xf32, #tpu.memory_space<vmem>>
      tpu.wait_dma2 semaphore(%run_scoped3A_209 : memref<!tpu.dma_semaphore, #tpu.memory_space<semaphore_mem>>) src(%arg6 : memref<10000xf32, #tpu.memory_space<hbm>>) dst(%dma_wait3A_217 : memref<10000xf32, #tpu.memory_space<vmem>>)
      tpu.yield
    }) : () -> ()
    %swap3A = arith.constant 10000 : index
    %swap3A_64 = tpu.vector_load %arg10[%swap3A] {strides = array<i32>} : memref<10016xf32, #tpu.memory_space<vmem>>, vector<16xf32>,
    tpu.vector_store %arg10[%swap3A], %broadcast_in_dim3A_1 {strides = array<i32>} : memref<10016xf32, #tpu.memory_space<vmem>>, vector<16xf32>,
    %swap3A_65 = arith.constant 10000 : index
    %swap3A_66 = tpu.vector_load %arg11[%swap3A_65] {strides = array<i32>} : memref<10016xf32, #tpu.memory_space<vmem>>, vector<16xf32>,
    tpu.vector_store %arg11[%swap3A_65], %broadcast_in_dim3A_1 {strides = array<i32>} : memref<10016xf32, #tpu.memory_space<vmem>>, vector<16xf32>,
    "tpu.region"() ({
      %run_scoped3A_209 = tpu.sem_alloc : memref<!tpu.dma_semaphore, #tpu.memory_space<semaphore_mem>>
      tpu.enqueue_dma source(%arg7 : memref<16xf32, #tpu.memory_space<hbm>>) target(%arg18 : memref<16xf32, #tpu.memory_space<vmem>>) target_semaphore(%run_scoped3A_209 : memref<!tpu.dma_semaphore, #tpu.memory_space<semaphore_mem>>)
      tpu.wait_dma2 semaphore(%run_scoped3A_209 : memref<!tpu.dma_semaphore, #tpu.memory_space<semaphore_mem>>) src(%arg7 : memref<16xf32, #tpu.memory_space<hbm>>) dst(%arg18 : memref<16xf32, #tpu.memory_space<vmem>>)
      tpu.yield
    }) : () -> ()
    %get3A = arith.constant 0 : index
    %get3A_67 = tpu.vector_load %arg18[%get3A] {strides = array<i32>} : memref<16xf32, #tpu.memory_space<vmem>>, vector<16xf32>,
    %barrier3A = arith.constant 0 : index
    tpu.barrier barrier_id(%barrier3A)
    %mul3A_68 = arith.constant 10240 : i32
    %mul3A_69 = arith.muli %add3A, %mul3A_68 : i32
    %add3A_70 = arith.constant 0 : i32
    %add3A_71 = arith.addi %mul3A_69, %add3A_70 : i32
    %dma_start3A = arith.constant 0 : i32
    %dma_start3A_72 = arith.constant 0 : i32
    %dma_start3A_73 = arith.constant 0 : i32
    %dma_start3A_74 = tpu.memref_slice %arg12[%dma_start3A, %dma_start3A_73] : memref<3x64xi32, #tpu.memory_space<vmem>> -> memref<1x64xi32, #tpu.memory_space<vmem>>
    %dma_start3A_75 = tpu.memref_squeeze %dma_start3A_74 : memref<1x64xi32, #tpu.memory_space<vmem>> -> memref<64xi32, #tpu.memory_space<vmem>>
    %dma_start3A_76 = tpu.memref_slice %arg3[%add3A_71] : memref<327680xi32, #tpu.memory_space<hbm>> -> memref<64xi32, #tpu.memory_space<hbm>>
    %dma_start3A_77 = tpu.memref_slice %arg22[%dma_start3A_72] : memref<3x!tpu.dma_semaphore, #tpu.memory_space<semaphore_mem>> -> memref<1x!tpu.dma_semaphore, #tpu.memory_space<semaphore_mem>>
    %dma_start3A_78 = tpu.memref_squeeze %dma_start3A_77 : memref<1x!tpu.dma_semaphore, #tpu.memory_space<semaphore_mem>> -> memref<!tpu.dma_semaphore, #tpu.memory_space<semaphore_mem>>
    %dma_start3A_79 = arith.constant 0 : i32
    %dma_start3A_80 = tpu.memref_slice %arg12[%dma_start3A, %dma_start3A_79] : memref<3x64xi32, #tpu.memory_space<vmem>> -> memref<1x64xi32, #tpu.memory_space<vmem>>
    %dma_start3A_81 = tpu.memref_squeeze %dma_start3A_80 : memref<1x64xi32, #tpu.memory_space<vmem>> -> memref<64xi32, #tpu.memory_space<vmem>>
    %dma_start3A_82 = tpu.memref_slice %arg3[%add3A_71] : memref<327680xi32, #tpu.memory_space<hbm>> -> memref<64xi32, #tpu.memory_space<hbm>>
    tpu.enqueue_dma source(%dma_start3A_82 : memref<64xi32, #tpu.memory_space<hbm>>) target(%dma_start3A_81 : memref<64xi32, #tpu.memory_space<vmem>>) target_semaphore(%dma_start3A_78 : memref<!tpu.dma_semaphore, #tpu.memory_space<semaphore_mem>>)
    %dma_start3A_83 = arith.constant 0 : i32
    %dma_start3A_84 = arith.constant 0 : i32
    %dma_start3A_85 = arith.constant 0 : i32
    %dma_start3A_86 = tpu.memref_slice %arg13[%dma_start3A_83, %dma_start3A_85] : memref<3x64xi32, #tpu.memory_space<vmem>> -> memref<1x64xi32, #tpu.memory_space<vmem>>
    %dma_start3A_87 = tpu.memref_squeeze %dma_start3A_86 : memref<1x64xi32, #tpu.memory_space<vmem>> -> memref<64xi32, #tpu.memory_space<vmem>>
    %dma_start3A_88 = tpu.memref_slice %arg4[%add3A_71] : memref<327680xi32, #tpu.memory_space<hbm>> -> memref<64xi32, #tpu.memory_space<hbm>>
    %dma_start3A_89 = tpu.memref_slice %arg22[%dma_start3A_84] : memref<3x!tpu.dma_semaphore, #tpu.memory_space<semaphore_mem>> -> memref<1x!tpu.dma_semaphore, #tpu.memory_space<semaphore_mem>>
    %dma_start3A_90 = tpu.memref_squeeze %dma_start3A_89 : memref<1x!tpu.dma_semaphore, #tpu.memory_space<semaphore_mem>> -> memref<!tpu.dma_semaphore, #tpu.memory_space<semaphore_mem>>
    %dma_start3A_91 = arith.constant 0 : i32
    %dma_start3A_92 = tpu.memref_slice %arg13[%dma_start3A_83, %dma_start3A_91] : memref<3x64xi32, #tpu.memory_space<vmem>> -> memref<1x64xi32, #tpu.memory_space<vmem>>
    %dma_start3A_93 = tpu.memref_squeeze %dma_start3A_92 : memref<1x64xi32, #tpu.memory_space<vmem>> -> memref<64xi32, #tpu.memory_space<vmem>>
    %dma_start3A_94 = tpu.memref_slice %arg4[%add3A_71] : memref<327680xi32, #tpu.memory_space<hbm>> -> memref<64xi32, #tpu.memory_space<hbm>>
    tpu.enqueue_dma source(%dma_start3A_94 : memref<64xi32, #tpu.memory_space<hbm>>) target(%dma_start3A_93 : memref<64xi32, #tpu.memory_space<vmem>>) target_semaphore(%dma_start3A_90 : memref<!tpu.dma_semaphore, #tpu.memory_space<semaphore_mem>>)
    %dma_wait3A = arith.constant 0 : i32
    %dma_wait3A_95 = arith.constant 0 : i32
    %dma_wait3A_96 = arith.constant 0 : i32
    %dma_wait3A_97 = tpu.memref_slice %arg12[%dma_wait3A, %dma_wait3A_96] : memref<3x64xi32, #tpu.memory_space<vmem>> -> memref<1x64xi32, #tpu.memory_space<vmem>>
    %dma_wait3A_98 = tpu.memref_squeeze %dma_wait3A_97 : memref<1x64xi32, #tpu.memory_space<vmem>> -> memref<64xi32, #tpu.memory_space<vmem>>
    %dma_wait3A_99 = arith.constant 0 : i32
    %dma_wait3A_100 = tpu.memref_slice %arg3[%dma_wait3A_99] : memref<327680xi32, #tpu.memory_space<hbm>> -> memref<64xi32, #tpu.memory_space<hbm>>
    %dma_wait3A_101 = tpu.memref_slice %arg22[%dma_wait3A_95] : memref<3x!tpu.dma_semaphore, #tpu.memory_space<semaphore_mem>> -> memref<1x!tpu.dma_semaphore, #tpu.memory_space<semaphore_mem>>
    %dma_wait3A_102 = tpu.memref_squeeze %dma_wait3A_101 : memref<1x!tpu.dma_semaphore, #tpu.memory_space<semaphore_mem>> -> memref<!tpu.dma_semaphore, #tpu.memory_space<semaphore_mem>>
    %dma_wait3A_103 = arith.constant 0 : i32
    %dma_wait3A_104 = tpu.memref_slice %arg12[%dma_wait3A, %dma_wait3A_103] : memref<3x64xi32, #tpu.memory_space<vmem>> -> memref<1x64xi32, #tpu.memory_space<vmem>>
    %dma_wait3A_105 = tpu.memref_squeeze %dma_wait3A_104 : memref<1x64xi32, #tpu.memory_space<vmem>> -> memref<64xi32, #tpu.memory_space<vmem>>
    %dma_wait3A_106 = arith.constant 0 : i32
    %dma_wait3A_107 = tpu.memref_slice %arg3[%dma_wait3A_106] : memref<327680xi32, #tpu.memory_space<hbm>> -> memref<64xi32, #tpu.memory_space<hbm>>
    tpu.wait_dma2 semaphore(%dma_wait3A_102 : memref<!tpu.dma_semaphore, #tpu.memory_space<semaphore_mem>>) src(%dma_wait3A_107 : memref<64xi32, #tpu.memory_space<hbm>>) dst(%dma_wait3A_105 : memref<64xi32, #tpu.memory_space<vmem>>)
    %dma_wait3A_108 = arith.constant 0 : i32
    %dma_wait3A_109 = arith.constant 0 : i32
    %dma_wait3A_110 = arith.constant 0 : i32
    %dma_wait3A_111 = tpu.memref_slice %arg13[%dma_wait3A_108, %dma_wait3A_110] : memref<3x64xi32, #tpu.memory_space<vmem>> -> memref<1x64xi32, #tpu.memory_space<vmem>>
    %dma_wait3A_112 = tpu.memref_squeeze %dma_wait3A_111 : memref<1x64xi32, #tpu.memory_space<vmem>> -> memref<64xi32, #tpu.memory_space<vmem>>
    %dma_wait3A_113 = arith.constant 0 : i32
    %dma_wait3A_114 = tpu.memref_slice %arg4[%dma_wait3A_113] : memref<327680xi32, #tpu.memory_space<hbm>> -> memref<64xi32, #tpu.memory_space<hbm>>
    %dma_wait3A_115 = tpu.memref_slice %arg22[%dma_wait3A_109] : memref<3x!tpu.dma_semaphore, #tpu.memory_space<semaphore_mem>> -> memref<1x!tpu.dma_semaphore, #tpu.memory_space<semaphore_mem>>
    %dma_wait3A_116 = tpu.memref_squeeze %dma_wait3A_115 : memref<1x!tpu.dma_semaphore, #tpu.memory_space<semaphore_mem>> -> memref<!tpu.dma_semaphore, #tpu.memory_space<semaphore_mem>>
    %dma_wait3A_117 = arith.constant 0 : i32
    %dma_wait3A_118 = tpu.memref_slice %arg13[%dma_wait3A_108, %dma_wait3A_117] : memref<3x64xi32, #tpu.memory_space<vmem>> -> memref<1x64xi32, #tpu.memory_space<vmem>>
    %dma_wait3A_119 = tpu.memref_squeeze %dma_wait3A_118 : memref<1x64xi32, #tpu.memory_space<vmem>> -> memref<64xi32, #tpu.memory_space<vmem>>
    %dma_wait3A_120 = arith.constant 0 : i32
    %dma_wait3A_121 = tpu.memref_slice %arg4[%dma_wait3A_120] : memref<327680xi32, #tpu.memory_space<hbm>> -> memref<64xi32, #tpu.memory_space<hbm>>
    tpu.wait_dma2 semaphore(%dma_wait3A_116 : memref<!tpu.dma_semaphore, #tpu.memory_space<semaphore_mem>>) src(%dma_wait3A_121 : memref<64xi32, #tpu.memory_space<hbm>>) dst(%dma_wait3A_119 : memref<64xi32, #tpu.memory_space<vmem>>)
    %dma_start3A_122 = arith.constant 0 : i32
    %dma_start3A_123 = arith.constant 0 : i32
    %dma_start3A_124 = arith.constant 0 : i32
    %dma_start3A_125 = arith.constant 0 : i32
    %dma_start3A_126 = arith.constant 0 : i32
    %dma_start3A_127 = tpu.memref_slice %arg15[%dma_start3A_123, %dma_start3A_125, %dma_start3A_126] : memref<2x64x64xi32, #tpu.memory_space<vmem>> -> memref<1x64x64xi32, #tpu.memory_space<vmem>>
    %dma_start3A_128 = tpu.memref_squeeze %dma_start3A_127 : memref<1x64x64xi32, #tpu.memory_space<vmem>> -> memref<64x64xi32, #tpu.memory_space<vmem>>
    %dma_start3A_129 = arith.constant 0 : i32
    %dma_start3A_130 = tpu.memref_slice %arg12[%dma_start3A_122, %dma_start3A_129] : memref<3x64xi32, #tpu.memory_space<vmem>> -> memref<1x64xi32, #tpu.memory_space<vmem>>
    %dma_start3A_131 = tpu.memref_squeeze %dma_start3A_130 : memref<1x64xi32, #tpu.memory_space<vmem>> -> memref<64xi32, #tpu.memory_space<vmem>>
    %dma_start3A_132 = arith.constant 0 : i32
    %dma_start3A_133 = arith.constant 0 : i32
    %dma_start3A_134 = tpu.memref_slice %arg2[%dma_start3A_132, %dma_start3A_133] : memref<10000x64xi32, #tpu.memory_space<hbm>> -> memref<10000x64xi32, #tpu.memory_space<hbm>>
    %dma_start3A_135 = tpu.memref_slice %arg21[%dma_start3A_124] : memref<2x!tpu.dma_semaphore, #tpu.memory_space<semaphore_mem>> -> memref<1x!tpu.dma_semaphore, #tpu.memory_space<semaphore_mem>>
    %dma_start3A_136 = tpu.memref_squeeze %dma_start3A_135 : memref<1x!tpu.dma_semaphore, #tpu.memory_space<semaphore_mem>> -> memref<!tpu.dma_semaphore, #tpu.memory_space<semaphore_mem>>
    tpu.enqueue_indirect_dma source(%dma_start3A_134 : memref<10000x64xi32, #tpu.memory_space<hbm>>) target(%dma_start3A_128 : memref<64x64xi32, #tpu.memory_space<vmem>>) offsets(%dma_start3A_131 : memref<64xi32, #tpu.memory_space<vmem>>) semaphore(%dma_start3A_136 : memref<!tpu.dma_semaphore, #tpu.memory_space<semaphore_mem>>)
    %add3A_137 = arith.constant 64 : i32
    %add3A_138 = arith.addi %mul3A_69, %add3A_137 : i32
    %dma_start3A_139 = arith.constant 1 : i32
    %dma_start3A_140 = arith.constant 1 : i32
    %dma_start3A_141 = arith.constant 0 : i32
    %dma_start3A_142 = tpu.memref_slice %arg12[%dma_start3A_139, %dma_start3A_141] : memref<3x64xi32, #tpu.memory_space<vmem>> -> memref<1x64xi32, #tpu.memory_space<vmem>>
    %dma_start3A_143 = tpu.memref_squeeze %dma_start3A_142 : memref<1x64xi32, #tpu.memory_space<vmem>> -> memref<64xi32, #tpu.memory_space<vmem>>
    %dma_start3A_144 = tpu.memref_slice %arg3[%add3A_138] : memref<327680xi32, #tpu.memory_space<hbm>> -> memref<64xi32, #tpu.memory_space<hbm>>
    %dma_start3A_145 = tpu.memref_slice %arg22[%dma_start3A_140] : memref<3x!tpu.dma_semaphore, #tpu.memory_space<semaphore_mem>> -> memref<1x!tpu.dma_semaphore, #tpu.memory_space<semaphore_mem>>
    %dma_start3A_146 = tpu.memref_squeeze %dma_start3A_145 : memref<1x!tpu.dma_semaphore, #tpu.memory_space<semaphore_mem>> -> memref<!tpu.dma_semaphore, #tpu.memory_space<semaphore_mem>>
    %dma_start3A_147 = arith.constant 0 : i32
    %dma_start3A_148 = tpu.memref_slice %arg12[%dma_start3A_139, %dma_start3A_147] : memref<3x64xi32, #tpu.memory_space<vmem>> -> memref<1x64xi32, #tpu.memory_space<vmem>>
    %dma_start3A_149 = tpu.memref_squeeze %dma_start3A_148 : memref<1x64xi32, #tpu.memory_space<vmem>> -> memref<64xi32, #tpu.memory_space<vmem>>
    %dma_start3A_150 = tpu.memref_slice %arg3[%add3A_138] : memref<327680xi32, #tpu.memory_space<hbm>> -> memref<64xi32, #tpu.memory_space<hbm>>
    tpu.enqueue_dma source(%dma_start3A_150 : memref<64xi32, #tpu.memory_space<hbm>>) target(%dma_start3A_149 : memref<64xi32, #tpu.memory_space<vmem>>) target_semaphore(%dma_start3A_146 : memref<!tpu.dma_semaphore, #tpu.memory_space<semaphore_mem>>)
    %dma_start3A_151 = arith.constant 1 : i32
    %dma_start3A_152 = arith.constant 1 : i32
    %dma_start3A_153 = arith.constant 0 : i32
    %dma_start3A_154 = tpu.memref_slice %arg13[%dma_start3A_151, %dma_start3A_153] : memref<3x64xi32, #tpu.memory_space<vmem>> -> memref<1x64xi32, #tpu.memory_space<vmem>>
    %dma_start3A_155 = tpu.memref_squeeze %dma_start3A_154 : memref<1x64xi32, #tpu.memory_space<vmem>> -> memref<64xi32, #tpu.memory_space<vmem>>
    %dma_start3A_156 = tpu.memref_slice %arg4[%add3A_138] : memref<327680xi32, #tpu.memory_space<hbm>> -> memref<64xi32, #tpu.memory_space<hbm>>
    %dma_start3A_157 = tpu.memref_slice %arg22[%dma_start3A_152] : memref<3x!tpu.dma_semaphore, #tpu.memory_space<semaphore_mem>> -> memref<1x!tpu.dma_semaphore, #tpu.memory_space<semaphore_mem>>
    %dma_start3A_158 = tpu.memref_squeeze %dma_start3A_157 : memref<1x!tpu.dma_semaphore, #tpu.memory_space<semaphore_mem>> -> memref<!tpu.dma_semaphore, #tpu.memory_space<semaphore_mem>>
    %dma_start3A_159 = arith.constant 0 : i32
    %dma_start3A_160 = tpu.memref_slice %arg13[%dma_start3A_151, %dma_start3A_159] : memref<3x64xi32, #tpu.memory_space<vmem>> -> memref<1x64xi32, #tpu.memory_space<vmem>>
    %dma_start3A_161 = tpu.memref_squeeze %dma_start3A_160 : memref<1x64xi32, #tpu.memory_space<vmem>> -> memref<64xi32, #tpu.memory_space<vmem>>
    %dma_start3A_162 = tpu.memref_slice %arg4[%add3A_138] : memref<327680xi32, #tpu.memory_space<hbm>> -> memref<64xi32, #tpu.memory_space<hbm>>
    tpu.enqueue_dma source(%dma_start3A_162 : memref<64xi32, #tpu.memory_space<hbm>>) target(%dma_start3A_161 : memref<64xi32, #tpu.memory_space<vmem>>) target_semaphore(%dma_start3A_158 : memref<!tpu.dma_semaphore, #tpu.memory_space<semaphore_mem>>)
    %scan3A_163 = arith.constant 0 : i32
    %scan3A_164 = arith.constant 0 : i32
    %scan3A_165 = arith.constant 160 : i32
    %scan3A_166 = arith.addi %scan3A_164, %scan3A_165 : i32
    %scan3A_167 = arith.constant 1 : i32
    scf.for %scan3A_209 = %scan3A_164 to %scan3A_166 step %scan3A_167  : i32 {
      %gt3A = arith.constant 0 : i32
      %gt3A_210 = arith.cmpi sgt, %scan3A_209, %gt3A : i32
      %convert_element_type3A = arith.extui %gt3A_210 : i1 to i32
      %cond3A = arith.constant 0 : i32
      %cond3A_211 = arith.cmpi ne, %convert_element_type3A, %cond3A : i32
      scf.if %cond3A_211 {
        %sub3A_436 = arith.constant 1 : i32
        %sub3A_437 = arith.subi %scan3A_209, %sub3A_436 : i32
        %jit3A_438 = arith.constant 2 : i32
        %eq3A_439 = arith.constant 0 : i32
        %eq3A_440 = arith.cmpi eq, %jit3A_438, %eq3A_439 : i32
        %jit3A_441 = arith.constant 1 : i32
        %select_n3A_442 = arith.select %eq3A_440, %jit3A_441, %jit3A_438 : i32
        %rem3A_443 = arith.remsi %sub3A_437, %select_n3A_442 : i32
        %ne3A_444 = arith.constant 0 : i32
        %ne3A_445 = arith.cmpi ne, %rem3A_443, %ne3A_444 : i32
        %lt3A_446 = arith.constant 0 : i32
        %lt3A_447 = arith.cmpi slt, %rem3A_443, %lt3A_446 : i32
        %lt3A_448 = arith.constant 0 : i32
        %lt3A_449 = arith.cmpi slt, %select_n3A_442, %lt3A_448 : i32
        %ne3A_450 = arith.xori %lt3A_447, %lt3A_449 : i1
        %and3A_451 = arith.andi %ne3A_450, %ne3A_445 : i1
        %add3A_452 = arith.addi %rem3A_443, %select_n3A_442 : i32
        %select_n3A_453 = arith.select %and3A_451, %add3A_452, %rem3A_443 : i32
        %jit3A_454 = arith.constant 3 : i32
        %eq3A_455 = arith.constant 0 : i32
        %eq3A_456 = arith.cmpi eq, %jit3A_454, %eq3A_455 : i32
        %jit3A_457 = arith.constant 1 : i32
        %select_n3A_458 = arith.select %eq3A_456, %jit3A_457, %jit3A_454 : i32
        %rem3A_459 = arith.remsi %sub3A_437, %select_n3A_458 : i32
        %ne3A_460 = arith.constant 0 : i32
        %ne3A_461 = arith.cmpi ne, %rem3A_459, %ne3A_460 : i32
        %lt3A_462 = arith.constant 0 : i32
        %lt3A_463 = arith.cmpi slt, %rem3A_459, %lt3A_462 : i32
        %lt3A_464 = arith.constant 0 : i32
        %lt3A_465 = arith.cmpi slt, %select_n3A_458, %lt3A_464 : i32
        %ne3A_466 = arith.xori %lt3A_463, %lt3A_465 : i1
        %and3A_467 = arith.andi %ne3A_466, %ne3A_461 : i1
        %add3A_468 = arith.addi %rem3A_459, %select_n3A_458 : i32
        %select_n3A_469 = arith.select %and3A_467, %add3A_468, %rem3A_459 : i32
        %dma_wait3A_470 = arith.constant 0 : i32
        %dma_wait3A_471 = tpu.memref_slice %arg14[%select_n3A_453, %dma_wait3A_470] : memref<2x64xf32, #tpu.memory_space<vmem>> -> memref<1x64xf32, #tpu.memory_space<vmem>>
        %dma_wait3A_472 = tpu.memref_squeeze %dma_wait3A_471 : memref<1x64xf32, #tpu.memory_space<vmem>> -> memref<64xf32, #tpu.memory_space<vmem>>
        %dma_wait3A_473 = arith.constant 0 : i32
        %dma_wait3A_474 = tpu.memref_slice %arg13[%select_n3A_469, %dma_wait3A_473] : memref<3x64xi32, #tpu.memory_space<vmem>> -> memref<1x64xi32, #tpu.memory_space<vmem>>
        %dma_wait3A_475 = tpu.memref_squeeze %dma_wait3A_474 : memref<1x64xi32, #tpu.memory_space<vmem>> -> memref<64xi32, #tpu.memory_space<vmem>>
        %dma_wait3A_476 = arith.constant 0 : i32
        %dma_wait3A_477 = tpu.memref_slice %arg20[%dma_wait3A_476] : memref<10240xf32, #tpu.memory_space<vmem_shared>> -> memref<10240xf32, #tpu.memory_space<vmem_shared>>
        %dma_wait3A_478 = tpu.memref_slice %arg23[%select_n3A_453] : memref<2x!tpu.dma_semaphore, #tpu.memory_space<semaphore_mem>> -> memref<1x!tpu.dma_semaphore, #tpu.memory_space<semaphore_mem>>
        %dma_wait3A_479 = tpu.memref_squeeze %dma_wait3A_478 : memref<1x!tpu.dma_semaphore, #tpu.memory_space<semaphore_mem>> -> memref<!tpu.dma_semaphore, #tpu.memory_space<semaphore_mem>>
        tpu.wait_indirect_dma semaphore(%dma_wait3A_479 : memref<!tpu.dma_semaphore, #tpu.memory_space<semaphore_mem>>) src(%dma_wait3A_472 : memref<64xf32, #tpu.memory_space<vmem>>) dst(%dma_wait3A_477 : memref<10240xf32, #tpu.memory_space<vmem_shared>>)
        %dma_wait3A_480 = arith.constant 0 : i32
        %dma_wait3A_481 = arith.constant 0 : i32
        %dma_wait3A_482 = tpu.memref_slice %arg16[%select_n3A_453, %dma_wait3A_480, %dma_wait3A_481] : memref<2x64x128xf32, #tpu.memory_space<vmem>> -> memref<1x64x128xf32, #tpu.memory_space<vmem>>
        %dma_wait3A_483 = tpu.memref_squeeze %dma_wait3A_482 : memref<1x64x128xf32, #tpu.memory_space<vmem>> -> memref<64x128xf32, #tpu.memory_space<vmem>>
        %dma_wait3A_484 = arith.constant 0 : i32
        %dma_wait3A_485 = tpu.memref_slice %arg13[%select_n3A_469, %dma_wait3A_484] : memref<3x64xi32, #tpu.memory_space<vmem>> -> memref<1x64xi32, #tpu.memory_space<vmem>>
        %dma_wait3A_486 = tpu.memref_squeeze %dma_wait3A_485 : memref<1x64xi32, #tpu.memory_space<vmem>> -> memref<64xi32, #tpu.memory_space<vmem>>
        %dma_wait3A_487 = arith.constant 0 : i32
        %dma_wait3A_488 = arith.constant 0 : i32
        %dma_wait3A_489 = tpu.memref_slice %arg19[%dma_wait3A_487, %dma_wait3A_488] : memref<10112x128xf32, #tpu.memory_space<vmem_shared>> -> memref<10112x128xf32, #tpu.memory_space<vmem_shared>>
        %dma_wait3A_490 = tpu.memref_slice %arg23[%select_n3A_453] : memref<2x!tpu.dma_semaphore, #tpu.memory_space<semaphore_mem>> -> memref<1x!tpu.dma_semaphore, #tpu.memory_space<semaphore_mem>>
        %dma_wait3A_491 = tpu.memref_squeeze %dma_wait3A_490 : memref<1x!tpu.dma_semaphore, #tpu.memory_space<semaphore_mem>> -> memref<!tpu.dma_semaphore, #tpu.memory_space<semaphore_mem>>
        tpu.wait_indirect_dma semaphore(%dma_wait3A_491 : memref<!tpu.dma_semaphore, #tpu.memory_space<semaphore_mem>>) src(%dma_wait3A_483 : memref<64x128xf32, #tpu.memory_space<vmem>>) dst(%dma_wait3A_489 : memref<10112x128xf32, #tpu.memory_space<vmem_shared>>)
      } else {
      }
      %add3A_212 = arith.constant 1 : i32
      %add3A_213 = arith.addi %scan3A_209, %add3A_212 : i32
      %lt3A = arith.constant 160 : i32
      %lt3A_214 = arith.cmpi slt, %add3A_213, %lt3A : i32
      %convert_element_type3A_215 = arith.extui %lt3A_214 : i1 to i32
      %cond3A_216 = arith.constant 0 : i32
      %cond3A_217 = arith.cmpi ne, %convert_element_type3A_215, %cond3A_216 : i32
      scf.if %cond3A_217 {
        %add3A_436 = arith.constant 1 : i32
        %add3A_437 = arith.addi %scan3A_209, %add3A_436 : i32
        %jit3A_438 = arith.constant 3 : i32
        %eq3A_439 = arith.constant 0 : i32
        %eq3A_440 = arith.cmpi eq, %jit3A_438, %eq3A_439 : i32
        %jit3A_441 = arith.constant 1 : i32
        %select_n3A_442 = arith.select %eq3A_440, %jit3A_441, %jit3A_438 : i32
        %rem3A_443 = arith.remsi %add3A_437, %select_n3A_442 : i32
        %ne3A_444 = arith.constant 0 : i32
        %ne3A_445 = arith.cmpi ne, %rem3A_443, %ne3A_444 : i32
        %lt3A_446 = arith.constant 0 : i32
        %lt3A_447 = arith.cmpi slt, %rem3A_443, %lt3A_446 : i32
        %lt3A_448 = arith.constant 0 : i32
        %lt3A_449 = arith.cmpi slt, %select_n3A_442, %lt3A_448 : i32
        %ne3A_450 = arith.xori %lt3A_447, %lt3A_449 : i1
        %and3A_451 = arith.andi %ne3A_450, %ne3A_445 : i1
        %add3A_452 = arith.addi %rem3A_443, %select_n3A_442 : i32
        %select_n3A_453 = arith.select %and3A_451, %add3A_452, %rem3A_443 : i32
        %dma_wait3A_454 = arith.constant 0 : i32
        %dma_wait3A_455 = tpu.memref_slice %arg12[%select_n3A_453, %dma_wait3A_454] : memref<3x64xi32, #tpu.memory_space<vmem>> -> memref<1x64xi32, #tpu.memory_space<vmem>>
        %dma_wait3A_456 = tpu.memref_squeeze %dma_wait3A_455 : memref<1x64xi32, #tpu.memory_space<vmem>> -> memref<64xi32, #tpu.memory_space<vmem>>
        %dma_wait3A_457 = arith.constant 0 : i32
        %dma_wait3A_458 = tpu.memref_slice %arg3[%dma_wait3A_457] : memref<327680xi32, #tpu.memory_space<hbm>> -> memref<64xi32, #tpu.memory_space<hbm>>
        %dma_wait3A_459 = tpu.memref_slice %arg22[%select_n3A_453] : memref<3x!tpu.dma_semaphore, #tpu.memory_space<semaphore_mem>> -> memref<1x!tpu.dma_semaphore, #tpu.memory_space<semaphore_mem>>
        %dma_wait3A_460 = tpu.memref_squeeze %dma_wait3A_459 : memref<1x!tpu.dma_semaphore, #tpu.memory_space<semaphore_mem>> -> memref<!tpu.dma_semaphore, #tpu.memory_space<semaphore_mem>>
        %dma_wait3A_461 = arith.constant 0 : i32
        %dma_wait3A_462 = tpu.memref_slice %arg12[%select_n3A_453, %dma_wait3A_461] : memref<3x64xi32, #tpu.memory_space<vmem>> -> memref<1x64xi32, #tpu.memory_space<vmem>>
        %dma_wait3A_463 = tpu.memref_squeeze %dma_wait3A_462 : memref<1x64xi32, #tpu.memory_space<vmem>> -> memref<64xi32, #tpu.memory_space<vmem>>
        %dma_wait3A_464 = arith.constant 0 : i32
        %dma_wait3A_465 = tpu.memref_slice %arg3[%dma_wait3A_464] : memref<327680xi32, #tpu.memory_space<hbm>> -> memref<64xi32, #tpu.memory_space<hbm>>
        tpu.wait_dma2 semaphore(%dma_wait3A_460 : memref<!tpu.dma_semaphore, #tpu.memory_space<semaphore_mem>>) src(%dma_wait3A_465 : memref<64xi32, #tpu.memory_space<hbm>>) dst(%dma_wait3A_463 : memref<64xi32, #tpu.memory_space<vmem>>)
        %dma_wait3A_466 = arith.constant 0 : i32
        %dma_wait3A_467 = tpu.memref_slice %arg13[%select_n3A_453, %dma_wait3A_466] : memref<3x64xi32, #tpu.memory_space<vmem>> -> memref<1x64xi32, #tpu.memory_space<vmem>>
        %dma_wait3A_468 = tpu.memref_squeeze %dma_wait3A_467 : memref<1x64xi32, #tpu.memory_space<vmem>> -> memref<64xi32, #tpu.memory_space<vmem>>
        %dma_wait3A_469 = arith.constant 0 : i32
        %dma_wait3A_470 = tpu.memref_slice %arg4[%dma_wait3A_469] : memref<327680xi32, #tpu.memory_space<hbm>> -> memref<64xi32, #tpu.memory_space<hbm>>
        %dma_wait3A_471 = tpu.memref_slice %arg22[%select_n3A_453] : memref<3x!tpu.dma_semaphore, #tpu.memory_space<semaphore_mem>> -> memref<1x!tpu.dma_semaphore, #tpu.memory_space<semaphore_mem>>
        %dma_wait3A_472 = tpu.memref_squeeze %dma_wait3A_471 : memref<1x!tpu.dma_semaphore, #tpu.memory_space<semaphore_mem>> -> memref<!tpu.dma_semaphore, #tpu.memory_space<semaphore_mem>>
        %dma_wait3A_473 = arith.constant 0 : i32
        %dma_wait3A_474 = tpu.memref_slice %arg13[%select_n3A_453, %dma_wait3A_473] : memref<3x64xi32, #tpu.memory_space<vmem>> -> memref<1x64xi32, #tpu.memory_space<vmem>>
        %dma_wait3A_475 = tpu.memref_squeeze %dma_wait3A_474 : memref<1x64xi32, #tpu.memory_space<vmem>> -> memref<64xi32, #tpu.memory_space<vmem>>
        %dma_wait3A_476 = arith.constant 0 : i32
        %dma_wait3A_477 = tpu.memref_slice %arg4[%dma_wait3A_476] : memref<327680xi32, #tpu.memory_space<hbm>> -> memref<64xi32, #tpu.memory_space<hbm>>
        tpu.wait_dma2 semaphore(%dma_wait3A_472 : memref<!tpu.dma_semaphore, #tpu.memory_space<semaphore_mem>>) src(%dma_wait3A_477 : memref<64xi32, #tpu.memory_space<hbm>>) dst(%dma_wait3A_475 : memref<64xi32, #tpu.memory_space<vmem>>)
        %add3A_478 = arith.constant 1 : i32
        %add3A_479 = arith.addi %scan3A_209, %add3A_478 : i32
        %jit3A_480 = arith.constant 2 : i32
        %eq3A_481 = arith.constant 0 : i32
        %eq3A_482 = arith.cmpi eq, %jit3A_480, %eq3A_481 : i32
        %jit3A_483 = arith.constant 1 : i32
        %select_n3A_484 = arith.select %eq3A_482, %jit3A_483, %jit3A_480 : i32
        %rem3A_485 = arith.remsi %add3A_479, %select_n3A_484 : i32
        %ne3A_486 = arith.constant 0 : i32
        %ne3A_487 = arith.cmpi ne, %rem3A_485, %ne3A_486 : i32
        %lt3A_488 = arith.constant 0 : i32
        %lt3A_489 = arith.cmpi slt, %rem3A_485, %lt3A_488 : i32
        %lt3A_490 = arith.constant 0 : i32
        %lt3A_491 = arith.cmpi slt, %select_n3A_484, %lt3A_490 : i32
        %ne3A_492 = arith.xori %lt3A_489, %lt3A_491 : i1
        %and3A_493 = arith.andi %ne3A_492, %ne3A_487 : i1
        %add3A_494 = arith.addi %rem3A_485, %select_n3A_484 : i32
        %select_n3A_495 = arith.select %and3A_493, %add3A_494, %rem3A_485 : i32
        %jit3A_496 = arith.constant 3 : i32
        %eq3A_497 = arith.constant 0 : i32
        %eq3A_498 = arith.cmpi eq, %jit3A_496, %eq3A_497 : i32
        %jit3A_499 = arith.constant 1 : i32
        %select_n3A_500 = arith.select %eq3A_498, %jit3A_499, %jit3A_496 : i32
        %rem3A_501 = arith.remsi %add3A_479, %select_n3A_500 : i32
        %ne3A_502 = arith.constant 0 : i32
        %ne3A_503 = arith.cmpi ne, %rem3A_501, %ne3A_502 : i32
        %lt3A_504 = arith.constant 0 : i32
        %lt3A_505 = arith.cmpi slt, %rem3A_501, %lt3A_504 : i32
        %lt3A_506 = arith.constant 0 : i32
        %lt3A_507 = arith.cmpi slt, %select_n3A_500, %lt3A_506 : i32
        %ne3A_508 = arith.xori %lt3A_505, %lt3A_507 : i1
        %and3A_509 = arith.andi %ne3A_508, %ne3A_503 : i1
        %add3A_510 = arith.addi %rem3A_501, %select_n3A_500 : i32
        %select_n3A_511 = arith.select %and3A_509, %add3A_510, %rem3A_501 : i32
        %dma_start3A_512 = arith.constant 0 : i32
        %dma_start3A_513 = arith.constant 0 : i32
        %dma_start3A_514 = tpu.memref_slice %arg15[%select_n3A_495, %dma_start3A_512, %dma_start3A_513] : memref<2x64x64xi32, #tpu.memory_space<vmem>> -> memref<1x64x64xi32, #tpu.memory_space<vmem>>
        %dma_start3A_515 = tpu.memref_squeeze %dma_start3A_514 : memref<1x64x64xi32, #tpu.memory_space<vmem>> -> memref<64x64xi32, #tpu.memory_space<vmem>>
        %dma_start3A_516 = arith.constant 0 : i32
        %dma_start3A_517 = tpu.memref_slice %arg12[%select_n3A_511, %dma_start3A_516] : memref<3x64xi32, #tpu.memory_space<vmem>> -> memref<1x64xi32, #tpu.memory_space<vmem>>
        %dma_start3A_518 = tpu.memref_squeeze %dma_start3A_517 : memref<1x64xi32, #tpu.memory_space<vmem>> -> memref<64xi32, #tpu.memory_space<vmem>>
        %dma_start3A_519 = arith.constant 0 : i32
        %dma_start3A_520 = arith.constant 0 : i32
        %dma_start3A_521 = tpu.memref_slice %arg2[%dma_start3A_519, %dma_start3A_520] : memref<10000x64xi32, #tpu.memory_space<hbm>> -> memref<10000x64xi32, #tpu.memory_space<hbm>>
        %dma_start3A_522 = tpu.memref_slice %arg21[%select_n3A_495] : memref<2x!tpu.dma_semaphore, #tpu.memory_space<semaphore_mem>> -> memref<1x!tpu.dma_semaphore, #tpu.memory_space<semaphore_mem>>
        %dma_start3A_523 = tpu.memref_squeeze %dma_start3A_522 : memref<1x!tpu.dma_semaphore, #tpu.memory_space<semaphore_mem>> -> memref<!tpu.dma_semaphore, #tpu.memory_space<semaphore_mem>>
        tpu.enqueue_indirect_dma source(%dma_start3A_521 : memref<10000x64xi32, #tpu.memory_space<hbm>>) target(%dma_start3A_515 : memref<64x64xi32, #tpu.memory_space<vmem>>) offsets(%dma_start3A_518 : memref<64xi32, #tpu.memory_space<vmem>>) semaphore(%dma_start3A_523 : memref<!tpu.dma_semaphore, #tpu.memory_space<semaphore_mem>>)
      } else {
      }
      %add3A_218 = arith.constant 2 : i32
      %add3A_219 = arith.addi %scan3A_209, %add3A_218 : i32
      %lt3A_220 = arith.constant 160 : i32
      %lt3A_221 = arith.cmpi slt, %add3A_219, %lt3A_220 : i32
      %convert_element_type3A_222 = arith.extui %lt3A_221 : i1 to i32
      %cond3A_223 = arith.constant 0 : i32
      %cond3A_224 = arith.cmpi ne, %convert_element_type3A_222, %cond3A_223 : i32
      scf.if %cond3A_224 {
        %add3A_436 = arith.constant 2 : i32
        %add3A_437 = arith.addi %scan3A_209, %add3A_436 : i32
        %jit3A_438 = arith.constant 3 : i32
        %eq3A_439 = arith.constant 0 : i32
        %eq3A_440 = arith.cmpi eq, %jit3A_438, %eq3A_439 : i32
        %jit3A_441 = arith.constant 1 : i32
        %select_n3A_442 = arith.select %eq3A_440, %jit3A_441, %jit3A_438 : i32
        %rem3A_443 = arith.remsi %add3A_437, %select_n3A_442 : i32
        %ne3A_444 = arith.constant 0 : i32
        %ne3A_445 = arith.cmpi ne, %rem3A_443, %ne3A_444 : i32
        %lt3A_446 = arith.constant 0 : i32
        %lt3A_447 = arith.cmpi slt, %rem3A_443, %lt3A_446 : i32
        %lt3A_448 = arith.constant 0 : i32
        %lt3A_449 = arith.cmpi slt, %select_n3A_442, %lt3A_448 : i32
        %ne3A_450 = arith.xori %lt3A_447, %lt3A_449 : i1
        %and3A_451 = arith.andi %ne3A_450, %ne3A_445 : i1
        %add3A_452 = arith.addi %rem3A_443, %select_n3A_442 : i32
        %select_n3A_453 = arith.select %and3A_451, %add3A_452, %rem3A_443 : i32
        %mul3A_454 = arith.constant 64 : i32
        %mul3A_455 = arith.muli %add3A_437, %mul3A_454 : i32
        %add3A_456 = arith.addi %mul3A_69, %mul3A_455 : i32
        %dma_start3A_457 = arith.constant 0 : i32
        %dma_start3A_458 = tpu.memref_slice %arg12[%select_n3A_453, %dma_start3A_457] : memref<3x64xi32, #tpu.memory_space<vmem>> -> memref<1x64xi32, #tpu.memory_space<vmem>>
        %dma_start3A_459 = tpu.memref_squeeze %dma_start3A_458 : memref<1x64xi32, #tpu.memory_space<vmem>> -> memref<64xi32, #tpu.memory_space<vmem>>
        %dma_start3A_460 = tpu.memref_slice %arg3[%add3A_456] : memref<327680xi32, #tpu.memory_space<hbm>> -> memref<64xi32, #tpu.memory_space<hbm>>
        %dma_start3A_461 = tpu.memref_slice %arg22[%select_n3A_453] : memref<3x!tpu.dma_semaphore, #tpu.memory_space<semaphore_mem>> -> memref<1x!tpu.dma_semaphore, #tpu.memory_space<semaphore_mem>>
        %dma_start3A_462 = tpu.memref_squeeze %dma_start3A_461 : memref<1x!tpu.dma_semaphore, #tpu.memory_space<semaphore_mem>> -> memref<!tpu.dma_semaphore, #tpu.memory_space<semaphore_mem>>
        %dma_start3A_463 = arith.constant 0 : i32
        %dma_start3A_464 = tpu.memref_slice %arg12[%select_n3A_453, %dma_start3A_463] : memref<3x64xi32, #tpu.memory_space<vmem>> -> memref<1x64xi32, #tpu.memory_space<vmem>>
        %dma_start3A_465 = tpu.memref_squeeze %dma_start3A_464 : memref<1x64xi32, #tpu.memory_space<vmem>> -> memref<64xi32, #tpu.memory_space<vmem>>
        %dma_start3A_466 = tpu.memref_slice %arg3[%add3A_456] : memref<327680xi32, #tpu.memory_space<hbm>> -> memref<64xi32, #tpu.memory_space<hbm>>
        tpu.enqueue_dma source(%dma_start3A_466 : memref<64xi32, #tpu.memory_space<hbm>>) target(%dma_start3A_465 : memref<64xi32, #tpu.memory_space<vmem>>) target_semaphore(%dma_start3A_462 : memref<!tpu.dma_semaphore, #tpu.memory_space<semaphore_mem>>)
        %dma_start3A_467 = arith.constant 0 : i32
        %dma_start3A_468 = tpu.memref_slice %arg13[%select_n3A_453, %dma_start3A_467] : memref<3x64xi32, #tpu.memory_space<vmem>> -> memref<1x64xi32, #tpu.memory_space<vmem>>
        %dma_start3A_469 = tpu.memref_squeeze %dma_start3A_468 : memref<1x64xi32, #tpu.memory_space<vmem>> -> memref<64xi32, #tpu.memory_space<vmem>>
        %dma_start3A_470 = tpu.memref_slice %arg4[%add3A_456] : memref<327680xi32, #tpu.memory_space<hbm>> -> memref<64xi32, #tpu.memory_space<hbm>>
        %dma_start3A_471 = tpu.memref_slice %arg22[%select_n3A_453] : memref<3x!tpu.dma_semaphore, #tpu.memory_space<semaphore_mem>> -> memref<1x!tpu.dma_semaphore, #tpu.memory_space<semaphore_mem>>
        %dma_start3A_472 = tpu.memref_squeeze %dma_start3A_471 : memref<1x!tpu.dma_semaphore, #tpu.memory_space<semaphore_mem>> -> memref<!tpu.dma_semaphore, #tpu.memory_space<semaphore_mem>>
        %dma_start3A_473 = arith.constant 0 : i32
        %dma_start3A_474 = tpu.memref_slice %arg13[%select_n3A_453, %dma_start3A_473] : memref<3x64xi32, #tpu.memory_space<vmem>> -> memref<1x64xi32, #tpu.memory_space<vmem>>
        %dma_start3A_475 = tpu.memref_squeeze %dma_start3A_474 : memref<1x64xi32, #tpu.memory_space<vmem>> -> memref<64xi32, #tpu.memory_space<vmem>>
        %dma_start3A_476 = tpu.memref_slice %arg4[%add3A_456] : memref<327680xi32, #tpu.memory_space<hbm>> -> memref<64xi32, #tpu.memory_space<hbm>>
        tpu.enqueue_dma source(%dma_start3A_476 : memref<64xi32, #tpu.memory_space<hbm>>) target(%dma_start3A_475 : memref<64xi32, #tpu.memory_space<vmem>>) target_semaphore(%dma_start3A_472 : memref<!tpu.dma_semaphore, #tpu.memory_space<semaphore_mem>>)
      } else {
      }
      %jit3A = arith.constant 2 : i32
      %eq3A = arith.constant 0 : i32
      %eq3A_225 = arith.cmpi eq, %jit3A, %eq3A : i32
      %jit3A_226 = arith.constant 1 : i32
      %select_n3A = arith.select %eq3A_225, %jit3A_226, %jit3A : i32
      %rem3A = arith.remsi %scan3A_209, %select_n3A : i32
      %ne3A = arith.constant 0 : i32
      %ne3A_227 = arith.cmpi ne, %rem3A, %ne3A : i32
      %lt3A_228 = arith.constant 0 : i32
      %lt3A_229 = arith.cmpi slt, %rem3A, %lt3A_228 : i32
      %lt3A_230 = arith.constant 0 : i32
      %lt3A_231 = arith.cmpi slt, %select_n3A, %lt3A_230 : i32
      %ne3A_232 = arith.xori %lt3A_229, %lt3A_231 : i1
      %and3A = arith.andi %ne3A_232, %ne3A_227 : i1
      %add3A_233 = arith.addi %rem3A, %select_n3A : i32
      %select_n3A_234 = arith.select %and3A, %add3A_233, %rem3A : i32
      %jit3A_235 = arith.constant 3 : i32
      %eq3A_236 = arith.constant 0 : i32
      %eq3A_237 = arith.cmpi eq, %jit3A_235, %eq3A_236 : i32
      %jit3A_238 = arith.constant 1 : i32
      %select_n3A_239 = arith.select %eq3A_237, %jit3A_238, %jit3A_235 : i32
      %rem3A_240 = arith.remsi %scan3A_209, %select_n3A_239 : i32
      %ne3A_241 = arith.constant 0 : i32
      %ne3A_242 = arith.cmpi ne, %rem3A_240, %ne3A_241 : i32
      %lt3A_243 = arith.constant 0 : i32
      %lt3A_244 = arith.cmpi slt, %rem3A_240, %lt3A_243 : i32
      %lt3A_245 = arith.constant 0 : i32
      %lt3A_246 = arith.cmpi slt, %select_n3A_239, %lt3A_245 : i32
      %ne3A_247 = arith.xori %lt3A_244, %lt3A_246 : i1
      %and3A_248 = arith.andi %ne3A_247, %ne3A_242 : i1
      %add3A_249 = arith.addi %rem3A_240, %select_n3A_239 : i32
      %select_n3A_250 = arith.select %and3A_248, %add3A_249, %rem3A_240 : i32
      %dma_wait3A_251 = arith.constant 0 : i32
      %dma_wait3A_252 = arith.constant 0 : i32
      %dma_wait3A_253 = tpu.memref_slice %arg15[%select_n3A_234, %dma_wait3A_251, %dma_wait3A_252] : memref<2x64x64xi32, #tpu.memory_space<vmem>> -> memref<1x64x64xi32, #tpu.memory_space<vmem>>
      %dma_wait3A_254 = tpu.memref_squeeze %dma_wait3A_253 : memref<1x64x64xi32, #tpu.memory_space<vmem>> -> memref<64x64xi32, #tpu.memory_space<vmem>>
      %dma_wait3A_255 = arith.constant 0 : i32
      %dma_wait3A_256 = tpu.memref_slice %arg12[%select_n3A_250, %dma_wait3A_255] : memref<3x64xi32, #tpu.memory_space<vmem>> -> memref<1x64xi32, #tpu.memory_space<vmem>>
      %dma_wait3A_257 = tpu.memref_squeeze %dma_wait3A_256 : memref<1x64xi32, #tpu.memory_space<vmem>> -> memref<64xi32, #tpu.memory_space<vmem>>
      %dma_wait3A_258 = arith.constant 0 : i32
      %dma_wait3A_259 = arith.constant 0 : i32
      %dma_wait3A_260 = tpu.memref_slice %arg2[%dma_wait3A_258, %dma_wait3A_259] : memref<10000x64xi32, #tpu.memory_space<hbm>> -> memref<10000x64xi32, #tpu.memory_space<hbm>>
      %dma_wait3A_261 = tpu.memref_slice %arg21[%select_n3A_234] : memref<2x!tpu.dma_semaphore, #tpu.memory_space<semaphore_mem>> -> memref<1x!tpu.dma_semaphore, #tpu.memory_space<semaphore_mem>>
      %dma_wait3A_262 = tpu.memref_squeeze %dma_wait3A_261 : memref<1x!tpu.dma_semaphore, #tpu.memory_space<semaphore_mem>> -> memref<!tpu.dma_semaphore, #tpu.memory_space<semaphore_mem>>
      tpu.wait_indirect_dma semaphore(%dma_wait3A_262 : memref<!tpu.dma_semaphore, #tpu.memory_space<semaphore_mem>>) src(%dma_wait3A_260 : memref<10000x64xi32, #tpu.memory_space<hbm>>) dst(%dma_wait3A_254 : memref<64x64xi32, #tpu.memory_space<vmem>>)
      %jit3A_263 = arith.constant 2 : i32
      %eq3A_264 = arith.constant 0 : i32
      %eq3A_265 = arith.cmpi eq, %jit3A_263, %eq3A_264 : i32
      %jit3A_266 = arith.constant 1 : i32
      %select_n3A_267 = arith.select %eq3A_265, %jit3A_266, %jit3A_263 : i32
      %rem3A_268 = arith.remsi %scan3A_209, %select_n3A_267 : i32
      %ne3A_269 = arith.constant 0 : i32
      %ne3A_270 = arith.cmpi ne, %rem3A_268, %ne3A_269 : i32
      %lt3A_271 = arith.constant 0 : i32
      %lt3A_272 = arith.cmpi slt, %rem3A_268, %lt3A_271 : i32
      %lt3A_273 = arith.constant 0 : i32
      %lt3A_274 = arith.cmpi slt, %select_n3A_267, %lt3A_273 : i32
      %ne3A_275 = arith.xori %lt3A_272, %lt3A_274 : i1
      %and3A_276 = arith.andi %ne3A_275, %ne3A_270 : i1
      %add3A_277 = arith.addi %rem3A_268, %select_n3A_267 : i32
      %select_n3A_278 = arith.select %and3A_276, %add3A_277, %rem3A_268 : i32
      %jit3A_279 = arith.constant 3 : i32
      %eq3A_280 = arith.constant 0 : i32
      %eq3A_281 = arith.cmpi eq, %jit3A_279, %eq3A_280 : i32
      %jit3A_282 = arith.constant 1 : i32
      %select_n3A_283 = arith.select %eq3A_281, %jit3A_282, %jit3A_279 : i32
      %rem3A_284 = arith.remsi %scan3A_209, %select_n3A_283 : i32
      %ne3A_285 = arith.constant 0 : i32
      %ne3A_286 = arith.cmpi ne, %rem3A_284, %ne3A_285 : i32
      %lt3A_287 = arith.constant 0 : i32
      %lt3A_288 = arith.cmpi slt, %rem3A_284, %lt3A_287 : i32
      %lt3A_289 = arith.constant 0 : i32
      %lt3A_290 = arith.cmpi slt, %select_n3A_283, %lt3A_289 : i32
      %ne3A_291 = arith.xori %lt3A_288, %lt3A_290 : i1
      %and3A_292 = arith.andi %ne3A_291, %ne3A_286 : i1
      %add3A_293 = arith.addi %rem3A_284, %select_n3A_283 : i32
      %select_n3A_294 = arith.select %and3A_292, %add3A_293, %rem3A_284 : i32
      %get3A_295 = arith.index_cast %select_n3A_294 : i32 to index
      %get3A_296 = arith.constant 0 : index
      %get3A_297 = tpu.vector_load %arg12[%get3A_295, %get3A_296] {strides = array<i32>} : memref<3x64xi32, #tpu.memory_space<vmem>>, vector<16xi32>,
      %get3A_298 = arith.index_cast %select_n3A_294 : i32 to index
      %get3A_299 = arith.constant 0 : index
      %get3A_300 = tpu.vector_load %arg13[%get3A_298, %get3A_299] {strides = array<i32>} : memref<3x64xi32, #tpu.memory_space<vmem>>, vector<16xi32>,
      %gather3A = tpu.vector_load_idx %arg10[%get3A_297] : memref<10016xf32, #tpu.memory_space<vmem>>[vector<16xi32>], vector<16xf32>,
      %gather3A_301 = tpu.vector_load_idx %arg11[%get3A_300] : memref<10016xf32, #tpu.memory_space<vmem>>[vector<16xi32>], vector<16xf32>,
      %add3A_302 = arith.addf %gather3A, %gather3A_301 : vector<16xf32>
      %ge3A = arith.constant 0.000000e+00 : f32
      %ge3A_303 = vector.broadcast %ge3A : f32 to vector<16xf32>
      %ge3A_304 = arith.cmpf oge, %add3A_302, %ge3A_303 : vector<16xf32>
      %mul3A_305 = arith.constant 2.000000e-01 : f32
      %mul3A_306 = vector.broadcast %mul3A_305 : f32 to vector<16xf32>
      %mul3A_307 = arith.mulf %mul3A_306, %add3A_302 : vector<16xf32>
      %select_n3A_308 = arith.select %ge3A_304, %add3A_302, %mul3A_307 : vector<16xi1>, vector<16xf32>
      %sub3A = arith.subf %select_n3A_308, %get3A_67 : vector<16xf32>
      %exp3A = math.exp %sub3A : vector<16xf32>
      %swap3A_309 = arith.index_cast %select_n3A_278 : i32 to index
      %swap3A_310 = arith.constant 0 : index
      %swap3A_311 = tpu.vector_load %arg14[%swap3A_309, %swap3A_310] {strides = array<i32>} : memref<2x64xf32, #tpu.memory_space<vmem>>, vector<16xf32>,
      tpu.vector_store %arg14[%swap3A_309, %swap3A_310], %exp3A {strides = array<i32>} : memref<2x64xf32, #tpu.memory_space<vmem>>, vector<16xf32>,
      %get3A_312 = arith.index_cast %select_n3A_294 : i32 to index
      %get3A_313 = arith.constant 16 : index
      %get3A_314 = tpu.vector_load %arg12[%get3A_312, %get3A_313] {strides = array<i32>} : memref<3x64xi32, #tpu.memory_space<vmem>>, vector<16xi32>,
      %get3A_315 = arith.index_cast %select_n3A_294 : i32 to index
      %get3A_316 = arith.constant 16 : index
      %get3A_317 = tpu.vector_load %arg13[%get3A_315, %get3A_316] {strides = array<i32>} : memref<3x64xi32, #tpu.memory_space<vmem>>, vector<16xi32>,
      %gather3A_318 = tpu.vector_load_idx %arg10[%get3A_314] : memref<10016xf32, #tpu.memory_space<vmem>>[vector<16xi32>], vector<16xf32>,
      %gather3A_319 = tpu.vector_load_idx %arg11[%get3A_317] : memref<10016xf32, #tpu.memory_space<vmem>>[vector<16xi32>], vector<16xf32>,
      %add3A_320 = arith.addf %gather3A_318, %gather3A_319 : vector<16xf32>
      %ge3A_321 = arith.constant 0.000000e+00 : f32
      %ge3A_322 = vector.broadcast %ge3A_321 : f32 to vector<16xf32>
      %ge3A_323 = arith.cmpf oge, %add3A_320, %ge3A_322 : vector<16xf32>
      %mul3A_324 = arith.constant 2.000000e-01 : f32
      %mul3A_325 = vector.broadcast %mul3A_324 : f32 to vector<16xf32>
      %mul3A_326 = arith.mulf %mul3A_325, %add3A_320 : vector<16xf32>
      %select_n3A_327 = arith.select %ge3A_323, %add3A_320, %mul3A_326 : vector<16xi1>, vector<16xf32>
      %sub3A_328 = arith.subf %select_n3A_327, %get3A_67 : vector<16xf32>
      %exp3A_329 = math.exp %sub3A_328 : vector<16xf32>
      %swap3A_330 = arith.index_cast %select_n3A_278 : i32 to index
      %swap3A_331 = arith.constant 16 : index
      %swap3A_332 = tpu.vector_load %arg14[%swap3A_330, %swap3A_331] {strides = array<i32>} : memref<2x64xf32, #tpu.memory_space<vmem>>, vector<16xf32>,
      tpu.vector_store %arg14[%swap3A_330, %swap3A_331], %exp3A_329 {strides = array<i32>} : memref<2x64xf32, #tpu.memory_space<vmem>>, vector<16xf32>,
      %get3A_333 = arith.index_cast %select_n3A_294 : i32 to index
      %get3A_334 = arith.constant 32 : index
      %get3A_335 = tpu.vector_load %arg12[%get3A_333, %get3A_334] {strides = array<i32>} : memref<3x64xi32, #tpu.memory_space<vmem>>, vector<16xi32>,
      %get3A_336 = arith.index_cast %select_n3A_294 : i32 to index
      %get3A_337 = arith.constant 32 : index
      %get3A_338 = tpu.vector_load %arg13[%get3A_336, %get3A_337] {strides = array<i32>} : memref<3x64xi32, #tpu.memory_space<vmem>>, vector<16xi32>,
      %gather3A_339 = tpu.vector_load_idx %arg10[%get3A_335] : memref<10016xf32, #tpu.memory_space<vmem>>[vector<16xi32>], vector<16xf32>,
      %gather3A_340 = tpu.vector_load_idx %arg11[%get3A_338] : memref<10016xf32, #tpu.memory_space<vmem>>[vector<16xi32>], vector<16xf32>,
      %add3A_341 = arith.addf %gather3A_339, %gather3A_340 : vector<16xf32>
      %ge3A_342 = arith.constant 0.000000e+00 : f32
      %ge3A_343 = vector.broadcast %ge3A_342 : f32 to vector<16xf32>
      %ge3A_344 = arith.cmpf oge, %add3A_341, %ge3A_343 : vector<16xf32>
      %mul3A_345 = arith.constant 2.000000e-01 : f32
      %mul3A_346 = vector.broadcast %mul3A_345 : f32 to vector<16xf32>
      %mul3A_347 = arith.mulf %mul3A_346, %add3A_341 : vector<16xf32>
      %select_n3A_348 = arith.select %ge3A_344, %add3A_341, %mul3A_347 : vector<16xi1>, vector<16xf32>
      %sub3A_349 = arith.subf %select_n3A_348, %get3A_67 : vector<16xf32>
      %exp3A_350 = math.exp %sub3A_349 : vector<16xf32>
      %swap3A_351 = arith.index_cast %select_n3A_278 : i32 to index
      %swap3A_352 = arith.constant 32 : index
      %swap3A_353 = tpu.vector_load %arg14[%swap3A_351, %swap3A_352] {strides = array<i32>} : memref<2x64xf32, #tpu.memory_space<vmem>>, vector<16xf32>,
      tpu.vector_store %arg14[%swap3A_351, %swap3A_352], %exp3A_350 {strides = array<i32>} : memref<2x64xf32, #tpu.memory_space<vmem>>, vector<16xf32>,
      %get3A_354 = arith.index_cast %select_n3A_294 : i32 to index
      %get3A_355 = arith.constant 48 : index
      %get3A_356 = tpu.vector_load %arg12[%get3A_354, %get3A_355] {strides = array<i32>} : memref<3x64xi32, #tpu.memory_space<vmem>>, vector<16xi32>,
      %get3A_357 = arith.index_cast %select_n3A_294 : i32 to index
      %get3A_358 = arith.constant 48 : index
      %get3A_359 = tpu.vector_load %arg13[%get3A_357, %get3A_358] {strides = array<i32>} : memref<3x64xi32, #tpu.memory_space<vmem>>, vector<16xi32>,
      %gather3A_360 = tpu.vector_load_idx %arg10[%get3A_356] : memref<10016xf32, #tpu.memory_space<vmem>>[vector<16xi32>], vector<16xf32>,
      %gather3A_361 = tpu.vector_load_idx %arg11[%get3A_359] : memref<10016xf32, #tpu.memory_space<vmem>>[vector<16xi32>], vector<16xf32>,
      %add3A_362 = arith.addf %gather3A_360, %gather3A_361 : vector<16xf32>
      %ge3A_363 = arith.constant 0.000000e+00 : f32
      %ge3A_364 = vector.broadcast %ge3A_363 : f32 to vector<16xf32>
      %ge3A_365 = arith.cmpf oge, %add3A_362, %ge3A_364 : vector<16xf32>
      %mul3A_366 = arith.constant 2.000000e-01 : f32
      %mul3A_367 = vector.broadcast %mul3A_366 : f32 to vector<16xf32>
      %mul3A_368 = arith.mulf %mul3A_367, %add3A_362 : vector<16xf32>
      %select_n3A_369 = arith.select %ge3A_365, %add3A_362, %mul3A_368 : vector<16xi1>, vector<16xf32>
      %sub3A_370 = arith.subf %select_n3A_369, %get3A_67 : vector<16xf32>
      %exp3A_371 = math.exp %sub3A_370 : vector<16xf32>
      %swap3A_372 = arith.index_cast %select_n3A_278 : i32 to index
      %swap3A_373 = arith.constant 48 : index
      %swap3A_374 = tpu.vector_load %arg14[%swap3A_372, %swap3A_373] {strides = array<i32>} : memref<2x64xf32, #tpu.memory_space<vmem>>, vector<16xf32>,
      tpu.vector_store %arg14[%swap3A_372, %swap3A_373], %exp3A_371 {strides = array<i32>} : memref<2x64xf32, #tpu.memory_space<vmem>>, vector<16xf32>,
      %broadcast_in_dim3A_375 = vector.broadcast %select_n3A_278 : i32 to vector<16xi32>
      %scan3A_376 = arith.constant 0 : i32
      %scan3A_377 = arith.constant 0 : i32
      %scan3A_378 = arith.constant 64 : i32
      %scan3A_379 = arith.addi %scan3A_377, %scan3A_378 : i32
      %scan3A_380 = arith.constant 4 : i32
      scf.for %scan3A_436 = %scan3A_377 to %scan3A_379 step %scan3A_380  : i32 {
        %broadcast_in_dim3A_437 = vector.broadcast %scan3A_436 : i32 to vector<16xi32>
        %gather3A_438 = tpu.vector_load_idx %arg14[%broadcast_in_dim3A_375, %broadcast_in_dim3A_437] : memref<2x64xf32, #tpu.memory_space<vmem>>[vector<16xi32>, vector<16xi32>], vector<16xf32>,
        %get3A_439 = arith.index_cast %select_n3A_278 : i32 to index
        %get3A_440 = arith.index_cast %scan3A_436 : i32 to index
        %get3A_441 = arith.constant 0 : index
        %get3A_442 = tpu.vector_load %arg15[%get3A_439, %get3A_440, %get3A_441] {strides = array<i32>} : memref<2x64x64xi32, #tpu.memory_space<vmem>>, vector<16xi32>,
        %bitcast3A = vector.bitcast %get3A_442 : vector<16xi32> to vector<32xbf16>
        %unpack3A = tpu.unpack_subelements %bitcast3A, 0 {pack_format = #tpu.pack_format<interleaved>} : vector<32xbf16> -> vector<16xf32>
        %unpack3A_443 = tpu.unpack_subelements %bitcast3A, 1 {pack_format = #tpu.pack_format<interleaved>} : vector<32xbf16> -> vector<16xf32>
        %mul3A_444 = arith.mulf %unpack3A, %gather3A_438 : vector<16xf32>
        %swap3A_445 = arith.index_cast %select_n3A_278 : i32 to index
        %swap3A_446 = arith.index_cast %scan3A_436 : i32 to index
        %swap3A_447 = arith.constant 0 : index
        %swap3A_448 = tpu.vector_load %arg16[%swap3A_445, %swap3A_446, %swap3A_447] {strides = array<i32>} : memref<2x64x128xf32, #tpu.memory_space<vmem>>, vector<16xf32>,
        tpu.vector_store %arg16[%swap3A_445, %swap3A_446, %swap3A_447], %mul3A_444 {strides = array<i32>} : memref<2x64x128xf32, #tpu.memory_space<vmem>>, vector<16xf32>,
        %mul3A_449 = arith.mulf %unpack3A_443, %gather3A_438 : vector<16xf32>
        %swap3A_450 = arith.index_cast %select_n3A_278 : i32 to index
        %swap3A_451 = arith.index_cast %scan3A_436 : i32 to index
        %swap3A_452 = arith.constant 16 : index
        %swap3A_453 = tpu.vector_load %arg16[%swap3A_450, %swap3A_451, %swap3A_452] {strides = array<i32>} : memref<2x64x128xf32, #tpu.memory_space<vmem>>, vector<16xf32>,
        tpu.vector_store %arg16[%swap3A_450, %swap3A_451, %swap3A_452], %mul3A_449 {strides = array<i32>} : memref<2x64x128xf32, #tpu.memory_space<vmem>>, vector<16xf32>,
        %get3A_454 = arith.index_cast %select_n3A_278 : i32 to index
        %get3A_455 = arith.index_cast %scan3A_436 : i32 to index
        %get3A_456 = arith.constant 16 : index
        %get3A_457 = tpu.vector_load %arg15[%get3A_454, %get3A_455, %get3A_456] {strides = array<i32>} : memref<2x64x64xi32, #tpu.memory_space<vmem>>, vector<16xi32>,
        %bitcast3A_458 = vector.bitcast %get3A_457 : vector<16xi32> to vector<32xbf16>
        %unpack3A_459 = tpu.unpack_subelements %bitcast3A_458, 0 {pack_format = #tpu.pack_format<interleaved>} : vector<32xbf16> -> vector<16xf32>
        %unpack3A_460 = tpu.unpack_subelements %bitcast3A_458, 1 {pack_format = #tpu.pack_format<interleaved>} : vector<32xbf16> -> vector<16xf32>
        %mul3A_461 = arith.mulf %unpack3A_459, %gather3A_438 : vector<16xf32>
        %swap3A_462 = arith.index_cast %select_n3A_278 : i32 to index
        %swap3A_463 = arith.index_cast %scan3A_436 : i32 to index
        %swap3A_464 = arith.constant 32 : index
        %swap3A_465 = tpu.vector_load %arg16[%swap3A_462, %swap3A_463, %swap3A_464] {strides = array<i32>} : memref<2x64x128xf32, #tpu.memory_space<vmem>>, vector<16xf32>,
        tpu.vector_store %arg16[%swap3A_462, %swap3A_463, %swap3A_464], %mul3A_461 {strides = array<i32>} : memref<2x64x128xf32, #tpu.memory_space<vmem>>, vector<16xf32>,
        %mul3A_466 = arith.mulf %unpack3A_460, %gather3A_438 : vector<16xf32>
        %swap3A_467 = arith.index_cast %select_n3A_278 : i32 to index
        %swap3A_468 = arith.index_cast %scan3A_436 : i32 to index
        %swap3A_469 = arith.constant 48 : index
        %swap3A_470 = tpu.vector_load %arg16[%swap3A_467, %swap3A_468, %swap3A_469] {strides = array<i32>} : memref<2x64x128xf32, #tpu.memory_space<vmem>>, vector<16xf32>,
        tpu.vector_store %arg16[%swap3A_467, %swap3A_468, %swap3A_469], %mul3A_466 {strides = array<i32>} : memref<2x64x128xf32, #tpu.memory_space<vmem>>, vector<16xf32>,
        %get3A_471 = arith.index_cast %select_n3A_278 : i32 to index
        %get3A_472 = arith.index_cast %scan3A_436 : i32 to index
        %get3A_473 = arith.constant 32 : index
        %get3A_474 = tpu.vector_load %arg15[%get3A_471, %get3A_472, %get3A_473] {strides = array<i32>} : memref<2x64x64xi32, #tpu.memory_space<vmem>>, vector<16xi32>,
        %bitcast3A_475 = vector.bitcast %get3A_474 : vector<16xi32> to vector<32xbf16>
        %unpack3A_476 = tpu.unpack_subelements %bitcast3A_475, 0 {pack_format = #tpu.pack_format<interleaved>} : vector<32xbf16> -> vector<16xf32>
        %unpack3A_477 = tpu.unpack_subelements %bitcast3A_475, 1 {pack_format = #tpu.pack_format<interleaved>} : vector<32xbf16> -> vector<16xf32>
        %mul3A_478 = arith.mulf %unpack3A_476, %gather3A_438 : vector<16xf32>
        %swap3A_479 = arith.index_cast %select_n3A_278 : i32 to index
        %swap3A_480 = arith.index_cast %scan3A_436 : i32 to index
        %swap3A_481 = arith.constant 64 : index
        %swap3A_482 = tpu.vector_load %arg16[%swap3A_479, %swap3A_480, %swap3A_481] {strides = array<i32>} : memref<2x64x128xf32, #tpu.memory_space<vmem>>, vector<16xf32>,
        tpu.vector_store %arg16[%swap3A_479, %swap3A_480, %swap3A_481], %mul3A_478 {strides = array<i32>} : memref<2x64x128xf32, #tpu.memory_space<vmem>>, vector<16xf32>,
        %mul3A_483 = arith.mulf %unpack3A_477, %gather3A_438 : vector<16xf32>
        %swap3A_484 = arith.index_cast %select_n3A_278 : i32 to index
        %swap3A_485 = arith.index_cast %scan3A_436 : i32 to index
        %swap3A_486 = arith.constant 80 : index
        %swap3A_487 = tpu.vector_load %arg16[%swap3A_484, %swap3A_485, %swap3A_486] {strides = array<i32>} : memref<2x64x128xf32, #tpu.memory_space<vmem>>, vector<16xf32>,
        tpu.vector_store %arg16[%swap3A_484, %swap3A_485, %swap3A_486], %mul3A_483 {strides = array<i32>} : memref<2x64x128xf32, #tpu.memory_space<vmem>>, vector<16xf32>,
        %get3A_488 = arith.index_cast %select_n3A_278 : i32 to index
        %get3A_489 = arith.index_cast %scan3A_436 : i32 to index
        %get3A_490 = arith.constant 48 : index
        %get3A_491 = tpu.vector_load %arg15[%get3A_488, %get3A_489, %get3A_490] {strides = array<i32>} : memref<2x64x64xi32, #tpu.memory_space<vmem>>, vector<16xi32>,
        %bitcast3A_492 = vector.bitcast %get3A_491 : vector<16xi32> to vector<32xbf16>
        %unpack3A_493 = tpu.unpack_subelements %bitcast3A_492, 0 {pack_format = #tpu.pack_format<interleaved>} : vector<32xbf16> -> vector<16xf32>
        %unpack3A_494 = tpu.unpack_subelements %bitcast3A_492, 1 {pack_format = #tpu.pack_format<interleaved>} : vector<32xbf16> -> vector<16xf32>
        %mul3A_495 = arith.mulf %unpack3A_493, %gather3A_438 : vector<16xf32>
        %swap3A_496 = arith.index_cast %select_n3A_278 : i32 to index
        %swap3A_497 = arith.index_cast %scan3A_436 : i32 to index
        %swap3A_498 = arith.constant 96 : index
        %swap3A_499 = tpu.vector_load %arg16[%swap3A_496, %swap3A_497, %swap3A_498] {strides = array<i32>} : memref<2x64x128xf32, #tpu.memory_space<vmem>>, vector<16xf32>,
        tpu.vector_store %arg16[%swap3A_496, %swap3A_497, %swap3A_498], %mul3A_495 {strides = array<i32>} : memref<2x64x128xf32, #tpu.memory_space<vmem>>, vector<16xf32>,
        %mul3A_500 = arith.mulf %unpack3A_494, %gather3A_438 : vector<16xf32>
        %swap3A_501 = arith.index_cast %select_n3A_278 : i32 to index
        %swap3A_502 = arith.index_cast %scan3A_436 : i32 to index
        %swap3A_503 = arith.constant 112 : index
        %swap3A_504 = tpu.vector_load %arg16[%swap3A_501, %swap3A_502, %swap3A_503] {strides = array<i32>} : memref<2x64x128xf32, #tpu.memory_space<vmem>>, vector<16xf32>,
        tpu.vector_store %arg16[%swap3A_501, %swap3A_502, %swap3A_503], %mul3A_500 {strides = array<i32>} : memref<2x64x128xf32, #tpu.memory_space<vmem>>, vector<16xf32>,
        %scan3A_505 = arith.constant 1 : i32
        %scan3A_506 = arith.addi %scan3A_436, %scan3A_505 : i32
        %broadcast_in_dim3A_507 = vector.broadcast %scan3A_506 : i32 to vector<16xi32>
        %gather3A_508 = tpu.vector_load_idx %arg14[%broadcast_in_dim3A_375, %broadcast_in_dim3A_507] : memref<2x64xf32, #tpu.memory_space<vmem>>[vector<16xi32>, vector<16xi32>], vector<16xf32>,
        %get3A_509 = arith.index_cast %select_n3A_278 : i32 to index
        %get3A_510 = arith.index_cast %scan3A_506 : i32 to index
        %get3A_511 = arith.constant 0 : index
        %get3A_512 = tpu.vector_load %arg15[%get3A_509, %get3A_510, %get3A_511] {strides = array<i32>} : memref<2x64x64xi32, #tpu.memory_space<vmem>>, vector<16xi32>,
        %bitcast3A_513 = vector.bitcast %get3A_512 : vector<16xi32> to vector<32xbf16>
        %unpack3A_514 = tpu.unpack_subelements %bitcast3A_513, 0 {pack_format = #tpu.pack_format<interleaved>} : vector<32xbf16> -> vector<16xf32>
        %unpack3A_515 = tpu.unpack_subelements %bitcast3A_513, 1 {pack_format = #tpu.pack_format<interleaved>} : vector<32xbf16> -> vector<16xf32>
        %mul3A_516 = arith.mulf %unpack3A_514, %gather3A_508 : vector<16xf32>
        %swap3A_517 = arith.index_cast %select_n3A_278 : i32 to index
        %swap3A_518 = arith.index_cast %scan3A_506 : i32 to index
        %swap3A_519 = arith.constant 0 : index
        %swap3A_520 = tpu.vector_load %arg16[%swap3A_517, %swap3A_518, %swap3A_519] {strides = array<i32>} : memref<2x64x128xf32, #tpu.memory_space<vmem>>, vector<16xf32>,
        tpu.vector_store %arg16[%swap3A_517, %swap3A_518, %swap3A_519], %mul3A_516 {strides = array<i32>} : memref<2x64x128xf32, #tpu.memory_space<vmem>>, vector<16xf32>,
        %mul3A_521 = arith.mulf %unpack3A_515, %gather3A_508 : vector<16xf32>
        %swap3A_522 = arith.index_cast %select_n3A_278 : i32 to index
        %swap3A_523 = arith.index_cast %scan3A_506 : i32 to index
        %swap3A_524 = arith.constant 16 : index
        %swap3A_525 = tpu.vector_load %arg16[%swap3A_522, %swap3A_523, %swap3A_524] {strides = array<i32>} : memref<2x64x128xf32, #tpu.memory_space<vmem>>, vector<16xf32>,
        tpu.vector_store %arg16[%swap3A_522, %swap3A_523, %swap3A_524], %mul3A_521 {strides = array<i32>} : memref<2x64x128xf32, #tpu.memory_space<vmem>>, vector<16xf32>,
        %get3A_526 = arith.index_cast %select_n3A_278 : i32 to index
        %get3A_527 = arith.index_cast %scan3A_506 : i32 to index
        %get3A_528 = arith.constant 16 : index
        %get3A_529 = tpu.vector_load %arg15[%get3A_526, %get3A_527, %get3A_528] {strides = array<i32>} : memref<2x64x64xi32, #tpu.memory_space<vmem>>, vector<16xi32>,
        %bitcast3A_530 = vector.bitcast %get3A_529 : vector<16xi32> to vector<32xbf16>
        %unpack3A_531 = tpu.unpack_subelements %bitcast3A_530, 0 {pack_format = #tpu.pack_format<interleaved>} : vector<32xbf16> -> vector<16xf32>
        %unpack3A_532 = tpu.unpack_subelements %bitcast3A_530, 1 {pack_format = #tpu.pack_format<interleaved>} : vector<32xbf16> -> vector<16xf32>
        %mul3A_533 = arith.mulf %unpack3A_531, %gather3A_508 : vector<16xf32>
        %swap3A_534 = arith.index_cast %select_n3A_278 : i32 to index
        %swap3A_535 = arith.index_cast %scan3A_506 : i32 to index
        %swap3A_536 = arith.constant 32 : index
        %swap3A_537 = tpu.vector_load %arg16[%swap3A_534, %swap3A_535, %swap3A_536] {strides = array<i32>} : memref<2x64x128xf32, #tpu.memory_space<vmem>>, vector<16xf32>,
        tpu.vector_store %arg16[%swap3A_534, %swap3A_535, %swap3A_536], %mul3A_533 {strides = array<i32>} : memref<2x64x128xf32, #tpu.memory_space<vmem>>, vector<16xf32>,
        %mul3A_538 = arith.mulf %unpack3A_532, %gather3A_508 : vector<16xf32>
        %swap3A_539 = arith.index_cast %select_n3A_278 : i32 to index
        %swap3A_540 = arith.index_cast %scan3A_506 : i32 to index
        %swap3A_541 = arith.constant 48 : index
        %swap3A_542 = tpu.vector_load %arg16[%swap3A_539, %swap3A_540, %swap3A_541] {strides = array<i32>} : memref<2x64x128xf32, #tpu.memory_space<vmem>>, vector<16xf32>,
        tpu.vector_store %arg16[%swap3A_539, %swap3A_540, %swap3A_541], %mul3A_538 {strides = array<i32>} : memref<2x64x128xf32, #tpu.memory_space<vmem>>, vector<16xf32>,
        %get3A_543 = arith.index_cast %select_n3A_278 : i32 to index
        %get3A_544 = arith.index_cast %scan3A_506 : i32 to index
        %get3A_545 = arith.constant 32 : index
        %get3A_546 = tpu.vector_load %arg15[%get3A_543, %get3A_544, %get3A_545] {strides = array<i32>} : memref<2x64x64xi32, #tpu.memory_space<vmem>>, vector<16xi32>,
        %bitcast3A_547 = vector.bitcast %get3A_546 : vector<16xi32> to vector<32xbf16>
        %unpack3A_548 = tpu.unpack_subelements %bitcast3A_547, 0 {pack_format = #tpu.pack_format<interleaved>} : vector<32xbf16> -> vector<16xf32>
        %unpack3A_549 = tpu.unpack_subelements %bitcast3A_547, 1 {pack_format = #tpu.pack_format<interleaved>} : vector<32xbf16> -> vector<16xf32>
        %mul3A_550 = arith.mulf %unpack3A_548, %gather3A_508 : vector<16xf32>
        %swap3A_551 = arith.index_cast %select_n3A_278 : i32 to index
        %swap3A_552 = arith.index_cast %scan3A_506 : i32 to index
        %swap3A_553 = arith.constant 64 : index
        %swap3A_554 = tpu.vector_load %arg16[%swap3A_551, %swap3A_552, %swap3A_553] {strides = array<i32>} : memref<2x64x128xf32, #tpu.memory_space<vmem>>, vector<16xf32>,
        tpu.vector_store %arg16[%swap3A_551, %swap3A_552, %swap3A_553], %mul3A_550 {strides = array<i32>} : memref<2x64x128xf32, #tpu.memory_space<vmem>>, vector<16xf32>,
        %mul3A_555 = arith.mulf %unpack3A_549, %gather3A_508 : vector<16xf32>
        %swap3A_556 = arith.index_cast %select_n3A_278 : i32 to index
        %swap3A_557 = arith.index_cast %scan3A_506 : i32 to index
        %swap3A_558 = arith.constant 80 : index
        %swap3A_559 = tpu.vector_load %arg16[%swap3A_556, %swap3A_557, %swap3A_558] {strides = array<i32>} : memref<2x64x128xf32, #tpu.memory_space<vmem>>, vector<16xf32>,
        tpu.vector_store %arg16[%swap3A_556, %swap3A_557, %swap3A_558], %mul3A_555 {strides = array<i32>} : memref<2x64x128xf32, #tpu.memory_space<vmem>>, vector<16xf32>,
        %get3A_560 = arith.index_cast %select_n3A_278 : i32 to index
        %get3A_561 = arith.index_cast %scan3A_506 : i32 to index
        %get3A_562 = arith.constant 48 : index
        %get3A_563 = tpu.vector_load %arg15[%get3A_560, %get3A_561, %get3A_562] {strides = array<i32>} : memref<2x64x64xi32, #tpu.memory_space<vmem>>, vector<16xi32>,
        %bitcast3A_564 = vector.bitcast %get3A_563 : vector<16xi32> to vector<32xbf16>
        %unpack3A_565 = tpu.unpack_subelements %bitcast3A_564, 0 {pack_format = #tpu.pack_format<interleaved>} : vector<32xbf16> -> vector<16xf32>
        %unpack3A_566 = tpu.unpack_subelements %bitcast3A_564, 1 {pack_format = #tpu.pack_format<interleaved>} : vector<32xbf16> -> vector<16xf32>
        %mul3A_567 = arith.mulf %unpack3A_565, %gather3A_508 : vector<16xf32>
        %swap3A_568 = arith.index_cast %select_n3A_278 : i32 to index
        %swap3A_569 = arith.index_cast %scan3A_506 : i32 to index
        %swap3A_570 = arith.constant 96 : index
        %swap3A_571 = tpu.vector_load %arg16[%swap3A_568, %swap3A_569, %swap3A_570] {strides = array<i32>} : memref<2x64x128xf32, #tpu.memory_space<vmem>>, vector<16xf32>,
        tpu.vector_store %arg16[%swap3A_568, %swap3A_569, %swap3A_570], %mul3A_567 {strides = array<i32>} : memref<2x64x128xf32, #tpu.memory_space<vmem>>, vector<16xf32>,
        %mul3A_572 = arith.mulf %unpack3A_566, %gather3A_508 : vector<16xf32>
        %swap3A_573 = arith.index_cast %select_n3A_278 : i32 to index
        %swap3A_574 = arith.index_cast %scan3A_506 : i32 to index
        %swap3A_575 = arith.constant 112 : index
        %swap3A_576 = tpu.vector_load %arg16[%swap3A_573, %swap3A_574, %swap3A_575] {strides = array<i32>} : memref<2x64x128xf32, #tpu.memory_space<vmem>>, vector<16xf32>,
        tpu.vector_store %arg16[%swap3A_573, %swap3A_574, %swap3A_575], %mul3A_572 {strides = array<i32>} : memref<2x64x128xf32, #tpu.memory_space<vmem>>, vector<16xf32>,
        %scan3A_577 = arith.constant 2 : i32
        %scan3A_578 = arith.addi %scan3A_436, %scan3A_577 : i32
        %broadcast_in_dim3A_579 = vector.broadcast %scan3A_578 : i32 to vector<16xi32>
        %gather3A_580 = tpu.vector_load_idx %arg14[%broadcast_in_dim3A_375, %broadcast_in_dim3A_579] : memref<2x64xf32, #tpu.memory_space<vmem>>[vector<16xi32>, vector<16xi32>], vector<16xf32>,
        %get3A_581 = arith.index_cast %select_n3A_278 : i32 to index
        %get3A_582 = arith.index_cast %scan3A_578 : i32 to index
        %get3A_583 = arith.constant 0 : index
        %get3A_584 = tpu.vector_load %arg15[%get3A_581, %get3A_582, %get3A_583] {strides = array<i32>} : memref<2x64x64xi32, #tpu.memory_space<vmem>>, vector<16xi32>,
        %bitcast3A_585 = vector.bitcast %get3A_584 : vector<16xi32> to vector<32xbf16>
        %unpack3A_586 = tpu.unpack_subelements %bitcast3A_585, 0 {pack_format = #tpu.pack_format<interleaved>} : vector<32xbf16> -> vector<16xf32>
        %unpack3A_587 = tpu.unpack_subelements %bitcast3A_585, 1 {pack_format = #tpu.pack_format<interleaved>} : vector<32xbf16> -> vector<16xf32>
        %mul3A_588 = arith.mulf %unpack3A_586, %gather3A_580 : vector<16xf32>
        %swap3A_589 = arith.index_cast %select_n3A_278 : i32 to index
        %swap3A_590 = arith.index_cast %scan3A_578 : i32 to index
        %swap3A_591 = arith.constant 0 : index
        %swap3A_592 = tpu.vector_load %arg16[%swap3A_589, %swap3A_590, %swap3A_591] {strides = array<i32>} : memref<2x64x128xf32, #tpu.memory_space<vmem>>, vector<16xf32>,
        tpu.vector_store %arg16[%swap3A_589, %swap3A_590, %swap3A_591], %mul3A_588 {strides = array<i32>} : memref<2x64x128xf32, #tpu.memory_space<vmem>>, vector<16xf32>,
        %mul3A_593 = arith.mulf %unpack3A_587, %gather3A_580 : vector<16xf32>
        %swap3A_594 = arith.index_cast %select_n3A_278 : i32 to index
        %swap3A_595 = arith.index_cast %scan3A_578 : i32 to index
        %swap3A_596 = arith.constant 16 : index
        %swap3A_597 = tpu.vector_load %arg16[%swap3A_594, %swap3A_595, %swap3A_596] {strides = array<i32>} : memref<2x64x128xf32, #tpu.memory_space<vmem>>, vector<16xf32>,
        tpu.vector_store %arg16[%swap3A_594, %swap3A_595, %swap3A_596], %mul3A_593 {strides = array<i32>} : memref<2x64x128xf32, #tpu.memory_space<vmem>>, vector<16xf32>,
        %get3A_598 = arith.index_cast %select_n3A_278 : i32 to index
        %get3A_599 = arith.index_cast %scan3A_578 : i32 to index
        %get3A_600 = arith.constant 16 : index
        %get3A_601 = tpu.vector_load %arg15[%get3A_598, %get3A_599, %get3A_600] {strides = array<i32>} : memref<2x64x64xi32, #tpu.memory_space<vmem>>, vector<16xi32>,
        %bitcast3A_602 = vector.bitcast %get3A_601 : vector<16xi32> to vector<32xbf16>
        %unpack3A_603 = tpu.unpack_subelements %bitcast3A_602, 0 {pack_format = #tpu.pack_format<interleaved>} : vector<32xbf16> -> vector<16xf32>
        %unpack3A_604 = tpu.unpack_subelements %bitcast3A_602, 1 {pack_format = #tpu.pack_format<interleaved>} : vector<32xbf16> -> vector<16xf32>
        %mul3A_605 = arith.mulf %unpack3A_603, %gather3A_580 : vector<16xf32>
        %swap3A_606 = arith.index_cast %select_n3A_278 : i32 to index
        %swap3A_607 = arith.index_cast %scan3A_578 : i32 to index
        %swap3A_608 = arith.constant 32 : index
        %swap3A_609 = tpu.vector_load %arg16[%swap3A_606, %swap3A_607, %swap3A_608] {strides = array<i32>} : memref<2x64x128xf32, #tpu.memory_space<vmem>>, vector<16xf32>,
        tpu.vector_store %arg16[%swap3A_606, %swap3A_607, %swap3A_608], %mul3A_605 {strides = array<i32>} : memref<2x64x128xf32, #tpu.memory_space<vmem>>, vector<16xf32>,
        %mul3A_610 = arith.mulf %unpack3A_604, %gather3A_580 : vector<16xf32>
        %swap3A_611 = arith.index_cast %select_n3A_278 : i32 to index
        %swap3A_612 = arith.index_cast %scan3A_578 : i32 to index
        %swap3A_613 = arith.constant 48 : index
        %swap3A_614 = tpu.vector_load %arg16[%swap3A_611, %swap3A_612, %swap3A_613] {strides = array<i32>} : memref<2x64x128xf32, #tpu.memory_space<vmem>>, vector<16xf32>,
        tpu.vector_store %arg16[%swap3A_611, %swap3A_612, %swap3A_613], %mul3A_610 {strides = array<i32>} : memref<2x64x128xf32, #tpu.memory_space<vmem>>, vector<16xf32>,
        %get3A_615 = arith.index_cast %select_n3A_278 : i32 to index
        %get3A_616 = arith.index_cast %scan3A_578 : i32 to index
        %get3A_617 = arith.constant 32 : index
        %get3A_618 = tpu.vector_load %arg15[%get3A_615, %get3A_616, %get3A_617] {strides = array<i32>} : memref<2x64x64xi32, #tpu.memory_space<vmem>>, vector<16xi32>,
        %bitcast3A_619 = vector.bitcast %get3A_618 : vector<16xi32> to vector<32xbf16>
        %unpack3A_620 = tpu.unpack_subelements %bitcast3A_619, 0 {pack_format = #tpu.pack_format<interleaved>} : vector<32xbf16> -> vector<16xf32>
        %unpack3A_621 = tpu.unpack_subelements %bitcast3A_619, 1 {pack_format = #tpu.pack_format<interleaved>} : vector<32xbf16> -> vector<16xf32>
        %mul3A_622 = arith.mulf %unpack3A_620, %gather3A_580 : vector<16xf32>
        %swap3A_623 = arith.index_cast %select_n3A_278 : i32 to index
        %swap3A_624 = arith.index_cast %scan3A_578 : i32 to index
        %swap3A_625 = arith.constant 64 : index
        %swap3A_626 = tpu.vector_load %arg16[%swap3A_623, %swap3A_624, %swap3A_625] {strides = array<i32>} : memref<2x64x128xf32, #tpu.memory_space<vmem>>, vector<16xf32>,
        tpu.vector_store %arg16[%swap3A_623, %swap3A_624, %swap3A_625], %mul3A_622 {strides = array<i32>} : memref<2x64x128xf32, #tpu.memory_space<vmem>>, vector<16xf32>,
        %mul3A_627 = arith.mulf %unpack3A_621, %gather3A_580 : vector<16xf32>
        %swap3A_628 = arith.index_cast %select_n3A_278 : i32 to index
        %swap3A_629 = arith.index_cast %scan3A_578 : i32 to index
        %swap3A_630 = arith.constant 80 : index
        %swap3A_631 = tpu.vector_load %arg16[%swap3A_628, %swap3A_629, %swap3A_630] {strides = array<i32>} : memref<2x64x128xf32, #tpu.memory_space<vmem>>, vector<16xf32>,
        tpu.vector_store %arg16[%swap3A_628, %swap3A_629, %swap3A_630], %mul3A_627 {strides = array<i32>} : memref<2x64x128xf32, #tpu.memory_space<vmem>>, vector<16xf32>,
        %get3A_632 = arith.index_cast %select_n3A_278 : i32 to index
        %get3A_633 = arith.index_cast %scan3A_578 : i32 to index
        %get3A_634 = arith.constant 48 : index
        %get3A_635 = tpu.vector_load %arg15[%get3A_632, %get3A_633, %get3A_634] {strides = array<i32>} : memref<2x64x64xi32, #tpu.memory_space<vmem>>, vector<16xi32>,
        %bitcast3A_636 = vector.bitcast %get3A_635 : vector<16xi32> to vector<32xbf16>
        %unpack3A_637 = tpu.unpack_subelements %bitcast3A_636, 0 {pack_format = #tpu.pack_format<interleaved>} : vector<32xbf16> -> vector<16xf32>
        %unpack3A_638 = tpu.unpack_subelements %bitcast3A_636, 1 {pack_format = #tpu.pack_format<interleaved>} : vector<32xbf16> -> vector<16xf32>
        %mul3A_639 = arith.mulf %unpack3A_637, %gather3A_580 : vector<16xf32>
        %swap3A_640 = arith.index_cast %select_n3A_278 : i32 to index
        %swap3A_641 = arith.index_cast %scan3A_578 : i32 to index
        %swap3A_642 = arith.constant 96 : index
        %swap3A_643 = tpu.vector_load %arg16[%swap3A_640, %swap3A_641, %swap3A_642] {strides = array<i32>} : memref<2x64x128xf32, #tpu.memory_space<vmem>>, vector<16xf32>,
        tpu.vector_store %arg16[%swap3A_640, %swap3A_641, %swap3A_642], %mul3A_639 {strides = array<i32>} : memref<2x64x128xf32, #tpu.memory_space<vmem>>, vector<16xf32>,
        %mul3A_644 = arith.mulf %unpack3A_638, %gather3A_580 : vector<16xf32>
        %swap3A_645 = arith.index_cast %select_n3A_278 : i32 to index
        %swap3A_646 = arith.index_cast %scan3A_578 : i32 to index
        %swap3A_647 = arith.constant 112 : index
        %swap3A_648 = tpu.vector_load %arg16[%swap3A_645, %swap3A_646, %swap3A_647] {strides = array<i32>} : memref<2x64x128xf32, #tpu.memory_space<vmem>>, vector<16xf32>,
        tpu.vector_store %arg16[%swap3A_645, %swap3A_646, %swap3A_647], %mul3A_644 {strides = array<i32>} : memref<2x64x128xf32, #tpu.memory_space<vmem>>, vector<16xf32>,
        %scan3A_649 = arith.constant 3 : i32
        %scan3A_650 = arith.addi %scan3A_436, %scan3A_649 : i32
        %broadcast_in_dim3A_651 = vector.broadcast %scan3A_650 : i32 to vector<16xi32>
        %gather3A_652 = tpu.vector_load_idx %arg14[%broadcast_in_dim3A_375, %broadcast_in_dim3A_651] : memref<2x64xf32, #tpu.memory_space<vmem>>[vector<16xi32>, vector<16xi32>], vector<16xf32>,
        %get3A_653 = arith.index_cast %select_n3A_278 : i32 to index
        %get3A_654 = arith.index_cast %scan3A_650 : i32 to index
        %get3A_655 = arith.constant 0 : index
        %get3A_656 = tpu.vector_load %arg15[%get3A_653, %get3A_654, %get3A_655] {strides = array<i32>} : memref<2x64x64xi32, #tpu.memory_space<vmem>>, vector<16xi32>,
        %bitcast3A_657 = vector.bitcast %get3A_656 : vector<16xi32> to vector<32xbf16>
        %unpack3A_658 = tpu.unpack_subelements %bitcast3A_657, 0 {pack_format = #tpu.pack_format<interleaved>} : vector<32xbf16> -> vector<16xf32>
        %unpack3A_659 = tpu.unpack_subelements %bitcast3A_657, 1 {pack_format = #tpu.pack_format<interleaved>} : vector<32xbf16> -> vector<16xf32>
        %mul3A_660 = arith.mulf %unpack3A_658, %gather3A_652 : vector<16xf32>
        %swap3A_661 = arith.index_cast %select_n3A_278 : i32 to index
        %swap3A_662 = arith.index_cast %scan3A_650 : i32 to index
        %swap3A_663 = arith.constant 0 : index
        %swap3A_664 = tpu.vector_load %arg16[%swap3A_661, %swap3A_662, %swap3A_663] {strides = array<i32>} : memref<2x64x128xf32, #tpu.memory_space<vmem>>, vector<16xf32>,
        tpu.vector_store %arg16[%swap3A_661, %swap3A_662, %swap3A_663], %mul3A_660 {strides = array<i32>} : memref<2x64x128xf32, #tpu.memory_space<vmem>>, vector<16xf32>,
        %mul3A_665 = arith.mulf %unpack3A_659, %gather3A_652 : vector<16xf32>
        %swap3A_666 = arith.index_cast %select_n3A_278 : i32 to index
        %swap3A_667 = arith.index_cast %scan3A_650 : i32 to index
        %swap3A_668 = arith.constant 16 : index
        %swap3A_669 = tpu.vector_load %arg16[%swap3A_666, %swap3A_667, %swap3A_668] {strides = array<i32>} : memref<2x64x128xf32, #tpu.memory_space<vmem>>, vector<16xf32>,
        tpu.vector_store %arg16[%swap3A_666, %swap3A_667, %swap3A_668], %mul3A_665 {strides = array<i32>} : memref<2x64x128xf32, #tpu.memory_space<vmem>>, vector<16xf32>,
        %get3A_670 = arith.index_cast %select_n3A_278 : i32 to index
        %get3A_671 = arith.index_cast %scan3A_650 : i32 to index
        %get3A_672 = arith.constant 16 : index
        %get3A_673 = tpu.vector_load %arg15[%get3A_670, %get3A_671, %get3A_672] {strides = array<i32>} : memref<2x64x64xi32, #tpu.memory_space<vmem>>, vector<16xi32>,
        %bitcast3A_674 = vector.bitcast %get3A_673 : vector<16xi32> to vector<32xbf16>
        %unpack3A_675 = tpu.unpack_subelements %bitcast3A_674, 0 {pack_format = #tpu.pack_format<interleaved>} : vector<32xbf16> -> vector<16xf32>
        %unpack3A_676 = tpu.unpack_subelements %bitcast3A_674, 1 {pack_format = #tpu.pack_format<interleaved>} : vector<32xbf16> -> vector<16xf32>
        %mul3A_677 = arith.mulf %unpack3A_675, %gather3A_652 : vector<16xf32>
        %swap3A_678 = arith.index_cast %select_n3A_278 : i32 to index
        %swap3A_679 = arith.index_cast %scan3A_650 : i32 to index
        %swap3A_680 = arith.constant 32 : index
        %swap3A_681 = tpu.vector_load %arg16[%swap3A_678, %swap3A_679, %swap3A_680] {strides = array<i32>} : memref<2x64x128xf32, #tpu.memory_space<vmem>>, vector<16xf32>,
        tpu.vector_store %arg16[%swap3A_678, %swap3A_679, %swap3A_680], %mul3A_677 {strides = array<i32>} : memref<2x64x128xf32, #tpu.memory_space<vmem>>, vector<16xf32>,
        %mul3A_682 = arith.mulf %unpack3A_676, %gather3A_652 : vector<16xf32>
        %swap3A_683 = arith.index_cast %select_n3A_278 : i32 to index
        %swap3A_684 = arith.index_cast %scan3A_650 : i32 to index
        %swap3A_685 = arith.constant 48 : index
        %swap3A_686 = tpu.vector_load %arg16[%swap3A_683, %swap3A_684, %swap3A_685] {strides = array<i32>} : memref<2x64x128xf32, #tpu.memory_space<vmem>>, vector<16xf32>,
        tpu.vector_store %arg16[%swap3A_683, %swap3A_684, %swap3A_685], %mul3A_682 {strides = array<i32>} : memref<2x64x128xf32, #tpu.memory_space<vmem>>, vector<16xf32>,
        %get3A_687 = arith.index_cast %select_n3A_278 : i32 to index
        %get3A_688 = arith.index_cast %scan3A_650 : i32 to index
        %get3A_689 = arith.constant 32 : index
        %get3A_690 = tpu.vector_load %arg15[%get3A_687, %get3A_688, %get3A_689] {strides = array<i32>} : memref<2x64x64xi32, #tpu.memory_space<vmem>>, vector<16xi32>,
        %bitcast3A_691 = vector.bitcast %get3A_690 : vector<16xi32> to vector<32xbf16>
        %unpack3A_692 = tpu.unpack_subelements %bitcast3A_691, 0 {pack_format = #tpu.pack_format<interleaved>} : vector<32xbf16> -> vector<16xf32>
        %unpack3A_693 = tpu.unpack_subelements %bitcast3A_691, 1 {pack_format = #tpu.pack_format<interleaved>} : vector<32xbf16> -> vector<16xf32>
        %mul3A_694 = arith.mulf %unpack3A_692, %gather3A_652 : vector<16xf32>
        %swap3A_695 = arith.index_cast %select_n3A_278 : i32 to index
        %swap3A_696 = arith.index_cast %scan3A_650 : i32 to index
        %swap3A_697 = arith.constant 64 : index
        %swap3A_698 = tpu.vector_load %arg16[%swap3A_695, %swap3A_696, %swap3A_697] {strides = array<i32>} : memref<2x64x128xf32, #tpu.memory_space<vmem>>, vector<16xf32>,
        tpu.vector_store %arg16[%swap3A_695, %swap3A_696, %swap3A_697], %mul3A_694 {strides = array<i32>} : memref<2x64x128xf32, #tpu.memory_space<vmem>>, vector<16xf32>,
        %mul3A_699 = arith.mulf %unpack3A_693, %gather3A_652 : vector<16xf32>
        %swap3A_700 = arith.index_cast %select_n3A_278 : i32 to index
        %swap3A_701 = arith.index_cast %scan3A_650 : i32 to index
        %swap3A_702 = arith.constant 80 : index
        %swap3A_703 = tpu.vector_load %arg16[%swap3A_700, %swap3A_701, %swap3A_702] {strides = array<i32>} : memref<2x64x128xf32, #tpu.memory_space<vmem>>, vector<16xf32>,
        tpu.vector_store %arg16[%swap3A_700, %swap3A_701, %swap3A_702], %mul3A_699 {strides = array<i32>} : memref<2x64x128xf32, #tpu.memory_space<vmem>>, vector<16xf32>,
        %get3A_704 = arith.index_cast %select_n3A_278 : i32 to index
        %get3A_705 = arith.index_cast %scan3A_650 : i32 to index
        %get3A_706 = arith.constant 48 : index
        %get3A_707 = tpu.vector_load %arg15[%get3A_704, %get3A_705, %get3A_706] {strides = array<i32>} : memref<2x64x64xi32, #tpu.memory_space<vmem>>, vector<16xi32>,
        %bitcast3A_708 = vector.bitcast %get3A_707 : vector<16xi32> to vector<32xbf16>
        %unpack3A_709 = tpu.unpack_subelements %bitcast3A_708, 0 {pack_format = #tpu.pack_format<interleaved>} : vector<32xbf16> -> vector<16xf32>
        %unpack3A_710 = tpu.unpack_subelements %bitcast3A_708, 1 {pack_format = #tpu.pack_format<interleaved>} : vector<32xbf16> -> vector<16xf32>
        %mul3A_711 = arith.mulf %unpack3A_709, %gather3A_652 : vector<16xf32>
        %swap3A_712 = arith.index_cast %select_n3A_278 : i32 to index
        %swap3A_713 = arith.index_cast %scan3A_650 : i32 to index
        %swap3A_714 = arith.constant 96 : index
        %swap3A_715 = tpu.vector_load %arg16[%swap3A_712, %swap3A_713, %swap3A_714] {strides = array<i32>} : memref<2x64x128xf32, #tpu.memory_space<vmem>>, vector<16xf32>,
        tpu.vector_store %arg16[%swap3A_712, %swap3A_713, %swap3A_714], %mul3A_711 {strides = array<i32>} : memref<2x64x128xf32, #tpu.memory_space<vmem>>, vector<16xf32>,
        %mul3A_716 = arith.mulf %unpack3A_710, %gather3A_652 : vector<16xf32>
        %swap3A_717 = arith.index_cast %select_n3A_278 : i32 to index
        %swap3A_718 = arith.index_cast %scan3A_650 : i32 to index
        %swap3A_719 = arith.constant 112 : index
        %swap3A_720 = tpu.vector_load %arg16[%swap3A_717, %swap3A_718, %swap3A_719] {strides = array<i32>} : memref<2x64x128xf32, #tpu.memory_space<vmem>>, vector<16xf32>,
        tpu.vector_store %arg16[%swap3A_717, %swap3A_718, %swap3A_719], %mul3A_716 {strides = array<i32>} : memref<2x64x128xf32, #tpu.memory_space<vmem>>, vector<16xf32>,
      }
      %scan3A_381 = arith.constant 64 : i32
      %jit3A_382 = arith.constant 2 : i32
      %eq3A_383 = arith.constant 0 : i32
      %eq3A_384 = arith.cmpi eq, %jit3A_382, %eq3A_383 : i32
      %jit3A_385 = arith.constant 1 : i32
      %select_n3A_386 = arith.select %eq3A_384, %jit3A_385, %jit3A_382 : i32
      %rem3A_387 = arith.remsi %scan3A_209, %select_n3A_386 : i32
      %ne3A_388 = arith.constant 0 : i32
      %ne3A_389 = arith.cmpi ne, %rem3A_387, %ne3A_388 : i32
      %lt3A_390 = arith.constant 0 : i32
      %lt3A_391 = arith.cmpi slt, %rem3A_387, %lt3A_390 : i32
      %lt3A_392 = arith.constant 0 : i32
      %lt3A_393 = arith.cmpi slt, %select_n3A_386, %lt3A_392 : i32
      %ne3A_394 = arith.xori %lt3A_391, %lt3A_393 : i1
      %and3A_395 = arith.andi %ne3A_394, %ne3A_389 : i1
      %add3A_396 = arith.addi %rem3A_387, %select_n3A_386 : i32
      %select_n3A_397 = arith.select %and3A_395, %add3A_396, %rem3A_387 : i32
      %jit3A_398 = arith.constant 3 : i32
      %eq3A_399 = arith.constant 0 : i32
      %eq3A_400 = arith.cmpi eq, %jit3A_398, %eq3A_399 : i32
      %jit3A_401 = arith.constant 1 : i32
      %select_n3A_402 = arith.select %eq3A_400, %jit3A_401, %jit3A_398 : i32
      %rem3A_403 = arith.remsi %scan3A_209, %select_n3A_402 : i32
      %ne3A_404 = arith.constant 0 : i32
      %ne3A_405 = arith.cmpi ne, %rem3A_403, %ne3A_404 : i32
      %lt3A_406 = arith.constant 0 : i32
      %lt3A_407 = arith.cmpi slt, %rem3A_403, %lt3A_406 : i32
      %lt3A_408 = arith.constant 0 : i32
      %lt3A_409 = arith.cmpi slt, %select_n3A_402, %lt3A_408 : i32
      %ne3A_410 = arith.xori %lt3A_407, %lt3A_409 : i1
      %and3A_411 = arith.andi %ne3A_410, %ne3A_405 : i1
      %add3A_412 = arith.addi %rem3A_403, %select_n3A_402 : i32
      %select_n3A_413 = arith.select %and3A_411, %add3A_412, %rem3A_403 : i32
      %dma_start3A_414 = arith.constant 0 : i32
      %dma_start3A_415 = tpu.memref_slice %arg14[%select_n3A_397, %dma_start3A_414] : memref<2x64xf32, #tpu.memory_space<vmem>> -> memref<1x64xf32, #tpu.memory_space<vmem>>
      %dma_start3A_416 = tpu.memref_squeeze %dma_start3A_415 : memref<1x64xf32, #tpu.memory_space<vmem>> -> memref<64xf32, #tpu.memory_space<vmem>>
      %dma_start3A_417 = arith.constant 0 : i32
      %dma_start3A_418 = tpu.memref_slice %arg13[%select_n3A_413, %dma_start3A_417] : memref<3x64xi32, #tpu.memory_space<vmem>> -> memref<1x64xi32, #tpu.memory_space<vmem>>
      %dma_start3A_419 = tpu.memref_squeeze %dma_start3A_418 : memref<1x64xi32, #tpu.memory_space<vmem>> -> memref<64xi32, #tpu.memory_space<vmem>>
      %dma_start3A_420 = arith.constant 0 : i32
      %dma_start3A_421 = tpu.memref_slice %arg20[%dma_start3A_420] : memref<10240xf32, #tpu.memory_space<vmem_shared>> -> memref<10240xf32, #tpu.memory_space<vmem_shared>>
      %dma_start3A_422 = tpu.memref_slice %arg23[%select_n3A_397] : memref<2x!tpu.dma_semaphore, #tpu.memory_space<semaphore_mem>> -> memref<1x!tpu.dma_semaphore, #tpu.memory_space<semaphore_mem>>
      %dma_start3A_423 = tpu.memref_squeeze %dma_start3A_422 : memref<1x!tpu.dma_semaphore, #tpu.memory_space<semaphore_mem>> -> memref<!tpu.dma_semaphore, #tpu.memory_space<semaphore_mem>>
      tpu.enqueue_indirect_dma source(%dma_start3A_416 : memref<64xf32, #tpu.memory_space<vmem>>) target(%dma_start3A_421 : memref<10240xf32, #tpu.memory_space<vmem_shared>>) offsets(%dma_start3A_419 : memref<64xi32, #tpu.memory_space<vmem>>) semaphore(%dma_start3A_423 : memref<!tpu.dma_semaphore, #tpu.memory_space<semaphore_mem>>) {add = true}
      %dma_start3A_424 = arith.constant 0 : i32
      %dma_start3A_425 = arith.constant 0 : i32
      %dma_start3A_426 = tpu.memref_slice %arg16[%select_n3A_397, %dma_start3A_424, %dma_start3A_425] : memref<2x64x128xf32, #tpu.memory_space<vmem>> -> memref<1x64x128xf32, #tpu.memory_space<vmem>>
      %dma_start3A_427 = tpu.memref_squeeze %dma_start3A_426 : memref<1x64x128xf32, #tpu.memory_space<vmem>> -> memref<64x128xf32, #tpu.memory_space<vmem>>
      %dma_start3A_428 = arith.constant 0 : i32
      %dma_start3A_429 = tpu.memref_slice %arg13[%select_n3A_413, %dma_start3A_428] : memref<3x64xi32, #tpu.memory_space<vmem>> -> memref<1x64xi32, #tpu.memory_space<vmem>>
      %dma_start3A_430 = tpu.memref_squeeze %dma_start3A_429 : memref<1x64xi32, #tpu.memory_space<vmem>> -> memref<64xi32, #tpu.memory_space<vmem>>
      %dma_start3A_431 = arith.constant 0 : i32
      %dma_start3A_432 = arith.constant 0 : i32
      %dma_start3A_433 = tpu.memref_slice %arg19[%dma_start3A_431, %dma_start3A_432] : memref<10112x128xf32, #tpu.memory_space<vmem_shared>> -> memref<10112x128xf32, #tpu.memory_space<vmem_shared>>
      %dma_start3A_434 = tpu.memref_slice %arg23[%select_n3A_397] : memref<2x!tpu.dma_semaphore, #tpu.memory_space<semaphore_mem>> -> memref<1x!tpu.dma_semaphore, #tpu.memory_space<semaphore_mem>>
      %dma_start3A_435 = tpu.memref_squeeze %dma_start3A_434 : memref<1x!tpu.dma_semaphore, #tpu.memory_space<semaphore_mem>> -> memref<!tpu.dma_semaphore, #tpu.memory_space<semaphore_mem>>
      tpu.enqueue_indirect_dma source(%dma_start3A_427 : memref<64x128xf32, #tpu.memory_space<vmem>>) target(%dma_start3A_433 : memref<10112x128xf32, #tpu.memory_space<vmem_shared>>) offsets(%dma_start3A_430 : memref<64xi32, #tpu.memory_space<vmem>>) semaphore(%dma_start3A_435 : memref<!tpu.dma_semaphore, #tpu.memory_space<semaphore_mem>>) {add = true}
    }
    %scan3A_168 = arith.constant 160 : i32
    %dma_wait3A_169 = arith.constant 1 : i32
    %dma_wait3A_170 = arith.constant 0 : i32
    %dma_wait3A_171 = arith.constant 1 : i32
    %dma_wait3A_172 = arith.constant 0 : i32
    %dma_wait3A_173 = tpu.memref_slice %arg14[%dma_wait3A_169, %dma_wait3A_172] : memref<2x64xf32, #tpu.memory_space<vmem>> -> memref<1x64xf32, #tpu.memory_space<vmem>>
    %dma_wait3A_174 = tpu.memref_squeeze %dma_wait3A_173 : memref<1x64xf32, #tpu.memory_space<vmem>> -> memref<64xf32, #tpu.memory_space<vmem>>
    %dma_wait3A_175 = arith.constant 0 : i32
    %dma_wait3A_176 = tpu.memref_slice %arg13[%dma_wait3A_170, %dma_wait3A_175] : memref<3x64xi32, #tpu.memory_space<vmem>> -> memref<1x64xi32, #tpu.memory_space<vmem>>
    %dma_wait3A_177 = tpu.memref_squeeze %dma_wait3A_176 : memref<1x64xi32, #tpu.memory_space<vmem>> -> memref<64xi32, #tpu.memory_space<vmem>>
    %dma_wait3A_178 = arith.constant 0 : i32
    %dma_wait3A_179 = tpu.memref_slice %arg20[%dma_wait3A_178] : memref<10240xf32, #tpu.memory_space<vmem_shared>> -> memref<10240xf32, #tpu.memory_space<vmem_shared>>
    %dma_wait3A_180 = tpu.memref_slice %arg23[%dma_wait3A_171] : memref<2x!tpu.dma_semaphore, #tpu.memory_space<semaphore_mem>> -> memref<1x!tpu.dma_semaphore, #tpu.memory_space<semaphore_mem>>
    %dma_wait3A_181 = tpu.memref_squeeze %dma_wait3A_180 : memref<1x!tpu.dma_semaphore, #tpu.memory_space<semaphore_mem>> -> memref<!tpu.dma_semaphore, #tpu.memory_space<semaphore_mem>>
    tpu.wait_indirect_dma semaphore(%dma_wait3A_181 : memref<!tpu.dma_semaphore, #tpu.memory_space<semaphore_mem>>) src(%dma_wait3A_174 : memref<64xf32, #tpu.memory_space<vmem>>) dst(%dma_wait3A_179 : memref<10240xf32, #tpu.memory_space<vmem_shared>>)
    %dma_wait3A_182 = arith.constant 1 : i32
    %dma_wait3A_183 = arith.constant 0 : i32
    %dma_wait3A_184 = arith.constant 1 : i32
    %dma_wait3A_185 = arith.constant 0 : i32
    %dma_wait3A_186 = arith.constant 0 : i32
    %dma_wait3A_187 = tpu.memref_slice %arg16[%dma_wait3A_182, %dma_wait3A_185, %dma_wait3A_186] : memref<2x64x128xf32, #tpu.memory_space<vmem>> -> memref<1x64x128xf32, #tpu.memory_space<vmem>>
    %dma_wait3A_188 = tpu.memref_squeeze %dma_wait3A_187 : memref<1x64x128xf32, #tpu.memory_space<vmem>> -> memref<64x128xf32, #tpu.memory_space<vmem>>
    %dma_wait3A_189 = arith.constant 0 : i32
    %dma_wait3A_190 = tpu.memref_slice %arg13[%dma_wait3A_183, %dma_wait3A_189] : memref<3x64xi32, #tpu.memory_space<vmem>> -> memref<1x64xi32, #tpu.memory_space<vmem>>
    %dma_wait3A_191 = tpu.memref_squeeze %dma_wait3A_190 : memref<1x64xi32, #tpu.memory_space<vmem>> -> memref<64xi32, #tpu.memory_space<vmem>>
    %dma_wait3A_192 = arith.constant 0 : i32
    %dma_wait3A_193 = arith.constant 0 : i32
    %dma_wait3A_194 = tpu.memref_slice %arg19[%dma_wait3A_192, %dma_wait3A_193] : memref<10112x128xf32, #tpu.memory_space<vmem_shared>> -> memref<10112x128xf32, #tpu.memory_space<vmem_shared>>
    %dma_wait3A_195 = tpu.memref_slice %arg23[%dma_wait3A_184] : memref<2x!tpu.dma_semaphore, #tpu.memory_space<semaphore_mem>> -> memref<1x!tpu.dma_semaphore, #tpu.memory_space<semaphore_mem>>
    %dma_wait3A_196 = tpu.memref_squeeze %dma_wait3A_195 : memref<1x!tpu.dma_semaphore, #tpu.memory_space<semaphore_mem>> -> memref<!tpu.dma_semaphore, #tpu.memory_space<semaphore_mem>>
    tpu.wait_indirect_dma semaphore(%dma_wait3A_196 : memref<!tpu.dma_semaphore, #tpu.memory_space<semaphore_mem>>) src(%dma_wait3A_188 : memref<64x128xf32, #tpu.memory_space<vmem>>) dst(%dma_wait3A_194 : memref<10112x128xf32, #tpu.memory_space<vmem_shared>>)
    %barrier3A_197 = arith.constant 0 : index
    tpu.barrier barrier_id(%barrier3A_197)
    %mul3A_198 = arith.constant 632 : i32
    %mul3A_199 = arith.muli %arg1, %mul3A_198 : i32
    %mul3A_200 = arith.constant 632 : i32
    %mul3A_201 = arith.muli %arg1, %mul3A_200 : i32
    "tpu.region"() ({
      %run_scoped3A_209 = tpu.sem_alloc : memref<!tpu.dma_semaphore, #tpu.memory_space<semaphore_mem>>
      %dma_start3A_210 = arith.constant 0 : i32
      %dma_start3A_211 = tpu.memref_slice %arg8[%arg0, %mul3A_201, %dma_start3A_210] : memref<2x10112x128xf32, #tpu.memory_space<hbm>> -> memref<1x632x128xf32, #tpu.memory_space<hbm>>
      %dma_start3A_212 = tpu.memref_squeeze %dma_start3A_211 : memref<1x632x128xf32, #tpu.memory_space<hbm>> -> memref<632x128xf32, #tpu.memory_space<hbm>>
      %dma_start3A_213 = arith.constant 0 : i32
      %dma_start3A_214 = tpu.memref_slice %arg19[%mul3A_199, %dma_start3A_213] : memref<10112x128xf32, #tpu.memory_space<vmem_shared>> -> memref<632x128xf32, #tpu.memory_space<vmem_shared>>
      tpu.enqueue_dma source(%dma_start3A_214 : memref<632x128xf32, #tpu.memory_space<vmem_shared>>) target(%dma_start3A_212 : memref<632x128xf32, #tpu.memory_space<hbm>>) target_semaphore(%run_scoped3A_209 : memref<!tpu.dma_semaphore, #tpu.memory_space<semaphore_mem>>)
      %dma_wait3A_215 = arith.constant 0 : i32
      %dma_wait3A_216 = tpu.memref_slice %arg8[%arg0, %mul3A_201, %dma_wait3A_215] : memref<2x10112x128xf32, #tpu.memory_space<hbm>> -> memref<1x632x128xf32, #tpu.memory_space<hbm>>
      %dma_wait3A_217 = tpu.memref_squeeze %dma_wait3A_216 : memref<1x632x128xf32, #tpu.memory_space<hbm>> -> memref<632x128xf32, #tpu.memory_space<hbm>>
      %dma_wait3A_218 = arith.constant 0 : i32
      %dma_wait3A_219 = tpu.memref_slice %arg19[%mul3A_199, %dma_wait3A_218] : memref<10112x128xf32, #tpu.memory_space<vmem_shared>> -> memref<632x128xf32, #tpu.memory_space<vmem_shared>>
      tpu.wait_dma2 semaphore(%run_scoped3A_209 : memref<!tpu.dma_semaphore, #tpu.memory_space<semaphore_mem>>) src(%dma_wait3A_219 : memref<632x128xf32, #tpu.memory_space<vmem_shared>>) dst(%dma_wait3A_217 : memref<632x128xf32, #tpu.memory_space<hbm>>)
      tpu.yield
    }) : () -> ()
    %mul3A_202 = arith.constant 640 : i32
    %mul3A_203 = arith.muli %arg1, %mul3A_202 : i32
    %mul3A_204 = arith.constant 10240 : i32
    %mul3A_205 = arith.muli %arg0, %mul3A_204 : i32
    %mul3A_206 = arith.constant 640 : i32
    %mul3A_207 = arith.muli %arg1, %mul3A_206 : i32
    %add3A_208 = arith.addi %mul3A_205, %mul3A_207 : i32
    "tpu.region"() ({
      %run_scoped3A_209 = tpu.sem_alloc : memref<!tpu.dma_semaphore, #tpu.memory_space<semaphore_mem>>
      %dma_start3A_210 = tpu.memref_slice %arg9[%add3A_208] : memref<20480xf32, #tpu.memory_space<hbm>> -> memref<640xf32, #tpu.memory_space<hbm>>
      %dma_start3A_211 = tpu.memref_slice %arg20[%mul3A_203] : memref<10240xf32, #tpu.memory_space<vmem_shared>> -> memref<640xf32, #tpu.memory_space<vmem_shared>>
      tpu.enqueue_dma source(%dma_start3A_211 : memref<640xf32, #tpu.memory_space<vmem_shared>>) target(%dma_start3A_210 : memref<640xf32, #tpu.memory_space<hbm>>) target_semaphore(%run_scoped3A_209 : memref<!tpu.dma_semaphore, #tpu.memory_space<semaphore_mem>>)
      %dma_wait3A_212 = tpu.memref_slice %arg9[%add3A_208] : memref<20480xf32, #tpu.memory_space<hbm>> -> memref<640xf32, #tpu.memory_space<hbm>>
      %dma_wait3A_213 = tpu.memref_slice %arg20[%mul3A_203] : memref<10240xf32, #tpu.memory_space<vmem_shared>> -> memref<640xf32, #tpu.memory_space<vmem_shared>>
      tpu.wait_dma2 semaphore(%run_scoped3A_209 : memref<!tpu.dma_semaphore, #tpu.memory_space<semaphore_mem>>) src(%dma_wait3A_213 : memref<640xf32, #tpu.memory_space<vmem_shared>>) dst(%dma_wait3A_212 : memref<640xf32, #tpu.memory_space<hbm>>)
      tpu.yield
    }) : () -> ()
    return
  }
}

module attributes {stable_mosaic.version = 14 : i64} {
  func.func @_tc_embed_body(%arg0: i32, %arg1: memref<1000x128xf32, #tpu.memory_space<vmem>>, %arg2: memref<128x128xf32, #tpu.memory_space<vmem>>, %arg3: memref<1x128xf32, #tpu.memory_space<vmem>>, %arg4: memref<1x128xf32, #tpu.memory_space<vmem>>, %arg5: memref<1000x128xf32, #tpu.memory_space<vmem>>, %arg6: memref<1000x1xf32, #tpu.memory_space<vmem>>, %arg7: memref<1000x1xf32, #tpu.memory_space<vmem>>, %arg8: memref<1x1xf32, #tpu.memory_space<vmem>>, %arg9: memref<1x1xf32, #tpu.memory_space<vmem>>, %arg10: memref<1x16xf32, #tpu.memory_space<vmem>>) attributes {dimension_semantics = [#tpu.dimension_semantics<arbitrary>], iteration_bounds = array<i64: 10>, scalar_prefetch = 0 : i64, scratch_operands = 0 : i64, tpu.core_type = #tpu.core_type<tc>, window_params = [{transform_indices = @transform_0, window_bounds = array<i64: 1000, 128>}, {pipeline_mode = #tpu.pipeline_mode<synchronous>, transform_indices = @transform_1, window_bounds = array<i64: 128, 128>}, {pipeline_mode = #tpu.pipeline_mode<synchronous>, transform_indices = @transform_2, window_bounds = array<i64: 1, 128>}, {pipeline_mode = #tpu.pipeline_mode<synchronous>, transform_indices = @transform_3, window_bounds = array<i64: 1, 128>}, {transform_indices = @transform_4, window_bounds = array<i64: 1000, 128>}, {transform_indices = @transform_5, window_bounds = array<i64: 1000, 1>}, {transform_indices = @transform_6, window_bounds = array<i64: 1000, 1>}, {pipeline_mode = #tpu.pipeline_mode<synchronous>, transform_indices = @transform_7, window_bounds = array<i64: 1, 1>}, {pipeline_mode = #tpu.pipeline_mode<synchronous>, transform_indices = @transform_8, window_bounds = array<i64: 1, 1>}, {pipeline_mode = #tpu.pipeline_mode<synchronous>, transform_indices = @transform_9, window_bounds = array<i64: 1, 16>}]} {
    %get3A = arith.constant 0 : index
    %get3A_0 = arith.constant 0 : index
    %get3A_1 = vector.load %arg1[%get3A, %get3A_0] : memref<1000x128xf32, #tpu.memory_space<vmem>>, vector<1000x128xf32>
    %get3A_2 = arith.constant 0 : index
    %get3A_3 = arith.constant 0 : index
    %get3A_4 = vector.load %arg2[%get3A_2, %get3A_3] : memref<128x128xf32, #tpu.memory_space<vmem>>, vector<128x128xf32>
    %dot_general3A = arith.constant dense<0.000000e+00> : vector<1000x128xf32>
    %dot_general3A_5 = tpu.matmul %get3A_1, %get3A_4, %dot_general3A {dimension_numbers = #tpu.dot_dimension_numbers<[1], [0], [0], [1], [0, 0, 1, 1], [], []>, transpose_lhs_hint = false} : vector<1000x128xf32>, vector<128x128xf32>, vector<1000x128xf32> -> vector<1000x128xf32>
    %swap3A = arith.constant 0 : index
    %swap3A_6 = arith.constant 0 : index
    %swap3A_7 = vector.load %arg5[%swap3A, %swap3A_6] : memref<1000x128xf32, #tpu.memory_space<vmem>>, vector<1000x128xf32>
    tpu.vector_store %arg5[%swap3A, %swap3A_6], %dot_general3A_5 {strides = array<i32>} : memref<1000x128xf32, #tpu.memory_space<vmem>>, vector<1000x128xf32>,
    %get3A_8 = arith.constant 0 : index
    %get3A_9 = arith.constant 0 : index
    %get3A_10 = vector.load %arg3[%get3A_8, %get3A_9] : memref<1x128xf32, #tpu.memory_space<vmem>>, vector<1x128xf32>
    %get3A_11 = arith.constant 0 : index
    %get3A_12 = arith.constant 0 : index
    %get3A_13 = vector.load %arg4[%get3A_11, %get3A_12] : memref<1x128xf32, #tpu.memory_space<vmem>>, vector<1x128xf32>
    %mul3A = vector.broadcast %get3A_10 : vector<1x128xf32> to vector<1000x128xf32>
    %mul3A_14 = arith.mulf %dot_general3A_5, %mul3A : vector<1000x128xf32>
    %reduce_sum3A = arith.constant dense<0.000000e+00> : vector<1000xf32>
    %reduce_sum3A_15 = vector.multi_reduction <add>, %mul3A_14, %reduce_sum3A [1] : vector<1000x128xf32> to vector<1000xf32>
    %broadcast_in_dim3A = vector.shape_cast %reduce_sum3A_15 : vector<1000xf32> to vector<1000x1xf32>
    %mul3A_16 = vector.broadcast %get3A_13 : vector<1x128xf32> to vector<1000x128xf32>
    %mul3A_17 = arith.mulf %dot_general3A_5, %mul3A_16 : vector<1000x128xf32>
    %reduce_sum3A_18 = arith.constant dense<0.000000e+00> : vector<1000xf32>
    %reduce_sum3A_19 = vector.multi_reduction <add>, %mul3A_17, %reduce_sum3A_18 [1] : vector<1000x128xf32> to vector<1000xf32>
    %broadcast_in_dim3A_20 = vector.shape_cast %reduce_sum3A_19 : vector<1000xf32> to vector<1000x1xf32>
    %swap3A_21 = arith.constant 0 : index
    %swap3A_22 = arith.constant 0 : index
    %swap3A_23 = vector.load %arg6[%swap3A_21, %swap3A_22] : memref<1000x1xf32, #tpu.memory_space<vmem>>, vector<1000x1xf32>
    tpu.vector_store %arg6[%swap3A_21, %swap3A_22], %broadcast_in_dim3A {strides = array<i32>} : memref<1000x1xf32, #tpu.memory_space<vmem>>, vector<1000x1xf32>,
    %swap3A_24 = arith.constant 0 : index
    %swap3A_25 = arith.constant 0 : index
    %swap3A_26 = vector.load %arg7[%swap3A_24, %swap3A_25] : memref<1000x1xf32, #tpu.memory_space<vmem>>, vector<1000x1xf32>
    tpu.vector_store %arg7[%swap3A_24, %swap3A_25], %broadcast_in_dim3A_20 {strides = array<i32>} : memref<1000x1xf32, #tpu.memory_space<vmem>>, vector<1000x1xf32>,
    %reduce_max3A = vector.shape_cast %broadcast_in_dim3A : vector<1000x1xf32> to vector<1x1000x1xf32>
    %reduce_max3A_27 = arith.constant dense<0xFF800000> : vector<1xf32>
    %reduce_max3A_28 = vector.multi_reduction <maximumf>, %reduce_max3A, %reduce_max3A_27 [1, 2] : vector<1x1000x1xf32> to vector<1xf32>
    %reduce_max3A_29 = vector.shape_cast %reduce_max3A_28 : vector<1xf32> to vector<1x1x1xf32>
    %reduce_max3A_30 = vector.extract %reduce_max3A_29[0, 0, 0] : f32 from vector<1x1x1xf32>
    %broadcast_in_dim3A_31 = vector.broadcast %reduce_max3A_30 : f32 to vector<1x1xf32>
    %reduce_max3A_32 = vector.shape_cast %broadcast_in_dim3A_20 : vector<1000x1xf32> to vector<1x1000x1xf32>
    %reduce_max3A_33 = arith.constant dense<0xFF800000> : vector<1xf32>
    %reduce_max3A_34 = vector.multi_reduction <maximumf>, %reduce_max3A_32, %reduce_max3A_33 [1, 2] : vector<1x1000x1xf32> to vector<1xf32>
    %reduce_max3A_35 = vector.shape_cast %reduce_max3A_34 : vector<1xf32> to vector<1x1x1xf32>
    %reduce_max3A_36 = vector.extract %reduce_max3A_35[0, 0, 0] : f32 from vector<1x1x1xf32>
    %broadcast_in_dim3A_37 = vector.broadcast %reduce_max3A_36 : f32 to vector<1x1xf32>
    %eq3A = arith.constant 0 : i32
    %eq3A_38 = arith.cmpi eq, %arg0, %eq3A : i32
    %convert_element_type3A = arith.extui %eq3A_38 : i1 to i32
    %cond3A = arith.constant 0 : i32
    %cond3A_39 = arith.cmpi ne, %convert_element_type3A, %cond3A : i32
    scf.if %cond3A_39 {
      %swap3A_49 = arith.constant 0 : index
      %swap3A_50 = arith.constant 0 : index
      %swap3A_51 = vector.load %arg8[%swap3A_49, %swap3A_50] : memref<1x1xf32, #tpu.memory_space<vmem>>, vector<1x1xf32>
      tpu.vector_store %arg8[%swap3A_49, %swap3A_50], %broadcast_in_dim3A_31 {strides = array<i32>} : memref<1x1xf32, #tpu.memory_space<vmem>>, vector<1x1xf32>,
      %swap3A_52 = arith.constant 0 : index
      %swap3A_53 = arith.constant 0 : index
      %swap3A_54 = vector.load %arg9[%swap3A_52, %swap3A_53] : memref<1x1xf32, #tpu.memory_space<vmem>>, vector<1x1xf32>
      tpu.vector_store %arg9[%swap3A_52, %swap3A_53], %broadcast_in_dim3A_37 {strides = array<i32>} : memref<1x1xf32, #tpu.memory_space<vmem>>, vector<1x1xf32>,
    } else {
    }
    %gt3A = arith.constant 0 : i32
    %gt3A_40 = arith.cmpi sgt, %arg0, %gt3A : i32
    %convert_element_type3A_41 = arith.extui %gt3A_40 : i1 to i32
    %cond3A_42 = arith.constant 0 : i32
    %cond3A_43 = arith.cmpi ne, %convert_element_type3A_41, %cond3A_42 : i32
    scf.if %cond3A_43 {
      %get3A_49 = arith.constant 0 : index
      %get3A_50 = arith.constant 0 : index
      %get3A_51 = vector.load %arg8[%get3A_49, %get3A_50] : memref<1x1xf32, #tpu.memory_space<vmem>>, vector<1x1xf32>
      %max3A = arith.maximumf %get3A_51, %broadcast_in_dim3A_31 : vector<1x1xf32>
      %swap3A_52 = arith.constant 0 : index
      %swap3A_53 = arith.constant 0 : index
      %swap3A_54 = vector.load %arg8[%swap3A_52, %swap3A_53] : memref<1x1xf32, #tpu.memory_space<vmem>>, vector<1x1xf32>
      tpu.vector_store %arg8[%swap3A_52, %swap3A_53], %max3A {strides = array<i32>} : memref<1x1xf32, #tpu.memory_space<vmem>>, vector<1x1xf32>,
      %get3A_55 = arith.constant 0 : index
      %get3A_56 = arith.constant 0 : index
      %get3A_57 = vector.load %arg9[%get3A_55, %get3A_56] : memref<1x1xf32, #tpu.memory_space<vmem>>, vector<1x1xf32>
      %max3A_58 = arith.maximumf %get3A_57, %broadcast_in_dim3A_37 : vector<1x1xf32>
      %swap3A_59 = arith.constant 0 : index
      %swap3A_60 = arith.constant 0 : index
      %swap3A_61 = vector.load %arg9[%swap3A_59, %swap3A_60] : memref<1x1xf32, #tpu.memory_space<vmem>>, vector<1x1xf32>
      tpu.vector_store %arg9[%swap3A_59, %swap3A_60], %max3A_58 {strides = array<i32>} : memref<1x1xf32, #tpu.memory_space<vmem>>, vector<1x1xf32>,
    } else {
    }
    %eq3A_44 = arith.constant 9 : i32
    %eq3A_45 = arith.cmpi eq, %arg0, %eq3A_44 : i32
    %convert_element_type3A_46 = arith.extui %eq3A_45 : i1 to i32
    %cond3A_47 = arith.constant 0 : i32
    %cond3A_48 = arith.cmpi ne, %convert_element_type3A_46, %cond3A_47 : i32
    scf.if %cond3A_48 {
      %get3A_49 = arith.constant 0 : index
      %get3A_50 = arith.constant 0 : index
      %get3A_51 = vector.load %arg8[%get3A_49, %get3A_50] : memref<1x1xf32, #tpu.memory_space<vmem>>, vector<1x1xf32>
      %get3A_52 = arith.constant 0 : index
      %get3A_53 = arith.constant 0 : index
      %get3A_54 = vector.load %arg9[%get3A_52, %get3A_53] : memref<1x1xf32, #tpu.memory_space<vmem>>, vector<1x1xf32>
      %add3A = arith.addf %get3A_51, %get3A_54 : vector<1x1xf32>
      %ge3A = arith.constant 0.000000e+00 : f32
      %ge3A_55 = vector.broadcast %ge3A : f32 to vector<1x1xf32>
      %ge3A_56 = arith.cmpf oge, %add3A, %ge3A_55 : vector<1x1xf32>
      %mul3A_57 = arith.constant 2.000000e-01 : f32
      %mul3A_58 = vector.broadcast %mul3A_57 : f32 to vector<1x1xf32>
      %mul3A_59 = arith.mulf %mul3A_58, %add3A : vector<1x1xf32>
      %select_n3A = arith.select %ge3A_56, %add3A, %mul3A_59 : vector<1x1xi1>, vector<1x1xf32>
      %broadcast_in_dim3A_60 = vector.shape_cast %select_n3A : vector<1x1xf32> to vector<1x1xf32>
      %broadcast_in_dim3A_61 = vector.broadcast %broadcast_in_dim3A_60 : vector<1x1xf32> to vector<1x16xf32>
      %swap3A_62 = arith.constant 0 : index
      %swap3A_63 = arith.constant 0 : index
      %swap3A_64 = vector.load %arg10[%swap3A_62, %swap3A_63] : memref<1x16xf32, #tpu.memory_space<vmem>>, vector<1x16xf32>
      tpu.vector_store %arg10[%swap3A_62, %swap3A_63], %broadcast_in_dim3A_61 {strides = array<i32>} : memref<1x16xf32, #tpu.memory_space<vmem>>, vector<1x16xf32>,
    } else {
    }
    return
  }
  func.func @transform_0(%arg0: i32) -> (i32, i32) {
    %c0_i32 = arith.constant 0 : i32
    %c0_i32_0 = arith.constant 0 : i32
    return %arg0, %c0_i32 : i32, i32
  }
  func.func @transform_1(%arg0: i32) -> (i32, i32) {
    %c0_i32 = arith.constant 0 : i32
    %c0_i32_0 = arith.constant 0 : i32
    %c0_i32_1 = arith.constant 0 : i32
    return %c0_i32, %c0_i32_0 : i32, i32
  }
  func.func @transform_2(%arg0: i32) -> (i32, i32) {
    %c0_i32 = arith.constant 0 : i32
    %c0_i32_0 = arith.constant 0 : i32
    %c0_i32_1 = arith.constant 0 : i32
    return %c0_i32, %c0_i32_0 : i32, i32
  }
  func.func @transform_3(%arg0: i32) -> (i32, i32) {
    %c0_i32 = arith.constant 0 : i32
    %c0_i32_0 = arith.constant 0 : i32
    %c0_i32_1 = arith.constant 0 : i32
    return %c0_i32, %c0_i32_0 : i32, i32
  }
  func.func @transform_4(%arg0: i32) -> (i32, i32) {
    %c0_i32 = arith.constant 0 : i32
    %c0_i32_0 = arith.constant 0 : i32
    return %arg0, %c0_i32 : i32, i32
  }
  func.func @transform_5(%arg0: i32) -> (i32, i32) {
    %c0_i32 = arith.constant 0 : i32
    %c0_i32_0 = arith.constant 0 : i32
    return %arg0, %c0_i32 : i32, i32
  }
  func.func @transform_6(%arg0: i32) -> (i32, i32) {
    %c0_i32 = arith.constant 0 : i32
    %c0_i32_0 = arith.constant 0 : i32
    return %arg0, %c0_i32 : i32, i32
  }
  func.func @transform_7(%arg0: i32) -> (i32, i32) {
    %c0_i32 = arith.constant 0 : i32
    %c0_i32_0 = arith.constant 0 : i32
    %c0_i32_1 = arith.constant 0 : i32
    return %c0_i32, %c0_i32_0 : i32, i32
  }
  func.func @transform_8(%arg0: i32) -> (i32, i32) {
    %c0_i32 = arith.constant 0 : i32
    %c0_i32_0 = arith.constant 0 : i32
    %c0_i32_1 = arith.constant 0 : i32
    return %c0_i32, %c0_i32_0 : i32, i32
  }
  func.func @transform_9(%arg0: i32) -> (i32, i32) {
    %c0_i32 = arith.constant 0 : i32
    %c0_i32_0 = arith.constant 0 : i32
    %c0_i32_1 = arith.constant 0 : i32
    return %c0_i32, %c0_i32_0 : i32, i32
  }
}

module attributes {stable_mosaic.version = 14 : i64} {
  func.func @_tc_mid_body(%arg0: i32, %arg1: memref<1000x128xf32, #tpu.memory_space<vmem>>, %arg2: memref<1000x128xf32, #tpu.memory_space<vmem>>, %arg3: memref<1000x1xf32, #tpu.memory_space<vmem>>, %arg4: memref<1000x1xf32, #tpu.memory_space<vmem>>, %arg5: memref<1x128xf32, #tpu.memory_space<vmem>>, %arg6: memref<128x128xf32, #tpu.memory_space<vmem>>, %arg7: memref<1x128xf32, #tpu.memory_space<vmem>>, %arg8: memref<1x128xf32, #tpu.memory_space<vmem>>, %arg9: memref<1000x128xf32, #tpu.memory_space<vmem>>, %arg10: memref<1000x1xf32, #tpu.memory_space<vmem>>, %arg11: memref<1000x1xf32, #tpu.memory_space<vmem>>, %arg12: memref<1x1xf32, #tpu.memory_space<vmem>>, %arg13: memref<1x1xf32, #tpu.memory_space<vmem>>, %arg14: memref<1x16xf32, #tpu.memory_space<vmem>>) attributes {dimension_semantics = [#tpu.dimension_semantics<arbitrary>], iteration_bounds = array<i64: 10>, scalar_prefetch = 0 : i64, scratch_operands = 0 : i64, tpu.core_type = #tpu.core_type<tc>, window_params = [{transform_indices = @transform_0, window_bounds = array<i64: 1000, 128>}, {transform_indices = @transform_1, window_bounds = array<i64: 1000, 128>}, {transform_indices = @transform_2, window_bounds = array<i64: 1000, 1>}, {transform_indices = @transform_3, window_bounds = array<i64: 1000, 1>}, {pipeline_mode = #tpu.pipeline_mode<synchronous>, transform_indices = @transform_4, window_bounds = array<i64: 1, 128>}, {pipeline_mode = #tpu.pipeline_mode<synchronous>, transform_indices = @transform_5, window_bounds = array<i64: 128, 128>}, {pipeline_mode = #tpu.pipeline_mode<synchronous>, transform_indices = @transform_6, window_bounds = array<i64: 1, 128>}, {pipeline_mode = #tpu.pipeline_mode<synchronous>, transform_indices = @transform_7, window_bounds = array<i64: 1, 128>}, {transform_indices = @transform_8, window_bounds = array<i64: 1000, 128>}, {transform_indices = @transform_9, window_bounds = array<i64: 1000, 1>}, {transform_indices = @transform_10, window_bounds = array<i64: 1000, 1>}, {pipeline_mode = #tpu.pipeline_mode<synchronous>, transform_indices = @transform_11, window_bounds = array<i64: 1, 1>}, {pipeline_mode = #tpu.pipeline_mode<synchronous>, transform_indices = @transform_12, window_bounds = array<i64: 1, 1>}, {pipeline_mode = #tpu.pipeline_mode<synchronous>, transform_indices = @transform_13, window_bounds = array<i64: 1, 16>}]} {
    %get3A = arith.constant 0 : index
    %get3A_0 = arith.constant 0 : index
    %get3A_1 = vector.load %arg3[%get3A, %get3A_0] : memref<1000x1xf32, #tpu.memory_space<vmem>>, vector<1000x1xf32>
    %get3A_2 = arith.constant 0 : index
    %get3A_3 = arith.constant 0 : index
    %get3A_4 = vector.load %arg4[%get3A_2, %get3A_3] : memref<1000x1xf32, #tpu.memory_space<vmem>>, vector<1000x1xf32>
    %add3A = arith.addf %get3A_1, %get3A_4 : vector<1000x1xf32>
    %add3A_5 = arith.constant 1.000000e-16 : f32
    %add3A_6 = vector.broadcast %add3A_5 : f32 to vector<1000x1xf32>
    %add3A_7 = arith.addf %add3A, %add3A_6 : vector<1000x1xf32>
    %get3A_8 = arith.constant 0 : index
    %get3A_9 = arith.constant 0 : index
    %get3A_10 = vector.load %arg1[%get3A_8, %get3A_9] : memref<1000x128xf32, #tpu.memory_space<vmem>>, vector<1000x128xf32>
    %get3A_11 = arith.constant 0 : index
    %get3A_12 = arith.constant 0 : index
    %get3A_13 = vector.load %arg2[%get3A_11, %get3A_12] : memref<1000x128xf32, #tpu.memory_space<vmem>>, vector<1000x128xf32>
    %add3A_14 = arith.addf %get3A_10, %get3A_13 : vector<1000x128xf32>
    %div3A = vector.broadcast %add3A_7 : vector<1000x1xf32> to vector<1000x128xf32>
    %div3A_15 = arith.divf %add3A_14, %div3A : vector<1000x128xf32>
    %get3A_16 = arith.constant 0 : index
    %get3A_17 = arith.constant 0 : index
    %get3A_18 = vector.load %arg5[%get3A_16, %get3A_17] : memref<1x128xf32, #tpu.memory_space<vmem>>, vector<1x128xf32>
    %add3A_19 = vector.broadcast %get3A_18 : vector<1x128xf32> to vector<1000x128xf32>
    %add3A_20 = arith.addf %div3A_15, %add3A_19 : vector<1000x128xf32>
    %gt3A = arith.constant 0.000000e+00 : f32
    %gt3A_21 = vector.broadcast %gt3A : f32 to vector<1000x128xf32>
    %gt3A_22 = arith.cmpf ogt, %add3A_20, %gt3A_21 : vector<1000x128xf32>
    %min3A = arith.constant 0.000000e+00 : f32
    %min3A_23 = vector.broadcast %min3A : f32 to vector<1000x128xf32>
    %min3A_24 = arith.minimumf %add3A_20, %min3A_23 : vector<1000x128xf32>
    %exp3A = math.exp %min3A_24 : vector<1000x128xf32>
    %sub3A = arith.constant 1.000000e+00 : f32
    %sub3A_25 = vector.broadcast %sub3A : f32 to vector<1000x128xf32>
    %sub3A_26 = arith.subf %exp3A, %sub3A_25 : vector<1000x128xf32>
    %select_n3A = arith.select %gt3A_22, %add3A_20, %sub3A_26 : vector<1000x128xi1>, vector<1000x128xf32>
    %get3A_27 = arith.constant 0 : index
    %get3A_28 = arith.constant 0 : index
    %get3A_29 = vector.load %arg6[%get3A_27, %get3A_28] : memref<128x128xf32, #tpu.memory_space<vmem>>, vector<128x128xf32>
    %dot_general3A = arith.constant dense<0.000000e+00> : vector<1000x128xf32>
    %dot_general3A_30 = tpu.matmul %select_n3A, %get3A_29, %dot_general3A {dimension_numbers = #tpu.dot_dimension_numbers<[1], [0], [0], [1], [0, 0, 1, 1], [], []>, transpose_lhs_hint = false} : vector<1000x128xf32>, vector<128x128xf32>, vector<1000x128xf32> -> vector<1000x128xf32>
    %swap3A = arith.constant 0 : index
    %swap3A_31 = arith.constant 0 : index
    %swap3A_32 = vector.load %arg9[%swap3A, %swap3A_31] : memref<1000x128xf32, #tpu.memory_space<vmem>>, vector<1000x128xf32>
    tpu.vector_store %arg9[%swap3A, %swap3A_31], %dot_general3A_30 {strides = array<i32>} : memref<1000x128xf32, #tpu.memory_space<vmem>>, vector<1000x128xf32>,
    %get3A_33 = arith.constant 0 : index
    %get3A_34 = arith.constant 0 : index
    %get3A_35 = vector.load %arg7[%get3A_33, %get3A_34] : memref<1x128xf32, #tpu.memory_space<vmem>>, vector<1x128xf32>
    %get3A_36 = arith.constant 0 : index
    %get3A_37 = arith.constant 0 : index
    %get3A_38 = vector.load %arg8[%get3A_36, %get3A_37] : memref<1x128xf32, #tpu.memory_space<vmem>>, vector<1x128xf32>
    %mul3A = vector.broadcast %get3A_35 : vector<1x128xf32> to vector<1000x128xf32>
    %mul3A_39 = arith.mulf %dot_general3A_30, %mul3A : vector<1000x128xf32>
    %reduce_sum3A = arith.constant dense<0.000000e+00> : vector<1000xf32>
    %reduce_sum3A_40 = vector.multi_reduction <add>, %mul3A_39, %reduce_sum3A [1] : vector<1000x128xf32> to vector<1000xf32>
    %broadcast_in_dim3A = vector.shape_cast %reduce_sum3A_40 : vector<1000xf32> to vector<1000x1xf32>
    %mul3A_41 = vector.broadcast %get3A_38 : vector<1x128xf32> to vector<1000x128xf32>
    %mul3A_42 = arith.mulf %dot_general3A_30, %mul3A_41 : vector<1000x128xf32>
    %reduce_sum3A_43 = arith.constant dense<0.000000e+00> : vector<1000xf32>
    %reduce_sum3A_44 = vector.multi_reduction <add>, %mul3A_42, %reduce_sum3A_43 [1] : vector<1000x128xf32> to vector<1000xf32>
    %broadcast_in_dim3A_45 = vector.shape_cast %reduce_sum3A_44 : vector<1000xf32> to vector<1000x1xf32>
    %swap3A_46 = arith.constant 0 : index
    %swap3A_47 = arith.constant 0 : index
    %swap3A_48 = vector.load %arg10[%swap3A_46, %swap3A_47] : memref<1000x1xf32, #tpu.memory_space<vmem>>, vector<1000x1xf32>
    tpu.vector_store %arg10[%swap3A_46, %swap3A_47], %broadcast_in_dim3A {strides = array<i32>} : memref<1000x1xf32, #tpu.memory_space<vmem>>, vector<1000x1xf32>,
    %swap3A_49 = arith.constant 0 : index
    %swap3A_50 = arith.constant 0 : index
    %swap3A_51 = vector.load %arg11[%swap3A_49, %swap3A_50] : memref<1000x1xf32, #tpu.memory_space<vmem>>, vector<1000x1xf32>
    tpu.vector_store %arg11[%swap3A_49, %swap3A_50], %broadcast_in_dim3A_45 {strides = array<i32>} : memref<1000x1xf32, #tpu.memory_space<vmem>>, vector<1000x1xf32>,
    %reduce_max3A = vector.shape_cast %broadcast_in_dim3A : vector<1000x1xf32> to vector<1x1000x1xf32>
    %reduce_max3A_52 = arith.constant dense<0xFF800000> : vector<1xf32>
    %reduce_max3A_53 = vector.multi_reduction <maximumf>, %reduce_max3A, %reduce_max3A_52 [1, 2] : vector<1x1000x1xf32> to vector<1xf32>
    %reduce_max3A_54 = vector.shape_cast %reduce_max3A_53 : vector<1xf32> to vector<1x1x1xf32>
    %reduce_max3A_55 = vector.extract %reduce_max3A_54[0, 0, 0] : f32 from vector<1x1x1xf32>
    %broadcast_in_dim3A_56 = vector.broadcast %reduce_max3A_55 : f32 to vector<1x1xf32>
    %reduce_max3A_57 = vector.shape_cast %broadcast_in_dim3A_45 : vector<1000x1xf32> to vector<1x1000x1xf32>
    %reduce_max3A_58 = arith.constant dense<0xFF800000> : vector<1xf32>
    %reduce_max3A_59 = vector.multi_reduction <maximumf>, %reduce_max3A_57, %reduce_max3A_58 [1, 2] : vector<1x1000x1xf32> to vector<1xf32>
    %reduce_max3A_60 = vector.shape_cast %reduce_max3A_59 : vector<1xf32> to vector<1x1x1xf32>
    %reduce_max3A_61 = vector.extract %reduce_max3A_60[0, 0, 0] : f32 from vector<1x1x1xf32>
    %broadcast_in_dim3A_62 = vector.broadcast %reduce_max3A_61 : f32 to vector<1x1xf32>
    %eq3A = arith.constant 0 : i32
    %eq3A_63 = arith.cmpi eq, %arg0, %eq3A : i32
    %convert_element_type3A = arith.extui %eq3A_63 : i1 to i32
    %cond3A = arith.constant 0 : i32
    %cond3A_64 = arith.cmpi ne, %convert_element_type3A, %cond3A : i32
    scf.if %cond3A_64 {
      %swap3A_75 = arith.constant 0 : index
      %swap3A_76 = arith.constant 0 : index
      %swap3A_77 = vector.load %arg12[%swap3A_75, %swap3A_76] : memref<1x1xf32, #tpu.memory_space<vmem>>, vector<1x1xf32>
      tpu.vector_store %arg12[%swap3A_75, %swap3A_76], %broadcast_in_dim3A_56 {strides = array<i32>} : memref<1x1xf32, #tpu.memory_space<vmem>>, vector<1x1xf32>,
      %swap3A_78 = arith.constant 0 : index
      %swap3A_79 = arith.constant 0 : index
      %swap3A_80 = vector.load %arg13[%swap3A_78, %swap3A_79] : memref<1x1xf32, #tpu.memory_space<vmem>>, vector<1x1xf32>
      tpu.vector_store %arg13[%swap3A_78, %swap3A_79], %broadcast_in_dim3A_62 {strides = array<i32>} : memref<1x1xf32, #tpu.memory_space<vmem>>, vector<1x1xf32>,
    } else {
    }
    %gt3A_65 = arith.constant 0 : i32
    %gt3A_66 = arith.cmpi sgt, %arg0, %gt3A_65 : i32
    %convert_element_type3A_67 = arith.extui %gt3A_66 : i1 to i32
    %cond3A_68 = arith.constant 0 : i32
    %cond3A_69 = arith.cmpi ne, %convert_element_type3A_67, %cond3A_68 : i32
    scf.if %cond3A_69 {
      %get3A_75 = arith.constant 0 : index
      %get3A_76 = arith.constant 0 : index
      %get3A_77 = vector.load %arg12[%get3A_75, %get3A_76] : memref<1x1xf32, #tpu.memory_space<vmem>>, vector<1x1xf32>
      %max3A = arith.maximumf %get3A_77, %broadcast_in_dim3A_56 : vector<1x1xf32>
      %swap3A_78 = arith.constant 0 : index
      %swap3A_79 = arith.constant 0 : index
      %swap3A_80 = vector.load %arg12[%swap3A_78, %swap3A_79] : memref<1x1xf32, #tpu.memory_space<vmem>>, vector<1x1xf32>
      tpu.vector_store %arg12[%swap3A_78, %swap3A_79], %max3A {strides = array<i32>} : memref<1x1xf32, #tpu.memory_space<vmem>>, vector<1x1xf32>,
      %get3A_81 = arith.constant 0 : index
      %get3A_82 = arith.constant 0 : index
      %get3A_83 = vector.load %arg13[%get3A_81, %get3A_82] : memref<1x1xf32, #tpu.memory_space<vmem>>, vector<1x1xf32>
      %max3A_84 = arith.maximumf %get3A_83, %broadcast_in_dim3A_62 : vector<1x1xf32>
      %swap3A_85 = arith.constant 0 : index
      %swap3A_86 = arith.constant 0 : index
      %swap3A_87 = vector.load %arg13[%swap3A_85, %swap3A_86] : memref<1x1xf32, #tpu.memory_space<vmem>>, vector<1x1xf32>
      tpu.vector_store %arg13[%swap3A_85, %swap3A_86], %max3A_84 {strides = array<i32>} : memref<1x1xf32, #tpu.memory_space<vmem>>, vector<1x1xf32>,
    } else {
    }
    %eq3A_70 = arith.constant 9 : i32
    %eq3A_71 = arith.cmpi eq, %arg0, %eq3A_70 : i32
    %convert_element_type3A_72 = arith.extui %eq3A_71 : i1 to i32
    %cond3A_73 = arith.constant 0 : i32
    %cond3A_74 = arith.cmpi ne, %convert_element_type3A_72, %cond3A_73 : i32
    scf.if %cond3A_74 {
      %get3A_75 = arith.constant 0 : index
      %get3A_76 = arith.constant 0 : index
      %get3A_77 = vector.load %arg12[%get3A_75, %get3A_76] : memref<1x1xf32, #tpu.memory_space<vmem>>, vector<1x1xf32>
      %get3A_78 = arith.constant 0 : index
      %get3A_79 = arith.constant 0 : index
      %get3A_80 = vector.load %arg13[%get3A_78, %get3A_79] : memref<1x1xf32, #tpu.memory_space<vmem>>, vector<1x1xf32>
      %add3A_81 = arith.addf %get3A_77, %get3A_80 : vector<1x1xf32>
      %ge3A = arith.constant 0.000000e+00 : f32
      %ge3A_82 = vector.broadcast %ge3A : f32 to vector<1x1xf32>
      %ge3A_83 = arith.cmpf oge, %add3A_81, %ge3A_82 : vector<1x1xf32>
      %mul3A_84 = arith.constant 2.000000e-01 : f32
      %mul3A_85 = vector.broadcast %mul3A_84 : f32 to vector<1x1xf32>
      %mul3A_86 = arith.mulf %mul3A_85, %add3A_81 : vector<1x1xf32>
      %select_n3A_87 = arith.select %ge3A_83, %add3A_81, %mul3A_86 : vector<1x1xi1>, vector<1x1xf32>
      %broadcast_in_dim3A_88 = vector.shape_cast %select_n3A_87 : vector<1x1xf32> to vector<1x1xf32>
      %broadcast_in_dim3A_89 = vector.broadcast %broadcast_in_dim3A_88 : vector<1x1xf32> to vector<1x16xf32>
      %swap3A_90 = arith.constant 0 : index
      %swap3A_91 = arith.constant 0 : index
      %swap3A_92 = vector.load %arg14[%swap3A_90, %swap3A_91] : memref<1x16xf32, #tpu.memory_space<vmem>>, vector<1x16xf32>
      tpu.vector_store %arg14[%swap3A_90, %swap3A_91], %broadcast_in_dim3A_89 {strides = array<i32>} : memref<1x16xf32, #tpu.memory_space<vmem>>, vector<1x16xf32>,
    } else {
    }
    return
  }
  func.func @transform_0(%arg0: i32) -> (i32, i32) {
    %c0_i32 = arith.constant 0 : i32
    %c0_i32_0 = arith.constant 0 : i32
    return %arg0, %c0_i32 : i32, i32
  }
  func.func @transform_1(%arg0: i32) -> (i32, i32) {
    %c0_i32 = arith.constant 0 : i32
    %c0_i32_0 = arith.constant 0 : i32
    return %arg0, %c0_i32 : i32, i32
  }
  func.func @transform_2(%arg0: i32) -> (i32, i32) {
    %c0_i32 = arith.constant 0 : i32
    %c0_i32_0 = arith.constant 0 : i32
    return %arg0, %c0_i32 : i32, i32
  }
  func.func @transform_3(%arg0: i32) -> (i32, i32) {
    %c0_i32 = arith.constant 0 : i32
    %c0_i32_0 = arith.constant 0 : i32
    return %arg0, %c0_i32 : i32, i32
  }
  func.func @transform_4(%arg0: i32) -> (i32, i32) {
    %c0_i32 = arith.constant 0 : i32
    %c0_i32_0 = arith.constant 0 : i32
    %c0_i32_1 = arith.constant 0 : i32
    return %c0_i32, %c0_i32_0 : i32, i32
  }
  func.func @transform_5(%arg0: i32) -> (i32, i32) {
    %c0_i32 = arith.constant 0 : i32
    %c0_i32_0 = arith.constant 0 : i32
    %c0_i32_1 = arith.constant 0 : i32
    return %c0_i32, %c0_i32_0 : i32, i32
  }
  func.func @transform_6(%arg0: i32) -> (i32, i32) {
    %c0_i32 = arith.constant 0 : i32
    %c0_i32_0 = arith.constant 0 : i32
    %c0_i32_1 = arith.constant 0 : i32
    return %c0_i32, %c0_i32_0 : i32, i32
  }
  func.func @transform_7(%arg0: i32) -> (i32, i32) {
    %c0_i32 = arith.constant 0 : i32
    %c0_i32_0 = arith.constant 0 : i32
    %c0_i32_1 = arith.constant 0 : i32
    return %c0_i32, %c0_i32_0 : i32, i32
  }
  func.func @transform_8(%arg0: i32) -> (i32, i32) {
    %c0_i32 = arith.constant 0 : i32
    %c0_i32_0 = arith.constant 0 : i32
    return %arg0, %c0_i32 : i32, i32
  }
  func.func @transform_9(%arg0: i32) -> (i32, i32) {
    %c0_i32 = arith.constant 0 : i32
    %c0_i32_0 = arith.constant 0 : i32
    return %arg0, %c0_i32 : i32, i32
  }
  func.func @transform_10(%arg0: i32) -> (i32, i32) {
    %c0_i32 = arith.constant 0 : i32
    %c0_i32_0 = arith.constant 0 : i32
    return %arg0, %c0_i32 : i32, i32
  }
  func.func @transform_11(%arg0: i32) -> (i32, i32) {
    %c0_i32 = arith.constant 0 : i32
    %c0_i32_0 = arith.constant 0 : i32
    %c0_i32_1 = arith.constant 0 : i32
    return %c0_i32, %c0_i32_0 : i32, i32
  }
  func.func @transform_12(%arg0: i32) -> (i32, i32) {
    %c0_i32 = arith.constant 0 : i32
    %c0_i32_0 = arith.constant 0 : i32
    %c0_i32_1 = arith.constant 0 : i32
    return %c0_i32, %c0_i32_0 : i32, i32
  }
  func.func @transform_13(%arg0: i32) -> (i32, i32) {
    %c0_i32 = arith.constant 0 : i32
    %c0_i32_0 = arith.constant 0 : i32
    %c0_i32_1 = arith.constant 0 : i32
    return %c0_i32, %c0_i32_0 : i32, i32
  }
}

module attributes {stable_mosaic.version = 14 : i64} {
  func.func @_tc_out_body(%arg0: i32, %arg1: memref<1000x128xf32, #tpu.memory_space<vmem>>, %arg2: memref<1000x128xf32, #tpu.memory_space<vmem>>, %arg3: memref<1000x1xf32, #tpu.memory_space<vmem>>, %arg4: memref<1000x1xf32, #tpu.memory_space<vmem>>, %arg5: memref<1x128xf32, #tpu.memory_space<vmem>>, %arg6: memref<128x1xf32, #tpu.memory_space<vmem>>, %arg7: memref<1x1xf32, #tpu.memory_space<vmem>>, %arg8: memref<1000x1xf32, #tpu.memory_space<vmem>>) attributes {dimension_semantics = [#tpu.dimension_semantics<arbitrary>], iteration_bounds = array<i64: 10>, scalar_prefetch = 0 : i64, scratch_operands = 0 : i64, tpu.core_type = #tpu.core_type<tc>, window_params = [{transform_indices = @transform_0, window_bounds = array<i64: 1000, 128>}, {transform_indices = @transform_1, window_bounds = array<i64: 1000, 128>}, {transform_indices = @transform_2, window_bounds = array<i64: 1000, 1>}, {transform_indices = @transform_3, window_bounds = array<i64: 1000, 1>}, {pipeline_mode = #tpu.pipeline_mode<synchronous>, transform_indices = @transform_4, window_bounds = array<i64: 1, 128>}, {pipeline_mode = #tpu.pipeline_mode<synchronous>, transform_indices = @transform_5, window_bounds = array<i64: 128, 1>}, {pipeline_mode = #tpu.pipeline_mode<synchronous>, transform_indices = @transform_6, window_bounds = array<i64: 1, 1>}, {transform_indices = @transform_7, window_bounds = array<i64: 1000, 1>}]} {
    %get3A = arith.constant 0 : index
    %get3A_0 = arith.constant 0 : index
    %get3A_1 = vector.load %arg3[%get3A, %get3A_0] : memref<1000x1xf32, #tpu.memory_space<vmem>>, vector<1000x1xf32>
    %get3A_2 = arith.constant 0 : index
    %get3A_3 = arith.constant 0 : index
    %get3A_4 = vector.load %arg4[%get3A_2, %get3A_3] : memref<1000x1xf32, #tpu.memory_space<vmem>>, vector<1000x1xf32>
    %add3A = arith.addf %get3A_1, %get3A_4 : vector<1000x1xf32>
    %add3A_5 = arith.constant 1.000000e-16 : f32
    %add3A_6 = vector.broadcast %add3A_5 : f32 to vector<1000x1xf32>
    %add3A_7 = arith.addf %add3A, %add3A_6 : vector<1000x1xf32>
    %get3A_8 = arith.constant 0 : index
    %get3A_9 = arith.constant 0 : index
    %get3A_10 = vector.load %arg1[%get3A_8, %get3A_9] : memref<1000x128xf32, #tpu.memory_space<vmem>>, vector<1000x128xf32>
    %get3A_11 = arith.constant 0 : index
    %get3A_12 = arith.constant 0 : index
    %get3A_13 = vector.load %arg2[%get3A_11, %get3A_12] : memref<1000x128xf32, #tpu.memory_space<vmem>>, vector<1000x128xf32>
    %add3A_14 = arith.addf %get3A_10, %get3A_13 : vector<1000x128xf32>
    %div3A = vector.broadcast %add3A_7 : vector<1000x1xf32> to vector<1000x128xf32>
    %div3A_15 = arith.divf %add3A_14, %div3A : vector<1000x128xf32>
    %get3A_16 = arith.constant 0 : index
    %get3A_17 = arith.constant 0 : index
    %get3A_18 = vector.load %arg5[%get3A_16, %get3A_17] : memref<1x128xf32, #tpu.memory_space<vmem>>, vector<1x128xf32>
    %add3A_19 = vector.broadcast %get3A_18 : vector<1x128xf32> to vector<1000x128xf32>
    %add3A_20 = arith.addf %div3A_15, %add3A_19 : vector<1000x128xf32>
    %gt3A = arith.constant 0.000000e+00 : f32
    %gt3A_21 = vector.broadcast %gt3A : f32 to vector<1000x128xf32>
    %gt3A_22 = arith.cmpf ogt, %add3A_20, %gt3A_21 : vector<1000x128xf32>
    %min3A = arith.constant 0.000000e+00 : f32
    %min3A_23 = vector.broadcast %min3A : f32 to vector<1000x128xf32>
    %min3A_24 = arith.minimumf %add3A_20, %min3A_23 : vector<1000x128xf32>
    %exp3A = math.exp %min3A_24 : vector<1000x128xf32>
    %sub3A = arith.constant 1.000000e+00 : f32
    %sub3A_25 = vector.broadcast %sub3A : f32 to vector<1000x128xf32>
    %sub3A_26 = arith.subf %exp3A, %sub3A_25 : vector<1000x128xf32>
    %select_n3A = arith.select %gt3A_22, %add3A_20, %sub3A_26 : vector<1000x128xi1>, vector<1000x128xf32>
    %get3A_27 = arith.constant 0 : index
    %get3A_28 = arith.constant 0 : index
    %get3A_29 = vector.load %arg6[%get3A_27, %get3A_28] : memref<128x1xf32, #tpu.memory_space<vmem>>, vector<128x1xf32>
    %dot_general3A = arith.constant dense<0.000000e+00> : vector<1000x1xf32>
    %dot_general3A_30 = tpu.matmul %select_n3A, %get3A_29, %dot_general3A {dimension_numbers = #tpu.dot_dimension_numbers<[1], [0], [0], [1], [0, 0, 1, 1], [], []>, transpose_lhs_hint = false} : vector<1000x128xf32>, vector<128x1xf32>, vector<1000x1xf32> -> vector<1000x1xf32>
    %get3A_31 = arith.constant 0 : index
    %get3A_32 = arith.constant 0 : index
    %get3A_33 = vector.load %arg7[%get3A_31, %get3A_32] : memref<1x1xf32, #tpu.memory_space<vmem>>, vector<1x1xf32>
    %add3A_34 = vector.broadcast %get3A_33 : vector<1x1xf32> to vector<1000x1xf32>
    %add3A_35 = arith.addf %dot_general3A_30, %add3A_34 : vector<1000x1xf32>
    %swap3A = arith.constant 0 : index
    %swap3A_36 = arith.constant 0 : index
    %swap3A_37 = vector.load %arg8[%swap3A, %swap3A_36] : memref<1000x1xf32, #tpu.memory_space<vmem>>, vector<1000x1xf32>
    tpu.vector_store %arg8[%swap3A, %swap3A_36], %add3A_35 {strides = array<i32>} : memref<1000x1xf32, #tpu.memory_space<vmem>>, vector<1000x1xf32>,
    return
  }
  func.func @transform_0(%arg0: i32) -> (i32, i32) {
    %c0_i32 = arith.constant 0 : i32
    %c0_i32_0 = arith.constant 0 : i32
    return %arg0, %c0_i32 : i32, i32
  }
  func.func @transform_1(%arg0: i32) -> (i32, i32) {
    %c0_i32 = arith.constant 0 : i32
    %c0_i32_0 = arith.constant 0 : i32
    return %arg0, %c0_i32 : i32, i32
  }
  func.func @transform_2(%arg0: i32) -> (i32, i32) {
    %c0_i32 = arith.constant 0 : i32
    %c0_i32_0 = arith.constant 0 : i32
    return %arg0, %c0_i32 : i32, i32
  }
  func.func @transform_3(%arg0: i32) -> (i32, i32) {
    %c0_i32 = arith.constant 0 : i32
    %c0_i32_0 = arith.constant 0 : i32
    return %arg0, %c0_i32 : i32, i32
  }
  func.func @transform_4(%arg0: i32) -> (i32, i32) {
    %c0_i32 = arith.constant 0 : i32
    %c0_i32_0 = arith.constant 0 : i32
    %c0_i32_1 = arith.constant 0 : i32
    return %c0_i32, %c0_i32_0 : i32, i32
  }
  func.func @transform_5(%arg0: i32) -> (i32, i32) {
    %c0_i32 = arith.constant 0 : i32
    %c0_i32_0 = arith.constant 0 : i32
    %c0_i32_1 = arith.constant 0 : i32
    return %c0_i32, %c0_i32_0 : i32, i32
  }
  func.func @transform_6(%arg0: i32) -> (i32, i32) {
    %c0_i32 = arith.constant 0 : i32
    %c0_i32_0 = arith.constant 0 : i32
    %c0_i32_1 = arith.constant 0 : i32
    return %c0_i32, %c0_i32_0 : i32, i32
  }
  func.func @transform_7(%arg0: i32) -> (i32, i32) {
    %c0_i32 = arith.constant 0 : i32
    %c0_i32_0 = arith.constant 0 : i32
    return %arg0, %c0_i32 : i32, i32
  }
}

</mosaic_0001>

<sc_bundles>
// kernel: kernel.10.cloned.1.call-start
scs
__scs_entry_jumppad:
0x0: {  	(pc) =	sbr.rel $0x88, $3  }
0x1: {  	(tag) =	ssettag $0x0;
	lr =	simm.s32 $0x1  }
0x2: {  	[smem:$0x3F95] =	sst lr;
	_ =	strace $0xD0000000  }
0x3: {  	_ = 	snop  }
0x4: {  	_ = 	snop  }
0x5: {  	_ = 	snop  }
0x6: {  	_ = 	snop  }
0x7: {  	_ = 	snop  }
__scs_overlays_trampoline_lowered:
0x8: {  	[smem:$0x3FA4] =	sst s0  }
0x9: {  	[smem:$0x3FA5] =	sst s1  }
0xa: {  	[smem:$0x3FA6] =	sst s2  }
0xb: {  	[smem:$0x3FA7] =	sst s3  }
0xc: {  	[smem:$0x3FA8] =	sst s4  }
0xd: {  	[smem:$0x3FA9] =	sst s5  }
0xe: {  	[smem:$0x3FAA] =	sst s6  }
0xf: {  	[smem:$0x3FAB] =	sst s7  }
0x10: {  	[smem:$0x3FAC] =	sst s8  }
0x11: {  	[smem:$0x3FAD] =	sst s9;
	s0 =	simm.s32 @!p0 $0x0  }
0x12: {  	s1 =	sld [smem:$0x3F93];
	s0 =	simm.s32 @p0 $0x1  }
0x13: {  	[smem:$0x3FAE] =	sst s0;
	s0 =	simm.s32 @!p1 $0x0  }
0x14: {  	s2 =	sld [smem:$0x3F92];
	s0 =	simm.s32 @p1 $0x1  }
0x15: {  	[smem:$0x3FAF] =	sst s0;
	s0 =	simm.s32 @!p2 $0x0  }
0x16: {  	s3 =	sld [smem:$0x3FDB];
	s0 =	simm.s32 @p2 $0x1  }
0x17: {  	s4 =	simm.s32 $0x1BF5;
	[smem:$0x3FB1] =	sst s0  }
0x18: {  	s0 =	sld [smem:$0x3F94];
	_ =	swait.ge [sflag:s4], $0x0  }
0x19: {  	s7 =	sld [smem:$0x3F95]  }
0x1a: {  	s8 =	sadd.s32 $0xFFFFE003, lr  }
0x1b: {  	s9 =	sadd.s32 $0xFFFFFEF7, lr;
	s5 =	simm.s32 $0xFFFFFFFF;
	p2 =	slt.u32 s8, $0xFFFFF086  }
0x1c: {  	p1 =	slt.u32 s9, $0xF7A;
	s5 =	simm.s32 @!p2 $0x0  }
0x1d: {  	s5 =	simm.s32 @p1 $0x1;
	p0 =	seq.s32 s7, s2  }
0x1e: {  	s7 =	smul.u32 @!p0 $0xF7A, s2;
	p2 =	seq.s32 @!p0 s5, $0x0  }
0x1f: {  	s9 =	smul.u32 $0xF7A, s1;
	s8 =	simm.s32 @!p0 $0x1BF5;
	p2 =	por !p2, p0  }
0x20: {  	[sflag:s8] =	ssyncset.s32 @!p0 $0xFFFFF086;
	s6 =	sadd.s32 @!p0 s3, s7;
	s7 =	simm.s32 @!p0 $0x108  }
0x21: {  	s3 =	sadd.s32 s3, s9;
	s6 =	sadd.s32 @!p0 $0x88, s6;
	s7 =	simm.s32 @p2 $0x1082  }
0x22: {  	[simem:s7], [sflag:s8] =	dma.local @!p0 [hbm:s6], $0xF7A  }
0x23: {  	s9 =	sor.u32 $0xD0000000, s2;
	s6 =	simm.s32 $0x108;
	_ =	swait.ge @!p0 [sflag:s8], $0x0  }
0x24: {  	s3 =	sadd.s32 $0x88, s3;
	s6 =	simm.s32 @!p1 $0x1082;
	[sflag:s4] =	ssyncset.s32 $0xFFFFF086  }
0x25: {  	[simem:s6], [sflag:s4] =	dma.local [hbm:s3], $0xF7A  }
0x26: {  	[smem:$0x3F95] =	sst s1;
	(tag) =	ssettag s2;
	_ =	strace s9  }
0x27: {  	s1 =	sld [smem:$0x3FA5]  }
0x28: {  	s2 =	sld [smem:$0x3FA6]  }
0x29: {  	s4 =	sld [smem:$0x3FA8]  }
0x2a: {  	p0 =	seq.s32 s5, $0x0;
	s5 =	sld [smem:$0x3FA9]  }
0x2b: {  	s6 =	sld [smem:$0x3FAA]  }
0x2c: {  	s7 =	sld [smem:$0x3FAB]  }
0x2d: {  	s3 =	simm.s32 $0x108;
	s8 =	sld [smem:$0x3FAC]  }
0x2e: {  	s3 =	simm.s32 @!p0 $0x1082;
	s9 =	sld [smem:$0x3FAD]  }
0x2f: {  	lr =	sadd.s32 s0, s3;
	s0 =	sld [smem:$0x3FA4]  }
0x30: {  	s3 =	sld [smem:$0x3FA7]  }
0x31: {  	[smem:$0x3FB0] =	sst s10  }
0x32: {  	s10 =	sld [smem:$0x3FAE];
	_ =	sdelay $0x3  }
0x33: {  	p0 =	seq.s32 s10, $0x1;
	s10 =	sld [smem:$0x3FB0];
	_ =	sdelay $0x3  }
0x34: {  	[smem:$0x3FB0] =	sst s10  }
0x35: {  	s10 =	sld [smem:$0x3FAF];
	_ =	sdelay $0x3  }
0x36: {  	p1 =	seq.s32 s10, $0x1;
	s10 =	sld [smem:$0x3FB0];
	_ =	sdelay $0x3  }
0x37: {  	[smem:$0x3FB0] =	sst s10  }
0x38: {  	s10 =	sld [smem:$0x3FB1]  }
0x39: {  	_ = 	snop;
	(pc) =	sbr.ind lr, $3  }
0x3a: {  	_ = 	snop  }
0x3b: {  	_ = 	snop  }
0x3c: {  	p2 =	seq.s32 s10, $0x1;
	s10 =	sld [smem:$0x3FB0]  }
0x3d: {  	_ =	shalt  }
0x3e: {  	_ =	shalt  }
0x3f: {  	_ =	shalt  }
0x40: {  	_ =	shalt  }
0x41: {  	_ =	shalt  }
0x42: {  	_ =	shalt  }
0x43: {  	_ =	shalt  }
0x44: {  	_ =	shalt  }
0x45: {  	_ =	shalt  }
0x46: {  	_ =	shalt  }
0x47: {  	_ =	shalt  }
0x48: {  	_ =	shalt  }
0x49: {  	_ =	shalt  }
0x4a: {  	_ =	shalt  }
0x4b: {  	_ =	shalt  }
0x4c: {  	_ =	shalt  }
0x4d: {  	_ =	shalt  }
0x4e: {  	_ =	shalt  }
0x4f: {  	_ =	shalt  }
0x50: {  	_ =	shalt  }
0x51: {  	_ =	shalt  }
0x52: {  	_ =	shalt  }
0x53: {  	_ =	shalt  }
0x54: {  	_ =	shalt  }
0x55: {  	_ =	shalt  }
0x56: {  	_ =	shalt  }
0x57: {  	_ =	shalt  }
0x58: {  	_ =	shalt  }
0x59: {  	_ =	shalt  }
0x5a: {  	_ =	shalt  }
0x5b: {  	_ =	shalt  }
0x5c: {  	_ =	shalt  }
0x5d: {  	_ =	shalt  }
0x5e: {  	_ =	shalt  }
0x5f: {  	_ =	shalt  }
0x60: {  	_ =	shalt  }
0x61: {  	_ =	shalt  }
0x62: {  	_ =	shalt  }
0x63: {  	_ =	shalt  }
0x64: {  	_ =	shalt  }
0x65: {  	_ =	shalt  }
0x66: {  	_ =	shalt  }
0x67: {  	_ =	shalt  }
0x68: {  	_ =	shalt  }
0x69: {  	_ =	shalt  }
0x6a: {  	_ =	shalt  }
0x6b: {  	_ =	shalt  }
0x6c: {  	_ =	shalt  }
0x6d: {  	_ =	shalt  }
0x6e: {  	_ =	shalt  }
0x6f: {  	_ =	shalt  }
0x70: {  	_ =	shalt  }
0x71: {  	_ =	shalt  }
0x72: {  	_ =	shalt  }
0x73: {  	_ =	shalt  }
0x74: {  	_ =	shalt  }
0x75: {  	_ =	shalt  }
0x76: {  	_ =	shalt  }
0x77: {  	_ =	shalt  }
0x78: {  	_ =	shalt  }
0x79: {  	_ =	shalt  }
0x7a: {  	_ =	shalt  }
0x7b: {  	_ =	shalt  }
0x7c: {  	_ =	shalt  }
0x7d: {  	_ =	shalt  }
0x7e: {  	_ =	shalt  }
0x7f: {  	_ =	shalt  }
0x80: {  	_ =	shalt  }
0x81: {  	_ =	shalt  }
0x82: {  	_ =	shalt  }
0x83: {  	_ =	shalt  }
0x84: {  	_ =	shalt  }
0x85: {  	_ =	shalt  }
0x86: {  	_ =	shalt  }
0x87: {  	_ =	shalt  }
.Lfunc_end0:
.L_simem_size_0:
called_computation.1_lowered:
.L_overlay_start_0:
0x88: {  	s2 =	sld [smem:$0x3FD9]  }
0x89: {  	s3 =	sld [smem:$0x3FFE];
	_ =	sdelay $0x1  }
0x8a: {  	s1 =	srdreg.scid  }
0x8b: {  	s0 =	sand.u32 $0x1, s1  }
0x8c: {  	s17 =	sshll.u32 s0, $0xA;
	s2 =	sadd.s32 s3, s2  }
0x8d: {  	s2 =	sadd.s32 s2, s17  }
0x8e: {  	[smem:$0x3FBC] =	sst s2  }
0x8f: {  	_ = 	snop  }
0x90: {  	s2 =	sld [smem:$0x3FD0];
	(tm) =	ssettm $0x1  }
0x91: {  	s18 =	sld [smem:$0x3FFB];
	_ =	sdelay $0x3  }
0x92: {  	_ =	strace s18  }
0x93: {  	s3 =	sld [smem:$0x3FFC];
	_ =	sdelay $0x3  }
0x94: {  	_ =	strace s3  }
0x95: {  	s3 =	sld [smem:$0x3FFD];
	_ =	sdelay $0x3  }
0x96: {  	_ =	strace s3  }
0x97: {  	_ =	strace $0x8FFFFFFF  }
0x98: {  	s19 =	sld [smem:$0x3FDB];
	_ =	sdelay $0x1  }
0x99: {  	s4 =	simm.s32 $_scs_section_size  }
0x9a: {  	s5 =	simm.s32 $_size__tile_overlayer_lowered;
	s6 =	simm.s32 $_tile_overlayer_lowered  }
0x9b: {  	s22 =	simm.s32 $0x1BFF;
	s21 =	sshll.u32 s6, $0x1;
	s3 =	sadd.s32 s4, s19  }
0x9c: {  	s7 =	simm.s32 $0x0;
	s20 =	sshll.u32 s5, $0x1;
	s5 =	sadd.s32 s21, s3  }
0x9d: {  	[timem:s7], [sflag:s22] =	dma.local [hbm:s5], s20  }
0x9e: {  	_ =	swait.ge [sflag:s22], s20  }
0x9f: {  	s4 =	ssub.s32 $0x0, s20;
	[sflag:s22] =	ssyncset.done $0x0  }
0xa0: {  	[sflag:s22] =	ssyncadd.s32 s4;
	_ =	sdelay $0x1  }
0xa1: {  	s23 =	simm.s32 $0x1B8B  }
0xa2: {  	_ =	swait.ge [sflag:s23], $0x1  }
0xa3: {  	[sflag:s23] =	ssyncset.done $0x0  }
0xa4: {  	s25 =	simm.s32 $0x1B8E;
	s24 =	sld [smem:$0x3FFE];
	[sflag:s23] =	ssyncadd.s32 $0xFFFFFFFF  }
0xa5: {  	s26 =	simm.s32 $execute0_lowered;
	[smem:$0x3FD2] =	sst s25  }
0xa6: {  	s5 =	sshll.u32 s26, $0x1;
	_ =	strace $0x80000049;
	[dreg:$0x1] =	wrdreg $0xFFFFFFFF  }
0xa7: {  	s28 =	simm.s32 $_size_execute0_lowered;
	s3 =	sadd.s32 s3, s5;
	[dreg:$0x0] =	wrdreg $0x0  }
0xa8: {  	s5 =	sshll.u32 s28, $0x1;
	[dreg:$0x2] =	wrdreg s3  }
0xa9: {  	[dreg:$0x3] =	wrdreg s5  }
0xaa: {  	[dreg:$0x4] =	wrdreg $0xC0  }
0xab: {  	_ =	task [dreg:s7], $0x5FFFF  }
0xac: {  	[dreg:$0x1] =	wrdreg $0xFFFFFFFF  }
0xad: {  	[dreg:$0x0] =	wrdreg $0x60  }
0xae: {  	[dreg:$0x2] =	wrdreg s24  }
0xaf: {  	[dreg:$0x3] =	wrdreg s2  }
0xb0: {  	[dreg:$0x4] =	wrdreg $0xB2D00  }
0xb1: {  	[dreg:$0x5] =	wrdreg $0x1EED00  }
0xb2: {  	[dreg:$0x6] =	wrdreg $0x9  }
0xb3: {  	_ =	task.clear_ibuf [dreg:s7], $0x7FFFF;
	_ =	strace $0x90000049  }
0xb4: {  	s29 =	simm.s32 $0x9;
	_ =	strace $0x8000004B  }
0xb5: {  	_ =	swait.ge [sflag:s29], $0x1  }
0xb6: {  	[sflag:s29] =	ssyncadd.s32 $0xFFFFFFFF  }
0xb7: {  	_ =	strace $0x9000004B  }
0xb8: {  	_ =	sfence  }
0xb9: {  	s30 =	sld [smem:$0x0];
	_ =	sdelay $0x2  }
0xba: {  	s31 =	sshll.u32 s1, $0xD;
	s1 =	sshrl.u32 s1, $0x2  }
0xbb: {  	s3 =	sand.u32 $0x4000, s31;
	s1 =	sadd.s32 s1, s30  }
0xbc: {  	s0 =	sor.u32 s3, s0;
	s1 =	sshll.u32 s1, $0x11  }
0xbd: {  	s0 =	sor.u32 s1, s0  }
0xbe: {  	s0 =	sadd.s32 $0x8F2B, s0  }
0xbf: {  	[sflag:s0] =	ssyncadd.remote.s32 $0x1  }
0xc0: {  	_ =	sfence.sel $0xFFFF  }
0xc1: {  	[dreg:$0x0] =	wrdreg $0xFFFFFFFF;
	(pc) =	sbr.abs _section_cstart, $3  }
0xc2: {  	[dreg:$0x1] =	wrdreg $0xFFFFFFFF  }
0xc3: {  	_ =	task.clear_ibuf [dreg:s7], $0x2FFFF;
	_ =	strace $0x9FFFFFFF  }
0xc4: {  	(tm) =	ssettm $0x7FFFFFFF  }
0xc5: {  	_ =	shalt  }
tec
execute0_lowered:
.L_overlay_start_1:
0x0: {  	(tag) =	ssettag $0x1  }
0x1: {  	s0 =	rddreg [dreg:$0x0]  }
0x2: {  	s3 =	rddreg [dreg:$0x2]  }
0x3: {  	s4 =	rddreg [dreg:$0x3]  }
0x4: {  	s1 =	srdreg.scid;
	s14 =	stileid.u32;
	s5 =	simm.s32 $0x0  }
0x5: {  	s31 =	simm.s32 $0x7040;
	s1 =	sand.u32 $0x1, s1;
	s2 =	smul.u32 $0x13C00, s14  }
0x6: {  	[smem:$0x7FF] =	sst s5;
	s6 =	sadd.s32 $0xE00, s0;
	s10 =	smul.u32 $0x280, s14  }
0x7: {  	s7 =	sadd.s32 $0x1F400, s0;
	s8 =	sadd.s32 $0x15400, s0;
	s24 =	smul.u32 $0x4F000, s14  }
0x8: {  	s12 =	sadd.s32 $0x14E00, s0;
	s23 =	sadd.s32 $0x14800, s0;
	s9 =	smul.u32 $0x13C000, s1  }
0x9: {  	_ =	strace $0x8000004A;
	s11 =	smul.u32 $0x2800, s1;
	[dreg:$0x5] =	wrdreg s12  }
0xa: {  	[dreg:$0x6] =	wrdreg s23;
	s13 =	ssub.s32 $0x2, s1;
	s1 =	sshll.u32 s1, $0x4  }
0xb: {  	s25 =	sshrl.u32 s13, $0x1;
	s12 =	sshrl.u32 s24, $0x2;
	s1 =	sor.u32 s14, s1  }
0xc: {  	s9 =	sadd.s32 s2, s9;
	s11 =	sadd.s32 s10, s11;
	s12 =	sadd.s32 s12, s3  }
0xd: {  	s13 =	ssub.s32 s13, s25;
	s9 =	sshrl.u32 s9, $0x3;
	s26 =	sadd.s32 $0x2000, s12  }
0xe: {  	s11 =	sshrl.u32 s11, $0x3;
	s14 =	sadd.s32 $0x4000, s12;
	[dreg:$0x7] =	wrdreg s26  }
0xf: {  	s15 =	sadd.s32 $0x6000, s12;
	s16 =	sadd.s32 $0x8000, s12;
	[dreg:$0x8] =	wrdreg s14  }
0x10: {  	s17 =	sadd.s32 $0xA000, s12;
	s18 =	sadd.s32 $0xC000, s12;
	[dreg:$0x9] =	wrdreg s15  }
0x11: {  	s19 =	sadd.s32 $0xE000, s12;
	s20 =	sadd.s32 $0x10000, s12;
	[dreg:$0xa] =	wrdreg s16  }
0x12: {  	s22 =	sadd.s32 $0x12000, s12;
	s30 =	smax.u32 s13, $0x1;
	[dreg:$0xb] =	wrdreg s17  }
0x13: {  	s12 =	simm.s32 $0x4FC0;
	s13 =	simm.s32 $0x7;
	[dreg:$0xc] =	wrdreg s18  }
0x14: {  	s9 =	sadd.s32 s9, s0;
	s15 =	smul.u32 $0x2800, s1;
	[dreg:$0xd] =	wrdreg s19  }
0x15: {  	s0 =	sadd.s32 s11, s0;
	s11 =	sadd.s32 s2, s3;
	[dreg:$0xe] =	wrdreg s20  }
0x16: {  	[dreg:$0xf] =	wrdreg s22;
	s22 =	sadd.s32 s10, s4;
	s21 =	sshrl.u32 s15, $0x3  }
0x17: {  	s10 =	simm.s32 $0x40;
	s28 =	sadd.s32 $0x29400, s9;
	s24 =	sadd.s32 s7, s21  }
0x18: {  	s23 =	sor.u32 $0x8, s21;
	s1 =	sadd.s32 s8, s21;
	[dreg:$0x10] =	wrdreg s24  }
0x19: {  	s29 =	sadd.s32 $0x78400, s0;
	[dreg:$0x11] =	wrdreg s1;
	s25 =	sadd.s32 s7, s23  }
0x1a: {  	s0 =	simm.s32 $0x8;
	s26 =	sadd.s32 s8, s23;
	[dreg:$0x12] =	wrdreg s25  }
0x1b: {  	v0 =	vimm.f32 $0.0e+00;
	s9 =	simm.s32 $0x3;
	s1 =	simm.s32 $0x2720;
	[dreg:$0x13] =	wrdreg s26  }
.LBB2_1:
0x1c: {  	s2 =	simm.s32 $0x0;
	s14 =	simm.s32 $0x200  }
.LBB2_2:
0x1d: {  	p0 =	sne.s32 s14, $0x7E00;
	[tilespmem:s2+$0x70B0] =	vst v0  }
0x1e: {  	[tilespmem:s2+$0x7040] =	vst v0  }
0x1f: {  	[tilespmem:s2+$0x7050] =	vst v0  }
.Ltmp0:
0x20: {  	[tilespmem:s2+$0x7060] =	vst v0;
	(pc) =	sbr.rel @p0 .LBB2_2-.Ltmp0, $4  }
0x21: {  	[tilespmem:s2+$0x7070] =	vst v0  }
0x22: {  	[tilespmem:s2+$0x7080] =	vst v0  }
0x23: {  	[tilespmem:s2+$0x7090] =	vst v0  }
0x24: {  	[tilespmem:s2+$0x70A0] =	vst v0;
	s2 =	sshra.s32 s14, $0x2;
	s14 =	sadd.s32 $0x200, s14  }
0x25: {  	[tilespmem:s2+$0x70B0] =	vst v0  }
0x26: {  	[tilespmem:s2+$0x7040] =	vst v0  }
0x27: {  	[tilespmem:s2+$0x7050] =	vst v0  }
0x28: {  	[tilespmem:s2+$0x7060] =	vst v0  }
0x29: {  	[tilespmem:s2+$0x7070] =	vst v0  }
0x2a: {  	[tilespmem:s2+$0x7080] =	vst v0  }
0x2b: {  	[tilespmem:s2+$0x7090] =	vst v0  }
0x2c: {  	[tilespmem:s2+$0x70A0] =	vst v0  }
0x2d: {  	[tilespmem:$0xB040] =	vst v0  }
0x2e: {  	[tilespmem:$0xB050] =	vst v0  }
0x2f: {  	[tilespmem:$0xB060] =	vst v0  }
0x30: {  	[tilespmem:$0xB070] =	vst v0  }
0x31: {  	[tilespmem:$0xB080] =	vst v0  }
0x32: {  	[tilespmem:$0xB090] =	vst v0  }
0x33: {  	[tilespmem:$0xB0A0] =	vst v0  }
0x34: {  	[tilespmem:$0xB0B0] =	vst v0  }
0x35: {  	[tilespmem:$0xB0C0] =	vst v0  }
0x36: {  	[tilespmem:$0xB0D0] =	vst v0  }
0x37: {  	[tilespmem:$0xB0E0] =	vst v0  }
0x38: {  	[tilespmem:$0xB0F0] =	vst v0  }
0x39: {  	[tilespmem:$0xB100] =	vst v0  }
0x3a: {  	[tilespmem:$0xB110] =	vst v0  }
0x3b: {  	[tilespmem:$0xB120] =	vst v0  }
0x3c: {  	[tilespmem:$0xB130] =	vst v0  }
0x3d: {  	[tilespmem:$0xB140] =	vst v0  }
0x3e: {  	[tilespmem:$0xB150] =	vst v0  }
0x3f: {  	[tilespmem:$0xB160] =	vst v0  }
0x40: {  	[tilespmem:$0xB170] =	vst v0  }
0x41: {  	[tilespmem:$0xB180] =	vst v0  }
0x42: {  	[tilespmem:$0xB190] =	vst v0  }
0x43: {  	[tilespmem:$0xB1A0] =	vst v0  }
0x44: {  	[tilespmem:$0xB1B0] =	vst v0  }
0x45: {  	[tilespmem:$0xB1C0] =	vst v0  }
0x46: {  	[tilespmem:$0xB1D0] =	vst v0  }
0x47: {  	[tilespmem:$0xB1E0] =	vst v0  }
0x48: {  	[tilespmem:$0xB1F0] =	vst v0  }
0x49: {  	[tilespmem:$0xB200] =	vst v0  }
0x4a: {  	[tilespmem:$0xB210] =	vst v0  }
0x4b: {  	[tilespmem:$0xB220] =	vst v0  }
0x4c: {  	[tilespmem:$0xB230] =	vst v0  }
0x4d: {  	[tilespmem:$0xB240] =	vst v0  }
0x4e: {  	[tilespmem:$0xB250] =	vst v0  }
0x4f: {  	[tilespmem:$0xB260] =	vst v0  }
0x50: {  	[tilespmem:$0xB270] =	vst v0  }
0x51: {  	[tilespmem:$0xB280] =	vst v0  }
0x52: {  	[tilespmem:$0xB290] =	vst v0  }
0x53: {  	[tilespmem:$0xB2A0] =	vst v0  }
0x54: {  	[tilespmem:$0xB2B0] =	vst v0  }
0x55: {  	[spmem:s11] =	stream.linear.scatter [tilespmem:s31], [sflag:$0x8], $0x2000, $0x38;
	[tilespmem:$0x1F150] =	vst v63  }
0x56: {  	_ =	swait.ge [sflag:s0], $0x2000  }
0x57: {  	[sflag:s0] =	ssyncset.done $0x0  }
0x58: {  	s17 =	rddreg [dreg:$0x7];
	[sflag:s0] =	ssyncadd.s32 $0xFFFFE000  }
0x59: {  	[spmem:s17] =	stream.linear.scatter [tilespmem:s31], [sflag:$0x8], $0x2000, $0x38;
	[tilespmem:$0x1F150] =	vst v63  }
0x5a: {  	_ =	swait.ge [sflag:s0], $0x2000  }
0x5b: {  	[sflag:s0] =	ssyncset.done $0x0  }
0x5c: {  	s18 =	rddreg [dreg:$0x8];
	[sflag:s0] =	ssyncadd.s32 $0xFFFFE000  }
0x5d: {  	[spmem:s18] =	stream.linear.scatter [tilespmem:s31], [sflag:$0x8], $0x2000, $0x38;
	[tilespmem:$0x1F150] =	vst v63  }
0x5e: {  	_ =	swait.ge [sflag:s0], $0x2000  }
0x5f: {  	[sflag:s0] =	ssyncset.done $0x0  }
0x60: {  	s19 =	rddreg [dreg:$0x9];
	[sflag:s0] =	ssyncadd.s32 $0xFFFFE000  }
0x61: {  	[spmem:s19] =	stream.linear.scatter [tilespmem:s31], [sflag:$0x8], $0x2000, $0x38;
	[tilespmem:$0x1F150] =	vst v63  }
0x62: {  	_ =	swait.ge [sflag:s0], $0x2000  }
0x63: {  	[sflag:s0] =	ssyncset.done $0x0  }
0x64: {  	s20 =	rddreg [dreg:$0xa];
	[sflag:s0] =	ssyncadd.s32 $0xFFFFE000  }
0x65: {  	[spmem:s20] =	stream.linear.scatter [tilespmem:s31], [sflag:$0x8], $0x2000, $0x38;
	[tilespmem:$0x1F150] =	vst v63  }
0x66: {  	_ =	swait.ge [sflag:s0], $0x2000  }
0x67: {  	[sflag:s0] =	ssyncset.done $0x0  }
0x68: {  	s21 =	rddreg [dreg:$0xb];
	[sflag:s0] =	ssyncadd.s32 $0xFFFFE000  }
0x69: {  	[spmem:s21] =	stream.linear.scatter [tilespmem:s31], [sflag:$0x8], $0x2000, $0x38;
	[tilespmem:$0x1F150] =	vst v63  }
0x6a: {  	_ =	swait.ge [sflag:s0], $0x2000  }
0x6b: {  	[sflag:s0] =	ssyncset.done $0x0  }
0x6c: {  	s23 =	rddreg [dreg:$0xc];
	[sflag:s0] =	ssyncadd.s32 $0xFFFFE000  }
0x6d: {  	[spmem:s23] =	stream.linear.scatter [tilespmem:s31], [sflag:$0x8], $0x2000, $0x38;
	[tilespmem:$0x1F150] =	vst v63  }
0x6e: {  	_ =	swait.ge [sflag:s0], $0x2000  }
0x6f: {  	[sflag:s0] =	ssyncset.done $0x0  }
0x70: {  	s24 =	rddreg [dreg:$0xd];
	[sflag:s0] =	ssyncadd.s32 $0xFFFFE000  }
0x71: {  	[spmem:s24] =	stream.linear.scatter [tilespmem:s31], [sflag:$0x8], $0x2000, $0x38;
	[tilespmem:$0x1F150] =	vst v63  }
0x72: {  	_ =	swait.ge [sflag:s0], $0x2000  }
0x73: {  	[sflag:s0] =	ssyncset.done $0x0  }
0x74: {  	s25 =	rddreg [dreg:$0xe];
	[sflag:s0] =	ssyncadd.s32 $0xFFFFE000  }
0x75: {  	[spmem:s25] =	stream.linear.scatter [tilespmem:s31], [sflag:$0x8], $0x2000, $0x38;
	[tilespmem:$0x1F150] =	vst v63  }
0x76: {  	_ =	swait.ge [sflag:s0], $0x2000  }
0x77: {  	[sflag:s0] =	ssyncset.done $0x0  }
0x78: {  	s26 =	rddreg [dreg:$0xf];
	[sflag:s0] =	ssyncadd.s32 $0xFFFFE000  }
0x79: {  	[spmem:s26] =	stream.linear.scatter [tilespmem:s31], [sflag:$0x8], $0x1C00, $0x38;
	[tilespmem:$0x1F150] =	vst v63  }
0x7a: {  	_ =	swait.ge [sflag:s0], $0x1C00  }
0x7b: {  	[sflag:s0] =	ssyncset.done $0x0  }
0x7c: {  	s14 =	simm.s32 $0xB040;
	[sflag:s0] =	ssyncadd.s32 $0xFFFFE400  }
0x7d: {  	[spmem:s22] =	stream.linear.scatter [tilespmem:s14], [sflag:$0x8], $0x280, $0x38;
	[tilespmem:$0x1F150] =	vst v63  }
0x7e: {  	_ =	swait.ge [sflag:s0], $0x280  }
0x7f: {  	[sflag:s0] =	ssyncset.done $0x0  }
0x80: {  	s2 =	simm.s32 $0x0;
	s14 =	rddreg [dreg:$0x5];
	[sflag:s0] =	ssyncadd.s32 $0xFFFFFD80  }
0x81: {  	[tilespmem:s2], [sflag:$0x8] =	stream.linear.gather [hbm4b:s14+s2], $0x2710, $0x38;
	[tilespmem:$0x1F150] =	vst v63  }
0x82: {  	_ =	swait.ge [sflag:s0], $0x2710  }
0x83: {  	[sflag:s0] =	ssyncset.done $0x0  }
0x84: {  	s16 =	rddreg [dreg:$0x6];
	[sflag:s0] =	ssyncadd.s32 $0xFFFFD8F0  }
0x85: {  	[tilespmem:s1], [sflag:$0x8] =	stream.linear.gather [hbm4b:s16+s2], $0x2710, $0x38;
	[tilespmem:$0x1F150] =	vst v63  }
0x86: {  	_ =	swait.ge [sflag:s0], $0x2710  }
0x87: {  	[sflag:s0] =	ssyncset.done $0x0  }
0x88: {  	[sflag:s0] =	ssyncadd.s32 $0xFFFFD8F0  }
0x89: {  	[tilespmem:$0x2710] =	vst v0  }
0x8a: {  	s16 =	simm.s32 $0xB2C0;
	[tilespmem:$0x4E30] =	vst v0;
	s17 =	rddreg [dreg:$0x1]  }
0x8b: {  	[tilespmem:s16], [sflag:$0x8] =	stream.linear.gather [hbm4b:s17+s2], $0x10, $0x38;
	[tilespmem:$0x1F150] =	vst v63  }
0x8c: {  	_ =	swait.ge [sflag:s0], $0x10  }
0x8d: {  	[sflag:s0] =	ssyncset.done $0x0  }
0x8e: {  	[sflag:s0] =	ssyncadd.s32 $0xFFFFFFF0  }
0x8f: {  	v1 =	vld [tilespmem:$0xB2C0];
	[bflag:$0x0] =	sbarrier.arrive $0xFFFF  }
0x90: {  	s19 =	simm.s32 $0x4E40;
	s18 =	rddreg [dreg:$0x10]  }
0x91: {  	[tilespmem:s19], [sflag:$0x3] =	stream.linear.gather [hbm4b:s18+s2], $0x40, $0x38;
	[tilespmem:$0x1F150] =	vst v63  }
0x92: {  	s17 =	simm.s32 $0x4F00;
	s20 =	rddreg [dreg:$0x11]  }
0x93: {  	[tilespmem:s17], [sflag:$0x3] =	stream.linear.gather [hbm4b:s20+s2], $0x40, $0x38;
	[tilespmem:$0x1F150] =	vst v63  }
0x94: {  	_ =	swait.ge [sflag:s9], $0x40  }
0x95: {  	[sflag:s9] =	ssyncset.done $0x0  }
0x96: {  	[sflag:s9] =	ssyncadd.s32 $0xFFFFFFC0  }
0x97: {  	_ =	swait.ge [sflag:s9], $0x40  }
0x98: {  	[sflag:s9] =	ssyncset.done $0x0  }
0x99: {  	s21 =	simm.s32 $0x5040;
	[sflag:s9] =	ssyncadd.s32 $0xFFFFFFC0  }
0x9a: {  	[tilespmem:s21], [sflag:$0x1] =	stream.indirect.gather [hbm4b:s6+s10], $0x40, s19, s10, $0xb8;
	[tilespmem:$0x1F150] =	vst v63  }
0x9b: {  	s24 =	simm.s32 $0x4E80;
	s23 =	rddreg [dreg:$0x12]  }
0x9c: {  	[tilespmem:s24], [sflag:$0x4] =	stream.linear.gather [hbm4b:s23+s2], $0x40, $0x38;
	[tilespmem:$0x1F150] =	vst v63  }
0x9d: {  	s26 =	simm.s32 $0x4F40;
	s25 =	rddreg [dreg:$0x13]  }
0x9e: {  	[tilespmem:s26], [sflag:$0x4] =	stream.linear.gather [hbm4b:s25+s2], $0x40, $0x38;
	[tilespmem:$0x1F150] =	vst v63  }
.LBB2_4:
0x9f: {  	p0 =	seq.s32 s2, $0x0  }
0xa0: {  	s14 =	sxor.u32 @!p0 $0xFFFFFFFF, s2  }
0xa1: {  	s14 =	sand.u32 @!p0 $0x1, s14  }
0xa2: {  	p1 =	seq.s32 @!p0 s2, $0x9F;
	s14 =	sor.u32 @!p0 $0x6, s14  }
0xa3: {  	p1 =	por p0, !p1;
	_ =	swait.ge @!p0 [sflag:s14], $0x40  }
.Ltmp1:
0xa4: {  	[sflag:s14] =	ssyncset.done @!p0 $0x0;
	(pc) =	sbr.rel @!p1 .LBB2_6-.Ltmp1, $4  }
0xa5: {  	[sflag:s14] =	ssyncadd.s32 @!p0 $0xFFFFFFC0  }
0xa6: {  	_ =	swait.ge @!p0 [sflag:s14], $0x2000  }
0xa7: {  	[sflag:s14] =	ssyncset.done @!p0 $0x0  }
0xa8: {  	[sflag:s14] =	ssyncadd.s32 @!p0 $0xFFFFE000;
	s14 =	simm.s32 @!p0 $0xA0  }
0xa9: {  	s14 =	sadd.s32 @!p0 $0x1, s2  }
0xaa: {  	s14 =	simm.s32 @p0 $0x1  }
0xab: {  	s16 =	smul.u32 $0xAB, s14;
	_ =	sdelay $0x1  }
0xac: {  	s16 =	sshrl.u32 s16, $0x9  }
0xad: {  	s16 =	sand.u32 $0x7F, s16  }
0xae: {  	s16 =	smul.u32 $0x3, s16;
	_ =	sdelay $0x1  }
0xaf: {  	s16 =	ssub.s32 s14, s16  }
0xb0: {  	p0 =	sgt.u32 s2, $0x9D;
	s16 =	sand.u32 $0xFF, s16  }
0xb1: {  	s18 =	sadd.s32 @!p0 $0x2, s2;
	s17 =	sadd.s32 $0x3, s16  }
0xb2: {  	s19 =	smul.u32 @!p0 $0xAB, s18;
	_ =	swait.ge [sflag:s17], $0x40  }
0xb3: {  	s20 =	sand.u32 $0x1, s14;
	[sflag:s17] =	ssyncset.done $0x0  }
0xb4: {  	s26 =	sshll.u32 s20, $0xC;
	s19 =	sshrl.u32 @!p0 s19, $0x9;
	[sflag:s17] =	ssyncadd.s32 $0xFFFFFFC0  }
0xb5: {  	s20 =	sadd.s32 $0x1, s20;
	s19 =	sand.u32 @!p0 $0x7F, s19;
	_ =	swait.ge [sflag:s17], $0x40  }
0xb6: {  	s19 =	smul.u32 @!p0 $0x3, s19;
	s16 =	sshll.u32 s16, $0x6;
	[sflag:s17] =	ssyncset.done $0x0  }
0xb7: {  	s16 =	sadd.s32 $0x4E40, s16;
	[sflag:s17] =	ssyncadd.s32 $0xFFFFFFC0;
	s17 =	sadd.s32 $0x5040, s26  }
0xb8: {  	[tilespmem:s17], [sflag:s20] =	stream.indirect.gather [hbm4b:s6+s10], $0x40, s16, s10, $0xb8;
	[tilespmem:$0x1F150] =	vst v63  }
0xb9: {  	s16 =	ssub.s32 @!p0 s18, s19;
	s17 =	sshll.u32 @!p0 s18, $0x6  }
0xba: {  	s16 =	sand.u32 @!p0 $0xFF, s16;
	s17 =	sadd.s32 @!p0 s15, s17  }
0xbb: {  	s18 =	sadd.s32 @!p0 $0x3, s16;
	s16 =	sshll.u32 @!p0 s16, $0x6;
	s17 =	sshrl.u32 @!p0 s17, $0x3  }
0xbc: {  	s21 =	simm.s32 @!p0 $0x0;
	s19 =	sadd.s32 @!p0 $0x4E40, s16;
	s20 =	sadd.s32 @!p0 s7, s17  }
0xbd: {  	[tilespmem:s19], [sflag:s18] =	stream.linear.gather @!p0 [hbm4b:s20+s21], $0x40, $0x38;
	[tilespmem:$0x1F150] =	vst v63  }
0xbe: {  	s16 =	sor.u32 @!p0 $0x4F00, s16;
	s17 =	sadd.s32 @!p0 s8, s17  }
0xbf: {  	[tilespmem:s16], [sflag:s18] =	stream.linear.gather @!p0 [hbm4b:s17+s21], $0x40, $0x38;
	[tilespmem:$0x1F150] =	vst v63  }
.LBB2_6:
0xc0: {  	s17 =	smul.u32 $0xAB, s2  }
0xc1: {  	s16 =	sand.u32 $0x1, s2  }
0xc2: {  	s18 =	sadd.s32 $0x1, s16;
	s17 =	sshrl.u32 s17, $0x9  }
0xc3: {  	_ =	swait.ge [sflag:s18], $0x1000;
	s20 =	sadd.s32 s17, s2  }
0xc4: {  	[sflag:s18] =	ssyncset.done $0x0;
	s2 =	sshll.u32 s20, $0x6  }
0xc5: {  	[sflag:s18] =	ssyncadd.s32 $0xFFFFF000;
	s2 =	sand.u32 $0xC0, s2  }
0xc6: {  	v2 =	vld [tilespmem:s2+$0x4E40]  }
0xc7: {  	v3 =	vld [tilespmem:s2+$0x4F00];
	_ =	sdelay $0x5  }
0xc8: {  	s21 =	simm.s32 $0x0  }
0xc9: {  	v2 =	vld.idx.msk [tilespmem:v2+s21+$0x0], $0xffff  }
0xca: {  	v3 =	vld.idx.msk [tilespmem:v3+s1+$0x0], $0xffff;
	_ =	sdelay $0x4  }
0xcb: {  	v2 =	vadd.f32 v3, v2;
	_ =	sdelay $0x1  }
0xcc: {  	v3 =	vmul.f32 $2.000000030e-01, v2  }
0xcd: {  	vm0 =	vge.f32 v2, $0.0e+00  }
0xce: {  	v2 =	vsel vm0, v2, v3  }
0xcf: {  	v2 =	vsub.f32 v2, v1;
	_ =	sdelay $0x1  }
0xd0: {  	v2 =	vmul.f32 $1.442695020e+00, v2;
	_ =	sdelay $0x1  }
0xd1: {  	(erf) = vpow2.f32 v2;
	_ =	sdelay $0x8  }
0xd2: {  	s23 =	sshll.u32 s16, $0x6;
	v2 =	vpop (erf)  }
0xd3: {  	[tilespmem:s23+$0x4FC0] =	vst v2  }
0xd4: {  	v2 =	vld [tilespmem:s2+$0x4E50]  }
0xd5: {  	v3 =	vld [tilespmem:s2+$0x4F10];
	_ =	sdelay $0x6  }
0xd6: {  	v2 =	vld.idx.msk [tilespmem:v2+s21+$0x0], $0xffff  }
0xd7: {  	v3 =	vld.idx.msk [tilespmem:v3+s1+$0x0], $0xffff;
	_ =	sdelay $0x4  }
0xd8: {  	v2 =	vadd.f32 v3, v2;
	_ =	sdelay $0x1  }
0xd9: {  	v3 =	vmul.f32 $2.000000030e-01, v2  }
0xda: {  	vm13 =	vge.f32 v2, $0.0e+00  }
0xdb: {  	v2 =	vsel vm13, v2, v3  }
0xdc: {  	v2 =	vsub.f32 v2, v1;
	_ =	sdelay $0x1  }
0xdd: {  	v2 =	vmul.f32 $1.442695020e+00, v2;
	_ =	sdelay $0x1  }
0xde: {  	(erf) = vpow2.f32 v2;
	_ =	sdelay $0x8  }
0xdf: {  	v2 =	vpop (erf)  }
0xe0: {  	[tilespmem:s23+$0x4FD0] =	vst v2  }
0xe1: {  	v2 =	vld [tilespmem:s2+$0x4E60]  }
0xe2: {  	v3 =	vld [tilespmem:s2+$0x4F20];
	_ =	sdelay $0x6  }
0xe3: {  	v2 =	vld.idx.msk [tilespmem:v2+s21+$0x0], $0xffff  }
0xe4: {  	v3 =	vld.idx.msk [tilespmem:v3+s1+$0x0], $0xffff;
	_ =	sdelay $0x4  }
0xe5: {  	v2 =	vadd.f32 v3, v2;
	_ =	sdelay $0x1  }
0xe6: {  	v3 =	vmul.f32 $2.000000030e-01, v2  }
0xe7: {  	vm14 =	vge.f32 v2, $0.0e+00  }
0xe8: {  	v2 =	vsel vm14, v2, v3  }
0xe9: {  	v2 =	vsub.f32 v2, v1;
	_ =	sdelay $0x1  }
0xea: {  	v2 =	vmul.f32 $1.442695020e+00, v2;
	_ =	sdelay $0x1  }
0xeb: {  	(erf) = vpow2.f32 v2;
	_ =	sdelay $0x8  }
0xec: {  	v2 =	vpop (erf)  }
0xed: {  	[tilespmem:s23+$0x4FE0] =	vst v2  }
0xee: {  	v2 =	vld [tilespmem:s2+$0x4E70]  }
0xef: {  	v3 =	vld [tilespmem:s2+$0x4F30];
	_ =	sdelay $0x6  }
0xf0: {  	v2 =	vld.idx.msk [tilespmem:v2+s21+$0x0], $0xffff  }
0xf1: {  	v3 =	vld.idx.msk [tilespmem:v3+s1+$0x0], $0xffff;
	_ =	sdelay $0x4  }
0xf2: {  	v2 =	vadd.f32 v3, v2;
	_ =	sdelay $0x1  }
0xf3: {  	v3 =	vmul.f32 $2.000000030e-01, v2  }
0xf4: {  	vm15 =	vge.f32 v2, $0.0e+00  }
0xf5: {  	v2 =	vsel vm15, v2, v3  }
0xf6: {  	v2 =	vsub.f32 v2, v1;
	_ =	sdelay $0x1  }
0xf7: {  	v2 =	vmul.f32 $1.442695020e+00, v2;
	_ =	sdelay $0x1  }
0xf8: {  	(erf) = vpow2.f32 v2;
	_ =	sdelay $0x2  }
0xf9: {  	v3 =	vmov s21  }
0xfa: {  	v3 =	vand.u32 $0x3C, v3;
	v2 =	vmov s23  }
0xfb: {  	v3 =	vor.u32 v2, v3  }
0xfc: {  	v3 =	vbroadcast v3, $0x0;
	_ =	sdelay $0x2  }
0xfd: {  	s24 =	sshll.u32 s16, $0xC;
	v4 =	vpop (erf)  }
0xfe: {  	s24 =	sadd.s32 $0x50C0, s24;
	[tilespmem:s23+$0x4FF0] =	vst v4  }
0xff: {  	v4 =	vld [tilespmem:s24+$0xFFFFFF80]  }
0x100: {  	v3 =	vld.idx.msk [tilespmem:v3+s12+$0x0], $0xffff;
	_ =	sdelay $0x3  }
0x101: {  	v5 =	vunpack.i.l.bf16.f32 v4  }
0x102: {  	s21 =	sshll.u32 s16, $0xD;
	v4 =	vunpack.i.u.bf16.f32 v4;
	v5 =	vmul.f32 v5, v3  }
0x103: {  	s18 =	sadd.s32 $0x7140, s21;
	v4 =	vmul.f32 v4, v3  }
0x104: {  	[tilespmem:s18+$0xFFFFFF00] =	vst v5  }
0x105: {  	[tilespmem:s18+$0xFFFFFF10] =	vst v4  }
0x106: {  	v4 =	vld [tilespmem:s24+$0xFFFFFF90];
	_ =	sdelay $0x4  }
0x107: {  	v5 =	vunpack.i.l.bf16.f32 v4  }
0x108: {  	v4 =	vunpack.i.u.bf16.f32 v4;
	v5 =	vmul.f32 v5, v3  }
0x109: {  	v4 =	vmul.f32 v4, v3  }
0x10a: {  	[tilespmem:s18+$0xFFFFFF20] =	vst v5  }
0x10b: {  	[tilespmem:s18+$0xFFFFFF30] =	vst v4  }
0x10c: {  	v4 =	vld [tilespmem:s24+$0xFFFFFFA0];
	_ =	sdelay $0x4  }
0x10d: {  	v5 =	vunpack.i.l.bf16.f32 v4  }
0x10e: {  	v4 =	vunpack.i.u.bf16.f32 v4;
	v5 =	vmul.f32 v5, v3  }
0x10f: {  	v4 =	vmul.f32 v4, v3  }
0x110: {  	[tilespmem:s18+$0xFFFFFF40] =	vst v5  }
0x111: {  	[tilespmem:s18+$0xFFFFFF50] =	vst v4  }
0x112: {  	v4 =	vld [tilespmem:s24+$0xFFFFFFB0]  }
0x113: {  	s19 =	simm.s32 $0x1  }
0x114: {  	v5 =	vmov s19  }
0x115: {  	v5 =	vand.u32 $0x3D, v5  }
0x116: {  	v5 =	vor.u32 v2, v5  }
0x117: {  	v5 =	vbroadcast v5, $0x0;
	v6 =	vunpack.i.l.bf16.f32 v4  }
0x118: {  	v4 =	vunpack.i.u.bf16.f32 v4;
	v6 =	vmul.f32 v6, v3  }
0x119: {  	v3 =	vmul.f32 v4, v3  }
0x11a: {  	[tilespmem:s18+$0xFFFFFF60] =	vst v6  }
0x11b: {  	[tilespmem:s18+$0xFFFFFF70] =	vst v3  }
0x11c: {  	v3 =	vld [tilespmem:s24+$0xFFFFFFC0]  }
0x11d: {  	v4 =	vld.idx.msk [tilespmem:v5+s12+$0x0], $0xffff;
	_ =	sdelay $0x3  }
0x11e: {  	v5 =	vunpack.i.l.bf16.f32 v3  }
0x11f: {  	v3 =	vunpack.i.u.bf16.f32 v3;
	v5 =	vmul.f32 v5, v4  }
0x120: {  	v3 =	vmul.f32 v3, v4  }
0x121: {  	[tilespmem:s18+$0xFFFFFF80] =	vst v5  }
0x122: {  	[tilespmem:s18+$0xFFFFFF90] =	vst v3  }
0x123: {  	v3 =	vld [tilespmem:s24+$0xFFFFFFD0];
	_ =	sdelay $0x4  }
0x124: {  	v5 =	vunpack.i.l.bf16.f32 v3  }
0x125: {  	v3 =	vunpack.i.u.bf16.f32 v3;
	v5 =	vmul.f32 v5, v4  }
0x126: {  	v3 =	vmul.f32 v3, v4  }
0x127: {  	[tilespmem:s18+$0xFFFFFFA0] =	vst v5  }
0x128: {  	[tilespmem:s18+$0xFFFFFFB0] =	vst v3  }
0x129: {  	v3 =	vld [tilespmem:s24+$0xFFFFFFE0];
	_ =	sdelay $0x4  }
0x12a: {  	v5 =	vunpack.i.l.bf16.f32 v3  }
0x12b: {  	v3 =	vunpack.i.u.bf16.f32 v3;
	v5 =	vmul.f32 v5, v4  }
0x12c: {  	v3 =	vmul.f32 v3, v4  }
0x12d: {  	[tilespmem:s18+$0xFFFFFFC0] =	vst v5  }
0x12e: {  	[tilespmem:s18+$0xFFFFFFD0] =	vst v3  }
0x12f: {  	v3 =	vld [tilespmem:s24+$0xFFFFFFF0]  }
0x130: {  	s25 =	simm.s32 $0x2  }
0x131: {  	v5 =	vmov s25  }
0x132: {  	v5 =	vand.u32 $0x3E, v5  }
0x133: {  	v5 =	vor.u32 v2, v5  }
0x134: {  	v5 =	vbroadcast v5, $0x0;
	v62 =	vunpack.i.l.bf16.f32 v3  }
0x135: {  	v3 =	vunpack.i.u.bf16.f32 v3;
	v6 =	vmul.f32 v62, v4  }
0x136: {  	v3 =	vmul.f32 v3, v4  }
0x137: {  	[tilespmem:s18+$0xFFFFFFE0] =	vst v6  }
0x138: {  	[tilespmem:s18+$0xFFFFFFF0] =	vst v3  }
0x139: {  	v3 =	vld [tilespmem:s24+$0x0]  }
0x13a: {  	v4 =	vld.idx.msk [tilespmem:v5+s12+$0x0], $0xffff;
	_ =	sdelay $0x3  }
0x13b: {  	v5 =	vunpack.i.l.bf16.f32 v3  }
0x13c: {  	v3 =	vunpack.i.u.bf16.f32 v3;
	v5 =	vmul.f32 v5, v4  }
0x13d: {  	v3 =	vmul.f32 v3, v4  }
0x13e: {  	[tilespmem:s18+$0x0] =	vst v5  }
0x13f: {  	[tilespmem:s18+$0x10] =	vst v3  }
0x140: {  	v3 =	vld [tilespmem:s24+$0x10];
	_ =	sdelay $0x4  }
0x141: {  	v5 =	vunpack.i.l.bf16.f32 v3  }
0x142: {  	v3 =	vunpack.i.u.bf16.f32 v3;
	v5 =	vmul.f32 v5, v4  }
0x143: {  	v3 =	vmul.f32 v3, v4  }
0x144: {  	[tilespmem:s18+$0x20] =	vst v5  }
0x145: {  	[tilespmem:s18+$0x30] =	vst v3  }
0x146: {  	v3 =	vld [tilespmem:s24+$0x20];
	_ =	sdelay $0x4  }
0x147: {  	v5 =	vunpack.i.l.bf16.f32 v3  }
0x148: {  	v3 =	vunpack.i.u.bf16.f32 v3;
	v5 =	vmul.f32 v5, v4  }
0x149: {  	v3 =	vmul.f32 v3, v4  }
0x14a: {  	[tilespmem:s18+$0x40] =	vst v5  }
0x14b: {  	[tilespmem:s18+$0x50] =	vst v3  }
0x14c: {  	v3 =	vld [tilespmem:s24+$0x30]  }
0x14d: {  	s26 =	simm.s32 $0x3  }
0x14e: {  	v5 =	vmov s26  }
0x14f: {  	v5 =	vand.u32 $0x3F, v5  }
0x150: {  	v5 =	vor.u32 v2, v5  }
0x151: {  	v5 =	vbroadcast v5, $0x0;
	v63 =	vunpack.i.l.bf16.f32 v3  }
0x152: {  	v3 =	vunpack.i.u.bf16.f32 v3;
	v6 =	vmul.f32 v63, v4  }
0x153: {  	v3 =	vmul.f32 v3, v4  }
0x154: {  	[tilespmem:s18+$0x60] =	vst v6  }
0x155: {  	[tilespmem:s18+$0x70] =	vst v3  }
0x156: {  	v4 =	vld [tilespmem:s24+$0x40]  }
0x157: {  	v3 =	vld.idx.msk [tilespmem:v5+s12+$0x0], $0xffff;
	_ =	sdelay $0x3  }
0x158: {  	v5 =	vunpack.i.l.bf16.f32 v4  }
0x159: {  	v4 =	vunpack.i.u.bf16.f32 v4;
	v5 =	vmul.f32 v5, v3  }
0x15a: {  	v4 =	vmul.f32 v4, v3  }
0x15b: {  	[tilespmem:s18+$0x80] =	vst v5  }
0x15c: {  	[tilespmem:s18+$0x90] =	vst v4  }
0x15d: {  	v4 =	vld [tilespmem:s24+$0x50];
	_ =	sdelay $0x4  }
0x15e: {  	v5 =	vunpack.i.l.bf16.f32 v4  }
0x15f: {  	v4 =	vunpack.i.u.bf16.f32 v4;
	v5 =	vmul.f32 v5, v3  }
0x160: {  	v4 =	vmul.f32 v4, v3  }
0x161: {  	s17 =	smov.u32 s24;
	s20 =	sadd.s32 $0x4FC0, s23;
	s21 =	sadd.s32 $0x7040, s21;
	[tilespmem:s18+$0xA0] =	vst v5  }
0x162: {  	s23 =	simm.s32 $0x4;
	s19 =	sor.u32 $0x4F00, s2;
	s2 =	smov.u32 s18;
	[tilespmem:s18+$0xB0] =	vst v4  }
.LBB2_7:
0x163: {  	p0 =	slt.u32 s23, $0x3C;
	v4 =	vld [tilespmem:s24+$0x60];
	s18 =	sadd.s32 $0x200, s18;
	s17 =	sadd.s32 $0x100, s17  }
0x164: {  	s25 =	smov.u32 s23;
	s23 =	sadd.s32 $0x4, s23;
	_ =	sdelay $0x3  }
0x165: {  	v5 =	vunpack.i.u.bf16.f32 v4;
	v4 =	vunpack.i.l.bf16.f32 v4  }
0x166: {  	v4 =	vmul.f32 v4, v3;
	v5 =	vmul.f32 v5, v3;
	_ =	sdelay $0x1  }
0x167: {  	[tilespmem:s2+$0xC0] =	vst v4  }
0x168: {  	[tilespmem:s2+$0xD0] =	vst v5  }
0x169: {  	v4 =	vld [tilespmem:s24+$0x70];
	s24 =	smov.u32 s17;
	_ =	sdelay $0x1  }
0x16a: {  	v5 =	vmov s25  }
0x16b: {  	v5 =	vand.u32 $0x3C, v5  }
0x16c: {  	v5 =	vor.u32 v2, v5  }
0x16d: {  	v5 =	vbroadcast v5, $0x0;
	v6 =	vunpack.i.u.bf16.f32 v4;
	v4 =	vunpack.i.l.bf16.f32 v4  }
0x16e: {  	v4 =	vmul.f32 v4, v3;
	v3 =	vmul.f32 v6, v3;
	_ =	sdelay $0x1  }
0x16f: {  	[tilespmem:s2+$0xE0] =	vst v4  }
0x170: {  	[tilespmem:s2+$0xF0] =	vst v3;
	s2 =	smov.u32 s18  }
0x171: {  	v3 =	vld [tilespmem:s17+$0xFFFFFF80]  }
0x172: {  	v4 =	vld.idx.msk [tilespmem:v5+s12+$0x0], $0xffff;
	_ =	sdelay $0x4  }
0x173: {  	v5 =	vunpack.i.u.bf16.f32 v3;
	v3 =	vunpack.i.l.bf16.f32 v3  }
0x174: {  	v3 =	vmul.f32 v3, v4;
	v5 =	vmul.f32 v5, v4;
	_ =	sdelay $0x1  }
0x175: {  	[tilespmem:s18+$0xFFFFFF00] =	vst v3  }
0x176: {  	[tilespmem:s18+$0xFFFFFF10] =	vst v5  }
0x177: {  	v3 =	vld [tilespmem:s17+$0xFFFFFF90];
	_ =	sdelay $0x4  }
0x178: {  	v5 =	vunpack.i.u.bf16.f32 v3;
	v3 =	vunpack.i.l.bf16.f32 v3  }
0x179: {  	v3 =	vmul.f32 v3, v4;
	v5 =	vmul.f32 v5, v4;
	_ =	sdelay $0x1  }
0x17a: {  	[tilespmem:s18+$0xFFFFFF20] =	vst v3  }
0x17b: {  	[tilespmem:s18+$0xFFFFFF30] =	vst v5  }
0x17c: {  	v3 =	vld [tilespmem:s17+$0xFFFFFFA0];
	_ =	sdelay $0x4  }
0x17d: {  	v5 =	vunpack.i.u.bf16.f32 v3;
	v3 =	vunpack.i.l.bf16.f32 v3  }
0x17e: {  	v3 =	vmul.f32 v3, v4;
	v5 =	vmul.f32 v5, v4;
	_ =	sdelay $0x1  }
0x17f: {  	[tilespmem:s18+$0xFFFFFF40] =	vst v3  }
0x180: {  	[tilespmem:s18+$0xFFFFFF50] =	vst v5  }
0x181: {  	s26 =	sadd.s32 $0x1, s25;
	v3 =	vld [tilespmem:s17+$0xFFFFFFB0]  }
0x182: {  	v5 =	vmov s26  }
0x183: {  	v5 =	vand.u32 $0x3D, v5  }
0x184: {  	v5 =	vor.u32 v2, v5  }
0x185: {  	v5 =	vbroadcast v5, $0x0  }
0x186: {  	v6 =	vunpack.i.u.bf16.f32 v3;
	v3 =	vunpack.i.l.bf16.f32 v3  }
0x187: {  	v3 =	vmul.f32 v3, v4;
	v4 =	vmul.f32 v6, v4;
	_ =	sdelay $0x1  }
0x188: {  	[tilespmem:s18+$0xFFFFFF60] =	vst v3  }
0x189: {  	[tilespmem:s18+$0xFFFFFF70] =	vst v4  }
0x18a: {  	v3 =	vld.idx.msk [tilespmem:v5+s12+$0x0], $0xffff  }
0x18b: {  	v4 =	vld [tilespmem:s17+$0xFFFFFFC0];
	_ =	sdelay $0x4  }
0x18c: {  	v5 =	vunpack.i.u.bf16.f32 v4;
	v4 =	vunpack.i.l.bf16.f32 v4  }
0x18d: {  	v4 =	vmul.f32 v4, v3;
	v5 =	vmul.f32 v5, v3;
	_ =	sdelay $0x1  }
0x18e: {  	[tilespmem:s18+$0xFFFFFF80] =	vst v4  }
0x18f: {  	[tilespmem:s18+$0xFFFFFF90] =	vst v5  }
0x190: {  	v4 =	vld [tilespmem:s17+$0xFFFFFFD0];
	_ =	sdelay $0x4  }
0x191: {  	v5 =	vunpack.i.u.bf16.f32 v4;
	v4 =	vunpack.i.l.bf16.f32 v4  }
0x192: {  	v4 =	vmul.f32 v4, v3;
	v5 =	vmul.f32 v5, v3;
	_ =	sdelay $0x1  }
0x193: {  	[tilespmem:s18+$0xFFFFFFA0] =	vst v4  }
0x194: {  	[tilespmem:s18+$0xFFFFFFB0] =	vst v5  }
0x195: {  	v4 =	vld [tilespmem:s17+$0xFFFFFFE0];
	_ =	sdelay $0x4  }
0x196: {  	v5 =	vunpack.i.u.bf16.f32 v4;
	v4 =	vunpack.i.l.bf16.f32 v4  }
0x197: {  	v4 =	vmul.f32 v4, v3;
	v5 =	vmul.f32 v5, v3;
	_ =	sdelay $0x1  }
0x198: {  	[tilespmem:s18+$0xFFFFFFC0] =	vst v4  }
0x199: {  	[tilespmem:s18+$0xFFFFFFD0] =	vst v5  }
0x19a: {  	s26 =	sadd.s32 $0x2, s25;
	v4 =	vld [tilespmem:s17+$0xFFFFFFF0]  }
0x19b: {  	v5 =	vmov s26  }
0x19c: {  	v5 =	vand.u32 $0x3E, v5  }
0x19d: {  	v5 =	vor.u32 v2, v5  }
0x19e: {  	v5 =	vbroadcast v5, $0x0  }
0x19f: {  	v6 =	vunpack.i.u.bf16.f32 v4;
	v4 =	vunpack.i.l.bf16.f32 v4  }
0x1a0: {  	v4 =	vmul.f32 v4, v3;
	v3 =	vmul.f32 v6, v3;
	_ =	sdelay $0x1  }
0x1a1: {  	[tilespmem:s18+$0xFFFFFFE0] =	vst v4  }
0x1a2: {  	[tilespmem:s18+$0xFFFFFFF0] =	vst v3  }
0x1a3: {  	v3 =	vld.idx.msk [tilespmem:v5+s12+$0x0], $0xffff  }
0x1a4: {  	v4 =	vld [tilespmem:s17+$0x0];
	_ =	sdelay $0x4  }
0x1a5: {  	v5 =	vunpack.i.u.bf16.f32 v4;
	v4 =	vunpack.i.l.bf16.f32 v4  }
0x1a6: {  	v4 =	vmul.f32 v4, v3;
	v5 =	vmul.f32 v5, v3;
	_ =	sdelay $0x1  }
0x1a7: {  	[tilespmem:s18+$0x0] =	vst v4  }
0x1a8: {  	[tilespmem:s18+$0x10] =	vst v5  }
0x1a9: {  	v4 =	vld [tilespmem:s17+$0x10];
	_ =	sdelay $0x4  }
0x1aa: {  	v5 =	vunpack.i.u.bf16.f32 v4;
	v4 =	vunpack.i.l.bf16.f32 v4  }
0x1ab: {  	v4 =	vmul.f32 v4, v3;
	v5 =	vmul.f32 v5, v3;
	_ =	sdelay $0x1  }
0x1ac: {  	[tilespmem:s18+$0x20] =	vst v4  }
0x1ad: {  	[tilespmem:s18+$0x30] =	vst v5  }
0x1ae: {  	v4 =	vld [tilespmem:s17+$0x20];
	_ =	sdelay $0x4  }
0x1af: {  	v5 =	vunpack.i.u.bf16.f32 v4;
	v4 =	vunpack.i.l.bf16.f32 v4  }
0x1b0: {  	v4 =	vmul.f32 v4, v3;
	v5 =	vmul.f32 v5, v3;
	_ =	sdelay $0x1  }
0x1b1: {  	[tilespmem:s18+$0x40] =	vst v4  }
0x1b2: {  	[tilespmem:s18+$0x50] =	vst v5  }
0x1b3: {  	s25 =	sadd.s32 $0x3, s25;
	v4 =	vld [tilespmem:s17+$0x30]  }
0x1b4: {  	v5 =	vmov s25  }
0x1b5: {  	v5 =	vand.u32 $0x3F, v5  }
0x1b6: {  	v5 =	vor.u32 v2, v5  }
0x1b7: {  	v5 =	vbroadcast v5, $0x0  }
0x1b8: {  	v6 =	vunpack.i.u.bf16.f32 v4;
	v4 =	vunpack.i.l.bf16.f32 v4  }
0x1b9: {  	v4 =	vmul.f32 v4, v3;
	v3 =	vmul.f32 v6, v3;
	_ =	sdelay $0x1  }
0x1ba: {  	[tilespmem:s18+$0x60] =	vst v4  }
0x1bb: {  	[tilespmem:s18+$0x70] =	vst v3  }
0x1bc: {  	v3 =	vld.idx.msk [tilespmem:v5+s12+$0x0], $0xffff  }
0x1bd: {  	v4 =	vld [tilespmem:s17+$0x40];
	_ =	sdelay $0x4  }
0x1be: {  	v5 =	vunpack.i.u.bf16.f32 v4;
	v4 =	vunpack.i.l.bf16.f32 v4  }
0x1bf: {  	v4 =	vmul.f32 v4, v3;
	v5 =	vmul.f32 v5, v3;
	_ =	sdelay $0x1  }
0x1c0: {  	[tilespmem:s18+$0x80] =	vst v4  }
0x1c1: {  	[tilespmem:s18+$0x90] =	vst v5  }
0x1c2: {  	v4 =	vld [tilespmem:s17+$0x50];
	_ =	sdelay $0x4  }
.Ltmp2:
0x1c3: {  	v5 =	vunpack.i.u.bf16.f32 v4;
	v4 =	vunpack.i.l.bf16.f32 v4;
	(pc) =	sbr.rel @p0 .LBB2_7-.Ltmp2, $3  }
0x1c4: {  	v4 =	vmul.f32 v4, v3;
	v5 =	vmul.f32 v5, v3;
	_ =	sdelay $0x1  }
0x1c5: {  	[tilespmem:s18+$0xA0] =	vst v4  }
0x1c6: {  	[tilespmem:s18+$0xB0] =	vst v5  }
0x1c7: {  	v2 =	vld [tilespmem:s24+$0x60];
	_ =	sdelay $0x4  }
0x1c8: {  	v4 =	vunpack.i.l.bf16.f32 v2  }
0x1c9: {  	v2 =	vunpack.i.u.bf16.f32 v2;
	v4 =	vmul.f32 v4, v3  }
0x1ca: {  	v2 =	vmul.f32 v2, v3  }
0x1cb: {  	[tilespmem:s2+$0xC0] =	vst v4  }
0x1cc: {  	[tilespmem:s2+$0xD0] =	vst v2  }
0x1cd: {  	v2 =	vld [tilespmem:s24+$0x70];
	_ =	sdelay $0x4  }
0x1ce: {  	v63 =	vunpack.i.l.bf16.f32 v2  }
0x1cf: {  	v2 =	vunpack.i.u.bf16.f32 v2;
	v4 =	vmul.f32 v63, v3  }
0x1d0: {  	p0 =	slt.u32 s14, $0xA0;
	v2 =	vmul.f32 v2, v3  }
.Ltmp3:
0x1d1: {  	[tilespmem:s2+$0xE0] =	vst v4;
	(pc) =	sbr.rel @p0 .LBB2_4-.Ltmp3, $4  }
0x1d2: {  	s26 =	sor.u32 $0x6, s16;
	[tilespmem:s2+$0xF0] =	vst v2  }
0x1d3: {  	[spmem:s4] =	stream.indirect.scatter.add.f32 [tilespmem:s20], [sflag:s26], $0x1, s19, s10, $0xb8;
	[tilespmem:$0x1F150] =	vst v63  }
0x1d4: {  	s2 =	smov.u32 s14  }
0x1d5: {  	[spmem:s3] =	stream.indirect.scatter.add.f32 [tilespmem:s21], [sflag:s26], $0x80, s19, s10, $0xb8;
	[tilespmem:$0x1F150] =	vst v63  }
0x1d6: {  	_ =	swait.ge [sflag:s13], $0x40  }
0x1d7: {  	[sflag:s13] =	ssyncset.done $0x0  }
0x1d8: {  	[sflag:s13] =	ssyncadd.s32 $0xFFFFFFC0  }
0x1d9: {  	_ =	swait.ge [sflag:s13], $0x2000  }
0x1da: {  	s2 =	stileid.u32;
	[sflag:s13] =	ssyncset.done $0x0  }
0x1db: {  	s2 =	sshll.u32 s2, $0x6;
	[sflag:s13] =	ssyncadd.s32 $0xFFFFE000  }
0x1dc: {  	s14 =	sshrl.u32 s11, $0x3;
	s2 =	sor.u32 $0x1C08, s2;
	[bflag:$0x0] =	sbarrier.arrive $0xFFFF  }
0x1dd: {  	[hbm:s28], [sflag:s2] =	dma.local [spmem:s14], $0x2780  }
0x1de: {  	s5 =	sadd.s32 $0x1, s5;
	_ =	swait.ge [sflag:s0], $0x2780  }
0x1df: {  	p0 =	sne.s32 s5, s30;
	[sflag:s0] =	ssyncset.done $0x0  }
.Ltmp4:
0x1e0: {  	s26 =	sshrl.u32 s22, $0x3;
	[sflag:s0] =	ssyncadd.s32 $0xFFFFD880;
	(pc) =	sbr.rel @p0 .LBB2_1-.Ltmp4, $4  }
0x1e1: {  	[hbm:s29], [sflag:s2] =	dma.local [spmem:s26], $0x50  }
0x1e2: {  	_ =	swait.ge [sflag:s0], $0x50  }
0x1e3: {  	[sflag:s0] =	ssyncset.done $0x0  }
0x1e4: {  	[sflag:s0] =	ssyncadd.s32 $0xFFFFFFB0  }
0x1e5: {  	_ =	sfence.sel $0x180000  }
0x1e6: {  	[bflag:$0x0] =	sbarrier.arrive $0xFFFF  }
0x1e7: {  	_ =	strace $0x9000004A  }
0x1e8: {  	s0 =	stileid.u32;
	[bflag:$0x2] =	sbarrier.arrive $0xFFFF  }
0x1e9: {  	p0 =	sne.s32 s0, $0x0;
	s0 =	rddreg [dreg:$0x4]  }
0x1ea: {  	s0 =	sadd.s32 @!p0 $0x100000, s0  }
0x1eb: {  	[sflag:s0] =	ssyncadd.tile.s32 @!p0 $0x1;
	_ =	shalt  }
.Lfunc_end2:
_tile_overlayer_lowered:
.L_overlay_start_2:
0x1ec: {  	(tag) =	ssettag $0x2  }
0x1ed: {  	s0 =	rddreg [dreg:$0x0];
	s2 =	stileid.u32  }
0x1ee: {  	s1 =	rddreg [dreg:$0x1];
	p0 =	sne.s32 s2, $0x0  }
0x1ef: {  	s3 =	rddreg [dreg:$0x2];
	[bflag:$0x3] =	sbarrier.arrive $0xFFFF;
	s2 =	simm.s32 @!p0 $0x1C08  }
0x1f0: {  	[timem:s3], [sflag:s2] =	dma.local @!p0 [hbm:s0], s1  }
0x1f1: {  	s0 =	simm.s32 @!p0 $0x8  }
0x1f2: {  	_ =	swait.ge @!p0 [sflag:s0], s1  }
0x1f3: {  	s1 =	ssub.s32 @!p0 $0x0, s1;
	[sflag:s0] =	ssyncset.done @!p0 $0x0  }
0x1f4: {  	[sflag:s0] =	ssyncadd.s32 @!p0 s1  }
0x1f5: {  	[bflag:$0x3] =	sbarrier.arrive $0xFFFF  }
0x1f6: {  	_ =	shalt  }

// kernel: kernel.7.cloned.1.call-start
scs
__scs_entry_jumppad:
0x0: {  	(pc) =	sbr.rel $0x88, $3  }
0x1: {  	(tag) =	ssettag $0x0;
	lr =	simm.s32 $0x1  }
0x2: {  	[smem:$0x3F95] =	sst lr;
	_ =	strace $0xD0000000  }
0x3: {  	_ = 	snop  }
0x4: {  	_ = 	snop  }
0x5: {  	_ = 	snop  }
0x6: {  	_ = 	snop  }
0x7: {  	_ = 	snop  }
__scs_overlays_trampoline_lowered:
0x8: {  	[smem:$0x3FA4] =	sst s0  }
0x9: {  	[smem:$0x3FA5] =	sst s1  }
0xa: {  	[smem:$0x3FA6] =	sst s2  }
0xb: {  	[smem:$0x3FA7] =	sst s3  }
0xc: {  	[smem:$0x3FA8] =	sst s4  }
0xd: {  	[smem:$0x3FA9] =	sst s5  }
0xe: {  	[smem:$0x3FAA] =	sst s6  }
0xf: {  	[smem:$0x3FAB] =	sst s7  }
0x10: {  	[smem:$0x3FAC] =	sst s8  }
0x11: {  	[smem:$0x3FAD] =	sst s9;
	s0 =	simm.s32 @!p0 $0x0  }
0x12: {  	s1 =	sld [smem:$0x3F93];
	s0 =	simm.s32 @p0 $0x1  }
0x13: {  	[smem:$0x3FAE] =	sst s0;
	s0 =	simm.s32 @!p1 $0x0  }
0x14: {  	s2 =	sld [smem:$0x3F92];
	s0 =	simm.s32 @p1 $0x1  }
0x15: {  	[smem:$0x3FAF] =	sst s0;
	s0 =	simm.s32 @!p2 $0x0  }
0x16: {  	s3 =	sld [smem:$0x3FDB];
	s0 =	simm.s32 @p2 $0x1  }
0x17: {  	s4 =	simm.s32 $0x1BF5;
	[smem:$0x3FB1] =	sst s0  }
0x18: {  	s0 =	sld [smem:$0x3F94];
	_ =	swait.ge [sflag:s4], $0x0  }
0x19: {  	s7 =	sld [smem:$0x3F95]  }
0x1a: {  	s8 =	sadd.s32 $0xFFFFE003, lr  }
0x1b: {  	s9 =	sadd.s32 $0xFFFFFEF7, lr;
	s5 =	simm.s32 $0xFFFFFFFF;
	p2 =	slt.u32 s8, $0xFFFFF086  }
0x1c: {  	p1 =	slt.u32 s9, $0xF7A;
	s5 =	simm.s32 @!p2 $0x0  }
0x1d: {  	s5 =	simm.s32 @p1 $0x1;
	p0 =	seq.s32 s7, s2  }
0x1e: {  	s7 =	smul.u32 @!p0 $0xF7A, s2;
	p2 =	seq.s32 @!p0 s5, $0x0  }
0x1f: {  	s9 =	smul.u32 $0xF7A, s1;
	s8 =	simm.s32 @!p0 $0x1BF5;
	p2 =	por !p2, p0  }
0x20: {  	[sflag:s8] =	ssyncset.s32 @!p0 $0xFFFFF086;
	s6 =	sadd.s32 @!p0 s3, s7;
	s7 =	simm.s32 @!p0 $0x108  }
0x21: {  	s3 =	sadd.s32 s3, s9;
	s6 =	sadd.s32 @!p0 $0x88, s6;
	s7 =	simm.s32 @p2 $0x1082  }
0x22: {  	[simem:s7], [sflag:s8] =	dma.local @!p0 [hbm:s6], $0xF7A  }
0x23: {  	s9 =	sor.u32 $0xD0000000, s2;
	s6 =	simm.s32 $0x108;
	_ =	swait.ge @!p0 [sflag:s8], $0x0  }
0x24: {  	s3 =	sadd.s32 $0x88, s3;
	s6 =	simm.s32 @!p1 $0x1082;
	[sflag:s4] =	ssyncset.s32 $0xFFFFF086  }
0x25: {  	[simem:s6], [sflag:s4] =	dma.local [hbm:s3], $0xF7A  }
0x26: {  	[smem:$0x3F95] =	sst s1;
	(tag) =	ssettag s2;
	_ =	strace s9  }
0x27: {  	s1 =	sld [smem:$0x3FA5]  }
0x28: {  	s2 =	sld [smem:$0x3FA6]  }
0x29: {  	s4 =	sld [smem:$0x3FA8]  }
0x2a: {  	p0 =	seq.s32 s5, $0x0;
	s5 =	sld [smem:$0x3FA9]  }
0x2b: {  	s6 =	sld [smem:$0x3FAA]  }
0x2c: {  	s7 =	sld [smem:$0x3FAB]  }
0x2d: {  	s3 =	simm.s32 $0x108;
	s8 =	sld [smem:$0x3FAC]  }
0x2e: {  	s3 =	simm.s32 @!p0 $0x1082;
	s9 =	sld [smem:$0x3FAD]  }
0x2f: {  	lr =	sadd.s32 s0, s3;
	s0 =	sld [smem:$0x3FA4]  }
0x30: {  	s3 =	sld [smem:$0x3FA7]  }
0x31: {  	[smem:$0x3FB0] =	sst s10  }
0x32: {  	s10 =	sld [smem:$0x3FAE];
	_ =	sdelay $0x3  }
0x33: {  	p0 =	seq.s32 s10, $0x1;
	s10 =	sld [smem:$0x3FB0];
	_ =	sdelay $0x3  }
0x34: {  	[smem:$0x3FB0] =	sst s10  }
0x35: {  	s10 =	sld [smem:$0x3FAF];
	_ =	sdelay $0x3  }
0x36: {  	p1 =	seq.s32 s10, $0x1;
	s10 =	sld [smem:$0x3FB0];
	_ =	sdelay $0x3  }
0x37: {  	[smem:$0x3FB0] =	sst s10  }
0x38: {  	s10 =	sld [smem:$0x3FB1]  }
0x39: {  	_ = 	snop;
	(pc) =	sbr.ind lr, $3  }
0x3a: {  	_ = 	snop  }
0x3b: {  	_ = 	snop  }
0x3c: {  	p2 =	seq.s32 s10, $0x1;
	s10 =	sld [smem:$0x3FB0]  }
0x3d: {  	_ =	shalt  }
0x3e: {  	_ =	shalt  }
0x3f: {  	_ =	shalt  }
0x40: {  	_ =	shalt  }
0x41: {  	_ =	shalt  }
0x42: {  	_ =	shalt  }
0x43: {  	_ =	shalt  }
0x44: {  	_ =	shalt  }
0x45: {  	_ =	shalt  }
0x46: {  	_ =	shalt  }
0x47: {  	_ =	shalt  }
0x48: {  	_ =	shalt  }
0x49: {  	_ =	shalt  }
0x4a: {  	_ =	shalt  }
0x4b: {  	_ =	shalt  }
0x4c: {  	_ =	shalt  }
0x4d: {  	_ =	shalt  }
0x4e: {  	_ =	shalt  }
0x4f: {  	_ =	shalt  }
0x50: {  	_ =	shalt  }
0x51: {  	_ =	shalt  }
0x52: {  	_ =	shalt  }
0x53: {  	_ =	shalt  }
0x54: {  	_ =	shalt  }
0x55: {  	_ =	shalt  }
0x56: {  	_ =	shalt  }
0x57: {  	_ =	shalt  }
0x58: {  	_ =	shalt  }
0x59: {  	_ =	shalt  }
0x5a: {  	_ =	shalt  }
0x5b: {  	_ =	shalt  }
0x5c: {  	_ =	shalt  }
0x5d: {  	_ =	shalt  }
0x5e: {  	_ =	shalt  }
0x5f: {  	_ =	shalt  }
0x60: {  	_ =	shalt  }
0x61: {  	_ =	shalt  }
0x62: {  	_ =	shalt  }
0x63: {  	_ =	shalt  }
0x64: {  	_ =	shalt  }
0x65: {  	_ =	shalt  }
0x66: {  	_ =	shalt  }
0x67: {  	_ =	shalt  }
0x68: {  	_ =	shalt  }
0x69: {  	_ =	shalt  }
0x6a: {  	_ =	shalt  }
0x6b: {  	_ =	shalt  }
0x6c: {  	_ =	shalt  }
0x6d: {  	_ =	shalt  }
0x6e: {  	_ =	shalt  }
0x6f: {  	_ =	shalt  }
0x70: {  	_ =	shalt  }
0x71: {  	_ =	shalt  }
0x72: {  	_ =	shalt  }
0x73: {  	_ =	shalt  }
0x74: {  	_ =	shalt  }
0x75: {  	_ =	shalt  }
0x76: {  	_ =	shalt  }
0x77: {  	_ =	shalt  }
0x78: {  	_ =	shalt  }
0x79: {  	_ =	shalt  }
0x7a: {  	_ =	shalt  }
0x7b: {  	_ =	shalt  }
0x7c: {  	_ =	shalt  }
0x7d: {  	_ =	shalt  }
0x7e: {  	_ =	shalt  }
0x7f: {  	_ =	shalt  }
0x80: {  	_ =	shalt  }
0x81: {  	_ =	shalt  }
0x82: {  	_ =	shalt  }
0x83: {  	_ =	shalt  }
0x84: {  	_ =	shalt  }
0x85: {  	_ =	shalt  }
0x86: {  	_ =	shalt  }
0x87: {  	_ =	shalt  }
.Lfunc_end0:
.L_simem_size_0:
called_computation_lowered:
.L_overlay_start_0:
0x88: {  	s2 =	sld [smem:$0x3FD9]  }
0x89: {  	s3 =	sld [smem:$0x3FFE];
	_ =	sdelay $0x1  }
0x8a: {  	s1 =	srdreg.scid  }
0x8b: {  	s0 =	sand.u32 $0x1, s1  }
0x8c: {  	s17 =	sshll.u32 s0, $0xA;
	s2 =	sadd.s32 s3, s2  }
0x8d: {  	s2 =	sadd.s32 s2, s17  }
0x8e: {  	[smem:$0x3FBC] =	sst s2  }
0x8f: {  	_ = 	snop  }
0x90: {  	s2 =	sld [smem:$0x3FD0];
	(tm) =	ssettm $0x1  }
0x91: {  	s18 =	sld [smem:$0x3FFB];
	_ =	sdelay $0x3  }
0x92: {  	_ =	strace s18  }
0x93: {  	s3 =	sld [smem:$0x3FFC];
	_ =	sdelay $0x3  }
0x94: {  	_ =	strace s3  }
0x95: {  	s3 =	sld [smem:$0x3FFD];
	_ =	sdelay $0x3  }
0x96: {  	_ =	strace s3  }
0x97: {  	_ =	strace $0x8FFFFFFF  }
0x98: {  	s19 =	sld [smem:$0x3FDB];
	_ =	sdelay $0x1  }
0x99: {  	s4 =	simm.s32 $_scs_section_size  }
0x9a: {  	s5 =	simm.s32 $_size__tile_overlayer_lowered;
	s6 =	simm.s32 $_tile_overlayer_lowered  }
0x9b: {  	s22 =	simm.s32 $0x1BFF;
	s21 =	sshll.u32 s6, $0x1;
	s3 =	sadd.s32 s4, s19  }
0x9c: {  	s7 =	simm.s32 $0x0;
	s20 =	sshll.u32 s5, $0x1;
	s5 =	sadd.s32 s21, s3  }
0x9d: {  	[timem:s7], [sflag:s22] =	dma.local [hbm:s5], s20  }
0x9e: {  	_ =	swait.ge [sflag:s22], s20  }
0x9f: {  	s4 =	ssub.s32 $0x0, s20;
	[sflag:s22] =	ssyncset.done $0x0  }
0xa0: {  	[sflag:s22] =	ssyncadd.s32 s4;
	_ =	sdelay $0x1  }
0xa1: {  	s23 =	simm.s32 $0x1B8B  }
0xa2: {  	_ =	swait.ge [sflag:s23], $0x1  }
0xa3: {  	[sflag:s23] =	ssyncset.done $0x0  }
0xa4: {  	s25 =	simm.s32 $0x1B8E;
	s24 =	sld [smem:$0x3FFE];
	[sflag:s23] =	ssyncadd.s32 $0xFFFFFFFF  }
0xa5: {  	s26 =	simm.s32 $execute0_lowered;
	[smem:$0x3FD2] =	sst s25  }
0xa6: {  	s5 =	sshll.u32 s26, $0x1;
	_ =	strace $0x80000046;
	[dreg:$0x1] =	wrdreg $0xFFFFFFFF  }
0xa7: {  	s28 =	simm.s32 $_size_execute0_lowered;
	s3 =	sadd.s32 s3, s5;
	[dreg:$0x0] =	wrdreg $0x0  }
0xa8: {  	s5 =	sshll.u32 s28, $0x1;
	[dreg:$0x2] =	wrdreg s3  }
0xa9: {  	[dreg:$0x3] =	wrdreg s5  }
0xaa: {  	[dreg:$0x4] =	wrdreg $0xC0  }
0xab: {  	_ =	task [dreg:s7], $0x5FFFF  }
0xac: {  	[dreg:$0x1] =	wrdreg $0xFFFFFFFF  }
0xad: {  	[dreg:$0x0] =	wrdreg $0x60  }
0xae: {  	[dreg:$0x2] =	wrdreg s24  }
0xaf: {  	[dreg:$0x3] =	wrdreg s2  }
0xb0: {  	[dreg:$0x4] =	wrdreg $0xB2D00  }
0xb1: {  	[dreg:$0x5] =	wrdreg $0x1EED00  }
0xb2: {  	[dreg:$0x6] =	wrdreg $0x9  }
0xb3: {  	_ =	task.clear_ibuf [dreg:s7], $0x7FFFF;
	_ =	strace $0x90000046  }
0xb4: {  	s29 =	simm.s32 $0x9;
	_ =	strace $0x80000048  }
0xb5: {  	_ =	swait.ge [sflag:s29], $0x1  }
0xb6: {  	[sflag:s29] =	ssyncadd.s32 $0xFFFFFFFF  }
0xb7: {  	_ =	strace $0x90000048  }
0xb8: {  	_ =	sfence  }
0xb9: {  	s30 =	sld [smem:$0x0];
	_ =	sdelay $0x2  }
0xba: {  	s31 =	sshll.u32 s1, $0xD;
	s1 =	sshrl.u32 s1, $0x2  }
0xbb: {  	s3 =	sand.u32 $0x4000, s31;
	s1 =	sadd.s32 s1, s30  }
0xbc: {  	s0 =	sor.u32 s3, s0;
	s1 =	sshll.u32 s1, $0x11  }
0xbd: {  	s0 =	sor.u32 s1, s0  }
0xbe: {  	s0 =	sadd.s32 $0x8F2B, s0  }
0xbf: {  	[sflag:s0] =	ssyncadd.remote.s32 $0x1  }
0xc0: {  	_ =	sfence.sel $0xFFFF  }
0xc1: {  	[dreg:$0x0] =	wrdreg $0xFFFFFFFF;
	(pc) =	sbr.abs _section_cstart, $3  }
0xc2: {  	[dreg:$0x1] =	wrdreg $0xFFFFFFFF  }
0xc3: {  	_ =	task.clear_ibuf [dreg:s7], $0x2FFFF;
	_ =	strace $0x9FFFFFFF  }
0xc4: {  	(tm) =	ssettm $0x7FFFFFFF  }
0xc5: {  	_ =	shalt  }
tec
execute0_lowered:
.L_overlay_start_1:
0x0: {  	(tag) =	ssettag $0x1  }
0x1: {  	s0 =	rddreg [dreg:$0x0]  }
0x2: {  	s3 =	rddreg [dreg:$0x2]  }
0x3: {  	s4 =	rddreg [dreg:$0x3]  }
0x4: {  	s1 =	srdreg.scid;
	s14 =	stileid.u32;
	s5 =	simm.s32 $0x0  }
0x5: {  	s31 =	simm.s32 $0x7040;
	s1 =	sand.u32 $0x1, s1;
	s2 =	smul.u32 $0x13C00, s14  }
0x6: {  	[smem:$0x7FF] =	sst s5;
	s6 =	sadd.s32 $0xE00, s0;
	s10 =	smul.u32 $0x280, s14  }
0x7: {  	s7 =	sadd.s32 $0x1F400, s0;
	s8 =	sadd.s32 $0x15400, s0;
	s24 =	smul.u32 $0x4F000, s14  }
0x8: {  	s12 =	sadd.s32 $0x14E00, s0;
	s23 =	sadd.s32 $0x14800, s0;
	s9 =	smul.u32 $0x13C000, s1  }
0x9: {  	_ =	strace $0x80000047;
	s11 =	smul.u32 $0x2800, s1;
	[dreg:$0x5] =	wrdreg s12  }
0xa: {  	[dreg:$0x6] =	wrdreg s23;
	s13 =	ssub.s32 $0x2, s1;
	s1 =	sshll.u32 s1, $0x4  }
0xb: {  	s25 =	sshrl.u32 s13, $0x1;
	s12 =	sshrl.u32 s24, $0x2;
	s1 =	sor.u32 s14, s1  }
0xc: {  	s9 =	sadd.s32 s2, s9;
	s11 =	sadd.s32 s10, s11;
	s12 =	sadd.s32 s12, s3  }
0xd: {  	s13 =	ssub.s32 s13, s25;
	s9 =	sshrl.u32 s9, $0x3;
	s26 =	sadd.s32 $0x2000, s12  }
0xe: {  	s11 =	sshrl.u32 s11, $0x3;
	s14 =	sadd.s32 $0x4000, s12;
	[dreg:$0x7] =	wrdreg s26  }
0xf: {  	s15 =	sadd.s32 $0x6000, s12;
	s16 =	sadd.s32 $0x8000, s12;
	[dreg:$0x8] =	wrdreg s14  }
0x10: {  	s17 =	sadd.s32 $0xA000, s12;
	s18 =	sadd.s32 $0xC000, s12;
	[dreg:$0x9] =	wrdreg s15  }
0x11: {  	s19 =	sadd.s32 $0xE000, s12;
	s20 =	sadd.s32 $0x10000, s12;
	[dreg:$0xa] =	wrdreg s16  }
0x12: {  	s22 =	sadd.s32 $0x12000, s12;
	s30 =	smax.u32 s13, $0x1;
	[dreg:$0xb] =	wrdreg s17  }
0x13: {  	s12 =	simm.s32 $0x4FC0;
	s13 =	simm.s32 $0x7;
	[dreg:$0xc] =	wrdreg s18  }
0x14: {  	s9 =	sadd.s32 s9, s0;
	s15 =	smul.u32 $0x2800, s1;
	[dreg:$0xd] =	wrdreg s19  }
0x15: {  	s0 =	sadd.s32 s11, s0;
	s11 =	sadd.s32 s2, s3;
	[dreg:$0xe] =	wrdreg s20  }
0x16: {  	[dreg:$0xf] =	wrdreg s22;
	s22 =	sadd.s32 s10, s4;
	s21 =	sshrl.u32 s15, $0x3  }
0x17: {  	s10 =	simm.s32 $0x40;
	s28 =	sadd.s32 $0x29400, s9;
	s24 =	sadd.s32 s7, s21  }
0x18: {  	s23 =	sor.u32 $0x8, s21;
	s1 =	sadd.s32 s8, s21;
	[dreg:$0x10] =	wrdreg s24  }
0x19: {  	s29 =	sadd.s32 $0x78400, s0;
	[dreg:$0x11] =	wrdreg s1;
	s25 =	sadd.s32 s7, s23  }
0x1a: {  	s0 =	simm.s32 $0x8;
	s26 =	sadd.s32 s8, s23;
	[dreg:$0x12] =	wrdreg s25  }
0x1b: {  	v0 =	vimm.f32 $0.0e+00;
	s9 =	simm.s32 $0x3;
	s1 =	simm.s32 $0x2720;
	[dreg:$0x13] =	wrdreg s26  }
.LBB2_1:
0x1c: {  	s2 =	simm.s32 $0x0;
	s14 =	simm.s32 $0x200  }
.LBB2_2:
0x1d: {  	p0 =	sne.s32 s14, $0x7E00;
	[tilespmem:s2+$0x70B0] =	vst v0  }
0x1e: {  	[tilespmem:s2+$0x7040] =	vst v0  }
0x1f: {  	[tilespmem:s2+$0x7050] =	vst v0  }
.Ltmp0:
0x20: {  	[tilespmem:s2+$0x7060] =	vst v0;
	(pc) =	sbr.rel @p0 .LBB2_2-.Ltmp0, $4  }
0x21: {  	[tilespmem:s2+$0x7070] =	vst v0  }
0x22: {  	[tilespmem:s2+$0x7080] =	vst v0  }
0x23: {  	[tilespmem:s2+$0x7090] =	vst v0  }
0x24: {  	[tilespmem:s2+$0x70A0] =	vst v0;
	s2 =	sshra.s32 s14, $0x2;
	s14 =	sadd.s32 $0x200, s14  }
0x25: {  	[tilespmem:s2+$0x70B0] =	vst v0  }
0x26: {  	[tilespmem:s2+$0x7040] =	vst v0  }
0x27: {  	[tilespmem:s2+$0x7050] =	vst v0  }
0x28: {  	[tilespmem:s2+$0x7060] =	vst v0  }
0x29: {  	[tilespmem:s2+$0x7070] =	vst v0  }
0x2a: {  	[tilespmem:s2+$0x7080] =	vst v0  }
0x2b: {  	[tilespmem:s2+$0x7090] =	vst v0  }
0x2c: {  	[tilespmem:s2+$0x70A0] =	vst v0  }
0x2d: {  	[tilespmem:$0xB040] =	vst v0  }
0x2e: {  	[tilespmem:$0xB050] =	vst v0  }
0x2f: {  	[tilespmem:$0xB060] =	vst v0  }
0x30: {  	[tilespmem:$0xB070] =	vst v0  }
0x31: {  	[tilespmem:$0xB080] =	vst v0  }
0x32: {  	[tilespmem:$0xB090] =	vst v0  }
0x33: {  	[tilespmem:$0xB0A0] =	vst v0  }
0x34: {  	[tilespmem:$0xB0B0] =	vst v0  }
0x35: {  	[tilespmem:$0xB0C0] =	vst v0  }
0x36: {  	[tilespmem:$0xB0D0] =	vst v0  }
0x37: {  	[tilespmem:$0xB0E0] =	vst v0  }
0x38: {  	[tilespmem:$0xB0F0] =	vst v0  }
0x39: {  	[tilespmem:$0xB100] =	vst v0  }
0x3a: {  	[tilespmem:$0xB110] =	vst v0  }
0x3b: {  	[tilespmem:$0xB120] =	vst v0  }
0x3c: {  	[tilespmem:$0xB130] =	vst v0  }
0x3d: {  	[tilespmem:$0xB140] =	vst v0  }
0x3e: {  	[tilespmem:$0xB150] =	vst v0  }
0x3f: {  	[tilespmem:$0xB160] =	vst v0  }
0x40: {  	[tilespmem:$0xB170] =	vst v0  }
0x41: {  	[tilespmem:$0xB180] =	vst v0  }
0x42: {  	[tilespmem:$0xB190] =	vst v0  }
0x43: {  	[tilespmem:$0xB1A0] =	vst v0  }
0x44: {  	[tilespmem:$0xB1B0] =	vst v0  }
0x45: {  	[tilespmem:$0xB1C0] =	vst v0  }
0x46: {  	[tilespmem:$0xB1D0] =	vst v0  }
0x47: {  	[tilespmem:$0xB1E0] =	vst v0  }
0x48: {  	[tilespmem:$0xB1F0] =	vst v0  }
0x49: {  	[tilespmem:$0xB200] =	vst v0  }
0x4a: {  	[tilespmem:$0xB210] =	vst v0  }
0x4b: {  	[tilespmem:$0xB220] =	vst v0  }
0x4c: {  	[tilespmem:$0xB230] =	vst v0  }
0x4d: {  	[tilespmem:$0xB240] =	vst v0  }
0x4e: {  	[tilespmem:$0xB250] =	vst v0  }
0x4f: {  	[tilespmem:$0xB260] =	vst v0  }
0x50: {  	[tilespmem:$0xB270] =	vst v0  }
0x51: {  	[tilespmem:$0xB280] =	vst v0  }
0x52: {  	[tilespmem:$0xB290] =	vst v0  }
0x53: {  	[tilespmem:$0xB2A0] =	vst v0  }
0x54: {  	[tilespmem:$0xB2B0] =	vst v0  }
0x55: {  	[spmem:s11] =	stream.linear.scatter [tilespmem:s31], [sflag:$0x8], $0x2000, $0x38;
	[tilespmem:$0x1F150] =	vst v63  }
0x56: {  	_ =	swait.ge [sflag:s0], $0x2000  }
0x57: {  	[sflag:s0] =	ssyncset.done $0x0  }
0x58: {  	s17 =	rddreg [dreg:$0x7];
	[sflag:s0] =	ssyncadd.s32 $0xFFFFE000  }
0x59: {  	[spmem:s17] =	stream.linear.scatter [tilespmem:s31], [sflag:$0x8], $0x2000, $0x38;
	[tilespmem:$0x1F150] =	vst v63  }
0x5a: {  	_ =	swait.ge [sflag:s0], $0x2000  }
0x5b: {  	[sflag:s0] =	ssyncset.done $0x0  }
0x5c: {  	s18 =	rddreg [dreg:$0x8];
	[sflag:s0] =	ssyncadd.s32 $0xFFFFE000  }
0x5d: {  	[spmem:s18] =	stream.linear.scatter [tilespmem:s31], [sflag:$0x8], $0x2000, $0x38;
	[tilespmem:$0x1F150] =	vst v63  }
0x5e: {  	_ =	swait.ge [sflag:s0], $0x2000  }
0x5f: {  	[sflag:s0] =	ssyncset.done $0x0  }
0x60: {  	s19 =	rddreg [dreg:$0x9];
	[sflag:s0] =	ssyncadd.s32 $0xFFFFE000  }
0x61: {  	[spmem:s19] =	stream.linear.scatter [tilespmem:s31], [sflag:$0x8], $0x2000, $0x38;
	[tilespmem:$0x1F150] =	vst v63  }
0x62: {  	_ =	swait.ge [sflag:s0], $0x2000  }
0x63: {  	[sflag:s0] =	ssyncset.done $0x0  }
0x64: {  	s20 =	rddreg [dreg:$0xa];
	[sflag:s0] =	ssyncadd.s32 $0xFFFFE000  }
0x65: {  	[spmem:s20] =	stream.linear.scatter [tilespmem:s31], [sflag:$0x8], $0x2000, $0x38;
	[tilespmem:$0x1F150] =	vst v63  }
0x66: {  	_ =	swait.ge [sflag:s0], $0x2000  }
0x67: {  	[sflag:s0] =	ssyncset.done $0x0  }
0x68: {  	s21 =	rddreg [dreg:$0xb];
	[sflag:s0] =	ssyncadd.s32 $0xFFFFE000  }
0x69: {  	[spmem:s21] =	stream.linear.scatter [tilespmem:s31], [sflag:$0x8], $0x2000, $0x38;
	[tilespmem:$0x1F150] =	vst v63  }
0x6a: {  	_ =	swait.ge [sflag:s0], $0x2000  }
0x6b: {  	[sflag:s0] =	ssyncset.done $0x0  }
0x6c: {  	s23 =	rddreg [dreg:$0xc];
	[sflag:s0] =	ssyncadd.s32 $0xFFFFE000  }
0x6d: {  	[spmem:s23] =	stream.linear.scatter [tilespmem:s31], [sflag:$0x8], $0x2000, $0x38;
	[tilespmem:$0x1F150] =	vst v63  }
0x6e: {  	_ =	swait.ge [sflag:s0], $0x2000  }
0x6f: {  	[sflag:s0] =	ssyncset.done $0x0  }
0x70: {  	s24 =	rddreg [dreg:$0xd];
	[sflag:s0] =	ssyncadd.s32 $0xFFFFE000  }
0x71: {  	[spmem:s24] =	stream.linear.scatter [tilespmem:s31], [sflag:$0x8], $0x2000, $0x38;
	[tilespmem:$0x1F150] =	vst v63  }
0x72: {  	_ =	swait.ge [sflag:s0], $0x2000  }
0x73: {  	[sflag:s0] =	ssyncset.done $0x0  }
0x74: {  	s25 =	rddreg [dreg:$0xe];
	[sflag:s0] =	ssyncadd.s32 $0xFFFFE000  }
0x75: {  	[spmem:s25] =	stream.linear.scatter [tilespmem:s31], [sflag:$0x8], $0x2000, $0x38;
	[tilespmem:$0x1F150] =	vst v63  }
0x76: {  	_ =	swait.ge [sflag:s0], $0x2000  }
0x77: {  	[sflag:s0] =	ssyncset.done $0x0  }
0x78: {  	s26 =	rddreg [dreg:$0xf];
	[sflag:s0] =	ssyncadd.s32 $0xFFFFE000  }
0x79: {  	[spmem:s26] =	stream.linear.scatter [tilespmem:s31], [sflag:$0x8], $0x1C00, $0x38;
	[tilespmem:$0x1F150] =	vst v63  }
0x7a: {  	_ =	swait.ge [sflag:s0], $0x1C00  }
0x7b: {  	[sflag:s0] =	ssyncset.done $0x0  }
0x7c: {  	s14 =	simm.s32 $0xB040;
	[sflag:s0] =	ssyncadd.s32 $0xFFFFE400  }
0x7d: {  	[spmem:s22] =	stream.linear.scatter [tilespmem:s14], [sflag:$0x8], $0x280, $0x38;
	[tilespmem:$0x1F150] =	vst v63  }
0x7e: {  	_ =	swait.ge [sflag:s0], $0x280  }
0x7f: {  	[sflag:s0] =	ssyncset.done $0x0  }
0x80: {  	s2 =	simm.s32 $0x0;
	s14 =	rddreg [dreg:$0x5];
	[sflag:s0] =	ssyncadd.s32 $0xFFFFFD80  }
0x81: {  	[tilespmem:s2], [sflag:$0x8] =	stream.linear.gather [hbm4b:s14+s2], $0x2710, $0x38;
	[tilespmem:$0x1F150] =	vst v63  }
0x82: {  	_ =	swait.ge [sflag:s0], $0x2710  }
0x83: {  	[sflag:s0] =	ssyncset.done $0x0  }
0x84: {  	s16 =	rddreg [dreg:$0x6];
	[sflag:s0] =	ssyncadd.s32 $0xFFFFD8F0  }
0x85: {  	[tilespmem:s1], [sflag:$0x8] =	stream.linear.gather [hbm4b:s16+s2], $0x2710, $0x38;
	[tilespmem:$0x1F150] =	vst v63  }
0x86: {  	_ =	swait.ge [sflag:s0], $0x2710  }
0x87: {  	[sflag:s0] =	ssyncset.done $0x0  }
0x88: {  	[sflag:s0] =	ssyncadd.s32 $0xFFFFD8F0  }
0x89: {  	[tilespmem:$0x2710] =	vst v0  }
0x8a: {  	s16 =	simm.s32 $0xB2C0;
	[tilespmem:$0x4E30] =	vst v0;
	s17 =	rddreg [dreg:$0x1]  }
0x8b: {  	[tilespmem:s16], [sflag:$0x8] =	stream.linear.gather [hbm4b:s17+s2], $0x10, $0x38;
	[tilespmem:$0x1F150] =	vst v63  }
0x8c: {  	_ =	swait.ge [sflag:s0], $0x10  }
0x8d: {  	[sflag:s0] =	ssyncset.done $0x0  }
0x8e: {  	[sflag:s0] =	ssyncadd.s32 $0xFFFFFFF0  }
0x8f: {  	v1 =	vld [tilespmem:$0xB2C0];
	[bflag:$0x0] =	sbarrier.arrive $0xFFFF  }
0x90: {  	s19 =	simm.s32 $0x4E40;
	s18 =	rddreg [dreg:$0x10]  }
0x91: {  	[tilespmem:s19], [sflag:$0x3] =	stream.linear.gather [hbm4b:s18+s2], $0x40, $0x38;
	[tilespmem:$0x1F150] =	vst v63  }
0x92: {  	s17 =	simm.s32 $0x4F00;
	s20 =	rddreg [dreg:$0x11]  }
0x93: {  	[tilespmem:s17], [sflag:$0x3] =	stream.linear.gather [hbm4b:s20+s2], $0x40, $0x38;
	[tilespmem:$0x1F150] =	vst v63  }
0x94: {  	_ =	swait.ge [sflag:s9], $0x40  }
0x95: {  	[sflag:s9] =	ssyncset.done $0x0  }
0x96: {  	[sflag:s9] =	ssyncadd.s32 $0xFFFFFFC0  }
0x97: {  	_ =	swait.ge [sflag:s9], $0x40  }
0x98: {  	[sflag:s9] =	ssyncset.done $0x0  }
0x99: {  	s21 =	simm.s32 $0x5040;
	[sflag:s9] =	ssyncadd.s32 $0xFFFFFFC0  }
0x9a: {  	[tilespmem:s21], [sflag:$0x1] =	stream.indirect.gather [hbm4b:s6+s10], $0x40, s19, s10, $0xb8;
	[tilespmem:$0x1F150] =	vst v63  }
0x9b: {  	s24 =	simm.s32 $0x4E80;
	s23 =	rddreg [dreg:$0x12]  }
0x9c: {  	[tilespmem:s24], [sflag:$0x4] =	stream.linear.gather [hbm4b:s23+s2], $0x40, $0x38;
	[tilespmem:$0x1F150] =	vst v63  }
0x9d: {  	s26 =	simm.s32 $0x4F40;
	s25 =	rddreg [dreg:$0x13]  }
0x9e: {  	[tilespmem:s26], [sflag:$0x4] =	stream.linear.gather [hbm4b:s25+s2], $0x40, $0x38;
	[tilespmem:$0x1F150] =	vst v63  }
.LBB2_4:
0x9f: {  	p0 =	seq.s32 s2, $0x0  }
0xa0: {  	s14 =	sxor.u32 @!p0 $0xFFFFFFFF, s2  }
0xa1: {  	s14 =	sand.u32 @!p0 $0x1, s14  }
0xa2: {  	p1 =	seq.s32 @!p0 s2, $0x9F;
	s14 =	sor.u32 @!p0 $0x6, s14  }
0xa3: {  	p1 =	por p0, !p1;
	_ =	swait.ge @!p0 [sflag:s14], $0x40  }
.Ltmp1:
0xa4: {  	[sflag:s14] =	ssyncset.done @!p0 $0x0;
	(pc) =	sbr.rel @!p1 .LBB2_6-.Ltmp1, $4  }
0xa5: {  	[sflag:s14] =	ssyncadd.s32 @!p0 $0xFFFFFFC0  }
0xa6: {  	_ =	swait.ge @!p0 [sflag:s14], $0x2000  }
0xa7: {  	[sflag:s14] =	ssyncset.done @!p0 $0x0  }
0xa8: {  	[sflag:s14] =	ssyncadd.s32 @!p0 $0xFFFFE000;
	s14 =	simm.s32 @!p0 $0xA0  }
0xa9: {  	s14 =	sadd.s32 @!p0 $0x1, s2  }
0xaa: {  	s14 =	simm.s32 @p0 $0x1  }
0xab: {  	s16 =	smul.u32 $0xAB, s14;
	_ =	sdelay $0x1  }
0xac: {  	s16 =	sshrl.u32 s16, $0x9  }
0xad: {  	s16 =	sand.u32 $0x7F, s16  }
0xae: {  	s16 =	smul.u32 $0x3, s16;
	_ =	sdelay $0x1  }
0xaf: {  	s16 =	ssub.s32 s14, s16  }
0xb0: {  	p0 =	sgt.u32 s2, $0x9D;
	s16 =	sand.u32 $0xFF, s16  }
0xb1: {  	s18 =	sadd.s32 @!p0 $0x2, s2;
	s17 =	sadd.s32 $0x3, s16  }
0xb2: {  	s19 =	smul.u32 @!p0 $0xAB, s18;
	_ =	swait.ge [sflag:s17], $0x40  }
0xb3: {  	s20 =	sand.u32 $0x1, s14;
	[sflag:s17] =	ssyncset.done $0x0  }
0xb4: {  	s26 =	sshll.u32 s20, $0xC;
	s19 =	sshrl.u32 @!p0 s19, $0x9;
	[sflag:s17] =	ssyncadd.s32 $0xFFFFFFC0  }
0xb5: {  	s20 =	sadd.s32 $0x1, s20;
	s19 =	sand.u32 @!p0 $0x7F, s19;
	_ =	swait.ge [sflag:s17], $0x40  }
0xb6: {  	s19 =	smul.u32 @!p0 $0x3, s19;
	s16 =	sshll.u32 s16, $0x6;
	[sflag:s17] =	ssyncset.done $0x0  }
0xb7: {  	s16 =	sadd.s32 $0x4E40, s16;
	[sflag:s17] =	ssyncadd.s32 $0xFFFFFFC0;
	s17 =	sadd.s32 $0x5040, s26  }
0xb8: {  	[tilespmem:s17], [sflag:s20] =	stream.indirect.gather [hbm4b:s6+s10], $0x40, s16, s10, $0xb8;
	[tilespmem:$0x1F150] =	vst v63  }
0xb9: {  	s16 =	ssub.s32 @!p0 s18, s19;
	s17 =	sshll.u32 @!p0 s18, $0x6  }
0xba: {  	s16 =	sand.u32 @!p0 $0xFF, s16;
	s17 =	sadd.s32 @!p0 s15, s17  }
0xbb: {  	s18 =	sadd.s32 @!p0 $0x3, s16;
	s16 =	sshll.u32 @!p0 s16, $0x6;
	s17 =	sshrl.u32 @!p0 s17, $0x3  }
0xbc: {  	s21 =	simm.s32 @!p0 $0x0;
	s19 =	sadd.s32 @!p0 $0x4E40, s16;
	s20 =	sadd.s32 @!p0 s7, s17  }
0xbd: {  	[tilespmem:s19], [sflag:s18] =	stream.linear.gather @!p0 [hbm4b:s20+s21], $0x40, $0x38;
	[tilespmem:$0x1F150] =	vst v63  }
0xbe: {  	s16 =	sor.u32 @!p0 $0x4F00, s16;
	s17 =	sadd.s32 @!p0 s8, s17  }
0xbf: {  	[tilespmem:s16], [sflag:s18] =	stream.linear.gather @!p0 [hbm4b:s17+s21], $0x40, $0x38;
	[tilespmem:$0x1F150] =	vst v63  }
.LBB2_6:
0xc0: {  	s17 =	smul.u32 $0xAB, s2  }
0xc1: {  	s16 =	sand.u32 $0x1, s2  }
0xc2: {  	s18 =	sadd.s32 $0x1, s16;
	s17 =	sshrl.u32 s17, $0x9  }
0xc3: {  	_ =	swait.ge [sflag:s18], $0x1000;
	s20 =	sadd.s32 s17, s2  }
0xc4: {  	[sflag:s18] =	ssyncset.done $0x0;
	s2 =	sshll.u32 s20, $0x6  }
0xc5: {  	[sflag:s18] =	ssyncadd.s32 $0xFFFFF000;
	s2 =	sand.u32 $0xC0, s2  }
0xc6: {  	v2 =	vld [tilespmem:s2+$0x4E40]  }
0xc7: {  	v3 =	vld [tilespmem:s2+$0x4F00];
	_ =	sdelay $0x5  }
0xc8: {  	s21 =	simm.s32 $0x0  }
0xc9: {  	v2 =	vld.idx.msk [tilespmem:v2+s21+$0x0], $0xffff  }
0xca: {  	v3 =	vld.idx.msk [tilespmem:v3+s1+$0x0], $0xffff;
	_ =	sdelay $0x4  }
0xcb: {  	v2 =	vadd.f32 v3, v2;
	_ =	sdelay $0x1  }
0xcc: {  	v3 =	vmul.f32 $2.000000030e-01, v2  }
0xcd: {  	vm0 =	vge.f32 v2, $0.0e+00  }
0xce: {  	v2 =	vsel vm0, v2, v3  }
0xcf: {  	v2 =	vsub.f32 v2, v1;
	_ =	sdelay $0x1  }
0xd0: {  	v2 =	vmul.f32 $1.442695020e+00, v2;
	_ =	sdelay $0x1  }
0xd1: {  	(erf) = vpow2.f32 v2;
	_ =	sdelay $0x8  }
0xd2: {  	s23 =	sshll.u32 s16, $0x6;
	v2 =	vpop (erf)  }
0xd3: {  	[tilespmem:s23+$0x4FC0] =	vst v2  }
0xd4: {  	v2 =	vld [tilespmem:s2+$0x4E50]  }
0xd5: {  	v3 =	vld [tilespmem:s2+$0x4F10];
	_ =	sdelay $0x6  }
0xd6: {  	v2 =	vld.idx.msk [tilespmem:v2+s21+$0x0], $0xffff  }
0xd7: {  	v3 =	vld.idx.msk [tilespmem:v3+s1+$0x0], $0xffff;
	_ =	sdelay $0x4  }
0xd8: {  	v2 =	vadd.f32 v3, v2;
	_ =	sdelay $0x1  }
0xd9: {  	v3 =	vmul.f32 $2.000000030e-01, v2  }
0xda: {  	vm13 =	vge.f32 v2, $0.0e+00  }
0xdb: {  	v2 =	vsel vm13, v2, v3  }
0xdc: {  	v2 =	vsub.f32 v2, v1;
	_ =	sdelay $0x1  }
0xdd: {  	v2 =	vmul.f32 $1.442695020e+00, v2;
	_ =	sdelay $0x1  }
0xde: {  	(erf) = vpow2.f32 v2;
	_ =	sdelay $0x8  }
0xdf: {  	v2 =	vpop (erf)  }
0xe0: {  	[tilespmem:s23+$0x4FD0] =	vst v2  }
0xe1: {  	v2 =	vld [tilespmem:s2+$0x4E60]  }
0xe2: {  	v3 =	vld [tilespmem:s2+$0x4F20];
	_ =	sdelay $0x6  }
0xe3: {  	v2 =	vld.idx.msk [tilespmem:v2+s21+$0x0], $0xffff  }
0xe4: {  	v3 =	vld.idx.msk [tilespmem:v3+s1+$0x0], $0xffff;
	_ =	sdelay $0x4  }
0xe5: {  	v2 =	vadd.f32 v3, v2;
	_ =	sdelay $0x1  }
0xe6: {  	v3 =	vmul.f32 $2.000000030e-01, v2  }
0xe7: {  	vm14 =	vge.f32 v2, $0.0e+00  }
0xe8: {  	v2 =	vsel vm14, v2, v3  }
0xe9: {  	v2 =	vsub.f32 v2, v1;
	_ =	sdelay $0x1  }
0xea: {  	v2 =	vmul.f32 $1.442695020e+00, v2;
	_ =	sdelay $0x1  }
0xeb: {  	(erf) = vpow2.f32 v2;
	_ =	sdelay $0x8  }
0xec: {  	v2 =	vpop (erf)  }
0xed: {  	[tilespmem:s23+$0x4FE0] =	vst v2  }
0xee: {  	v2 =	vld [tilespmem:s2+$0x4E70]  }
0xef: {  	v3 =	vld [tilespmem:s2+$0x4F30];
	_ =	sdelay $0x6  }
0xf0: {  	v2 =	vld.idx.msk [tilespmem:v2+s21+$0x0], $0xffff  }
0xf1: {  	v3 =	vld.idx.msk [tilespmem:v3+s1+$0x0], $0xffff;
	_ =	sdelay $0x4  }
0xf2: {  	v2 =	vadd.f32 v3, v2;
	_ =	sdelay $0x1  }
0xf3: {  	v3 =	vmul.f32 $2.000000030e-01, v2  }
0xf4: {  	vm15 =	vge.f32 v2, $0.0e+00  }
0xf5: {  	v2 =	vsel vm15, v2, v3  }
0xf6: {  	v2 =	vsub.f32 v2, v1;
	_ =	sdelay $0x1  }
0xf7: {  	v2 =	vmul.f32 $1.442695020e+00, v2;
	_ =	sdelay $0x1  }
0xf8: {  	(erf) = vpow2.f32 v2;
	_ =	sdelay $0x2  }
0xf9: {  	v3 =	vmov s21  }
0xfa: {  	v3 =	vand.u32 $0x3C, v3;
	v2 =	vmov s23  }
0xfb: {  	v3 =	vor.u32 v2, v3  }
0xfc: {  	v3 =	vbroadcast v3, $0x0;
	_ =	sdelay $0x2  }
0xfd: {  	s24 =	sshll.u32 s16, $0xC;
	v4 =	vpop (erf)  }
0xfe: {  	s24 =	sadd.s32 $0x50C0, s24;
	[tilespmem:s23+$0x4FF0] =	vst v4  }
0xff: {  	v4 =	vld [tilespmem:s24+$0xFFFFFF80]  }
0x100: {  	v3 =	vld.idx.msk [tilespmem:v3+s12+$0x0], $0xffff;
	_ =	sdelay $0x3  }
0x101: {  	v5 =	vunpack.i.l.bf16.f32 v4  }
0x102: {  	s21 =	sshll.u32 s16, $0xD;
	v4 =	vunpack.i.u.bf16.f32 v4;
	v5 =	vmul.f32 v5, v3  }
0x103: {  	s18 =	sadd.s32 $0x7140, s21;
	v4 =	vmul.f32 v4, v3  }
0x104: {  	[tilespmem:s18+$0xFFFFFF00] =	vst v5  }
0x105: {  	[tilespmem:s18+$0xFFFFFF10] =	vst v4  }
0x106: {  	v4 =	vld [tilespmem:s24+$0xFFFFFF90];
	_ =	sdelay $0x4  }
0x107: {  	v5 =	vunpack.i.l.bf16.f32 v4  }
0x108: {  	v4 =	vunpack.i.u.bf16.f32 v4;
	v5 =	vmul.f32 v5, v3  }
0x109: {  	v4 =	vmul.f32 v4, v3  }
0x10a: {  	[tilespmem:s18+$0xFFFFFF20] =	vst v5  }
0x10b: {  	[tilespmem:s18+$0xFFFFFF30] =	vst v4  }
0x10c: {  	v4 =	vld [tilespmem:s24+$0xFFFFFFA0];
	_ =	sdelay $0x4  }
0x10d: {  	v5 =	vunpack.i.l.bf16.f32 v4  }
0x10e: {  	v4 =	vunpack.i.u.bf16.f32 v4;
	v5 =	vmul.f32 v5, v3  }
0x10f: {  	v4 =	vmul.f32 v4, v3  }
0x110: {  	[tilespmem:s18+$0xFFFFFF40] =	vst v5  }
0x111: {  	[tilespmem:s18+$0xFFFFFF50] =	vst v4  }
0x112: {  	v4 =	vld [tilespmem:s24+$0xFFFFFFB0]  }
0x113: {  	s19 =	simm.s32 $0x1  }
0x114: {  	v5 =	vmov s19  }
0x115: {  	v5 =	vand.u32 $0x3D, v5  }
0x116: {  	v5 =	vor.u32 v2, v5  }
0x117: {  	v5 =	vbroadcast v5, $0x0;
	v6 =	vunpack.i.l.bf16.f32 v4  }
0x118: {  	v4 =	vunpack.i.u.bf16.f32 v4;
	v6 =	vmul.f32 v6, v3  }
0x119: {  	v3 =	vmul.f32 v4, v3  }
0x11a: {  	[tilespmem:s18+$0xFFFFFF60] =	vst v6  }
0x11b: {  	[tilespmem:s18+$0xFFFFFF70] =	vst v3  }
0x11c: {  	v3 =	vld [tilespmem:s24+$0xFFFFFFC0]  }
0x11d: {  	v4 =	vld.idx.msk [tilespmem:v5+s12+$0x0], $0xffff;
	_ =	sdelay $0x3  }
0x11e: {  	v5 =	vunpack.i.l.bf16.f32 v3  }
0x11f: {  	v3 =	vunpack.i.u.bf16.f32 v3;
	v5 =	vmul.f32 v5, v4  }
0x120: {  	v3 =	vmul.f32 v3, v4  }
0x121: {  	[tilespmem:s18+$0xFFFFFF80] =	vst v5  }
0x122: {  	[tilespmem:s18+$0xFFFFFF90] =	vst v3  }
0x123: {  	v3 =	vld [tilespmem:s24+$0xFFFFFFD0];
	_ =	sdelay $0x4  }
0x124: {  	v5 =	vunpack.i.l.bf16.f32 v3  }
0x125: {  	v3 =	vunpack.i.u.bf16.f32 v3;
	v5 =	vmul.f32 v5, v4  }
0x126: {  	v3 =	vmul.f32 v3, v4  }
0x127: {  	[tilespmem:s18+$0xFFFFFFA0] =	vst v5  }
0x128: {  	[tilespmem:s18+$0xFFFFFFB0] =	vst v3  }
0x129: {  	v3 =	vld [tilespmem:s24+$0xFFFFFFE0];
	_ =	sdelay $0x4  }
0x12a: {  	v5 =	vunpack.i.l.bf16.f32 v3  }
0x12b: {  	v3 =	vunpack.i.u.bf16.f32 v3;
	v5 =	vmul.f32 v5, v4  }
0x12c: {  	v3 =	vmul.f32 v3, v4  }
0x12d: {  	[tilespmem:s18+$0xFFFFFFC0] =	vst v5  }
0x12e: {  	[tilespmem:s18+$0xFFFFFFD0] =	vst v3  }
0x12f: {  	v3 =	vld [tilespmem:s24+$0xFFFFFFF0]  }
0x130: {  	s25 =	simm.s32 $0x2  }
0x131: {  	v5 =	vmov s25  }
0x132: {  	v5 =	vand.u32 $0x3E, v5  }
0x133: {  	v5 =	vor.u32 v2, v5  }
0x134: {  	v5 =	vbroadcast v5, $0x0;
	v62 =	vunpack.i.l.bf16.f32 v3  }
0x135: {  	v3 =	vunpack.i.u.bf16.f32 v3;
	v6 =	vmul.f32 v62, v4  }
0x136: {  	v3 =	vmul.f32 v3, v4  }
0x137: {  	[tilespmem:s18+$0xFFFFFFE0] =	vst v6  }
0x138: {  	[tilespmem:s18+$0xFFFFFFF0] =	vst v3  }
0x139: {  	v3 =	vld [tilespmem:s24+$0x0]  }
0x13a: {  	v4 =	vld.idx.msk [tilespmem:v5+s12+$0x0], $0xffff;
	_ =	sdelay $0x3  }
0x13b: {  	v5 =	vunpack.i.l.bf16.f32 v3  }
0x13c: {  	v3 =	vunpack.i.u.bf16.f32 v3;
	v5 =	vmul.f32 v5, v4  }
0x13d: {  	v3 =	vmul.f32 v3, v4  }
0x13e: {  	[tilespmem:s18+$0x0] =	vst v5  }
0x13f: {  	[tilespmem:s18+$0x10] =	vst v3  }
0x140: {  	v3 =	vld [tilespmem:s24+$0x10];
	_ =	sdelay $0x4  }
0x141: {  	v5 =	vunpack.i.l.bf16.f32 v3  }
0x142: {  	v3 =	vunpack.i.u.bf16.f32 v3;
	v5 =	vmul.f32 v5, v4  }
0x143: {  	v3 =	vmul.f32 v3, v4  }
0x144: {  	[tilespmem:s18+$0x20] =	vst v5  }
0x145: {  	[tilespmem:s18+$0x30] =	vst v3  }
0x146: {  	v3 =	vld [tilespmem:s24+$0x20];
	_ =	sdelay $0x4  }
0x147: {  	v5 =	vunpack.i.l.bf16.f32 v3  }
0x148: {  	v3 =	vunpack.i.u.bf16.f32 v3;
	v5 =	vmul.f32 v5, v4  }
0x149: {  	v3 =	vmul.f32 v3, v4  }
0x14a: {  	[tilespmem:s18+$0x40] =	vst v5  }
0x14b: {  	[tilespmem:s18+$0x50] =	vst v3  }
0x14c: {  	v3 =	vld [tilespmem:s24+$0x30]  }
0x14d: {  	s26 =	simm.s32 $0x3  }
0x14e: {  	v5 =	vmov s26  }
0x14f: {  	v5 =	vand.u32 $0x3F, v5  }
0x150: {  	v5 =	vor.u32 v2, v5  }
0x151: {  	v5 =	vbroadcast v5, $0x0;
	v63 =	vunpack.i.l.bf16.f32 v3  }
0x152: {  	v3 =	vunpack.i.u.bf16.f32 v3;
	v6 =	vmul.f32 v63, v4  }
0x153: {  	v3 =	vmul.f32 v3, v4  }
0x154: {  	[tilespmem:s18+$0x60] =	vst v6  }
0x155: {  	[tilespmem:s18+$0x70] =	vst v3  }
0x156: {  	v4 =	vld [tilespmem:s24+$0x40]  }
0x157: {  	v3 =	vld.idx.msk [tilespmem:v5+s12+$0x0], $0xffff;
	_ =	sdelay $0x3  }
0x158: {  	v5 =	vunpack.i.l.bf16.f32 v4  }
0x159: {  	v4 =	vunpack.i.u.bf16.f32 v4;
	v5 =	vmul.f32 v5, v3  }
0x15a: {  	v4 =	vmul.f32 v4, v3  }
0x15b: {  	[tilespmem:s18+$0x80] =	vst v5  }
0x15c: {  	[tilespmem:s18+$0x90] =	vst v4  }
0x15d: {  	v4 =	vld [tilespmem:s24+$0x50];
	_ =	sdelay $0x4  }
0x15e: {  	v5 =	vunpack.i.l.bf16.f32 v4  }
0x15f: {  	v4 =	vunpack.i.u.bf16.f32 v4;
	v5 =	vmul.f32 v5, v3  }
0x160: {  	v4 =	vmul.f32 v4, v3  }
0x161: {  	s17 =	smov.u32 s24;
	s20 =	sadd.s32 $0x4FC0, s23;
	s21 =	sadd.s32 $0x7040, s21;
	[tilespmem:s18+$0xA0] =	vst v5  }
0x162: {  	s23 =	simm.s32 $0x4;
	s19 =	sor.u32 $0x4F00, s2;
	s2 =	smov.u32 s18;
	[tilespmem:s18+$0xB0] =	vst v4  }
.LBB2_7:
0x163: {  	p0 =	slt.u32 s23, $0x3C;
	v4 =	vld [tilespmem:s24+$0x60];
	s18 =	sadd.s32 $0x200, s18;
	s17 =	sadd.s32 $0x100, s17  }
0x164: {  	s25 =	smov.u32 s23;
	s23 =	sadd.s32 $0x4, s23;
	_ =	sdelay $0x3  }
0x165: {  	v5 =	vunpack.i.u.bf16.f32 v4;
	v4 =	vunpack.i.l.bf16.f32 v4  }
0x166: {  	v4 =	vmul.f32 v4, v3;
	v5 =	vmul.f32 v5, v3;
	_ =	sdelay $0x1  }
0x167: {  	[tilespmem:s2+$0xC0] =	vst v4  }
0x168: {  	[tilespmem:s2+$0xD0] =	vst v5  }
0x169: {  	v4 =	vld [tilespmem:s24+$0x70];
	s24 =	smov.u32 s17;
	_ =	sdelay $0x1  }
0x16a: {  	v5 =	vmov s25  }
0x16b: {  	v5 =	vand.u32 $0x3C, v5  }
0x16c: {  	v5 =	vor.u32 v2, v5  }
0x16d: {  	v5 =	vbroadcast v5, $0x0;
	v6 =	vunpack.i.u.bf16.f32 v4;
	v4 =	vunpack.i.l.bf16.f32 v4  }
0x16e: {  	v4 =	vmul.f32 v4, v3;
	v3 =	vmul.f32 v6, v3;
	_ =	sdelay $0x1  }
0x16f: {  	[tilespmem:s2+$0xE0] =	vst v4  }
0x170: {  	[tilespmem:s2+$0xF0] =	vst v3;
	s2 =	smov.u32 s18  }
0x171: {  	v3 =	vld [tilespmem:s17+$0xFFFFFF80]  }
0x172: {  	v4 =	vld.idx.msk [tilespmem:v5+s12+$0x0], $0xffff;
	_ =	sdelay $0x4  }
0x173: {  	v5 =	vunpack.i.u.bf16.f32 v3;
	v3 =	vunpack.i.l.bf16.f32 v3  }
0x174: {  	v3 =	vmul.f32 v3, v4;
	v5 =	vmul.f32 v5, v4;
	_ =	sdelay $0x1  }
0x175: {  	[tilespmem:s18+$0xFFFFFF00] =	vst v3  }
0x176: {  	[tilespmem:s18+$0xFFFFFF10] =	vst v5  }
0x177: {  	v3 =	vld [tilespmem:s17+$0xFFFFFF90];
	_ =	sdelay $0x4  }
0x178: {  	v5 =	vunpack.i.u.bf16.f32 v3;
	v3 =	vunpack.i.l.bf16.f32 v3  }
0x179: {  	v3 =	vmul.f32 v3, v4;
	v5 =	vmul.f32 v5, v4;
	_ =	sdelay $0x1  }
0x17a: {  	[tilespmem:s18+$0xFFFFFF20] =	vst v3  }
0x17b: {  	[tilespmem:s18+$0xFFFFFF30] =	vst v5  }
0x17c: {  	v3 =	vld [tilespmem:s17+$0xFFFFFFA0];
	_ =	sdelay $0x4  }
0x17d: {  	v5 =	vunpack.i.u.bf16.f32 v3;
	v3 =	vunpack.i.l.bf16.f32 v3  }
0x17e: {  	v3 =	vmul.f32 v3, v4;
	v5 =	vmul.f32 v5, v4;
	_ =	sdelay $0x1  }
0x17f: {  	[tilespmem:s18+$0xFFFFFF40] =	vst v3  }
0x180: {  	[tilespmem:s18+$0xFFFFFF50] =	vst v5  }
0x181: {  	s26 =	sadd.s32 $0x1, s25;
	v3 =	vld [tilespmem:s17+$0xFFFFFFB0]  }
0x182: {  	v5 =	vmov s26  }
0x183: {  	v5 =	vand.u32 $0x3D, v5  }
0x184: {  	v5 =	vor.u32 v2, v5  }
0x185: {  	v5 =	vbroadcast v5, $0x0  }
0x186: {  	v6 =	vunpack.i.u.bf16.f32 v3;
	v3 =	vunpack.i.l.bf16.f32 v3  }
0x187: {  	v3 =	vmul.f32 v3, v4;
	v4 =	vmul.f32 v6, v4;
	_ =	sdelay $0x1  }
0x188: {  	[tilespmem:s18+$0xFFFFFF60] =	vst v3  }
0x189: {  	[tilespmem:s18+$0xFFFFFF70] =	vst v4  }
0x18a: {  	v3 =	vld.idx.msk [tilespmem:v5+s12+$0x0], $0xffff  }
0x18b: {  	v4 =	vld [tilespmem:s17+$0xFFFFFFC0];
	_ =	sdelay $0x4  }
0x18c: {  	v5 =	vunpack.i.u.bf16.f32 v4;
	v4 =	vunpack.i.l.bf16.f32 v4  }
0x18d: {  	v4 =	vmul.f32 v4, v3;
	v5 =	vmul.f32 v5, v3;
	_ =	sdelay $0x1  }
0x18e: {  	[tilespmem:s18+$0xFFFFFF80] =	vst v4  }
0x18f: {  	[tilespmem:s18+$0xFFFFFF90] =	vst v5  }
0x190: {  	v4 =	vld [tilespmem:s17+$0xFFFFFFD0];
	_ =	sdelay $0x4  }
0x191: {  	v5 =	vunpack.i.u.bf16.f32 v4;
	v4 =	vunpack.i.l.bf16.f32 v4  }
0x192: {  	v4 =	vmul.f32 v4, v3;
	v5 =	vmul.f32 v5, v3;
	_ =	sdelay $0x1  }
0x193: {  	[tilespmem:s18+$0xFFFFFFA0] =	vst v4  }
0x194: {  	[tilespmem:s18+$0xFFFFFFB0] =	vst v5  }
0x195: {  	v4 =	vld [tilespmem:s17+$0xFFFFFFE0];
	_ =	sdelay $0x4  }
0x196: {  	v5 =	vunpack.i.u.bf16.f32 v4;
	v4 =	vunpack.i.l.bf16.f32 v4  }
0x197: {  	v4 =	vmul.f32 v4, v3;
	v5 =	vmul.f32 v5, v3;
	_ =	sdelay $0x1  }
0x198: {  	[tilespmem:s18+$0xFFFFFFC0] =	vst v4  }
0x199: {  	[tilespmem:s18+$0xFFFFFFD0] =	vst v5  }
0x19a: {  	s26 =	sadd.s32 $0x2, s25;
	v4 =	vld [tilespmem:s17+$0xFFFFFFF0]  }
0x19b: {  	v5 =	vmov s26  }
0x19c: {  	v5 =	vand.u32 $0x3E, v5  }
0x19d: {  	v5 =	vor.u32 v2, v5  }
0x19e: {  	v5 =	vbroadcast v5, $0x0  }
0x19f: {  	v6 =	vunpack.i.u.bf16.f32 v4;
	v4 =	vunpack.i.l.bf16.f32 v4  }
0x1a0: {  	v4 =	vmul.f32 v4, v3;
	v3 =	vmul.f32 v6, v3;
	_ =	sdelay $0x1  }
0x1a1: {  	[tilespmem:s18+$0xFFFFFFE0] =	vst v4  }
0x1a2: {  	[tilespmem:s18+$0xFFFFFFF0] =	vst v3  }
0x1a3: {  	v3 =	vld.idx.msk [tilespmem:v5+s12+$0x0], $0xffff  }
0x1a4: {  	v4 =	vld [tilespmem:s17+$0x0];
	_ =	sdelay $0x4  }
0x1a5: {  	v5 =	vunpack.i.u.bf16.f32 v4;
	v4 =	vunpack.i.l.bf16.f32 v4  }
0x1a6: {  	v4 =	vmul.f32 v4, v3;
	v5 =	vmul.f32 v5, v3;
	_ =	sdelay $0x1  }
0x1a7: {  	[tilespmem:s18+$0x0] =	vst v4  }
0x1a8: {  	[tilespmem:s18+$0x10] =	vst v5  }
0x1a9: {  	v4 =	vld [tilespmem:s17+$0x10];
	_ =	sdelay $0x4  }
0x1aa: {  	v5 =	vunpack.i.u.bf16.f32 v4;
	v4 =	vunpack.i.l.bf16.f32 v4  }
0x1ab: {  	v4 =	vmul.f32 v4, v3;
	v5 =	vmul.f32 v5, v3;
	_ =	sdelay $0x1  }
0x1ac: {  	[tilespmem:s18+$0x20] =	vst v4  }
0x1ad: {  	[tilespmem:s18+$0x30] =	vst v5  }
0x1ae: {  	v4 =	vld [tilespmem:s17+$0x20];
	_ =	sdelay $0x4  }
0x1af: {  	v5 =	vunpack.i.u.bf16.f32 v4;
	v4 =	vunpack.i.l.bf16.f32 v4  }
0x1b0: {  	v4 =	vmul.f32 v4, v3;
	v5 =	vmul.f32 v5, v3;
	_ =	sdelay $0x1  }
0x1b1: {  	[tilespmem:s18+$0x40] =	vst v4  }
0x1b2: {  	[tilespmem:s18+$0x50] =	vst v5  }
0x1b3: {  	s25 =	sadd.s32 $0x3, s25;
	v4 =	vld [tilespmem:s17+$0x30]  }
0x1b4: {  	v5 =	vmov s25  }
0x1b5: {  	v5 =	vand.u32 $0x3F, v5  }
0x1b6: {  	v5 =	vor.u32 v2, v5  }
0x1b7: {  	v5 =	vbroadcast v5, $0x0  }
0x1b8: {  	v6 =	vunpack.i.u.bf16.f32 v4;
	v4 =	vunpack.i.l.bf16.f32 v4  }
0x1b9: {  	v4 =	vmul.f32 v4, v3;
	v3 =	vmul.f32 v6, v3;
	_ =	sdelay $0x1  }
0x1ba: {  	[tilespmem:s18+$0x60] =	vst v4  }
0x1bb: {  	[tilespmem:s18+$0x70] =	vst v3  }
0x1bc: {  	v3 =	vld.idx.msk [tilespmem:v5+s12+$0x0], $0xffff  }
0x1bd: {  	v4 =	vld [tilespmem:s17+$0x40];
	_ =	sdelay $0x4  }
0x1be: {  	v5 =	vunpack.i.u.bf16.f32 v4;
	v4 =	vunpack.i.l.bf16.f32 v4  }
0x1bf: {  	v4 =	vmul.f32 v4, v3;
	v5 =	vmul.f32 v5, v3;
	_ =	sdelay $0x1  }
0x1c0: {  	[tilespmem:s18+$0x80] =	vst v4  }
0x1c1: {  	[tilespmem:s18+$0x90] =	vst v5  }
0x1c2: {  	v4 =	vld [tilespmem:s17+$0x50];
	_ =	sdelay $0x4  }
.Ltmp2:
0x1c3: {  	v5 =	vunpack.i.u.bf16.f32 v4;
	v4 =	vunpack.i.l.bf16.f32 v4;
	(pc) =	sbr.rel @p0 .LBB2_7-.Ltmp2, $3  }
0x1c4: {  	v4 =	vmul.f32 v4, v3;
	v5 =	vmul.f32 v5, v3;
	_ =	sdelay $0x1  }
0x1c5: {  	[tilespmem:s18+$0xA0] =	vst v4  }
0x1c6: {  	[tilespmem:s18+$0xB0] =	vst v5  }
0x1c7: {  	v2 =	vld [tilespmem:s24+$0x60];
	_ =	sdelay $0x4  }
0x1c8: {  	v4 =	vunpack.i.l.bf16.f32 v2  }
0x1c9: {  	v2 =	vunpack.i.u.bf16.f32 v2;
	v4 =	vmul.f32 v4, v3  }
0x1ca: {  	v2 =	vmul.f32 v2, v3  }
0x1cb: {  	[tilespmem:s2+$0xC0] =	vst v4  }
0x1cc: {  	[tilespmem:s2+$0xD0] =	vst v2  }
0x1cd: {  	v2 =	vld [tilespmem:s24+$0x70];
	_ =	sdelay $0x4  }
0x1ce: {  	v63 =	vunpack.i.l.bf16.f32 v2  }
0x1cf: {  	v2 =	vunpack.i.u.bf16.f32 v2;
	v4 =	vmul.f32 v63, v3  }
0x1d0: {  	p0 =	slt.u32 s14, $0xA0;
	v2 =	vmul.f32 v2, v3  }
.Ltmp3:
0x1d1: {  	[tilespmem:s2+$0xE0] =	vst v4;
	(pc) =	sbr.rel @p0 .LBB2_4-.Ltmp3, $4  }
0x1d2: {  	s26 =	sor.u32 $0x6, s16;
	[tilespmem:s2+$0xF0] =	vst v2  }
0x1d3: {  	[spmem:s4] =	stream.indirect.scatter.add.f32 [tilespmem:s20], [sflag:s26], $0x1, s19, s10, $0xb8;
	[tilespmem:$0x1F150] =	vst v63  }
0x1d4: {  	s2 =	smov.u32 s14  }
0x1d5: {  	[spmem:s3] =	stream.indirect.scatter.add.f32 [tilespmem:s21], [sflag:s26], $0x80, s19, s10, $0xb8;
	[tilespmem:$0x1F150] =	vst v63  }
0x1d6: {  	_ =	swait.ge [sflag:s13], $0x40  }
0x1d7: {  	[sflag:s13] =	ssyncset.done $0x0  }
0x1d8: {  	[sflag:s13] =	ssyncadd.s32 $0xFFFFFFC0  }
0x1d9: {  	_ =	swait.ge [sflag:s13], $0x2000  }
0x1da: {  	s2 =	stileid.u32;
	[sflag:s13] =	ssyncset.done $0x0  }
0x1db: {  	s2 =	sshll.u32 s2, $0x6;
	[sflag:s13] =	ssyncadd.s32 $0xFFFFE000  }
0x1dc: {  	s14 =	sshrl.u32 s11, $0x3;
	s2 =	sor.u32 $0x1C08, s2;
	[bflag:$0x0] =	sbarrier.arrive $0xFFFF  }
0x1dd: {  	[hbm:s28], [sflag:s2] =	dma.local [spmem:s14], $0x2780  }
0x1de: {  	s5 =	sadd.s32 $0x1, s5;
	_ =	swait.ge [sflag:s0], $0x2780  }
0x1df: {  	p0 =	sne.s32 s5, s30;
	[sflag:s0] =	ssyncset.done $0x0  }
.Ltmp4:
0x1e0: {  	s26 =	sshrl.u32 s22, $0x3;
	[sflag:s0] =	ssyncadd.s32 $0xFFFFD880;
	(pc) =	sbr.rel @p0 .LBB2_1-.Ltmp4, $4  }
0x1e1: {  	[hbm:s29], [sflag:s2] =	dma.local [spmem:s26], $0x50  }
0x1e2: {  	_ =	swait.ge [sflag:s0], $0x50  }
0x1e3: {  	[sflag:s0] =	ssyncset.done $0x0  }
0x1e4: {  	[sflag:s0] =	ssyncadd.s32 $0xFFFFFFB0  }
0x1e5: {  	_ =	sfence.sel $0x180000  }
0x1e6: {  	[bflag:$0x0] =	sbarrier.arrive $0xFFFF  }
0x1e7: {  	_ =	strace $0x90000047  }
0x1e8: {  	s0 =	stileid.u32;
	[bflag:$0x2] =	sbarrier.arrive $0xFFFF  }
0x1e9: {  	p0 =	sne.s32 s0, $0x0;
	s0 =	rddreg [dreg:$0x4]  }
0x1ea: {  	s0 =	sadd.s32 @!p0 $0x100000, s0  }
0x1eb: {  	[sflag:s0] =	ssyncadd.tile.s32 @!p0 $0x1;
	_ =	shalt  }
.Lfunc_end2:
_tile_overlayer_lowered:
.L_overlay_start_2:
0x1ec: {  	(tag) =	ssettag $0x2  }
0x1ed: {  	s0 =	rddreg [dreg:$0x0];
	s2 =	stileid.u32  }
0x1ee: {  	s1 =	rddreg [dreg:$0x1];
	p0 =	sne.s32 s2, $0x0  }
0x1ef: {  	s3 =	rddreg [dreg:$0x2];
	[bflag:$0x3] =	sbarrier.arrive $0xFFFF;
	s2 =	simm.s32 @!p0 $0x1C08  }
0x1f0: {  	[timem:s3], [sflag:s2] =	dma.local @!p0 [hbm:s0], s1  }
0x1f1: {  	s0 =	simm.s32 @!p0 $0x8  }
0x1f2: {  	_ =	swait.ge @!p0 [sflag:s0], s1  }
0x1f3: {  	s1 =	ssub.s32 @!p0 $0x0, s1;
	[sflag:s0] =	ssyncset.done @!p0 $0x0  }
0x1f4: {  	[sflag:s0] =	ssyncadd.s32 @!p0 s1  }
0x1f5: {  	[bflag:$0x3] =	sbarrier.arrive $0xFFFF  }
0x1f6: {  	_ =	shalt  }

</sc_bundles>
